<compile_context>
chip_gen: v7x
topology: tpu7x:2x2x1
jax: 0.10.2.dev20260603
libtpu: 0.0.44.dev20260713+nightly
codegen_flags: <defaults>
</compile_context>

<pallas_src>
import jax
import jax.numpy as jnp
from jax import lax
from jax.experimental import pallas as pl
from jax.experimental.pallas import tpu as pltpu
from jax.experimental.pallas import tpu_sc as plsc

NC, NS, L = 2, 16, 16
NW = NC * NS
BATCH = 16384
DIM = 16
HD = DIM // 2
NROW = 1000000
BPW = BATCH // NW
WAVES = BPW // L
STEPS = 2 * WAVES


def _mf_body(users_hbm, items_hbm, uemb_hbm, iemb_hbm, out_hbm,
             uidx_v, iidx_v, ublk, iblk, out_v, sems):
    wid = lax.axis_index("s") * NC + lax.axis_index("c")
    base = wid * BPW

    uemb3 = uemb_hbm.reshape(2, HD, NROW)
    iemb3 = iemb_hbm.reshape(2, HD, NROW)

    pltpu.sync_copy(users_hbm.at[pl.ds(base, BPW)], uidx_v)
    pltpu.sync_copy(items_hbm.at[pl.ds(base, BPW)], iidx_v)

    lanes = lax.iota(jnp.int32, L)

    def fire(s):
        p = s >> 5
        w = s & 31
        q = s & 1
        r0 = pl.multiple_of(w * L, L)
        ru16 = uidx_v[pl.ds(r0, L)]
        ri16 = iidx_v[pl.ds(r0, L)]
        for k in range(L):
            ju = pl.multiple_of((ru16[k] >> 7) * 128, 128)
            ji = pl.multiple_of((ri16[k] >> 7) * 128, 128)
            pltpu.async_copy(uemb3.at[p, :, pl.ds(ju, 128)],
                             ublk.at[q, pl.ds(k * HD, HD)], sems.at[q])
            pltpu.async_copy(iemb3.at[p, :, pl.ds(ji, 128)],
                             iblk.at[q, pl.ds(k * HD, HD)], sems.at[q])

    fire(jnp.int32(0))

    def step(s, carry):
        p = s >> 5
        w = s & 31
        q = s & 1

        @pl.when(s < STEPS - 1)
        def _():
            fire(s + 1)

        for k in range(L):
            pltpu.make_async_copy(uemb3.at[0, :, pl.ds(0, 128)],
                                  ublk.at[q, pl.ds(k * HD, HD)],
                                  sems.at[q]).wait()
            pltpu.make_async_copy(uemb3.at[0, :, pl.ds(0, 128)],
                                  iblk.at[q, pl.ds(k * HD, HD)],
                                  sems.at[q]).wait()

        r0 = pl.multiple_of(w * L, L)
        ucol = uidx_v[pl.ds(r0, L)] & 127
        icol = iidx_v[pl.ds(r0, L)] & 127
        ub = ublk.at[q]
        ib = iblk.at[q]
        acc = None
        for d in range(HD):
            rows = lanes * HD + d
            u = plsc.load_gather(ub, [rows, ucol])
            it = plsc.load_gather(ib, [rows, icol])
            acc = u * it if acc is None else acc + u * it

        @pl.when(p == 0)
        def _():
            out_v[pl.ds(r0, L)] = acc

        @pl.when(p == 1)
        def _():
            tot = out_v[pl.ds(r0, L)] + acc
            out_v[pl.ds(r0, L)] = 1.0 / (1.0 + jnp.exp(-tot))

        return carry

    lax.fori_loop(0, STEPS, step, 0)

    pltpu.sync_copy(out_v, out_hbm.at[pl.ds(base, BPW)])


@jax.jit
def kernel(users, items, user_emb, item_emb):
    users = users.astype(jnp.int32)
    items = items.astype(jnp.int32)
    mesh = plsc.VectorSubcoreMesh(core_axis_name="c", subcore_axis_name="s")
    run = pl.kernel(
        _mf_body,
        out_type=jax.ShapeDtypeStruct((BATCH,), jnp.float32),
        mesh=mesh,
        compiler_params=pltpu.CompilerParams(
            needs_layout_passes=False, use_tc_tiling_on_sc=True),
        scratch_types=[
            pltpu.VMEM((BPW,), jnp.int32),
            pltpu.VMEM((BPW,), jnp.int32),
            pltpu.VMEM((2, L * HD, 128), jnp.float32),
            pltpu.VMEM((2, L * HD, 128), jnp.float32),
            pltpu.VMEM((BPW,), jnp.float32),
            pltpu.SemaphoreType.DMA((2,)),
        ],
    )
    return run(users, items, user_emb.T, item_emb.T)

# --- scband reference (transcript-rebuilt; emitter-appended) ---
"""Pipeline reference for scband-meta-mf-29721173688682 (READ-ONLY COPY).

The authoritative reference and input builder live on the scoring server;
editing this copy changes nothing except your own understanding.
"""

import jax, jax.numpy as jnp
import numpy as np

N_USER = 1000000
N_ITEM = 1000000
DIM = 16
BATCH = 16384


def setup_inputs(seed: int = 0) -> dict:
    key = jax.random.key(seed)
    k1, k2, k3, k4 = jax.random.split(key, 4)
    users = jax.random.randint(k1, (BATCH,), 0, N_USER, dtype=jnp.int64 if jax.config.jax_enable_x64 else jnp.int32)
    items = jax.random.randint(k2, (BATCH,), 0, N_ITEM, dtype=jnp.int64 if jax.config.jax_enable_x64 else jnp.int32)
    # kaiming_normal_ (fan_out mode, a=0 -> leaky_relu gain with neg slope 0): std = sqrt(2 / fan_out)
    # For an Embedding weight [num, dim], fan_out = num (per torch convention on 2D weight: fan_out = size(0))
    std_u = float(np.sqrt(2.0 / N_USER))
    std_i = float(np.sqrt(2.0 / N_ITEM))
    user_emb = jax.random.normal(k3, (N_USER, DIM), dtype=jnp.float32) * std_u
    item_emb = jax.random.normal(k4, (N_ITEM, DIM), dtype=jnp.float32) * std_i
    return {"users": users, "items": items, "user_emb": user_emb, "item_emb": item_emb}


def reference(users, items, user_emb, item_emb):
    u_latent = jnp.take(user_emb, users, axis=0)
    i_latent = jnp.take(item_emb, items, axis=0)
    preds = jnp.sum(u_latent * i_latent, axis=1, keepdims=True)
    return jax.nn.sigmoid(preds.reshape(-1))

if __name__ == "__main__":
    import jax
    _d = setup_inputs()
    print(jax.jit(kernel)(*tuple(_d.values())))

</pallas_src>

<mosaic_0001>
#map = affine_map<(d0, d1) -> (0)>
#map1 = affine_map<(d0, d1) -> (0, 0)>
module attributes {stable_mosaic.version = 14 : i64} {
  func.func @_mf_body(%arg0: i32, %arg1: i32, %arg2: memref<16384xi32, #tpu.memory_space<hbm>>, %arg3: memref<16384xi32, #tpu.memory_space<hbm>>, %arg4: memref<16x1000000xf32, #tpu.memory_space<hbm>>, %arg5: memref<16x1000000xf32, #tpu.memory_space<hbm>>, %arg6: memref<16384xf32, #tpu.memory_space<hbm>>, %arg7: memref<512xi32, #tpu.memory_space<vmem>>, %arg8: memref<512xi32, #tpu.memory_space<vmem>>, %arg9: memref<2x128x128xf32, #tpu.memory_space<vmem>>, %arg10: memref<2x128x128xf32, #tpu.memory_space<vmem>>, %arg11: memref<512xf32, #tpu.memory_space<vmem>>, %arg12: memref<2x!tpu.dma_semaphore, #tpu.memory_space<semaphore_mem>>) attributes {dimension_semantics = [#tpu.dimension_semantics<core_parallel>, #tpu.dimension_semantics<subcore_parallel>], iteration_bounds = array<i64: 2, 16>, scalar_prefetch = 0 : i64, scratch_operands = 6 : i64, tpu.core_type = #tpu.core_type<sc_vector_subcore>, window_params = [{transform_indices = #map}, {transform_indices = #map}, {transform_indices = #map1}, {transform_indices = #map1}, {transform_indices = #map}]} {
    %mul3A = arith.constant 2 : i32
    %mul3A_0 = arith.muli %arg1, %mul3A : i32
    %add3A = arith.addi %mul3A_0, %arg0 : i32
    %mul3A_1 = arith.constant 512 : i32
    %mul3A_2 = arith.muli %add3A, %mul3A_1 : i32
    "tpu.region"() ({
      %run_scoped3A = tpu.sem_alloc : memref<!tpu.dma_semaphore, #tpu.memory_space<semaphore_mem>>
      %dma_start3A_817 = tpu.memref_slice %arg2[%mul3A_2] : memref<16384xi32, #tpu.memory_space<hbm>> -> memref<512xi32, #tpu.memory_space<hbm>>
      %dma_start3A_818 = tpu.memref_slice %arg2[%mul3A_2] : memref<16384xi32, #tpu.memory_space<hbm>> -> memref<512xi32, #tpu.memory_space<hbm>>
      tpu.enqueue_dma source(%dma_start3A_818 : memref<512xi32, #tpu.memory_space<hbm>>) target(%arg7 : memref<512xi32, #tpu.memory_space<vmem>>) target_semaphore(%run_scoped3A : memref<!tpu.dma_semaphore, #tpu.memory_space<semaphore_mem>>)
      %dma_wait3A = tpu.memref_slice %arg2[%mul3A_2] : memref<16384xi32, #tpu.memory_space<hbm>> -> memref<512xi32, #tpu.memory_space<hbm>>
      %dma_wait3A_819 = tpu.memref_slice %arg2[%mul3A_2] : memref<16384xi32, #tpu.memory_space<hbm>> -> memref<512xi32, #tpu.memory_space<hbm>>
      tpu.wait_dma2 semaphore(%run_scoped3A : memref<!tpu.dma_semaphore, #tpu.memory_space<semaphore_mem>>) src(%dma_wait3A_819 : memref<512xi32, #tpu.memory_space<hbm>>) dst(%arg7 : memref<512xi32, #tpu.memory_space<vmem>>)
      tpu.yield
    }) : () -> ()
    "tpu.region"() ({
      %run_scoped3A = tpu.sem_alloc : memref<!tpu.dma_semaphore, #tpu.memory_space<semaphore_mem>>
      %dma_start3A_817 = tpu.memref_slice %arg3[%mul3A_2] : memref<16384xi32, #tpu.memory_space<hbm>> -> memref<512xi32, #tpu.memory_space<hbm>>
      %dma_start3A_818 = tpu.memref_slice %arg3[%mul3A_2] : memref<16384xi32, #tpu.memory_space<hbm>> -> memref<512xi32, #tpu.memory_space<hbm>>
      tpu.enqueue_dma source(%dma_start3A_818 : memref<512xi32, #tpu.memory_space<hbm>>) target(%arg8 : memref<512xi32, #tpu.memory_space<vmem>>) target_semaphore(%run_scoped3A : memref<!tpu.dma_semaphore, #tpu.memory_space<semaphore_mem>>)
      %dma_wait3A = tpu.memref_slice %arg3[%mul3A_2] : memref<16384xi32, #tpu.memory_space<hbm>> -> memref<512xi32, #tpu.memory_space<hbm>>
      %dma_wait3A_819 = tpu.memref_slice %arg3[%mul3A_2] : memref<16384xi32, #tpu.memory_space<hbm>> -> memref<512xi32, #tpu.memory_space<hbm>>
      tpu.wait_dma2 semaphore(%run_scoped3A : memref<!tpu.dma_semaphore, #tpu.memory_space<semaphore_mem>>) src(%dma_wait3A_819 : memref<512xi32, #tpu.memory_space<hbm>>) dst(%arg8 : memref<512xi32, #tpu.memory_space<vmem>>)
      tpu.yield
    }) : () -> ()
    %iota3A = tpu.iota {dimensions = array<i32: 0>} : vector<16xi32>
    %shift_right_arithmetic3A = arith.constant 0 : i32
    %shift_right_arithmetic3A_3 = arith.constant 5 : i32
    %shift_right_arithmetic3A_4 = arith.shrsi %shift_right_arithmetic3A, %shift_right_arithmetic3A_3 : i32
    %and3A = arith.constant 0 : i32
    %and3A_5 = arith.constant 31 : i32
    %and3A_6 = arith.andi %and3A, %and3A_5 : i32
    %and3A_7 = arith.constant 0 : i32
    %and3A_8 = arith.constant 1 : i32
    %and3A_9 = arith.andi %and3A_7, %and3A_8 : i32
    %mul3A_10 = arith.constant 16 : i32
    %mul3A_11 = arith.muli %and3A_6, %mul3A_10 : i32
    %multiple_of3A = tpu.assume_multiple %mul3A_11, 16 : i32
    %get3A = arith.index_cast %multiple_of3A : i32 to index
    %get3A_12 = tpu.vector_load %arg7[%get3A] {strides = array<i32>} : memref<512xi32, #tpu.memory_space<vmem>>, vector<16xi32>,
    %get3A_13 = arith.index_cast %multiple_of3A : i32 to index
    %get3A_14 = tpu.vector_load %arg8[%get3A_13] {strides = array<i32>} : memref<512xi32, #tpu.memory_space<vmem>>, vector<16xi32>,
    %slice3A = vector.extract_strided_slice %get3A_12 {offsets = [0], sizes = [1], strides = [1]} : vector<16xi32> to vector<1xi32>
    %squeeze3A = vector.extract %slice3A[0] : i32 from vector<1xi32>
    %shift_right_arithmetic3A_15 = arith.constant 7 : i32
    %shift_right_arithmetic3A_16 = arith.shrsi %squeeze3A, %shift_right_arithmetic3A_15 : i32
    %mul3A_17 = arith.constant 128 : i32
    %mul3A_18 = arith.muli %shift_right_arithmetic3A_16, %mul3A_17 : i32
    %multiple_of3A_19 = tpu.assume_multiple %mul3A_18, 128 : i32
    %slice3A_20 = vector.extract_strided_slice %get3A_14 {offsets = [0], sizes = [1], strides = [1]} : vector<16xi32> to vector<1xi32>
    %squeeze3A_21 = vector.extract %slice3A_20[0] : i32 from vector<1xi32>
    %shift_right_arithmetic3A_22 = arith.constant 7 : i32
    %shift_right_arithmetic3A_23 = arith.shrsi %squeeze3A_21, %shift_right_arithmetic3A_22 : i32
    %mul3A_24 = arith.constant 128 : i32
    %mul3A_25 = arith.muli %shift_right_arithmetic3A_23, %mul3A_24 : i32
    %multiple_of3A_26 = tpu.assume_multiple %mul3A_25, 128 : i32
    %dma_start3A = arith.constant 0 : i32
    %dma_start3A_27 = arith.constant 0 : i32
    %dma_start3A_28 = tpu.memref_slice %arg9[%and3A_9, %dma_start3A, %dma_start3A_27] : memref<2x128x128xf32, #tpu.memory_space<vmem>> -> memref<1x8x128xf32, #tpu.memory_space<vmem>>
    %dma_start3A_29 = tpu.memref_squeeze %dma_start3A_28 : memref<1x8x128xf32, #tpu.memory_space<vmem>> -> memref<8x128xf32, #tpu.memory_space<vmem>>
    %dma_start3A_30 = tpu.memref_reshape %arg4 : memref<16x1000000xf32, #tpu.memory_space<hbm>> -> memref<2x8x1000000xf32, #tpu.memory_space<hbm>>
    %dma_start3A_31 = arith.constant 0 : i32
    %dma_start3A_32 = tpu.memref_slice %dma_start3A_30[%shift_right_arithmetic3A_4, %dma_start3A_31, %multiple_of3A_19] : memref<2x8x1000000xf32, #tpu.memory_space<hbm>> -> memref<1x8x128xf32, #tpu.memory_space<hbm>>
    %dma_start3A_33 = tpu.memref_squeeze %dma_start3A_32 : memref<1x8x128xf32, #tpu.memory_space<hbm>> -> memref<8x128xf32, #tpu.memory_space<hbm>>
    %dma_start3A_34 = tpu.memref_slice %arg12[%and3A_9] : memref<2x!tpu.dma_semaphore, #tpu.memory_space<semaphore_mem>> -> memref<1x!tpu.dma_semaphore, #tpu.memory_space<semaphore_mem>>
    %dma_start3A_35 = tpu.memref_squeeze %dma_start3A_34 : memref<1x!tpu.dma_semaphore, #tpu.memory_space<semaphore_mem>> -> memref<!tpu.dma_semaphore, #tpu.memory_space<semaphore_mem>>
    %dma_start3A_36 = arith.constant 0 : i32
    %dma_start3A_37 = arith.constant 0 : i32
    %dma_start3A_38 = tpu.memref_slice %arg9[%and3A_9, %dma_start3A_36, %dma_start3A_37] : memref<2x128x128xf32, #tpu.memory_space<vmem>> -> memref<1x8x128xf32, #tpu.memory_space<vmem>>
    %dma_start3A_39 = tpu.memref_squeeze %dma_start3A_38 : memref<1x8x128xf32, #tpu.memory_space<vmem>> -> memref<8x128xf32, #tpu.memory_space<vmem>>
    %dma_start3A_40 = tpu.memref_reshape %arg4 : memref<16x1000000xf32, #tpu.memory_space<hbm>> -> memref<2x8x1000000xf32, #tpu.memory_space<hbm>>
    %dma_start3A_41 = arith.constant 0 : i32
    %dma_start3A_42 = tpu.memref_slice %dma_start3A_40[%shift_right_arithmetic3A_4, %dma_start3A_41, %multiple_of3A_19] : memref<2x8x1000000xf32, #tpu.memory_space<hbm>> -> memref<1x8x128xf32, #tpu.memory_space<hbm>>
    %dma_start3A_43 = tpu.memref_squeeze %dma_start3A_42 : memref<1x8x128xf32, #tpu.memory_space<hbm>> -> memref<8x128xf32, #tpu.memory_space<hbm>>
    tpu.enqueue_dma source(%dma_start3A_43 : memref<8x128xf32, #tpu.memory_space<hbm>>) target(%dma_start3A_39 : memref<8x128xf32, #tpu.memory_space<vmem>>) target_semaphore(%dma_start3A_35 : memref<!tpu.dma_semaphore, #tpu.memory_space<semaphore_mem>>)
    %dma_start3A_44 = arith.constant 0 : i32
    %dma_start3A_45 = arith.constant 0 : i32
    %dma_start3A_46 = tpu.memref_slice %arg10[%and3A_9, %dma_start3A_44, %dma_start3A_45] : memref<2x128x128xf32, #tpu.memory_space<vmem>> -> memref<1x8x128xf32, #tpu.memory_space<vmem>>
    %dma_start3A_47 = tpu.memref_squeeze %dma_start3A_46 : memref<1x8x128xf32, #tpu.memory_space<vmem>> -> memref<8x128xf32, #tpu.memory_space<vmem>>
    %dma_start3A_48 = tpu.memref_reshape %arg5 : memref<16x1000000xf32, #tpu.memory_space<hbm>> -> memref<2x8x1000000xf32, #tpu.memory_space<hbm>>
    %dma_start3A_49 = arith.constant 0 : i32
    %dma_start3A_50 = tpu.memref_slice %dma_start3A_48[%shift_right_arithmetic3A_4, %dma_start3A_49, %multiple_of3A_26] : memref<2x8x1000000xf32, #tpu.memory_space<hbm>> -> memref<1x8x128xf32, #tpu.memory_space<hbm>>
    %dma_start3A_51 = tpu.memref_squeeze %dma_start3A_50 : memref<1x8x128xf32, #tpu.memory_space<hbm>> -> memref<8x128xf32, #tpu.memory_space<hbm>>
    %dma_start3A_52 = tpu.memref_slice %arg12[%and3A_9] : memref<2x!tpu.dma_semaphore, #tpu.memory_space<semaphore_mem>> -> memref<1x!tpu.dma_semaphore, #tpu.memory_space<semaphore_mem>>
    %dma_start3A_53 = tpu.memref_squeeze %dma_start3A_52 : memref<1x!tpu.dma_semaphore, #tpu.memory_space<semaphore_mem>> -> memref<!tpu.dma_semaphore, #tpu.memory_space<semaphore_mem>>
    %dma_start3A_54 = arith.constant 0 : i32
    %dma_start3A_55 = arith.constant 0 : i32
    %dma_start3A_56 = tpu.memref_slice %arg10[%and3A_9, %dma_start3A_54, %dma_start3A_55] : memref<2x128x128xf32, #tpu.memory_space<vmem>> -> memref<1x8x128xf32, #tpu.memory_space<vmem>>
    %dma_start3A_57 = tpu.memref_squeeze %dma_start3A_56 : memref<1x8x128xf32, #tpu.memory_space<vmem>> -> memref<8x128xf32, #tpu.memory_space<vmem>>
    %dma_start3A_58 = tpu.memref_reshape %arg5 : memref<16x1000000xf32, #tpu.memory_space<hbm>> -> memref<2x8x1000000xf32, #tpu.memory_space<hbm>>
    %dma_start3A_59 = arith.constant 0 : i32
    %dma_start3A_60 = tpu.memref_slice %dma_start3A_58[%shift_right_arithmetic3A_4, %dma_start3A_59, %multiple_of3A_26] : memref<2x8x1000000xf32, #tpu.memory_space<hbm>> -> memref<1x8x128xf32, #tpu.memory_space<hbm>>
    %dma_start3A_61 = tpu.memref_squeeze %dma_start3A_60 : memref<1x8x128xf32, #tpu.memory_space<hbm>> -> memref<8x128xf32, #tpu.memory_space<hbm>>
    tpu.enqueue_dma source(%dma_start3A_61 : memref<8x128xf32, #tpu.memory_space<hbm>>) target(%dma_start3A_57 : memref<8x128xf32, #tpu.memory_space<vmem>>) target_semaphore(%dma_start3A_53 : memref<!tpu.dma_semaphore, #tpu.memory_space<semaphore_mem>>)
    %slice3A_62 = vector.extract_strided_slice %get3A_12 {offsets = [1], sizes = [1], strides = [1]} : vector<16xi32> to vector<1xi32>
    %squeeze3A_63 = vector.extract %slice3A_62[0] : i32 from vector<1xi32>
    %shift_right_arithmetic3A_64 = arith.constant 7 : i32
    %shift_right_arithmetic3A_65 = arith.shrsi %squeeze3A_63, %shift_right_arithmetic3A_64 : i32
    %mul3A_66 = arith.constant 128 : i32
    %mul3A_67 = arith.muli %shift_right_arithmetic3A_65, %mul3A_66 : i32
    %multiple_of3A_68 = tpu.assume_multiple %mul3A_67, 128 : i32
    %slice3A_69 = vector.extract_strided_slice %get3A_14 {offsets = [1], sizes = [1], strides = [1]} : vector<16xi32> to vector<1xi32>
    %squeeze3A_70 = vector.extract %slice3A_69[0] : i32 from vector<1xi32>
    %shift_right_arithmetic3A_71 = arith.constant 7 : i32
    %shift_right_arithmetic3A_72 = arith.shrsi %squeeze3A_70, %shift_right_arithmetic3A_71 : i32
    %mul3A_73 = arith.constant 128 : i32
    %mul3A_74 = arith.muli %shift_right_arithmetic3A_72, %mul3A_73 : i32
    %multiple_of3A_75 = tpu.assume_multiple %mul3A_74, 128 : i32
    %dma_start3A_76 = arith.constant 8 : i32
    %dma_start3A_77 = arith.constant 0 : i32
    %dma_start3A_78 = tpu.memref_slice %arg9[%and3A_9, %dma_start3A_76, %dma_start3A_77] : memref<2x128x128xf32, #tpu.memory_space<vmem>> -> memref<1x8x128xf32, #tpu.memory_space<vmem>>
    %dma_start3A_79 = tpu.memref_squeeze %dma_start3A_78 : memref<1x8x128xf32, #tpu.memory_space<vmem>> -> memref<8x128xf32, #tpu.memory_space<vmem>>
    %dma_start3A_80 = tpu.memref_reshape %arg4 : memref<16x1000000xf32, #tpu.memory_space<hbm>> -> memref<2x8x1000000xf32, #tpu.memory_space<hbm>>
    %dma_start3A_81 = arith.constant 0 : i32
    %dma_start3A_82 = tpu.memref_slice %dma_start3A_80[%shift_right_arithmetic3A_4, %dma_start3A_81, %multiple_of3A_68] : memref<2x8x1000000xf32, #tpu.memory_space<hbm>> -> memref<1x8x128xf32, #tpu.memory_space<hbm>>
    %dma_start3A_83 = tpu.memref_squeeze %dma_start3A_82 : memref<1x8x128xf32, #tpu.memory_space<hbm>> -> memref<8x128xf32, #tpu.memory_space<hbm>>
    %dma_start3A_84 = tpu.memref_slice %arg12[%and3A_9] : memref<2x!tpu.dma_semaphore, #tpu.memory_space<semaphore_mem>> -> memref<1x!tpu.dma_semaphore, #tpu.memory_space<semaphore_mem>>
    %dma_start3A_85 = tpu.memref_squeeze %dma_start3A_84 : memref<1x!tpu.dma_semaphore, #tpu.memory_space<semaphore_mem>> -> memref<!tpu.dma_semaphore, #tpu.memory_space<semaphore_mem>>
    %dma_start3A_86 = arith.constant 8 : i32
    %dma_start3A_87 = arith.constant 0 : i32
    %dma_start3A_88 = tpu.memref_slice %arg9[%and3A_9, %dma_start3A_86, %dma_start3A_87] : memref<2x128x128xf32, #tpu.memory_space<vmem>> -> memref<1x8x128xf32, #tpu.memory_space<vmem>>
    %dma_start3A_89 = tpu.memref_squeeze %dma_start3A_88 : memref<1x8x128xf32, #tpu.memory_space<vmem>> -> memref<8x128xf32, #tpu.memory_space<vmem>>
    %dma_start3A_90 = tpu.memref_reshape %arg4 : memref<16x1000000xf32, #tpu.memory_space<hbm>> -> memref<2x8x1000000xf32, #tpu.memory_space<hbm>>
    %dma_start3A_91 = arith.constant 0 : i32
    %dma_start3A_92 = tpu.memref_slice %dma_start3A_90[%shift_right_arithmetic3A_4, %dma_start3A_91, %multiple_of3A_68] : memref<2x8x1000000xf32, #tpu.memory_space<hbm>> -> memref<1x8x128xf32, #tpu.memory_space<hbm>>
    %dma_start3A_93 = tpu.memref_squeeze %dma_start3A_92 : memref<1x8x128xf32, #tpu.memory_space<hbm>> -> memref<8x128xf32, #tpu.memory_space<hbm>>
    tpu.enqueue_dma source(%dma_start3A_93 : memref<8x128xf32, #tpu.memory_space<hbm>>) target(%dma_start3A_89 : memref<8x128xf32, #tpu.memory_space<vmem>>) target_semaphore(%dma_start3A_85 : memref<!tpu.dma_semaphore, #tpu.memory_space<semaphore_mem>>)
    %dma_start3A_94 = arith.constant 8 : i32
    %dma_start3A_95 = arith.constant 0 : i32
    %dma_start3A_96 = tpu.memref_slice %arg10[%and3A_9, %dma_start3A_94, %dma_start3A_95] : memref<2x128x128xf32, #tpu.memory_space<vmem>> -> memref<1x8x128xf32, #tpu.memory_space<vmem>>
    %dma_start3A_97 = tpu.memref_squeeze %dma_start3A_96 : memref<1x8x128xf32, #tpu.memory_space<vmem>> -> memref<8x128xf32, #tpu.memory_space<vmem>>
    %dma_start3A_98 = tpu.memref_reshape %arg5 : memref<16x1000000xf32, #tpu.memory_space<hbm>> -> memref<2x8x1000000xf32, #tpu.memory_space<hbm>>
    %dma_start3A_99 = arith.constant 0 : i32
    %dma_start3A_100 = tpu.memref_slice %dma_start3A_98[%shift_right_arithmetic3A_4, %dma_start3A_99, %multiple_of3A_75] : memref<2x8x1000000xf32, #tpu.memory_space<hbm>> -> memref<1x8x128xf32, #tpu.memory_space<hbm>>
    %dma_start3A_101 = tpu.memref_squeeze %dma_start3A_100 : memref<1x8x128xf32, #tpu.memory_space<hbm>> -> memref<8x128xf32, #tpu.memory_space<hbm>>
    %dma_start3A_102 = tpu.memref_slice %arg12[%and3A_9] : memref<2x!tpu.dma_semaphore, #tpu.memory_space<semaphore_mem>> -> memref<1x!tpu.dma_semaphore, #tpu.memory_space<semaphore_mem>>
    %dma_start3A_103 = tpu.memref_squeeze %dma_start3A_102 : memref<1x!tpu.dma_semaphore, #tpu.memory_space<semaphore_mem>> -> memref<!tpu.dma_semaphore, #tpu.memory_space<semaphore_mem>>
    %dma_start3A_104 = arith.constant 8 : i32
    %dma_start3A_105 = arith.constant 0 : i32
    %dma_start3A_106 = tpu.memref_slice %arg10[%and3A_9, %dma_start3A_104, %dma_start3A_105] : memref<2x128x128xf32, #tpu.memory_space<vmem>> -> memref<1x8x128xf32, #tpu.memory_space<vmem>>
    %dma_start3A_107 = tpu.memref_squeeze %dma_start3A_106 : memref<1x8x128xf32, #tpu.memory_space<vmem>> -> memref<8x128xf32, #tpu.memory_space<vmem>>
    %dma_start3A_108 = tpu.memref_reshape %arg5 : memref<16x1000000xf32, #tpu.memory_space<hbm>> -> memref<2x8x1000000xf32, #tpu.memory_space<hbm>>
    %dma_start3A_109 = arith.constant 0 : i32
    %dma_start3A_110 = tpu.memref_slice %dma_start3A_108[%shift_right_arithmetic3A_4, %dma_start3A_109, %multiple_of3A_75] : memref<2x8x1000000xf32, #tpu.memory_space<hbm>> -> memref<1x8x128xf32, #tpu.memory_space<hbm>>
    %dma_start3A_111 = tpu.memref_squeeze %dma_start3A_110 : memref<1x8x128xf32, #tpu.memory_space<hbm>> -> memref<8x128xf32, #tpu.memory_space<hbm>>
    tpu.enqueue_dma source(%dma_start3A_111 : memref<8x128xf32, #tpu.memory_space<hbm>>) target(%dma_start3A_107 : memref<8x128xf32, #tpu.memory_space<vmem>>) target_semaphore(%dma_start3A_103 : memref<!tpu.dma_semaphore, #tpu.memory_space<semaphore_mem>>)
    %slice3A_112 = vector.extract_strided_slice %get3A_12 {offsets = [2], sizes = [1], strides = [1]} : vector<16xi32> to vector<1xi32>
    %squeeze3A_113 = vector.extract %slice3A_112[0] : i32 from vector<1xi32>
    %shift_right_arithmetic3A_114 = arith.constant 7 : i32
    %shift_right_arithmetic3A_115 = arith.shrsi %squeeze3A_113, %shift_right_arithmetic3A_114 : i32
    %mul3A_116 = arith.constant 128 : i32
    %mul3A_117 = arith.muli %shift_right_arithmetic3A_115, %mul3A_116 : i32
    %multiple_of3A_118 = tpu.assume_multiple %mul3A_117, 128 : i32
    %slice3A_119 = vector.extract_strided_slice %get3A_14 {offsets = [2], sizes = [1], strides = [1]} : vector<16xi32> to vector<1xi32>
    %squeeze3A_120 = vector.extract %slice3A_119[0] : i32 from vector<1xi32>
    %shift_right_arithmetic3A_121 = arith.constant 7 : i32
    %shift_right_arithmetic3A_122 = arith.shrsi %squeeze3A_120, %shift_right_arithmetic3A_121 : i32
    %mul3A_123 = arith.constant 128 : i32
    %mul3A_124 = arith.muli %shift_right_arithmetic3A_122, %mul3A_123 : i32
    %multiple_of3A_125 = tpu.assume_multiple %mul3A_124, 128 : i32
    %dma_start3A_126 = arith.constant 16 : i32
    %dma_start3A_127 = arith.constant 0 : i32
    %dma_start3A_128 = tpu.memref_slice %arg9[%and3A_9, %dma_start3A_126, %dma_start3A_127] : memref<2x128x128xf32, #tpu.memory_space<vmem>> -> memref<1x8x128xf32, #tpu.memory_space<vmem>>
    %dma_start3A_129 = tpu.memref_squeeze %dma_start3A_128 : memref<1x8x128xf32, #tpu.memory_space<vmem>> -> memref<8x128xf32, #tpu.memory_space<vmem>>
    %dma_start3A_130 = tpu.memref_reshape %arg4 : memref<16x1000000xf32, #tpu.memory_space<hbm>> -> memref<2x8x1000000xf32, #tpu.memory_space<hbm>>
    %dma_start3A_131 = arith.constant 0 : i32
    %dma_start3A_132 = tpu.memref_slice %dma_start3A_130[%shift_right_arithmetic3A_4, %dma_start3A_131, %multiple_of3A_118] : memref<2x8x1000000xf32, #tpu.memory_space<hbm>> -> memref<1x8x128xf32, #tpu.memory_space<hbm>>
    %dma_start3A_133 = tpu.memref_squeeze %dma_start3A_132 : memref<1x8x128xf32, #tpu.memory_space<hbm>> -> memref<8x128xf32, #tpu.memory_space<hbm>>
    %dma_start3A_134 = tpu.memref_slice %arg12[%and3A_9] : memref<2x!tpu.dma_semaphore, #tpu.memory_space<semaphore_mem>> -> memref<1x!tpu.dma_semaphore, #tpu.memory_space<semaphore_mem>>
    %dma_start3A_135 = tpu.memref_squeeze %dma_start3A_134 : memref<1x!tpu.dma_semaphore, #tpu.memory_space<semaphore_mem>> -> memref<!tpu.dma_semaphore, #tpu.memory_space<semaphore_mem>>
    %dma_start3A_136 = arith.constant 16 : i32
    %dma_start3A_137 = arith.constant 0 : i32
    %dma_start3A_138 = tpu.memref_slice %arg9[%and3A_9, %dma_start3A_136, %dma_start3A_137] : memref<2x128x128xf32, #tpu.memory_space<vmem>> -> memref<1x8x128xf32, #tpu.memory_space<vmem>>
    %dma_start3A_139 = tpu.memref_squeeze %dma_start3A_138 : memref<1x8x128xf32, #tpu.memory_space<vmem>> -> memref<8x128xf32, #tpu.memory_space<vmem>>
    %dma_start3A_140 = tpu.memref_reshape %arg4 : memref<16x1000000xf32, #tpu.memory_space<hbm>> -> memref<2x8x1000000xf32, #tpu.memory_space<hbm>>
    %dma_start3A_141 = arith.constant 0 : i32
    %dma_start3A_142 = tpu.memref_slice %dma_start3A_140[%shift_right_arithmetic3A_4, %dma_start3A_141, %multiple_of3A_118] : memref<2x8x1000000xf32, #tpu.memory_space<hbm>> -> memref<1x8x128xf32, #tpu.memory_space<hbm>>
    %dma_start3A_143 = tpu.memref_squeeze %dma_start3A_142 : memref<1x8x128xf32, #tpu.memory_space<hbm>> -> memref<8x128xf32, #tpu.memory_space<hbm>>
    tpu.enqueue_dma source(%dma_start3A_143 : memref<8x128xf32, #tpu.memory_space<hbm>>) target(%dma_start3A_139 : memref<8x128xf32, #tpu.memory_space<vmem>>) target_semaphore(%dma_start3A_135 : memref<!tpu.dma_semaphore, #tpu.memory_space<semaphore_mem>>)
    %dma_start3A_144 = arith.constant 16 : i32
    %dma_start3A_145 = arith.constant 0 : i32
    %dma_start3A_146 = tpu.memref_slice %arg10[%and3A_9, %dma_start3A_144, %dma_start3A_145] : memref<2x128x128xf32, #tpu.memory_space<vmem>> -> memref<1x8x128xf32, #tpu.memory_space<vmem>>
    %dma_start3A_147 = tpu.memref_squeeze %dma_start3A_146 : memref<1x8x128xf32, #tpu.memory_space<vmem>> -> memref<8x128xf32, #tpu.memory_space<vmem>>
    %dma_start3A_148 = tpu.memref_reshape %arg5 : memref<16x1000000xf32, #tpu.memory_space<hbm>> -> memref<2x8x1000000xf32, #tpu.memory_space<hbm>>
    %dma_start3A_149 = arith.constant 0 : i32
    %dma_start3A_150 = tpu.memref_slice %dma_start3A_148[%shift_right_arithmetic3A_4, %dma_start3A_149, %multiple_of3A_125] : memref<2x8x1000000xf32, #tpu.memory_space<hbm>> -> memref<1x8x128xf32, #tpu.memory_space<hbm>>
    %dma_start3A_151 = tpu.memref_squeeze %dma_start3A_150 : memref<1x8x128xf32, #tpu.memory_space<hbm>> -> memref<8x128xf32, #tpu.memory_space<hbm>>
    %dma_start3A_152 = tpu.memref_slice %arg12[%and3A_9] : memref<2x!tpu.dma_semaphore, #tpu.memory_space<semaphore_mem>> -> memref<1x!tpu.dma_semaphore, #tpu.memory_space<semaphore_mem>>
    %dma_start3A_153 = tpu.memref_squeeze %dma_start3A_152 : memref<1x!tpu.dma_semaphore, #tpu.memory_space<semaphore_mem>> -> memref<!tpu.dma_semaphore, #tpu.memory_space<semaphore_mem>>
    %dma_start3A_154 = arith.constant 16 : i32
    %dma_start3A_155 = arith.constant 0 : i32
    %dma_start3A_156 = tpu.memref_slice %arg10[%and3A_9, %dma_start3A_154, %dma_start3A_155] : memref<2x128x128xf32, #tpu.memory_space<vmem>> -> memref<1x8x128xf32, #tpu.memory_space<vmem>>
    %dma_start3A_157 = tpu.memref_squeeze %dma_start3A_156 : memref<1x8x128xf32, #tpu.memory_space<vmem>> -> memref<8x128xf32, #tpu.memory_space<vmem>>
    %dma_start3A_158 = tpu.memref_reshape %arg5 : memref<16x1000000xf32, #tpu.memory_space<hbm>> -> memref<2x8x1000000xf32, #tpu.memory_space<hbm>>
    %dma_start3A_159 = arith.constant 0 : i32
    %dma_start3A_160 = tpu.memref_slice %dma_start3A_158[%shift_right_arithmetic3A_4, %dma_start3A_159, %multiple_of3A_125] : memref<2x8x1000000xf32, #tpu.memory_space<hbm>> -> memref<1x8x128xf32, #tpu.memory_space<hbm>>
    %dma_start3A_161 = tpu.memref_squeeze %dma_start3A_160 : memref<1x8x128xf32, #tpu.memory_space<hbm>> -> memref<8x128xf32, #tpu.memory_space<hbm>>
    tpu.enqueue_dma source(%dma_start3A_161 : memref<8x128xf32, #tpu.memory_space<hbm>>) target(%dma_start3A_157 : memref<8x128xf32, #tpu.memory_space<vmem>>) target_semaphore(%dma_start3A_153 : memref<!tpu.dma_semaphore, #tpu.memory_space<semaphore_mem>>)
    %slice3A_162 = vector.extract_strided_slice %get3A_12 {offsets = [3], sizes = [1], strides = [1]} : vector<16xi32> to vector<1xi32>
    %squeeze3A_163 = vector.extract %slice3A_162[0] : i32 from vector<1xi32>
    %shift_right_arithmetic3A_164 = arith.constant 7 : i32
    %shift_right_arithmetic3A_165 = arith.shrsi %squeeze3A_163, %shift_right_arithmetic3A_164 : i32
    %mul3A_166 = arith.constant 128 : i32
    %mul3A_167 = arith.muli %shift_right_arithmetic3A_165, %mul3A_166 : i32
    %multiple_of3A_168 = tpu.assume_multiple %mul3A_167, 128 : i32
    %slice3A_169 = vector.extract_strided_slice %get3A_14 {offsets = [3], sizes = [1], strides = [1]} : vector<16xi32> to vector<1xi32>
    %squeeze3A_170 = vector.extract %slice3A_169[0] : i32 from vector<1xi32>
    %shift_right_arithmetic3A_171 = arith.constant 7 : i32
    %shift_right_arithmetic3A_172 = arith.shrsi %squeeze3A_170, %shift_right_arithmetic3A_171 : i32
    %mul3A_173 = arith.constant 128 : i32
    %mul3A_174 = arith.muli %shift_right_arithmetic3A_172, %mul3A_173 : i32
    %multiple_of3A_175 = tpu.assume_multiple %mul3A_174, 128 : i32
    %dma_start3A_176 = arith.constant 24 : i32
    %dma_start3A_177 = arith.constant 0 : i32
    %dma_start3A_178 = tpu.memref_slice %arg9[%and3A_9, %dma_start3A_176, %dma_start3A_177] : memref<2x128x128xf32, #tpu.memory_space<vmem>> -> memref<1x8x128xf32, #tpu.memory_space<vmem>>
    %dma_start3A_179 = tpu.memref_squeeze %dma_start3A_178 : memref<1x8x128xf32, #tpu.memory_space<vmem>> -> memref<8x128xf32, #tpu.memory_space<vmem>>
    %dma_start3A_180 = tpu.memref_reshape %arg4 : memref<16x1000000xf32, #tpu.memory_space<hbm>> -> memref<2x8x1000000xf32, #tpu.memory_space<hbm>>
    %dma_start3A_181 = arith.constant 0 : i32
    %dma_start3A_182 = tpu.memref_slice %dma_start3A_180[%shift_right_arithmetic3A_4, %dma_start3A_181, %multiple_of3A_168] : memref<2x8x1000000xf32, #tpu.memory_space<hbm>> -> memref<1x8x128xf32, #tpu.memory_space<hbm>>
    %dma_start3A_183 = tpu.memref_squeeze %dma_start3A_182 : memref<1x8x128xf32, #tpu.memory_space<hbm>> -> memref<8x128xf32, #tpu.memory_space<hbm>>
    %dma_start3A_184 = tpu.memref_slice %arg12[%and3A_9] : memref<2x!tpu.dma_semaphore, #tpu.memory_space<semaphore_mem>> -> memref<1x!tpu.dma_semaphore, #tpu.memory_space<semaphore_mem>>
    %dma_start3A_185 = tpu.memref_squeeze %dma_start3A_184 : memref<1x!tpu.dma_semaphore, #tpu.memory_space<semaphore_mem>> -> memref<!tpu.dma_semaphore, #tpu.memory_space<semaphore_mem>>
    %dma_start3A_186 = arith.constant 24 : i32
    %dma_start3A_187 = arith.constant 0 : i32
    %dma_start3A_188 = tpu.memref_slice %arg9[%and3A_9, %dma_start3A_186, %dma_start3A_187] : memref<2x128x128xf32, #tpu.memory_space<vmem>> -> memref<1x8x128xf32, #tpu.memory_space<vmem>>
    %dma_start3A_189 = tpu.memref_squeeze %dma_start3A_188 : memref<1x8x128xf32, #tpu.memory_space<vmem>> -> memref<8x128xf32, #tpu.memory_space<vmem>>
    %dma_start3A_190 = tpu.memref_reshape %arg4 : memref<16x1000000xf32, #tpu.memory_space<hbm>> -> memref<2x8x1000000xf32, #tpu.memory_space<hbm>>
    %dma_start3A_191 = arith.constant 0 : i32
    %dma_start3A_192 = tpu.memref_slice %dma_start3A_190[%shift_right_arithmetic3A_4, %dma_start3A_191, %multiple_of3A_168] : memref<2x8x1000000xf32, #tpu.memory_space<hbm>> -> memref<1x8x128xf32, #tpu.memory_space<hbm>>
    %dma_start3A_193 = tpu.memref_squeeze %dma_start3A_192 : memref<1x8x128xf32, #tpu.memory_space<hbm>> -> memref<8x128xf32, #tpu.memory_space<hbm>>
    tpu.enqueue_dma source(%dma_start3A_193 : memref<8x128xf32, #tpu.memory_space<hbm>>) target(%dma_start3A_189 : memref<8x128xf32, #tpu.memory_space<vmem>>) target_semaphore(%dma_start3A_185 : memref<!tpu.dma_semaphore, #tpu.memory_space<semaphore_mem>>)
    %dma_start3A_194 = arith.constant 24 : i32
    %dma_start3A_195 = arith.constant 0 : i32
    %dma_start3A_196 = tpu.memref_slice %arg10[%and3A_9, %dma_start3A_194, %dma_start3A_195] : memref<2x128x128xf32, #tpu.memory_space<vmem>> -> memref<1x8x128xf32, #tpu.memory_space<vmem>>
    %dma_start3A_197 = tpu.memref_squeeze %dma_start3A_196 : memref<1x8x128xf32, #tpu.memory_space<vmem>> -> memref<8x128xf32, #tpu.memory_space<vmem>>
    %dma_start3A_198 = tpu.memref_reshape %arg5 : memref<16x1000000xf32, #tpu.memory_space<hbm>> -> memref<2x8x1000000xf32, #tpu.memory_space<hbm>>
    %dma_start3A_199 = arith.constant 0 : i32
    %dma_start3A_200 = tpu.memref_slice %dma_start3A_198[%shift_right_arithmetic3A_4, %dma_start3A_199, %multiple_of3A_175] : memref<2x8x1000000xf32, #tpu.memory_space<hbm>> -> memref<1x8x128xf32, #tpu.memory_space<hbm>>
    %dma_start3A_201 = tpu.memref_squeeze %dma_start3A_200 : memref<1x8x128xf32, #tpu.memory_space<hbm>> -> memref<8x128xf32, #tpu.memory_space<hbm>>
    %dma_start3A_202 = tpu.memref_slice %arg12[%and3A_9] : memref<2x!tpu.dma_semaphore, #tpu.memory_space<semaphore_mem>> -> memref<1x!tpu.dma_semaphore, #tpu.memory_space<semaphore_mem>>
    %dma_start3A_203 = tpu.memref_squeeze %dma_start3A_202 : memref<1x!tpu.dma_semaphore, #tpu.memory_space<semaphore_mem>> -> memref<!tpu.dma_semaphore, #tpu.memory_space<semaphore_mem>>
    %dma_start3A_204 = arith.constant 24 : i32
    %dma_start3A_205 = arith.constant 0 : i32
    %dma_start3A_206 = tpu.memref_slice %arg10[%and3A_9, %dma_start3A_204, %dma_start3A_205] : memref<2x128x128xf32, #tpu.memory_space<vmem>> -> memref<1x8x128xf32, #tpu.memory_space<vmem>>
    %dma_start3A_207 = tpu.memref_squeeze %dma_start3A_206 : memref<1x8x128xf32, #tpu.memory_space<vmem>> -> memref<8x128xf32, #tpu.memory_space<vmem>>
    %dma_start3A_208 = tpu.memref_reshape %arg5 : memref<16x1000000xf32, #tpu.memory_space<hbm>> -> memref<2x8x1000000xf32, #tpu.memory_space<hbm>>
    %dma_start3A_209 = arith.constant 0 : i32
    %dma_start3A_210 = tpu.memref_slice %dma_start3A_208[%shift_right_arithmetic3A_4, %dma_start3A_209, %multiple_of3A_175] : memref<2x8x1000000xf32, #tpu.memory_space<hbm>> -> memref<1x8x128xf32, #tpu.memory_space<hbm>>
    %dma_start3A_211 = tpu.memref_squeeze %dma_start3A_210 : memref<1x8x128xf32, #tpu.memory_space<hbm>> -> memref<8x128xf32, #tpu.memory_space<hbm>>
    tpu.enqueue_dma source(%dma_start3A_211 : memref<8x128xf32, #tpu.memory_space<hbm>>) target(%dma_start3A_207 : memref<8x128xf32, #tpu.memory_space<vmem>>) target_semaphore(%dma_start3A_203 : memref<!tpu.dma_semaphore, #tpu.memory_space<semaphore_mem>>)
    %slice3A_212 = vector.extract_strided_slice %get3A_12 {offsets = [4], sizes = [1], strides = [1]} : vector<16xi32> to vector<1xi32>
    %squeeze3A_213 = vector.extract %slice3A_212[0] : i32 from vector<1xi32>
    %shift_right_arithmetic3A_214 = arith.constant 7 : i32
    %shift_right_arithmetic3A_215 = arith.shrsi %squeeze3A_213, %shift_right_arithmetic3A_214 : i32
    %mul3A_216 = arith.constant 128 : i32
    %mul3A_217 = arith.muli %shift_right_arithmetic3A_215, %mul3A_216 : i32
    %multiple_of3A_218 = tpu.assume_multiple %mul3A_217, 128 : i32
    %slice3A_219 = vector.extract_strided_slice %get3A_14 {offsets = [4], sizes = [1], strides = [1]} : vector<16xi32> to vector<1xi32>
    %squeeze3A_220 = vector.extract %slice3A_219[0] : i32 from vector<1xi32>
    %shift_right_arithmetic3A_221 = arith.constant 7 : i32
    %shift_right_arithmetic3A_222 = arith.shrsi %squeeze3A_220, %shift_right_arithmetic3A_221 : i32
    %mul3A_223 = arith.constant 128 : i32
    %mul3A_224 = arith.muli %shift_right_arithmetic3A_222, %mul3A_223 : i32
    %multiple_of3A_225 = tpu.assume_multiple %mul3A_224, 128 : i32
    %dma_start3A_226 = arith.constant 32 : i32
    %dma_start3A_227 = arith.constant 0 : i32
    %dma_start3A_228 = tpu.memref_slice %arg9[%and3A_9, %dma_start3A_226, %dma_start3A_227] : memref<2x128x128xf32, #tpu.memory_space<vmem>> -> memref<1x8x128xf32, #tpu.memory_space<vmem>>
    %dma_start3A_229 = tpu.memref_squeeze %dma_start3A_228 : memref<1x8x128xf32, #tpu.memory_space<vmem>> -> memref<8x128xf32, #tpu.memory_space<vmem>>
    %dma_start3A_230 = tpu.memref_reshape %arg4 : memref<16x1000000xf32, #tpu.memory_space<hbm>> -> memref<2x8x1000000xf32, #tpu.memory_space<hbm>>
    %dma_start3A_231 = arith.constant 0 : i32
    %dma_start3A_232 = tpu.memref_slice %dma_start3A_230[%shift_right_arithmetic3A_4, %dma_start3A_231, %multiple_of3A_218] : memref<2x8x1000000xf32, #tpu.memory_space<hbm>> -> memref<1x8x128xf32, #tpu.memory_space<hbm>>
    %dma_start3A_233 = tpu.memref_squeeze %dma_start3A_232 : memref<1x8x128xf32, #tpu.memory_space<hbm>> -> memref<8x128xf32, #tpu.memory_space<hbm>>
    %dma_start3A_234 = tpu.memref_slice %arg12[%and3A_9] : memref<2x!tpu.dma_semaphore, #tpu.memory_space<semaphore_mem>> -> memref<1x!tpu.dma_semaphore, #tpu.memory_space<semaphore_mem>>
    %dma_start3A_235 = tpu.memref_squeeze %dma_start3A_234 : memref<1x!tpu.dma_semaphore, #tpu.memory_space<semaphore_mem>> -> memref<!tpu.dma_semaphore, #tpu.memory_space<semaphore_mem>>
    %dma_start3A_236 = arith.constant 32 : i32
    %dma_start3A_237 = arith.constant 0 : i32
    %dma_start3A_238 = tpu.memref_slice %arg9[%and3A_9, %dma_start3A_236, %dma_start3A_237] : memref<2x128x128xf32, #tpu.memory_space<vmem>> -> memref<1x8x128xf32, #tpu.memory_space<vmem>>
    %dma_start3A_239 = tpu.memref_squeeze %dma_start3A_238 : memref<1x8x128xf32, #tpu.memory_space<vmem>> -> memref<8x128xf32, #tpu.memory_space<vmem>>
    %dma_start3A_240 = tpu.memref_reshape %arg4 : memref<16x1000000xf32, #tpu.memory_space<hbm>> -> memref<2x8x1000000xf32, #tpu.memory_space<hbm>>
    %dma_start3A_241 = arith.constant 0 : i32
    %dma_start3A_242 = tpu.memref_slice %dma_start3A_240[%shift_right_arithmetic3A_4, %dma_start3A_241, %multiple_of3A_218] : memref<2x8x1000000xf32, #tpu.memory_space<hbm>> -> memref<1x8x128xf32, #tpu.memory_space<hbm>>
    %dma_start3A_243 = tpu.memref_squeeze %dma_start3A_242 : memref<1x8x128xf32, #tpu.memory_space<hbm>> -> memref<8x128xf32, #tpu.memory_space<hbm>>
    tpu.enqueue_dma source(%dma_start3A_243 : memref<8x128xf32, #tpu.memory_space<hbm>>) target(%dma_start3A_239 : memref<8x128xf32, #tpu.memory_space<vmem>>) target_semaphore(%dma_start3A_235 : memref<!tpu.dma_semaphore, #tpu.memory_space<semaphore_mem>>)
    %dma_start3A_244 = arith.constant 32 : i32
    %dma_start3A_245 = arith.constant 0 : i32
    %dma_start3A_246 = tpu.memref_slice %arg10[%and3A_9, %dma_start3A_244, %dma_start3A_245] : memref<2x128x128xf32, #tpu.memory_space<vmem>> -> memref<1x8x128xf32, #tpu.memory_space<vmem>>
    %dma_start3A_247 = tpu.memref_squeeze %dma_start3A_246 : memref<1x8x128xf32, #tpu.memory_space<vmem>> -> memref<8x128xf32, #tpu.memory_space<vmem>>
    %dma_start3A_248 = tpu.memref_reshape %arg5 : memref<16x1000000xf32, #tpu.memory_space<hbm>> -> memref<2x8x1000000xf32, #tpu.memory_space<hbm>>
    %dma_start3A_249 = arith.constant 0 : i32
    %dma_start3A_250 = tpu.memref_slice %dma_start3A_248[%shift_right_arithmetic3A_4, %dma_start3A_249, %multiple_of3A_225] : memref<2x8x1000000xf32, #tpu.memory_space<hbm>> -> memref<1x8x128xf32, #tpu.memory_space<hbm>>
    %dma_start3A_251 = tpu.memref_squeeze %dma_start3A_250 : memref<1x8x128xf32, #tpu.memory_space<hbm>> -> memref<8x128xf32, #tpu.memory_space<hbm>>
    %dma_start3A_252 = tpu.memref_slice %arg12[%and3A_9] : memref<2x!tpu.dma_semaphore, #tpu.memory_space<semaphore_mem>> -> memref<1x!tpu.dma_semaphore, #tpu.memory_space<semaphore_mem>>
    %dma_start3A_253 = tpu.memref_squeeze %dma_start3A_252 : memref<1x!tpu.dma_semaphore, #tpu.memory_space<semaphore_mem>> -> memref<!tpu.dma_semaphore, #tpu.memory_space<semaphore_mem>>
    %dma_start3A_254 = arith.constant 32 : i32
    %dma_start3A_255 = arith.constant 0 : i32
    %dma_start3A_256 = tpu.memref_slice %arg10[%and3A_9, %dma_start3A_254, %dma_start3A_255] : memref<2x128x128xf32, #tpu.memory_space<vmem>> -> memref<1x8x128xf32, #tpu.memory_space<vmem>>
    %dma_start3A_257 = tpu.memref_squeeze %dma_start3A_256 : memref<1x8x128xf32, #tpu.memory_space<vmem>> -> memref<8x128xf32, #tpu.memory_space<vmem>>
    %dma_start3A_258 = tpu.memref_reshape %arg5 : memref<16x1000000xf32, #tpu.memory_space<hbm>> -> memref<2x8x1000000xf32, #tpu.memory_space<hbm>>
    %dma_start3A_259 = arith.constant 0 : i32
    %dma_start3A_260 = tpu.memref_slice %dma_start3A_258[%shift_right_arithmetic3A_4, %dma_start3A_259, %multiple_of3A_225] : memref<2x8x1000000xf32, #tpu.memory_space<hbm>> -> memref<1x8x128xf32, #tpu.memory_space<hbm>>
    %dma_start3A_261 = tpu.memref_squeeze %dma_start3A_260 : memref<1x8x128xf32, #tpu.memory_space<hbm>> -> memref<8x128xf32, #tpu.memory_space<hbm>>
    tpu.enqueue_dma source(%dma_start3A_261 : memref<8x128xf32, #tpu.memory_space<hbm>>) target(%dma_start3A_257 : memref<8x128xf32, #tpu.memory_space<vmem>>) target_semaphore(%dma_start3A_253 : memref<!tpu.dma_semaphore, #tpu.memory_space<semaphore_mem>>)
    %slice3A_262 = vector.extract_strided_slice %get3A_12 {offsets = [5], sizes = [1], strides = [1]} : vector<16xi32> to vector<1xi32>
    %squeeze3A_263 = vector.extract %slice3A_262[0] : i32 from vector<1xi32>
    %shift_right_arithmetic3A_264 = arith.constant 7 : i32
    %shift_right_arithmetic3A_265 = arith.shrsi %squeeze3A_263, %shift_right_arithmetic3A_264 : i32
    %mul3A_266 = arith.constant 128 : i32
    %mul3A_267 = arith.muli %shift_right_arithmetic3A_265, %mul3A_266 : i32
    %multiple_of3A_268 = tpu.assume_multiple %mul3A_267, 128 : i32
    %slice3A_269 = vector.extract_strided_slice %get3A_14 {offsets = [5], sizes = [1], strides = [1]} : vector<16xi32> to vector<1xi32>
    %squeeze3A_270 = vector.extract %slice3A_269[0] : i32 from vector<1xi32>
    %shift_right_arithmetic3A_271 = arith.constant 7 : i32
    %shift_right_arithmetic3A_272 = arith.shrsi %squeeze3A_270, %shift_right_arithmetic3A_271 : i32
    %mul3A_273 = arith.constant 128 : i32
    %mul3A_274 = arith.muli %shift_right_arithmetic3A_272, %mul3A_273 : i32
    %multiple_of3A_275 = tpu.assume_multiple %mul3A_274, 128 : i32
    %dma_start3A_276 = arith.constant 40 : i32
    %dma_start3A_277 = arith.constant 0 : i32
    %dma_start3A_278 = tpu.memref_slice %arg9[%and3A_9, %dma_start3A_276, %dma_start3A_277] : memref<2x128x128xf32, #tpu.memory_space<vmem>> -> memref<1x8x128xf32, #tpu.memory_space<vmem>>
    %dma_start3A_279 = tpu.memref_squeeze %dma_start3A_278 : memref<1x8x128xf32, #tpu.memory_space<vmem>> -> memref<8x128xf32, #tpu.memory_space<vmem>>
    %dma_start3A_280 = tpu.memref_reshape %arg4 : memref<16x1000000xf32, #tpu.memory_space<hbm>> -> memref<2x8x1000000xf32, #tpu.memory_space<hbm>>
    %dma_start3A_281 = arith.constant 0 : i32
    %dma_start3A_282 = tpu.memref_slice %dma_start3A_280[%shift_right_arithmetic3A_4, %dma_start3A_281, %multiple_of3A_268] : memref<2x8x1000000xf32, #tpu.memory_space<hbm>> -> memref<1x8x128xf32, #tpu.memory_space<hbm>>
    %dma_start3A_283 = tpu.memref_squeeze %dma_start3A_282 : memref<1x8x128xf32, #tpu.memory_space<hbm>> -> memref<8x128xf32, #tpu.memory_space<hbm>>
    %dma_start3A_284 = tpu.memref_slice %arg12[%and3A_9] : memref<2x!tpu.dma_semaphore, #tpu.memory_space<semaphore_mem>> -> memref<1x!tpu.dma_semaphore, #tpu.memory_space<semaphore_mem>>
    %dma_start3A_285 = tpu.memref_squeeze %dma_start3A_284 : memref<1x!tpu.dma_semaphore, #tpu.memory_space<semaphore_mem>> -> memref<!tpu.dma_semaphore, #tpu.memory_space<semaphore_mem>>
    %dma_start3A_286 = arith.constant 40 : i32
    %dma_start3A_287 = arith.constant 0 : i32
    %dma_start3A_288 = tpu.memref_slice %arg9[%and3A_9, %dma_start3A_286, %dma_start3A_287] : memref<2x128x128xf32, #tpu.memory_space<vmem>> -> memref<1x8x128xf32, #tpu.memory_space<vmem>>
    %dma_start3A_289 = tpu.memref_squeeze %dma_start3A_288 : memref<1x8x128xf32, #tpu.memory_space<vmem>> -> memref<8x128xf32, #tpu.memory_space<vmem>>
    %dma_start3A_290 = tpu.memref_reshape %arg4 : memref<16x1000000xf32, #tpu.memory_space<hbm>> -> memref<2x8x1000000xf32, #tpu.memory_space<hbm>>
    %dma_start3A_291 = arith.constant 0 : i32
    %dma_start3A_292 = tpu.memref_slice %dma_start3A_290[%shift_right_arithmetic3A_4, %dma_start3A_291, %multiple_of3A_268] : memref<2x8x1000000xf32, #tpu.memory_space<hbm>> -> memref<1x8x128xf32, #tpu.memory_space<hbm>>
    %dma_start3A_293 = tpu.memref_squeeze %dma_start3A_292 : memref<1x8x128xf32, #tpu.memory_space<hbm>> -> memref<8x128xf32, #tpu.memory_space<hbm>>
    tpu.enqueue_dma source(%dma_start3A_293 : memref<8x128xf32, #tpu.memory_space<hbm>>) target(%dma_start3A_289 : memref<8x128xf32, #tpu.memory_space<vmem>>) target_semaphore(%dma_start3A_285 : memref<!tpu.dma_semaphore, #tpu.memory_space<semaphore_mem>>)
    %dma_start3A_294 = arith.constant 40 : i32
    %dma_start3A_295 = arith.constant 0 : i32
    %dma_start3A_296 = tpu.memref_slice %arg10[%and3A_9, %dma_start3A_294, %dma_start3A_295] : memref<2x128x128xf32, #tpu.memory_space<vmem>> -> memref<1x8x128xf32, #tpu.memory_space<vmem>>
    %dma_start3A_297 = tpu.memref_squeeze %dma_start3A_296 : memref<1x8x128xf32, #tpu.memory_space<vmem>> -> memref<8x128xf32, #tpu.memory_space<vmem>>
    %dma_start3A_298 = tpu.memref_reshape %arg5 : memref<16x1000000xf32, #tpu.memory_space<hbm>> -> memref<2x8x1000000xf32, #tpu.memory_space<hbm>>
    %dma_start3A_299 = arith.constant 0 : i32
    %dma_start3A_300 = tpu.memref_slice %dma_start3A_298[%shift_right_arithmetic3A_4, %dma_start3A_299, %multiple_of3A_275] : memref<2x8x1000000xf32, #tpu.memory_space<hbm>> -> memref<1x8x128xf32, #tpu.memory_space<hbm>>
    %dma_start3A_301 = tpu.memref_squeeze %dma_start3A_300 : memref<1x8x128xf32, #tpu.memory_space<hbm>> -> memref<8x128xf32, #tpu.memory_space<hbm>>
    %dma_start3A_302 = tpu.memref_slice %arg12[%and3A_9] : memref<2x!tpu.dma_semaphore, #tpu.memory_space<semaphore_mem>> -> memref<1x!tpu.dma_semaphore, #tpu.memory_space<semaphore_mem>>
    %dma_start3A_303 = tpu.memref_squeeze %dma_start3A_302 : memref<1x!tpu.dma_semaphore, #tpu.memory_space<semaphore_mem>> -> memref<!tpu.dma_semaphore, #tpu.memory_space<semaphore_mem>>
    %dma_start3A_304 = arith.constant 40 : i32
    %dma_start3A_305 = arith.constant 0 : i32
    %dma_start3A_306 = tpu.memref_slice %arg10[%and3A_9, %dma_start3A_304, %dma_start3A_305] : memref<2x128x128xf32, #tpu.memory_space<vmem>> -> memref<1x8x128xf32, #tpu.memory_space<vmem>>
    %dma_start3A_307 = tpu.memref_squeeze %dma_start3A_306 : memref<1x8x128xf32, #tpu.memory_space<vmem>> -> memref<8x128xf32, #tpu.memory_space<vmem>>
    %dma_start3A_308 = tpu.memref_reshape %arg5 : memref<16x1000000xf32, #tpu.memory_space<hbm>> -> memref<2x8x1000000xf32, #tpu.memory_space<hbm>>
    %dma_start3A_309 = arith.constant 0 : i32
    %dma_start3A_310 = tpu.memref_slice %dma_start3A_308[%shift_right_arithmetic3A_4, %dma_start3A_309, %multiple_of3A_275] : memref<2x8x1000000xf32, #tpu.memory_space<hbm>> -> memref<1x8x128xf32, #tpu.memory_space<hbm>>
    %dma_start3A_311 = tpu.memref_squeeze %dma_start3A_310 : memref<1x8x128xf32, #tpu.memory_space<hbm>> -> memref<8x128xf32, #tpu.memory_space<hbm>>
    tpu.enqueue_dma source(%dma_start3A_311 : memref<8x128xf32, #tpu.memory_space<hbm>>) target(%dma_start3A_307 : memref<8x128xf32, #tpu.memory_space<vmem>>) target_semaphore(%dma_start3A_303 : memref<!tpu.dma_semaphore, #tpu.memory_space<semaphore_mem>>)
    %slice3A_312 = vector.extract_strided_slice %get3A_12 {offsets = [6], sizes = [1], strides = [1]} : vector<16xi32> to vector<1xi32>
    %squeeze3A_313 = vector.extract %slice3A_312[0] : i32 from vector<1xi32>
    %shift_right_arithmetic3A_314 = arith.constant 7 : i32
    %shift_right_arithmetic3A_315 = arith.shrsi %squeeze3A_313, %shift_right_arithmetic3A_314 : i32
    %mul3A_316 = arith.constant 128 : i32
    %mul3A_317 = arith.muli %shift_right_arithmetic3A_315, %mul3A_316 : i32
    %multiple_of3A_318 = tpu.assume_multiple %mul3A_317, 128 : i32
    %slice3A_319 = vector.extract_strided_slice %get3A_14 {offsets = [6], sizes = [1], strides = [1]} : vector<16xi32> to vector<1xi32>
    %squeeze3A_320 = vector.extract %slice3A_319[0] : i32 from vector<1xi32>
    %shift_right_arithmetic3A_321 = arith.constant 7 : i32
    %shift_right_arithmetic3A_322 = arith.shrsi %squeeze3A_320, %shift_right_arithmetic3A_321 : i32
    %mul3A_323 = arith.constant 128 : i32
    %mul3A_324 = arith.muli %shift_right_arithmetic3A_322, %mul3A_323 : i32
    %multiple_of3A_325 = tpu.assume_multiple %mul3A_324, 128 : i32
    %dma_start3A_326 = arith.constant 48 : i32
    %dma_start3A_327 = arith.constant 0 : i32
    %dma_start3A_328 = tpu.memref_slice %arg9[%and3A_9, %dma_start3A_326, %dma_start3A_327] : memref<2x128x128xf32, #tpu.memory_space<vmem>> -> memref<1x8x128xf32, #tpu.memory_space<vmem>>
    %dma_start3A_329 = tpu.memref_squeeze %dma_start3A_328 : memref<1x8x128xf32, #tpu.memory_space<vmem>> -> memref<8x128xf32, #tpu.memory_space<vmem>>
    %dma_start3A_330 = tpu.memref_reshape %arg4 : memref<16x1000000xf32, #tpu.memory_space<hbm>> -> memref<2x8x1000000xf32, #tpu.memory_space<hbm>>
    %dma_start3A_331 = arith.constant 0 : i32
    %dma_start3A_332 = tpu.memref_slice %dma_start3A_330[%shift_right_arithmetic3A_4, %dma_start3A_331, %multiple_of3A_318] : memref<2x8x1000000xf32, #tpu.memory_space<hbm>> -> memref<1x8x128xf32, #tpu.memory_space<hbm>>
    %dma_start3A_333 = tpu.memref_squeeze %dma_start3A_332 : memref<1x8x128xf32, #tpu.memory_space<hbm>> -> memref<8x128xf32, #tpu.memory_space<hbm>>
    %dma_start3A_334 = tpu.memref_slice %arg12[%and3A_9] : memref<2x!tpu.dma_semaphore, #tpu.memory_space<semaphore_mem>> -> memref<1x!tpu.dma_semaphore, #tpu.memory_space<semaphore_mem>>
    %dma_start3A_335 = tpu.memref_squeeze %dma_start3A_334 : memref<1x!tpu.dma_semaphore, #tpu.memory_space<semaphore_mem>> -> memref<!tpu.dma_semaphore, #tpu.memory_space<semaphore_mem>>
    %dma_start3A_336 = arith.constant 48 : i32
    %dma_start3A_337 = arith.constant 0 : i32
    %dma_start3A_338 = tpu.memref_slice %arg9[%and3A_9, %dma_start3A_336, %dma_start3A_337] : memref<2x128x128xf32, #tpu.memory_space<vmem>> -> memref<1x8x128xf32, #tpu.memory_space<vmem>>
    %dma_start3A_339 = tpu.memref_squeeze %dma_start3A_338 : memref<1x8x128xf32, #tpu.memory_space<vmem>> -> memref<8x128xf32, #tpu.memory_space<vmem>>
    %dma_start3A_340 = tpu.memref_reshape %arg4 : memref<16x1000000xf32, #tpu.memory_space<hbm>> -> memref<2x8x1000000xf32, #tpu.memory_space<hbm>>
    %dma_start3A_341 = arith.constant 0 : i32
    %dma_start3A_342 = tpu.memref_slice %dma_start3A_340[%shift_right_arithmetic3A_4, %dma_start3A_341, %multiple_of3A_318] : memref<2x8x1000000xf32, #tpu.memory_space<hbm>> -> memref<1x8x128xf32, #tpu.memory_space<hbm>>
    %dma_start3A_343 = tpu.memref_squeeze %dma_start3A_342 : memref<1x8x128xf32, #tpu.memory_space<hbm>> -> memref<8x128xf32, #tpu.memory_space<hbm>>
    tpu.enqueue_dma source(%dma_start3A_343 : memref<8x128xf32, #tpu.memory_space<hbm>>) target(%dma_start3A_339 : memref<8x128xf32, #tpu.memory_space<vmem>>) target_semaphore(%dma_start3A_335 : memref<!tpu.dma_semaphore, #tpu.memory_space<semaphore_mem>>)
    %dma_start3A_344 = arith.constant 48 : i32
    %dma_start3A_345 = arith.constant 0 : i32
    %dma_start3A_346 = tpu.memref_slice %arg10[%and3A_9, %dma_start3A_344, %dma_start3A_345] : memref<2x128x128xf32, #tpu.memory_space<vmem>> -> memref<1x8x128xf32, #tpu.memory_space<vmem>>
    %dma_start3A_347 = tpu.memref_squeeze %dma_start3A_346 : memref<1x8x128xf32, #tpu.memory_space<vmem>> -> memref<8x128xf32, #tpu.memory_space<vmem>>
    %dma_start3A_348 = tpu.memref_reshape %arg5 : memref<16x1000000xf32, #tpu.memory_space<hbm>> -> memref<2x8x1000000xf32, #tpu.memory_space<hbm>>
    %dma_start3A_349 = arith.constant 0 : i32
    %dma_start3A_350 = tpu.memref_slice %dma_start3A_348[%shift_right_arithmetic3A_4, %dma_start3A_349, %multiple_of3A_325] : memref<2x8x1000000xf32, #tpu.memory_space<hbm>> -> memref<1x8x128xf32, #tpu.memory_space<hbm>>
    %dma_start3A_351 = tpu.memref_squeeze %dma_start3A_350 : memref<1x8x128xf32, #tpu.memory_space<hbm>> -> memref<8x128xf32, #tpu.memory_space<hbm>>
    %dma_start3A_352 = tpu.memref_slice %arg12[%and3A_9] : memref<2x!tpu.dma_semaphore, #tpu.memory_space<semaphore_mem>> -> memref<1x!tpu.dma_semaphore, #tpu.memory_space<semaphore_mem>>
    %dma_start3A_353 = tpu.memref_squeeze %dma_start3A_352 : memref<1x!tpu.dma_semaphore, #tpu.memory_space<semaphore_mem>> -> memref<!tpu.dma_semaphore, #tpu.memory_space<semaphore_mem>>
    %dma_start3A_354 = arith.constant 48 : i32
    %dma_start3A_355 = arith.constant 0 : i32
    %dma_start3A_356 = tpu.memref_slice %arg10[%and3A_9, %dma_start3A_354, %dma_start3A_355] : memref<2x128x128xf32, #tpu.memory_space<vmem>> -> memref<1x8x128xf32, #tpu.memory_space<vmem>>
    %dma_start3A_357 = tpu.memref_squeeze %dma_start3A_356 : memref<1x8x128xf32, #tpu.memory_space<vmem>> -> memref<8x128xf32, #tpu.memory_space<vmem>>
    %dma_start3A_358 = tpu.memref_reshape %arg5 : memref<16x1000000xf32, #tpu.memory_space<hbm>> -> memref<2x8x1000000xf32, #tpu.memory_space<hbm>>
    %dma_start3A_359 = arith.constant 0 : i32
    %dma_start3A_360 = tpu.memref_slice %dma_start3A_358[%shift_right_arithmetic3A_4, %dma_start3A_359, %multiple_of3A_325] : memref<2x8x1000000xf32, #tpu.memory_space<hbm>> -> memref<1x8x128xf32, #tpu.memory_space<hbm>>
    %dma_start3A_361 = tpu.memref_squeeze %dma_start3A_360 : memref<1x8x128xf32, #tpu.memory_space<hbm>> -> memref<8x128xf32, #tpu.memory_space<hbm>>
    tpu.enqueue_dma source(%dma_start3A_361 : memref<8x128xf32, #tpu.memory_space<hbm>>) target(%dma_start3A_357 : memref<8x128xf32, #tpu.memory_space<vmem>>) target_semaphore(%dma_start3A_353 : memref<!tpu.dma_semaphore, #tpu.memory_space<semaphore_mem>>)
    %slice3A_362 = vector.extract_strided_slice %get3A_12 {offsets = [7], sizes = [1], strides = [1]} : vector<16xi32> to vector<1xi32>
    %squeeze3A_363 = vector.extract %slice3A_362[0] : i32 from vector<1xi32>
    %shift_right_arithmetic3A_364 = arith.constant 7 : i32
    %shift_right_arithmetic3A_365 = arith.shrsi %squeeze3A_363, %shift_right_arithmetic3A_364 : i32
    %mul3A_366 = arith.constant 128 : i32
    %mul3A_367 = arith.muli %shift_right_arithmetic3A_365, %mul3A_366 : i32
    %multiple_of3A_368 = tpu.assume_multiple %mul3A_367, 128 : i32
    %slice3A_369 = vector.extract_strided_slice %get3A_14 {offsets = [7], sizes = [1], strides = [1]} : vector<16xi32> to vector<1xi32>
    %squeeze3A_370 = vector.extract %slice3A_369[0] : i32 from vector<1xi32>
    %shift_right_arithmetic3A_371 = arith.constant 7 : i32
    %shift_right_arithmetic3A_372 = arith.shrsi %squeeze3A_370, %shift_right_arithmetic3A_371 : i32
    %mul3A_373 = arith.constant 128 : i32
    %mul3A_374 = arith.muli %shift_right_arithmetic3A_372, %mul3A_373 : i32
    %multiple_of3A_375 = tpu.assume_multiple %mul3A_374, 128 : i32
    %dma_start3A_376 = arith.constant 56 : i32
    %dma_start3A_377 = arith.constant 0 : i32
    %dma_start3A_378 = tpu.memref_slice %arg9[%and3A_9, %dma_start3A_376, %dma_start3A_377] : memref<2x128x128xf32, #tpu.memory_space<vmem>> -> memref<1x8x128xf32, #tpu.memory_space<vmem>>
    %dma_start3A_379 = tpu.memref_squeeze %dma_start3A_378 : memref<1x8x128xf32, #tpu.memory_space<vmem>> -> memref<8x128xf32, #tpu.memory_space<vmem>>
    %dma_start3A_380 = tpu.memref_reshape %arg4 : memref<16x1000000xf32, #tpu.memory_space<hbm>> -> memref<2x8x1000000xf32, #tpu.memory_space<hbm>>
    %dma_start3A_381 = arith.constant 0 : i32
    %dma_start3A_382 = tpu.memref_slice %dma_start3A_380[%shift_right_arithmetic3A_4, %dma_start3A_381, %multiple_of3A_368] : memref<2x8x1000000xf32, #tpu.memory_space<hbm>> -> memref<1x8x128xf32, #tpu.memory_space<hbm>>
    %dma_start3A_383 = tpu.memref_squeeze %dma_start3A_382 : memref<1x8x128xf32, #tpu.memory_space<hbm>> -> memref<8x128xf32, #tpu.memory_space<hbm>>
    %dma_start3A_384 = tpu.memref_slice %arg12[%and3A_9] : memref<2x!tpu.dma_semaphore, #tpu.memory_space<semaphore_mem>> -> memref<1x!tpu.dma_semaphore, #tpu.memory_space<semaphore_mem>>
    %dma_start3A_385 = tpu.memref_squeeze %dma_start3A_384 : memref<1x!tpu.dma_semaphore, #tpu.memory_space<semaphore_mem>> -> memref<!tpu.dma_semaphore, #tpu.memory_space<semaphore_mem>>
    %dma_start3A_386 = arith.constant 56 : i32
    %dma_start3A_387 = arith.constant 0 : i32
    %dma_start3A_388 = tpu.memref_slice %arg9[%and3A_9, %dma_start3A_386, %dma_start3A_387] : memref<2x128x128xf32, #tpu.memory_space<vmem>> -> memref<1x8x128xf32, #tpu.memory_space<vmem>>
    %dma_start3A_389 = tpu.memref_squeeze %dma_start3A_388 : memref<1x8x128xf32, #tpu.memory_space<vmem>> -> memref<8x128xf32, #tpu.memory_space<vmem>>
    %dma_start3A_390 = tpu.memref_reshape %arg4 : memref<16x1000000xf32, #tpu.memory_space<hbm>> -> memref<2x8x1000000xf32, #tpu.memory_space<hbm>>
    %dma_start3A_391 = arith.constant 0 : i32
    %dma_start3A_392 = tpu.memref_slice %dma_start3A_390[%shift_right_arithmetic3A_4, %dma_start3A_391, %multiple_of3A_368] : memref<2x8x1000000xf32, #tpu.memory_space<hbm>> -> memref<1x8x128xf32, #tpu.memory_space<hbm>>
    %dma_start3A_393 = tpu.memref_squeeze %dma_start3A_392 : memref<1x8x128xf32, #tpu.memory_space<hbm>> -> memref<8x128xf32, #tpu.memory_space<hbm>>
    tpu.enqueue_dma source(%dma_start3A_393 : memref<8x128xf32, #tpu.memory_space<hbm>>) target(%dma_start3A_389 : memref<8x128xf32, #tpu.memory_space<vmem>>) target_semaphore(%dma_start3A_385 : memref<!tpu.dma_semaphore, #tpu.memory_space<semaphore_mem>>)
    %dma_start3A_394 = arith.constant 56 : i32
    %dma_start3A_395 = arith.constant 0 : i32
    %dma_start3A_396 = tpu.memref_slice %arg10[%and3A_9, %dma_start3A_394, %dma_start3A_395] : memref<2x128x128xf32, #tpu.memory_space<vmem>> -> memref<1x8x128xf32, #tpu.memory_space<vmem>>
    %dma_start3A_397 = tpu.memref_squeeze %dma_start3A_396 : memref<1x8x128xf32, #tpu.memory_space<vmem>> -> memref<8x128xf32, #tpu.memory_space<vmem>>
    %dma_start3A_398 = tpu.memref_reshape %arg5 : memref<16x1000000xf32, #tpu.memory_space<hbm>> -> memref<2x8x1000000xf32, #tpu.memory_space<hbm>>
    %dma_start3A_399 = arith.constant 0 : i32
    %dma_start3A_400 = tpu.memref_slice %dma_start3A_398[%shift_right_arithmetic3A_4, %dma_start3A_399, %multiple_of3A_375] : memref<2x8x1000000xf32, #tpu.memory_space<hbm>> -> memref<1x8x128xf32, #tpu.memory_space<hbm>>
    %dma_start3A_401 = tpu.memref_squeeze %dma_start3A_400 : memref<1x8x128xf32, #tpu.memory_space<hbm>> -> memref<8x128xf32, #tpu.memory_space<hbm>>
    %dma_start3A_402 = tpu.memref_slice %arg12[%and3A_9] : memref<2x!tpu.dma_semaphore, #tpu.memory_space<semaphore_mem>> -> memref<1x!tpu.dma_semaphore, #tpu.memory_space<semaphore_mem>>
    %dma_start3A_403 = tpu.memref_squeeze %dma_start3A_402 : memref<1x!tpu.dma_semaphore, #tpu.memory_space<semaphore_mem>> -> memref<!tpu.dma_semaphore, #tpu.memory_space<semaphore_mem>>
    %dma_start3A_404 = arith.constant 56 : i32
    %dma_start3A_405 = arith.constant 0 : i32
    %dma_start3A_406 = tpu.memref_slice %arg10[%and3A_9, %dma_start3A_404, %dma_start3A_405] : memref<2x128x128xf32, #tpu.memory_space<vmem>> -> memref<1x8x128xf32, #tpu.memory_space<vmem>>
    %dma_start3A_407 = tpu.memref_squeeze %dma_start3A_406 : memref<1x8x128xf32, #tpu.memory_space<vmem>> -> memref<8x128xf32, #tpu.memory_space<vmem>>
    %dma_start3A_408 = tpu.memref_reshape %arg5 : memref<16x1000000xf32, #tpu.memory_space<hbm>> -> memref<2x8x1000000xf32, #tpu.memory_space<hbm>>
    %dma_start3A_409 = arith.constant 0 : i32
    %dma_start3A_410 = tpu.memref_slice %dma_start3A_408[%shift_right_arithmetic3A_4, %dma_start3A_409, %multiple_of3A_375] : memref<2x8x1000000xf32, #tpu.memory_space<hbm>> -> memref<1x8x128xf32, #tpu.memory_space<hbm>>
    %dma_start3A_411 = tpu.memref_squeeze %dma_start3A_410 : memref<1x8x128xf32, #tpu.memory_space<hbm>> -> memref<8x128xf32, #tpu.memory_space<hbm>>
    tpu.enqueue_dma source(%dma_start3A_411 : memref<8x128xf32, #tpu.memory_space<hbm>>) target(%dma_start3A_407 : memref<8x128xf32, #tpu.memory_space<vmem>>) target_semaphore(%dma_start3A_403 : memref<!tpu.dma_semaphore, #tpu.memory_space<semaphore_mem>>)
    %slice3A_412 = vector.extract_strided_slice %get3A_12 {offsets = [8], sizes = [1], strides = [1]} : vector<16xi32> to vector<1xi32>
    %squeeze3A_413 = vector.extract %slice3A_412[0] : i32 from vector<1xi32>
    %shift_right_arithmetic3A_414 = arith.constant 7 : i32
    %shift_right_arithmetic3A_415 = arith.shrsi %squeeze3A_413, %shift_right_arithmetic3A_414 : i32
    %mul3A_416 = arith.constant 128 : i32
    %mul3A_417 = arith.muli %shift_right_arithmetic3A_415, %mul3A_416 : i32
    %multiple_of3A_418 = tpu.assume_multiple %mul3A_417, 128 : i32
    %slice3A_419 = vector.extract_strided_slice %get3A_14 {offsets = [8], sizes = [1], strides = [1]} : vector<16xi32> to vector<1xi32>
    %squeeze3A_420 = vector.extract %slice3A_419[0] : i32 from vector<1xi32>
    %shift_right_arithmetic3A_421 = arith.constant 7 : i32
    %shift_right_arithmetic3A_422 = arith.shrsi %squeeze3A_420, %shift_right_arithmetic3A_421 : i32
    %mul3A_423 = arith.constant 128 : i32
    %mul3A_424 = arith.muli %shift_right_arithmetic3A_422, %mul3A_423 : i32
    %multiple_of3A_425 = tpu.assume_multiple %mul3A_424, 128 : i32
    %dma_start3A_426 = arith.constant 64 : i32
    %dma_start3A_427 = arith.constant 0 : i32
    %dma_start3A_428 = tpu.memref_slice %arg9[%and3A_9, %dma_start3A_426, %dma_start3A_427] : memref<2x128x128xf32, #tpu.memory_space<vmem>> -> memref<1x8x128xf32, #tpu.memory_space<vmem>>
    %dma_start3A_429 = tpu.memref_squeeze %dma_start3A_428 : memref<1x8x128xf32, #tpu.memory_space<vmem>> -> memref<8x128xf32, #tpu.memory_space<vmem>>
    %dma_start3A_430 = tpu.memref_reshape %arg4 : memref<16x1000000xf32, #tpu.memory_space<hbm>> -> memref<2x8x1000000xf32, #tpu.memory_space<hbm>>
    %dma_start3A_431 = arith.constant 0 : i32
    %dma_start3A_432 = tpu.memref_slice %dma_start3A_430[%shift_right_arithmetic3A_4, %dma_start3A_431, %multiple_of3A_418] : memref<2x8x1000000xf32, #tpu.memory_space<hbm>> -> memref<1x8x128xf32, #tpu.memory_space<hbm>>
    %dma_start3A_433 = tpu.memref_squeeze %dma_start3A_432 : memref<1x8x128xf32, #tpu.memory_space<hbm>> -> memref<8x128xf32, #tpu.memory_space<hbm>>
    %dma_start3A_434 = tpu.memref_slice %arg12[%and3A_9] : memref<2x!tpu.dma_semaphore, #tpu.memory_space<semaphore_mem>> -> memref<1x!tpu.dma_semaphore, #tpu.memory_space<semaphore_mem>>
    %dma_start3A_435 = tpu.memref_squeeze %dma_start3A_434 : memref<1x!tpu.dma_semaphore, #tpu.memory_space<semaphore_mem>> -> memref<!tpu.dma_semaphore, #tpu.memory_space<semaphore_mem>>
    %dma_start3A_436 = arith.constant 64 : i32
    %dma_start3A_437 = arith.constant 0 : i32
    %dma_start3A_438 = tpu.memref_slice %arg9[%and3A_9, %dma_start3A_436, %dma_start3A_437] : memref<2x128x128xf32, #tpu.memory_space<vmem>> -> memref<1x8x128xf32, #tpu.memory_space<vmem>>
    %dma_start3A_439 = tpu.memref_squeeze %dma_start3A_438 : memref<1x8x128xf32, #tpu.memory_space<vmem>> -> memref<8x128xf32, #tpu.memory_space<vmem>>
    %dma_start3A_440 = tpu.memref_reshape %arg4 : memref<16x1000000xf32, #tpu.memory_space<hbm>> -> memref<2x8x1000000xf32, #tpu.memory_space<hbm>>
    %dma_start3A_441 = arith.constant 0 : i32
    %dma_start3A_442 = tpu.memref_slice %dma_start3A_440[%shift_right_arithmetic3A_4, %dma_start3A_441, %multiple_of3A_418] : memref<2x8x1000000xf32, #tpu.memory_space<hbm>> -> memref<1x8x128xf32, #tpu.memory_space<hbm>>
    %dma_start3A_443 = tpu.memref_squeeze %dma_start3A_442 : memref<1x8x128xf32, #tpu.memory_space<hbm>> -> memref<8x128xf32, #tpu.memory_space<hbm>>
    tpu.enqueue_dma source(%dma_start3A_443 : memref<8x128xf32, #tpu.memory_space<hbm>>) target(%dma_start3A_439 : memref<8x128xf32, #tpu.memory_space<vmem>>) target_semaphore(%dma_start3A_435 : memref<!tpu.dma_semaphore, #tpu.memory_space<semaphore_mem>>)
    %dma_start3A_444 = arith.constant 64 : i32
    %dma_start3A_445 = arith.constant 0 : i32
    %dma_start3A_446 = tpu.memref_slice %arg10[%and3A_9, %dma_start3A_444, %dma_start3A_445] : memref<2x128x128xf32, #tpu.memory_space<vmem>> -> memref<1x8x128xf32, #tpu.memory_space<vmem>>
    %dma_start3A_447 = tpu.memref_squeeze %dma_start3A_446 : memref<1x8x128xf32, #tpu.memory_space<vmem>> -> memref<8x128xf32, #tpu.memory_space<vmem>>
    %dma_start3A_448 = tpu.memref_reshape %arg5 : memref<16x1000000xf32, #tpu.memory_space<hbm>> -> memref<2x8x1000000xf32, #tpu.memory_space<hbm>>
    %dma_start3A_449 = arith.constant 0 : i32
    %dma_start3A_450 = tpu.memref_slice %dma_start3A_448[%shift_right_arithmetic3A_4, %dma_start3A_449, %multiple_of3A_425] : memref<2x8x1000000xf32, #tpu.memory_space<hbm>> -> memref<1x8x128xf32, #tpu.memory_space<hbm>>
    %dma_start3A_451 = tpu.memref_squeeze %dma_start3A_450 : memref<1x8x128xf32, #tpu.memory_space<hbm>> -> memref<8x128xf32, #tpu.memory_space<hbm>>
    %dma_start3A_452 = tpu.memref_slice %arg12[%and3A_9] : memref<2x!tpu.dma_semaphore, #tpu.memory_space<semaphore_mem>> -> memref<1x!tpu.dma_semaphore, #tpu.memory_space<semaphore_mem>>
    %dma_start3A_453 = tpu.memref_squeeze %dma_start3A_452 : memref<1x!tpu.dma_semaphore, #tpu.memory_space<semaphore_mem>> -> memref<!tpu.dma_semaphore, #tpu.memory_space<semaphore_mem>>
    %dma_start3A_454 = arith.constant 64 : i32
    %dma_start3A_455 = arith.constant 0 : i32
    %dma_start3A_456 = tpu.memref_slice %arg10[%and3A_9, %dma_start3A_454, %dma_start3A_455] : memref<2x128x128xf32, #tpu.memory_space<vmem>> -> memref<1x8x128xf32, #tpu.memory_space<vmem>>
    %dma_start3A_457 = tpu.memref_squeeze %dma_start3A_456 : memref<1x8x128xf32, #tpu.memory_space<vmem>> -> memref<8x128xf32, #tpu.memory_space<vmem>>
    %dma_start3A_458 = tpu.memref_reshape %arg5 : memref<16x1000000xf32, #tpu.memory_space<hbm>> -> memref<2x8x1000000xf32, #tpu.memory_space<hbm>>
    %dma_start3A_459 = arith.constant 0 : i32
    %dma_start3A_460 = tpu.memref_slice %dma_start3A_458[%shift_right_arithmetic3A_4, %dma_start3A_459, %multiple_of3A_425] : memref<2x8x1000000xf32, #tpu.memory_space<hbm>> -> memref<1x8x128xf32, #tpu.memory_space<hbm>>
    %dma_start3A_461 = tpu.memref_squeeze %dma_start3A_460 : memref<1x8x128xf32, #tpu.memory_space<hbm>> -> memref<8x128xf32, #tpu.memory_space<hbm>>
    tpu.enqueue_dma source(%dma_start3A_461 : memref<8x128xf32, #tpu.memory_space<hbm>>) target(%dma_start3A_457 : memref<8x128xf32, #tpu.memory_space<vmem>>) target_semaphore(%dma_start3A_453 : memref<!tpu.dma_semaphore, #tpu.memory_space<semaphore_mem>>)
    %slice3A_462 = vector.extract_strided_slice %get3A_12 {offsets = [9], sizes = [1], strides = [1]} : vector<16xi32> to vector<1xi32>
    %squeeze3A_463 = vector.extract %slice3A_462[0] : i32 from vector<1xi32>
    %shift_right_arithmetic3A_464 = arith.constant 7 : i32
    %shift_right_arithmetic3A_465 = arith.shrsi %squeeze3A_463, %shift_right_arithmetic3A_464 : i32
    %mul3A_466 = arith.constant 128 : i32
    %mul3A_467 = arith.muli %shift_right_arithmetic3A_465, %mul3A_466 : i32
    %multiple_of3A_468 = tpu.assume_multiple %mul3A_467, 128 : i32
    %slice3A_469 = vector.extract_strided_slice %get3A_14 {offsets = [9], sizes = [1], strides = [1]} : vector<16xi32> to vector<1xi32>
    %squeeze3A_470 = vector.extract %slice3A_469[0] : i32 from vector<1xi32>
    %shift_right_arithmetic3A_471 = arith.constant 7 : i32
    %shift_right_arithmetic3A_472 = arith.shrsi %squeeze3A_470, %shift_right_arithmetic3A_471 : i32
    %mul3A_473 = arith.constant 128 : i32
    %mul3A_474 = arith.muli %shift_right_arithmetic3A_472, %mul3A_473 : i32
    %multiple_of3A_475 = tpu.assume_multiple %mul3A_474, 128 : i32
    %dma_start3A_476 = arith.constant 72 : i32
    %dma_start3A_477 = arith.constant 0 : i32
    %dma_start3A_478 = tpu.memref_slice %arg9[%and3A_9, %dma_start3A_476, %dma_start3A_477] : memref<2x128x128xf32, #tpu.memory_space<vmem>> -> memref<1x8x128xf32, #tpu.memory_space<vmem>>
    %dma_start3A_479 = tpu.memref_squeeze %dma_start3A_478 : memref<1x8x128xf32, #tpu.memory_space<vmem>> -> memref<8x128xf32, #tpu.memory_space<vmem>>
    %dma_start3A_480 = tpu.memref_reshape %arg4 : memref<16x1000000xf32, #tpu.memory_space<hbm>> -> memref<2x8x1000000xf32, #tpu.memory_space<hbm>>
    %dma_start3A_481 = arith.constant 0 : i32
    %dma_start3A_482 = tpu.memref_slice %dma_start3A_480[%shift_right_arithmetic3A_4, %dma_start3A_481, %multiple_of3A_468] : memref<2x8x1000000xf32, #tpu.memory_space<hbm>> -> memref<1x8x128xf32, #tpu.memory_space<hbm>>
    %dma_start3A_483 = tpu.memref_squeeze %dma_start3A_482 : memref<1x8x128xf32, #tpu.memory_space<hbm>> -> memref<8x128xf32, #tpu.memory_space<hbm>>
    %dma_start3A_484 = tpu.memref_slice %arg12[%and3A_9] : memref<2x!tpu.dma_semaphore, #tpu.memory_space<semaphore_mem>> -> memref<1x!tpu.dma_semaphore, #tpu.memory_space<semaphore_mem>>
    %dma_start3A_485 = tpu.memref_squeeze %dma_start3A_484 : memref<1x!tpu.dma_semaphore, #tpu.memory_space<semaphore_mem>> -> memref<!tpu.dma_semaphore, #tpu.memory_space<semaphore_mem>>
    %dma_start3A_486 = arith.constant 72 : i32
    %dma_start3A_487 = arith.constant 0 : i32
    %dma_start3A_488 = tpu.memref_slice %arg9[%and3A_9, %dma_start3A_486, %dma_start3A_487] : memref<2x128x128xf32, #tpu.memory_space<vmem>> -> memref<1x8x128xf32, #tpu.memory_space<vmem>>
    %dma_start3A_489 = tpu.memref_squeeze %dma_start3A_488 : memref<1x8x128xf32, #tpu.memory_space<vmem>> -> memref<8x128xf32, #tpu.memory_space<vmem>>
    %dma_start3A_490 = tpu.memref_reshape %arg4 : memref<16x1000000xf32, #tpu.memory_space<hbm>> -> memref<2x8x1000000xf32, #tpu.memory_space<hbm>>
    %dma_start3A_491 = arith.constant 0 : i32
    %dma_start3A_492 = tpu.memref_slice %dma_start3A_490[%shift_right_arithmetic3A_4, %dma_start3A_491, %multiple_of3A_468] : memref<2x8x1000000xf32, #tpu.memory_space<hbm>> -> memref<1x8x128xf32, #tpu.memory_space<hbm>>
    %dma_start3A_493 = tpu.memref_squeeze %dma_start3A_492 : memref<1x8x128xf32, #tpu.memory_space<hbm>> -> memref<8x128xf32, #tpu.memory_space<hbm>>
    tpu.enqueue_dma source(%dma_start3A_493 : memref<8x128xf32, #tpu.memory_space<hbm>>) target(%dma_start3A_489 : memref<8x128xf32, #tpu.memory_space<vmem>>) target_semaphore(%dma_start3A_485 : memref<!tpu.dma_semaphore, #tpu.memory_space<semaphore_mem>>)
    %dma_start3A_494 = arith.constant 72 : i32
    %dma_start3A_495 = arith.constant 0 : i32
    %dma_start3A_496 = tpu.memref_slice %arg10[%and3A_9, %dma_start3A_494, %dma_start3A_495] : memref<2x128x128xf32, #tpu.memory_space<vmem>> -> memref<1x8x128xf32, #tpu.memory_space<vmem>>
    %dma_start3A_497 = tpu.memref_squeeze %dma_start3A_496 : memref<1x8x128xf32, #tpu.memory_space<vmem>> -> memref<8x128xf32, #tpu.memory_space<vmem>>
    %dma_start3A_498 = tpu.memref_reshape %arg5 : memref<16x1000000xf32, #tpu.memory_space<hbm>> -> memref<2x8x1000000xf32, #tpu.memory_space<hbm>>
    %dma_start3A_499 = arith.constant 0 : i32
    %dma_start3A_500 = tpu.memref_slice %dma_start3A_498[%shift_right_arithmetic3A_4, %dma_start3A_499, %multiple_of3A_475] : memref<2x8x1000000xf32, #tpu.memory_space<hbm>> -> memref<1x8x128xf32, #tpu.memory_space<hbm>>
    %dma_start3A_501 = tpu.memref_squeeze %dma_start3A_500 : memref<1x8x128xf32, #tpu.memory_space<hbm>> -> memref<8x128xf32, #tpu.memory_space<hbm>>
    %dma_start3A_502 = tpu.memref_slice %arg12[%and3A_9] : memref<2x!tpu.dma_semaphore, #tpu.memory_space<semaphore_mem>> -> memref<1x!tpu.dma_semaphore, #tpu.memory_space<semaphore_mem>>
    %dma_start3A_503 = tpu.memref_squeeze %dma_start3A_502 : memref<1x!tpu.dma_semaphore, #tpu.memory_space<semaphore_mem>> -> memref<!tpu.dma_semaphore, #tpu.memory_space<semaphore_mem>>
    %dma_start3A_504 = arith.constant 72 : i32
    %dma_start3A_505 = arith.constant 0 : i32
    %dma_start3A_506 = tpu.memref_slice %arg10[%and3A_9, %dma_start3A_504, %dma_start3A_505] : memref<2x128x128xf32, #tpu.memory_space<vmem>> -> memref<1x8x128xf32, #tpu.memory_space<vmem>>
    %dma_start3A_507 = tpu.memref_squeeze %dma_start3A_506 : memref<1x8x128xf32, #tpu.memory_space<vmem>> -> memref<8x128xf32, #tpu.memory_space<vmem>>
    %dma_start3A_508 = tpu.memref_reshape %arg5 : memref<16x1000000xf32, #tpu.memory_space<hbm>> -> memref<2x8x1000000xf32, #tpu.memory_space<hbm>>
    %dma_start3A_509 = arith.constant 0 : i32
    %dma_start3A_510 = tpu.memref_slice %dma_start3A_508[%shift_right_arithmetic3A_4, %dma_start3A_509, %multiple_of3A_475] : memref<2x8x1000000xf32, #tpu.memory_space<hbm>> -> memref<1x8x128xf32, #tpu.memory_space<hbm>>
    %dma_start3A_511 = tpu.memref_squeeze %dma_start3A_510 : memref<1x8x128xf32, #tpu.memory_space<hbm>> -> memref<8x128xf32, #tpu.memory_space<hbm>>
    tpu.enqueue_dma source(%dma_start3A_511 : memref<8x128xf32, #tpu.memory_space<hbm>>) target(%dma_start3A_507 : memref<8x128xf32, #tpu.memory_space<vmem>>) target_semaphore(%dma_start3A_503 : memref<!tpu.dma_semaphore, #tpu.memory_space<semaphore_mem>>)
    %slice3A_512 = vector.extract_strided_slice %get3A_12 {offsets = [10], sizes = [1], strides = [1]} : vector<16xi32> to vector<1xi32>
    %squeeze3A_513 = vector.extract %slice3A_512[0] : i32 from vector<1xi32>
    %shift_right_arithmetic3A_514 = arith.constant 7 : i32
    %shift_right_arithmetic3A_515 = arith.shrsi %squeeze3A_513, %shift_right_arithmetic3A_514 : i32
    %mul3A_516 = arith.constant 128 : i32
    %mul3A_517 = arith.muli %shift_right_arithmetic3A_515, %mul3A_516 : i32
    %multiple_of3A_518 = tpu.assume_multiple %mul3A_517, 128 : i32
    %slice3A_519 = vector.extract_strided_slice %get3A_14 {offsets = [10], sizes = [1], strides = [1]} : vector<16xi32> to vector<1xi32>
    %squeeze3A_520 = vector.extract %slice3A_519[0] : i32 from vector<1xi32>
    %shift_right_arithmetic3A_521 = arith.constant 7 : i32
    %shift_right_arithmetic3A_522 = arith.shrsi %squeeze3A_520, %shift_right_arithmetic3A_521 : i32
    %mul3A_523 = arith.constant 128 : i32
    %mul3A_524 = arith.muli %shift_right_arithmetic3A_522, %mul3A_523 : i32
    %multiple_of3A_525 = tpu.assume_multiple %mul3A_524, 128 : i32
    %dma_start3A_526 = arith.constant 80 : i32
    %dma_start3A_527 = arith.constant 0 : i32
    %dma_start3A_528 = tpu.memref_slice %arg9[%and3A_9, %dma_start3A_526, %dma_start3A_527] : memref<2x128x128xf32, #tpu.memory_space<vmem>> -> memref<1x8x128xf32, #tpu.memory_space<vmem>>
    %dma_start3A_529 = tpu.memref_squeeze %dma_start3A_528 : memref<1x8x128xf32, #tpu.memory_space<vmem>> -> memref<8x128xf32, #tpu.memory_space<vmem>>
    %dma_start3A_530 = tpu.memref_reshape %arg4 : memref<16x1000000xf32, #tpu.memory_space<hbm>> -> memref<2x8x1000000xf32, #tpu.memory_space<hbm>>
    %dma_start3A_531 = arith.constant 0 : i32
    %dma_start3A_532 = tpu.memref_slice %dma_start3A_530[%shift_right_arithmetic3A_4, %dma_start3A_531, %multiple_of3A_518] : memref<2x8x1000000xf32, #tpu.memory_space<hbm>> -> memref<1x8x128xf32, #tpu.memory_space<hbm>>
    %dma_start3A_533 = tpu.memref_squeeze %dma_start3A_532 : memref<1x8x128xf32, #tpu.memory_space<hbm>> -> memref<8x128xf32, #tpu.memory_space<hbm>>
    %dma_start3A_534 = tpu.memref_slice %arg12[%and3A_9] : memref<2x!tpu.dma_semaphore, #tpu.memory_space<semaphore_mem>> -> memref<1x!tpu.dma_semaphore, #tpu.memory_space<semaphore_mem>>
    %dma_start3A_535 = tpu.memref_squeeze %dma_start3A_534 : memref<1x!tpu.dma_semaphore, #tpu.memory_space<semaphore_mem>> -> memref<!tpu.dma_semaphore, #tpu.memory_space<semaphore_mem>>
    %dma_start3A_536 = arith.constant 80 : i32
    %dma_start3A_537 = arith.constant 0 : i32
    %dma_start3A_538 = tpu.memref_slice %arg9[%and3A_9, %dma_start3A_536, %dma_start3A_537] : memref<2x128x128xf32, #tpu.memory_space<vmem>> -> memref<1x8x128xf32, #tpu.memory_space<vmem>>
    %dma_start3A_539 = tpu.memref_squeeze %dma_start3A_538 : memref<1x8x128xf32, #tpu.memory_space<vmem>> -> memref<8x128xf32, #tpu.memory_space<vmem>>
    %dma_start3A_540 = tpu.memref_reshape %arg4 : memref<16x1000000xf32, #tpu.memory_space<hbm>> -> memref<2x8x1000000xf32, #tpu.memory_space<hbm>>
    %dma_start3A_541 = arith.constant 0 : i32
    %dma_start3A_542 = tpu.memref_slice %dma_start3A_540[%shift_right_arithmetic3A_4, %dma_start3A_541, %multiple_of3A_518] : memref<2x8x1000000xf32, #tpu.memory_space<hbm>> -> memref<1x8x128xf32, #tpu.memory_space<hbm>>
    %dma_start3A_543 = tpu.memref_squeeze %dma_start3A_542 : memref<1x8x128xf32, #tpu.memory_space<hbm>> -> memref<8x128xf32, #tpu.memory_space<hbm>>
    tpu.enqueue_dma source(%dma_start3A_543 : memref<8x128xf32, #tpu.memory_space<hbm>>) target(%dma_start3A_539 : memref<8x128xf32, #tpu.memory_space<vmem>>) target_semaphore(%dma_start3A_535 : memref<!tpu.dma_semaphore, #tpu.memory_space<semaphore_mem>>)
    %dma_start3A_544 = arith.constant 80 : i32
    %dma_start3A_545 = arith.constant 0 : i32
    %dma_start3A_546 = tpu.memref_slice %arg10[%and3A_9, %dma_start3A_544, %dma_start3A_545] : memref<2x128x128xf32, #tpu.memory_space<vmem>> -> memref<1x8x128xf32, #tpu.memory_space<vmem>>
    %dma_start3A_547 = tpu.memref_squeeze %dma_start3A_546 : memref<1x8x128xf32, #tpu.memory_space<vmem>> -> memref<8x128xf32, #tpu.memory_space<vmem>>
    %dma_start3A_548 = tpu.memref_reshape %arg5 : memref<16x1000000xf32, #tpu.memory_space<hbm>> -> memref<2x8x1000000xf32, #tpu.memory_space<hbm>>
    %dma_start3A_549 = arith.constant 0 : i32
    %dma_start3A_550 = tpu.memref_slice %dma_start3A_548[%shift_right_arithmetic3A_4, %dma_start3A_549, %multiple_of3A_525] : memref<2x8x1000000xf32, #tpu.memory_space<hbm>> -> memref<1x8x128xf32, #tpu.memory_space<hbm>>
    %dma_start3A_551 = tpu.memref_squeeze %dma_start3A_550 : memref<1x8x128xf32, #tpu.memory_space<hbm>> -> memref<8x128xf32, #tpu.memory_space<hbm>>
    %dma_start3A_552 = tpu.memref_slice %arg12[%and3A_9] : memref<2x!tpu.dma_semaphore, #tpu.memory_space<semaphore_mem>> -> memref<1x!tpu.dma_semaphore, #tpu.memory_space<semaphore_mem>>
    %dma_start3A_553 = tpu.memref_squeeze %dma_start3A_552 : memref<1x!tpu.dma_semaphore, #tpu.memory_space<semaphore_mem>> -> memref<!tpu.dma_semaphore, #tpu.memory_space<semaphore_mem>>
    %dma_start3A_554 = arith.constant 80 : i32
    %dma_start3A_555 = arith.constant 0 : i32
    %dma_start3A_556 = tpu.memref_slice %arg10[%and3A_9, %dma_start3A_554, %dma_start3A_555] : memref<2x128x128xf32, #tpu.memory_space<vmem>> -> memref<1x8x128xf32, #tpu.memory_space<vmem>>
    %dma_start3A_557 = tpu.memref_squeeze %dma_start3A_556 : memref<1x8x128xf32, #tpu.memory_space<vmem>> -> memref<8x128xf32, #tpu.memory_space<vmem>>
    %dma_start3A_558 = tpu.memref_reshape %arg5 : memref<16x1000000xf32, #tpu.memory_space<hbm>> -> memref<2x8x1000000xf32, #tpu.memory_space<hbm>>
    %dma_start3A_559 = arith.constant 0 : i32
    %dma_start3A_560 = tpu.memref_slice %dma_start3A_558[%shift_right_arithmetic3A_4, %dma_start3A_559, %multiple_of3A_525] : memref<2x8x1000000xf32, #tpu.memory_space<hbm>> -> memref<1x8x128xf32, #tpu.memory_space<hbm>>
    %dma_start3A_561 = tpu.memref_squeeze %dma_start3A_560 : memref<1x8x128xf32, #tpu.memory_space<hbm>> -> memref<8x128xf32, #tpu.memory_space<hbm>>
    tpu.enqueue_dma source(%dma_start3A_561 : memref<8x128xf32, #tpu.memory_space<hbm>>) target(%dma_start3A_557 : memref<8x128xf32, #tpu.memory_space<vmem>>) target_semaphore(%dma_start3A_553 : memref<!tpu.dma_semaphore, #tpu.memory_space<semaphore_mem>>)
    %slice3A_562 = vector.extract_strided_slice %get3A_12 {offsets = [11], sizes = [1], strides = [1]} : vector<16xi32> to vector<1xi32>
    %squeeze3A_563 = vector.extract %slice3A_562[0] : i32 from vector<1xi32>
    %shift_right_arithmetic3A_564 = arith.constant 7 : i32
    %shift_right_arithmetic3A_565 = arith.shrsi %squeeze3A_563, %shift_right_arithmetic3A_564 : i32
    %mul3A_566 = arith.constant 128 : i32
    %mul3A_567 = arith.muli %shift_right_arithmetic3A_565, %mul3A_566 : i32
    %multiple_of3A_568 = tpu.assume_multiple %mul3A_567, 128 : i32
    %slice3A_569 = vector.extract_strided_slice %get3A_14 {offsets = [11], sizes = [1], strides = [1]} : vector<16xi32> to vector<1xi32>
    %squeeze3A_570 = vector.extract %slice3A_569[0] : i32 from vector<1xi32>
    %shift_right_arithmetic3A_571 = arith.constant 7 : i32
    %shift_right_arithmetic3A_572 = arith.shrsi %squeeze3A_570, %shift_right_arithmetic3A_571 : i32
    %mul3A_573 = arith.constant 128 : i32
    %mul3A_574 = arith.muli %shift_right_arithmetic3A_572, %mul3A_573 : i32
    %multiple_of3A_575 = tpu.assume_multiple %mul3A_574, 128 : i32
    %dma_start3A_576 = arith.constant 88 : i32
    %dma_start3A_577 = arith.constant 0 : i32
    %dma_start3A_578 = tpu.memref_slice %arg9[%and3A_9, %dma_start3A_576, %dma_start3A_577] : memref<2x128x128xf32, #tpu.memory_space<vmem>> -> memref<1x8x128xf32, #tpu.memory_space<vmem>>
    %dma_start3A_579 = tpu.memref_squeeze %dma_start3A_578 : memref<1x8x128xf32, #tpu.memory_space<vmem>> -> memref<8x128xf32, #tpu.memory_space<vmem>>
    %dma_start3A_580 = tpu.memref_reshape %arg4 : memref<16x1000000xf32, #tpu.memory_space<hbm>> -> memref<2x8x1000000xf32, #tpu.memory_space<hbm>>
    %dma_start3A_581 = arith.constant 0 : i32
    %dma_start3A_582 = tpu.memref_slice %dma_start3A_580[%shift_right_arithmetic3A_4, %dma_start3A_581, %multiple_of3A_568] : memref<2x8x1000000xf32, #tpu.memory_space<hbm>> -> memref<1x8x128xf32, #tpu.memory_space<hbm>>
    %dma_start3A_583 = tpu.memref_squeeze %dma_start3A_582 : memref<1x8x128xf32, #tpu.memory_space<hbm>> -> memref<8x128xf32, #tpu.memory_space<hbm>>
    %dma_start3A_584 = tpu.memref_slice %arg12[%and3A_9] : memref<2x!tpu.dma_semaphore, #tpu.memory_space<semaphore_mem>> -> memref<1x!tpu.dma_semaphore, #tpu.memory_space<semaphore_mem>>
    %dma_start3A_585 = tpu.memref_squeeze %dma_start3A_584 : memref<1x!tpu.dma_semaphore, #tpu.memory_space<semaphore_mem>> -> memref<!tpu.dma_semaphore, #tpu.memory_space<semaphore_mem>>
    %dma_start3A_586 = arith.constant 88 : i32
    %dma_start3A_587 = arith.constant 0 : i32
    %dma_start3A_588 = tpu.memref_slice %arg9[%and3A_9, %dma_start3A_586, %dma_start3A_587] : memref<2x128x128xf32, #tpu.memory_space<vmem>> -> memref<1x8x128xf32, #tpu.memory_space<vmem>>
    %dma_start3A_589 = tpu.memref_squeeze %dma_start3A_588 : memref<1x8x128xf32, #tpu.memory_space<vmem>> -> memref<8x128xf32, #tpu.memory_space<vmem>>
    %dma_start3A_590 = tpu.memref_reshape %arg4 : memref<16x1000000xf32, #tpu.memory_space<hbm>> -> memref<2x8x1000000xf32, #tpu.memory_space<hbm>>
    %dma_start3A_591 = arith.constant 0 : i32
    %dma_start3A_592 = tpu.memref_slice %dma_start3A_590[%shift_right_arithmetic3A_4, %dma_start3A_591, %multiple_of3A_568] : memref<2x8x1000000xf32, #tpu.memory_space<hbm>> -> memref<1x8x128xf32, #tpu.memory_space<hbm>>
    %dma_start3A_593 = tpu.memref_squeeze %dma_start3A_592 : memref<1x8x128xf32, #tpu.memory_space<hbm>> -> memref<8x128xf32, #tpu.memory_space<hbm>>
    tpu.enqueue_dma source(%dma_start3A_593 : memref<8x128xf32, #tpu.memory_space<hbm>>) target(%dma_start3A_589 : memref<8x128xf32, #tpu.memory_space<vmem>>) target_semaphore(%dma_start3A_585 : memref<!tpu.dma_semaphore, #tpu.memory_space<semaphore_mem>>)
    %dma_start3A_594 = arith.constant 88 : i32
    %dma_start3A_595 = arith.constant 0 : i32
    %dma_start3A_596 = tpu.memref_slice %arg10[%and3A_9, %dma_start3A_594, %dma_start3A_595] : memref<2x128x128xf32, #tpu.memory_space<vmem>> -> memref<1x8x128xf32, #tpu.memory_space<vmem>>
    %dma_start3A_597 = tpu.memref_squeeze %dma_start3A_596 : memref<1x8x128xf32, #tpu.memory_space<vmem>> -> memref<8x128xf32, #tpu.memory_space<vmem>>
    %dma_start3A_598 = tpu.memref_reshape %arg5 : memref<16x1000000xf32, #tpu.memory_space<hbm>> -> memref<2x8x1000000xf32, #tpu.memory_space<hbm>>
    %dma_start3A_599 = arith.constant 0 : i32
    %dma_start3A_600 = tpu.memref_slice %dma_start3A_598[%shift_right_arithmetic3A_4, %dma_start3A_599, %multiple_of3A_575] : memref<2x8x1000000xf32, #tpu.memory_space<hbm>> -> memref<1x8x128xf32, #tpu.memory_space<hbm>>
    %dma_start3A_601 = tpu.memref_squeeze %dma_start3A_600 : memref<1x8x128xf32, #tpu.memory_space<hbm>> -> memref<8x128xf32, #tpu.memory_space<hbm>>
    %dma_start3A_602 = tpu.memref_slice %arg12[%and3A_9] : memref<2x!tpu.dma_semaphore, #tpu.memory_space<semaphore_mem>> -> memref<1x!tpu.dma_semaphore, #tpu.memory_space<semaphore_mem>>
    %dma_start3A_603 = tpu.memref_squeeze %dma_start3A_602 : memref<1x!tpu.dma_semaphore, #tpu.memory_space<semaphore_mem>> -> memref<!tpu.dma_semaphore, #tpu.memory_space<semaphore_mem>>
    %dma_start3A_604 = arith.constant 88 : i32
    %dma_start3A_605 = arith.constant 0 : i32
    %dma_start3A_606 = tpu.memref_slice %arg10[%and3A_9, %dma_start3A_604, %dma_start3A_605] : memref<2x128x128xf32, #tpu.memory_space<vmem>> -> memref<1x8x128xf32, #tpu.memory_space<vmem>>
    %dma_start3A_607 = tpu.memref_squeeze %dma_start3A_606 : memref<1x8x128xf32, #tpu.memory_space<vmem>> -> memref<8x128xf32, #tpu.memory_space<vmem>>
    %dma_start3A_608 = tpu.memref_reshape %arg5 : memref<16x1000000xf32, #tpu.memory_space<hbm>> -> memref<2x8x1000000xf32, #tpu.memory_space<hbm>>
    %dma_start3A_609 = arith.constant 0 : i32
    %dma_start3A_610 = tpu.memref_slice %dma_start3A_608[%shift_right_arithmetic3A_4, %dma_start3A_609, %multiple_of3A_575] : memref<2x8x1000000xf32, #tpu.memory_space<hbm>> -> memref<1x8x128xf32, #tpu.memory_space<hbm>>
    %dma_start3A_611 = tpu.memref_squeeze %dma_start3A_610 : memref<1x8x128xf32, #tpu.memory_space<hbm>> -> memref<8x128xf32, #tpu.memory_space<hbm>>
    tpu.enqueue_dma source(%dma_start3A_611 : memref<8x128xf32, #tpu.memory_space<hbm>>) target(%dma_start3A_607 : memref<8x128xf32, #tpu.memory_space<vmem>>) target_semaphore(%dma_start3A_603 : memref<!tpu.dma_semaphore, #tpu.memory_space<semaphore_mem>>)
    %slice3A_612 = vector.extract_strided_slice %get3A_12 {offsets = [12], sizes = [1], strides = [1]} : vector<16xi32> to vector<1xi32>
    %squeeze3A_613 = vector.extract %slice3A_612[0] : i32 from vector<1xi32>
    %shift_right_arithmetic3A_614 = arith.constant 7 : i32
    %shift_right_arithmetic3A_615 = arith.shrsi %squeeze3A_613, %shift_right_arithmetic3A_614 : i32
    %mul3A_616 = arith.constant 128 : i32
    %mul3A_617 = arith.muli %shift_right_arithmetic3A_615, %mul3A_616 : i32
    %multiple_of3A_618 = tpu.assume_multiple %mul3A_617, 128 : i32
    %slice3A_619 = vector.extract_strided_slice %get3A_14 {offsets = [12], sizes = [1], strides = [1]} : vector<16xi32> to vector<1xi32>
    %squeeze3A_620 = vector.extract %slice3A_619[0] : i32 from vector<1xi32>
    %shift_right_arithmetic3A_621 = arith.constant 7 : i32
    %shift_right_arithmetic3A_622 = arith.shrsi %squeeze3A_620, %shift_right_arithmetic3A_621 : i32
    %mul3A_623 = arith.constant 128 : i32
    %mul3A_624 = arith.muli %shift_right_arithmetic3A_622, %mul3A_623 : i32
    %multiple_of3A_625 = tpu.assume_multiple %mul3A_624, 128 : i32
    %dma_start3A_626 = arith.constant 96 : i32
    %dma_start3A_627 = arith.constant 0 : i32
    %dma_start3A_628 = tpu.memref_slice %arg9[%and3A_9, %dma_start3A_626, %dma_start3A_627] : memref<2x128x128xf32, #tpu.memory_space<vmem>> -> memref<1x8x128xf32, #tpu.memory_space<vmem>>
    %dma_start3A_629 = tpu.memref_squeeze %dma_start3A_628 : memref<1x8x128xf32, #tpu.memory_space<vmem>> -> memref<8x128xf32, #tpu.memory_space<vmem>>
    %dma_start3A_630 = tpu.memref_reshape %arg4 : memref<16x1000000xf32, #tpu.memory_space<hbm>> -> memref<2x8x1000000xf32, #tpu.memory_space<hbm>>
    %dma_start3A_631 = arith.constant 0 : i32
    %dma_start3A_632 = tpu.memref_slice %dma_start3A_630[%shift_right_arithmetic3A_4, %dma_start3A_631, %multiple_of3A_618] : memref<2x8x1000000xf32, #tpu.memory_space<hbm>> -> memref<1x8x128xf32, #tpu.memory_space<hbm>>
    %dma_start3A_633 = tpu.memref_squeeze %dma_start3A_632 : memref<1x8x128xf32, #tpu.memory_space<hbm>> -> memref<8x128xf32, #tpu.memory_space<hbm>>
    %dma_start3A_634 = tpu.memref_slice %arg12[%and3A_9] : memref<2x!tpu.dma_semaphore, #tpu.memory_space<semaphore_mem>> -> memref<1x!tpu.dma_semaphore, #tpu.memory_space<semaphore_mem>>
    %dma_start3A_635 = tpu.memref_squeeze %dma_start3A_634 : memref<1x!tpu.dma_semaphore, #tpu.memory_space<semaphore_mem>> -> memref<!tpu.dma_semaphore, #tpu.memory_space<semaphore_mem>>
    %dma_start3A_636 = arith.constant 96 : i32
    %dma_start3A_637 = arith.constant 0 : i32
    %dma_start3A_638 = tpu.memref_slice %arg9[%and3A_9, %dma_start3A_636, %dma_start3A_637] : memref<2x128x128xf32, #tpu.memory_space<vmem>> -> memref<1x8x128xf32, #tpu.memory_space<vmem>>
    %dma_start3A_639 = tpu.memref_squeeze %dma_start3A_638 : memref<1x8x128xf32, #tpu.memory_space<vmem>> -> memref<8x128xf32, #tpu.memory_space<vmem>>
    %dma_start3A_640 = tpu.memref_reshape %arg4 : memref<16x1000000xf32, #tpu.memory_space<hbm>> -> memref<2x8x1000000xf32, #tpu.memory_space<hbm>>
    %dma_start3A_641 = arith.constant 0 : i32
    %dma_start3A_642 = tpu.memref_slice %dma_start3A_640[%shift_right_arithmetic3A_4, %dma_start3A_641, %multiple_of3A_618] : memref<2x8x1000000xf32, #tpu.memory_space<hbm>> -> memref<1x8x128xf32, #tpu.memory_space<hbm>>
    %dma_start3A_643 = tpu.memref_squeeze %dma_start3A_642 : memref<1x8x128xf32, #tpu.memory_space<hbm>> -> memref<8x128xf32, #tpu.memory_space<hbm>>
    tpu.enqueue_dma source(%dma_start3A_643 : memref<8x128xf32, #tpu.memory_space<hbm>>) target(%dma_start3A_639 : memref<8x128xf32, #tpu.memory_space<vmem>>) target_semaphore(%dma_start3A_635 : memref<!tpu.dma_semaphore, #tpu.memory_space<semaphore_mem>>)
    %dma_start3A_644 = arith.constant 96 : i32
    %dma_start3A_645 = arith.constant 0 : i32
    %dma_start3A_646 = tpu.memref_slice %arg10[%and3A_9, %dma_start3A_644, %dma_start3A_645] : memref<2x128x128xf32, #tpu.memory_space<vmem>> -> memref<1x8x128xf32, #tpu.memory_space<vmem>>
    %dma_start3A_647 = tpu.memref_squeeze %dma_start3A_646 : memref<1x8x128xf32, #tpu.memory_space<vmem>> -> memref<8x128xf32, #tpu.memory_space<vmem>>
    %dma_start3A_648 = tpu.memref_reshape %arg5 : memref<16x1000000xf32, #tpu.memory_space<hbm>> -> memref<2x8x1000000xf32, #tpu.memory_space<hbm>>
    %dma_start3A_649 = arith.constant 0 : i32
    %dma_start3A_650 = tpu.memref_slice %dma_start3A_648[%shift_right_arithmetic3A_4, %dma_start3A_649, %multiple_of3A_625] : memref<2x8x1000000xf32, #tpu.memory_space<hbm>> -> memref<1x8x128xf32, #tpu.memory_space<hbm>>
    %dma_start3A_651 = tpu.memref_squeeze %dma_start3A_650 : memref<1x8x128xf32, #tpu.memory_space<hbm>> -> memref<8x128xf32, #tpu.memory_space<hbm>>
    %dma_start3A_652 = tpu.memref_slice %arg12[%and3A_9] : memref<2x!tpu.dma_semaphore, #tpu.memory_space<semaphore_mem>> -> memref<1x!tpu.dma_semaphore, #tpu.memory_space<semaphore_mem>>
    %dma_start3A_653 = tpu.memref_squeeze %dma_start3A_652 : memref<1x!tpu.dma_semaphore, #tpu.memory_space<semaphore_mem>> -> memref<!tpu.dma_semaphore, #tpu.memory_space<semaphore_mem>>
    %dma_start3A_654 = arith.constant 96 : i32
    %dma_start3A_655 = arith.constant 0 : i32
    %dma_start3A_656 = tpu.memref_slice %arg10[%and3A_9, %dma_start3A_654, %dma_start3A_655] : memref<2x128x128xf32, #tpu.memory_space<vmem>> -> memref<1x8x128xf32, #tpu.memory_space<vmem>>
    %dma_start3A_657 = tpu.memref_squeeze %dma_start3A_656 : memref<1x8x128xf32, #tpu.memory_space<vmem>> -> memref<8x128xf32, #tpu.memory_space<vmem>>
    %dma_start3A_658 = tpu.memref_reshape %arg5 : memref<16x1000000xf32, #tpu.memory_space<hbm>> -> memref<2x8x1000000xf32, #tpu.memory_space<hbm>>
    %dma_start3A_659 = arith.constant 0 : i32
    %dma_start3A_660 = tpu.memref_slice %dma_start3A_658[%shift_right_arithmetic3A_4, %dma_start3A_659, %multiple_of3A_625] : memref<2x8x1000000xf32, #tpu.memory_space<hbm>> -> memref<1x8x128xf32, #tpu.memory_space<hbm>>
    %dma_start3A_661 = tpu.memref_squeeze %dma_start3A_660 : memref<1x8x128xf32, #tpu.memory_space<hbm>> -> memref<8x128xf32, #tpu.memory_space<hbm>>
    tpu.enqueue_dma source(%dma_start3A_661 : memref<8x128xf32, #tpu.memory_space<hbm>>) target(%dma_start3A_657 : memref<8x128xf32, #tpu.memory_space<vmem>>) target_semaphore(%dma_start3A_653 : memref<!tpu.dma_semaphore, #tpu.memory_space<semaphore_mem>>)
    %slice3A_662 = vector.extract_strided_slice %get3A_12 {offsets = [13], sizes = [1], strides = [1]} : vector<16xi32> to vector<1xi32>
    %squeeze3A_663 = vector.extract %slice3A_662[0] : i32 from vector<1xi32>
    %shift_right_arithmetic3A_664 = arith.constant 7 : i32
    %shift_right_arithmetic3A_665 = arith.shrsi %squeeze3A_663, %shift_right_arithmetic3A_664 : i32
    %mul3A_666 = arith.constant 128 : i32
    %mul3A_667 = arith.muli %shift_right_arithmetic3A_665, %mul3A_666 : i32
    %multiple_of3A_668 = tpu.assume_multiple %mul3A_667, 128 : i32
    %slice3A_669 = vector.extract_strided_slice %get3A_14 {offsets = [13], sizes = [1], strides = [1]} : vector<16xi32> to vector<1xi32>
    %squeeze3A_670 = vector.extract %slice3A_669[0] : i32 from vector<1xi32>
    %shift_right_arithmetic3A_671 = arith.constant 7 : i32
    %shift_right_arithmetic3A_672 = arith.shrsi %squeeze3A_670, %shift_right_arithmetic3A_671 : i32
    %mul3A_673 = arith.constant 128 : i32
    %mul3A_674 = arith.muli %shift_right_arithmetic3A_672, %mul3A_673 : i32
    %multiple_of3A_675 = tpu.assume_multiple %mul3A_674, 128 : i32
    %dma_start3A_676 = arith.constant 104 : i32
    %dma_start3A_677 = arith.constant 0 : i32
    %dma_start3A_678 = tpu.memref_slice %arg9[%and3A_9, %dma_start3A_676, %dma_start3A_677] : memref<2x128x128xf32, #tpu.memory_space<vmem>> -> memref<1x8x128xf32, #tpu.memory_space<vmem>>
    %dma_start3A_679 = tpu.memref_squeeze %dma_start3A_678 : memref<1x8x128xf32, #tpu.memory_space<vmem>> -> memref<8x128xf32, #tpu.memory_space<vmem>>
    %dma_start3A_680 = tpu.memref_reshape %arg4 : memref<16x1000000xf32, #tpu.memory_space<hbm>> -> memref<2x8x1000000xf32, #tpu.memory_space<hbm>>
    %dma_start3A_681 = arith.constant 0 : i32
    %dma_start3A_682 = tpu.memref_slice %dma_start3A_680[%shift_right_arithmetic3A_4, %dma_start3A_681, %multiple_of3A_668] : memref<2x8x1000000xf32, #tpu.memory_space<hbm>> -> memref<1x8x128xf32, #tpu.memory_space<hbm>>
    %dma_start3A_683 = tpu.memref_squeeze %dma_start3A_682 : memref<1x8x128xf32, #tpu.memory_space<hbm>> -> memref<8x128xf32, #tpu.memory_space<hbm>>
    %dma_start3A_684 = tpu.memref_slice %arg12[%and3A_9] : memref<2x!tpu.dma_semaphore, #tpu.memory_space<semaphore_mem>> -> memref<1x!tpu.dma_semaphore, #tpu.memory_space<semaphore_mem>>
    %dma_start3A_685 = tpu.memref_squeeze %dma_start3A_684 : memref<1x!tpu.dma_semaphore, #tpu.memory_space<semaphore_mem>> -> memref<!tpu.dma_semaphore, #tpu.memory_space<semaphore_mem>>
    %dma_start3A_686 = arith.constant 104 : i32
    %dma_start3A_687 = arith.constant 0 : i32
    %dma_start3A_688 = tpu.memref_slice %arg9[%and3A_9, %dma_start3A_686, %dma_start3A_687] : memref<2x128x128xf32, #tpu.memory_space<vmem>> -> memref<1x8x128xf32, #tpu.memory_space<vmem>>
    %dma_start3A_689 = tpu.memref_squeeze %dma_start3A_688 : memref<1x8x128xf32, #tpu.memory_space<vmem>> -> memref<8x128xf32, #tpu.memory_space<vmem>>
    %dma_start3A_690 = tpu.memref_reshape %arg4 : memref<16x1000000xf32, #tpu.memory_space<hbm>> -> memref<2x8x1000000xf32, #tpu.memory_space<hbm>>
    %dma_start3A_691 = arith.constant 0 : i32
    %dma_start3A_692 = tpu.memref_slice %dma_start3A_690[%shift_right_arithmetic3A_4, %dma_start3A_691, %multiple_of3A_668] : memref<2x8x1000000xf32, #tpu.memory_space<hbm>> -> memref<1x8x128xf32, #tpu.memory_space<hbm>>
    %dma_start3A_693 = tpu.memref_squeeze %dma_start3A_692 : memref<1x8x128xf32, #tpu.memory_space<hbm>> -> memref<8x128xf32, #tpu.memory_space<hbm>>
    tpu.enqueue_dma source(%dma_start3A_693 : memref<8x128xf32, #tpu.memory_space<hbm>>) target(%dma_start3A_689 : memref<8x128xf32, #tpu.memory_space<vmem>>) target_semaphore(%dma_start3A_685 : memref<!tpu.dma_semaphore, #tpu.memory_space<semaphore_mem>>)
    %dma_start3A_694 = arith.constant 104 : i32
    %dma_start3A_695 = arith.constant 0 : i32
    %dma_start3A_696 = tpu.memref_slice %arg10[%and3A_9, %dma_start3A_694, %dma_start3A_695] : memref<2x128x128xf32, #tpu.memory_space<vmem>> -> memref<1x8x128xf32, #tpu.memory_space<vmem>>
    %dma_start3A_697 = tpu.memref_squeeze %dma_start3A_696 : memref<1x8x128xf32, #tpu.memory_space<vmem>> -> memref<8x128xf32, #tpu.memory_space<vmem>>
    %dma_start3A_698 = tpu.memref_reshape %arg5 : memref<16x1000000xf32, #tpu.memory_space<hbm>> -> memref<2x8x1000000xf32, #tpu.memory_space<hbm>>
    %dma_start3A_699 = arith.constant 0 : i32
    %dma_start3A_700 = tpu.memref_slice %dma_start3A_698[%shift_right_arithmetic3A_4, %dma_start3A_699, %multiple_of3A_675] : memref<2x8x1000000xf32, #tpu.memory_space<hbm>> -> memref<1x8x128xf32, #tpu.memory_space<hbm>>
    %dma_start3A_701 = tpu.memref_squeeze %dma_start3A_700 : memref<1x8x128xf32, #tpu.memory_space<hbm>> -> memref<8x128xf32, #tpu.memory_space<hbm>>
    %dma_start3A_702 = tpu.memref_slice %arg12[%and3A_9] : memref<2x!tpu.dma_semaphore, #tpu.memory_space<semaphore_mem>> -> memref<1x!tpu.dma_semaphore, #tpu.memory_space<semaphore_mem>>
    %dma_start3A_703 = tpu.memref_squeeze %dma_start3A_702 : memref<1x!tpu.dma_semaphore, #tpu.memory_space<semaphore_mem>> -> memref<!tpu.dma_semaphore, #tpu.memory_space<semaphore_mem>>
    %dma_start3A_704 = arith.constant 104 : i32
    %dma_start3A_705 = arith.constant 0 : i32
    %dma_start3A_706 = tpu.memref_slice %arg10[%and3A_9, %dma_start3A_704, %dma_start3A_705] : memref<2x128x128xf32, #tpu.memory_space<vmem>> -> memref<1x8x128xf32, #tpu.memory_space<vmem>>
    %dma_start3A_707 = tpu.memref_squeeze %dma_start3A_706 : memref<1x8x128xf32, #tpu.memory_space<vmem>> -> memref<8x128xf32, #tpu.memory_space<vmem>>
    %dma_start3A_708 = tpu.memref_reshape %arg5 : memref<16x1000000xf32, #tpu.memory_space<hbm>> -> memref<2x8x1000000xf32, #tpu.memory_space<hbm>>
    %dma_start3A_709 = arith.constant 0 : i32
    %dma_start3A_710 = tpu.memref_slice %dma_start3A_708[%shift_right_arithmetic3A_4, %dma_start3A_709, %multiple_of3A_675] : memref<2x8x1000000xf32, #tpu.memory_space<hbm>> -> memref<1x8x128xf32, #tpu.memory_space<hbm>>
    %dma_start3A_711 = tpu.memref_squeeze %dma_start3A_710 : memref<1x8x128xf32, #tpu.memory_space<hbm>> -> memref<8x128xf32, #tpu.memory_space<hbm>>
    tpu.enqueue_dma source(%dma_start3A_711 : memref<8x128xf32, #tpu.memory_space<hbm>>) target(%dma_start3A_707 : memref<8x128xf32, #tpu.memory_space<vmem>>) target_semaphore(%dma_start3A_703 : memref<!tpu.dma_semaphore, #tpu.memory_space<semaphore_mem>>)
    %slice3A_712 = vector.extract_strided_slice %get3A_12 {offsets = [14], sizes = [1], strides = [1]} : vector<16xi32> to vector<1xi32>
    %squeeze3A_713 = vector.extract %slice3A_712[0] : i32 from vector<1xi32>
    %shift_right_arithmetic3A_714 = arith.constant 7 : i32
    %shift_right_arithmetic3A_715 = arith.shrsi %squeeze3A_713, %shift_right_arithmetic3A_714 : i32
    %mul3A_716 = arith.constant 128 : i32
    %mul3A_717 = arith.muli %shift_right_arithmetic3A_715, %mul3A_716 : i32
    %multiple_of3A_718 = tpu.assume_multiple %mul3A_717, 128 : i32
    %slice3A_719 = vector.extract_strided_slice %get3A_14 {offsets = [14], sizes = [1], strides = [1]} : vector<16xi32> to vector<1xi32>
    %squeeze3A_720 = vector.extract %slice3A_719[0] : i32 from vector<1xi32>
    %shift_right_arithmetic3A_721 = arith.constant 7 : i32
    %shift_right_arithmetic3A_722 = arith.shrsi %squeeze3A_720, %shift_right_arithmetic3A_721 : i32
    %mul3A_723 = arith.constant 128 : i32
    %mul3A_724 = arith.muli %shift_right_arithmetic3A_722, %mul3A_723 : i32
    %multiple_of3A_725 = tpu.assume_multiple %mul3A_724, 128 : i32
    %dma_start3A_726 = arith.constant 112 : i32
    %dma_start3A_727 = arith.constant 0 : i32
    %dma_start3A_728 = tpu.memref_slice %arg9[%and3A_9, %dma_start3A_726, %dma_start3A_727] : memref<2x128x128xf32, #tpu.memory_space<vmem>> -> memref<1x8x128xf32, #tpu.memory_space<vmem>>
    %dma_start3A_729 = tpu.memref_squeeze %dma_start3A_728 : memref<1x8x128xf32, #tpu.memory_space<vmem>> -> memref<8x128xf32, #tpu.memory_space<vmem>>
    %dma_start3A_730 = tpu.memref_reshape %arg4 : memref<16x1000000xf32, #tpu.memory_space<hbm>> -> memref<2x8x1000000xf32, #tpu.memory_space<hbm>>
    %dma_start3A_731 = arith.constant 0 : i32
    %dma_start3A_732 = tpu.memref_slice %dma_start3A_730[%shift_right_arithmetic3A_4, %dma_start3A_731, %multiple_of3A_718] : memref<2x8x1000000xf32, #tpu.memory_space<hbm>> -> memref<1x8x128xf32, #tpu.memory_space<hbm>>
    %dma_start3A_733 = tpu.memref_squeeze %dma_start3A_732 : memref<1x8x128xf32, #tpu.memory_space<hbm>> -> memref<8x128xf32, #tpu.memory_space<hbm>>
    %dma_start3A_734 = tpu.memref_slice %arg12[%and3A_9] : memref<2x!tpu.dma_semaphore, #tpu.memory_space<semaphore_mem>> -> memref<1x!tpu.dma_semaphore, #tpu.memory_space<semaphore_mem>>
    %dma_start3A_735 = tpu.memref_squeeze %dma_start3A_734 : memref<1x!tpu.dma_semaphore, #tpu.memory_space<semaphore_mem>> -> memref<!tpu.dma_semaphore, #tpu.memory_space<semaphore_mem>>
    %dma_start3A_736 = arith.constant 112 : i32
    %dma_start3A_737 = arith.constant 0 : i32
    %dma_start3A_738 = tpu.memref_slice %arg9[%and3A_9, %dma_start3A_736, %dma_start3A_737] : memref<2x128x128xf32, #tpu.memory_space<vmem>> -> memref<1x8x128xf32, #tpu.memory_space<vmem>>
    %dma_start3A_739 = tpu.memref_squeeze %dma_start3A_738 : memref<1x8x128xf32, #tpu.memory_space<vmem>> -> memref<8x128xf32, #tpu.memory_space<vmem>>
    %dma_start3A_740 = tpu.memref_reshape %arg4 : memref<16x1000000xf32, #tpu.memory_space<hbm>> -> memref<2x8x1000000xf32, #tpu.memory_space<hbm>>
    %dma_start3A_741 = arith.constant 0 : i32
    %dma_start3A_742 = tpu.memref_slice %dma_start3A_740[%shift_right_arithmetic3A_4, %dma_start3A_741, %multiple_of3A_718] : memref<2x8x1000000xf32, #tpu.memory_space<hbm>> -> memref<1x8x128xf32, #tpu.memory_space<hbm>>
    %dma_start3A_743 = tpu.memref_squeeze %dma_start3A_742 : memref<1x8x128xf32, #tpu.memory_space<hbm>> -> memref<8x128xf32, #tpu.memory_space<hbm>>
    tpu.enqueue_dma source(%dma_start3A_743 : memref<8x128xf32, #tpu.memory_space<hbm>>) target(%dma_start3A_739 : memref<8x128xf32, #tpu.memory_space<vmem>>) target_semaphore(%dma_start3A_735 : memref<!tpu.dma_semaphore, #tpu.memory_space<semaphore_mem>>)
    %dma_start3A_744 = arith.constant 112 : i32
    %dma_start3A_745 = arith.constant 0 : i32
    %dma_start3A_746 = tpu.memref_slice %arg10[%and3A_9, %dma_start3A_744, %dma_start3A_745] : memref<2x128x128xf32, #tpu.memory_space<vmem>> -> memref<1x8x128xf32, #tpu.memory_space<vmem>>
    %dma_start3A_747 = tpu.memref_squeeze %dma_start3A_746 : memref<1x8x128xf32, #tpu.memory_space<vmem>> -> memref<8x128xf32, #tpu.memory_space<vmem>>
    %dma_start3A_748 = tpu.memref_reshape %arg5 : memref<16x1000000xf32, #tpu.memory_space<hbm>> -> memref<2x8x1000000xf32, #tpu.memory_space<hbm>>
    %dma_start3A_749 = arith.constant 0 : i32
    %dma_start3A_750 = tpu.memref_slice %dma_start3A_748[%shift_right_arithmetic3A_4, %dma_start3A_749, %multiple_of3A_725] : memref<2x8x1000000xf32, #tpu.memory_space<hbm>> -> memref<1x8x128xf32, #tpu.memory_space<hbm>>
    %dma_start3A_751 = tpu.memref_squeeze %dma_start3A_750 : memref<1x8x128xf32, #tpu.memory_space<hbm>> -> memref<8x128xf32, #tpu.memory_space<hbm>>
    %dma_start3A_752 = tpu.memref_slice %arg12[%and3A_9] : memref<2x!tpu.dma_semaphore, #tpu.memory_space<semaphore_mem>> -> memref<1x!tpu.dma_semaphore, #tpu.memory_space<semaphore_mem>>
    %dma_start3A_753 = tpu.memref_squeeze %dma_start3A_752 : memref<1x!tpu.dma_semaphore, #tpu.memory_space<semaphore_mem>> -> memref<!tpu.dma_semaphore, #tpu.memory_space<semaphore_mem>>
    %dma_start3A_754 = arith.constant 112 : i32
    %dma_start3A_755 = arith.constant 0 : i32
    %dma_start3A_756 = tpu.memref_slice %arg10[%and3A_9, %dma_start3A_754, %dma_start3A_755] : memref<2x128x128xf32, #tpu.memory_space<vmem>> -> memref<1x8x128xf32, #tpu.memory_space<vmem>>
    %dma_start3A_757 = tpu.memref_squeeze %dma_start3A_756 : memref<1x8x128xf32, #tpu.memory_space<vmem>> -> memref<8x128xf32, #tpu.memory_space<vmem>>
    %dma_start3A_758 = tpu.memref_reshape %arg5 : memref<16x1000000xf32, #tpu.memory_space<hbm>> -> memref<2x8x1000000xf32, #tpu.memory_space<hbm>>
    %dma_start3A_759 = arith.constant 0 : i32
    %dma_start3A_760 = tpu.memref_slice %dma_start3A_758[%shift_right_arithmetic3A_4, %dma_start3A_759, %multiple_of3A_725] : memref<2x8x1000000xf32, #tpu.memory_space<hbm>> -> memref<1x8x128xf32, #tpu.memory_space<hbm>>
    %dma_start3A_761 = tpu.memref_squeeze %dma_start3A_760 : memref<1x8x128xf32, #tpu.memory_space<hbm>> -> memref<8x128xf32, #tpu.memory_space<hbm>>
    tpu.enqueue_dma source(%dma_start3A_761 : memref<8x128xf32, #tpu.memory_space<hbm>>) target(%dma_start3A_757 : memref<8x128xf32, #tpu.memory_space<vmem>>) target_semaphore(%dma_start3A_753 : memref<!tpu.dma_semaphore, #tpu.memory_space<semaphore_mem>>)
    %slice3A_762 = vector.extract_strided_slice %get3A_12 {offsets = [15], sizes = [1], strides = [1]} : vector<16xi32> to vector<1xi32>
    %squeeze3A_763 = vector.extract %slice3A_762[0] : i32 from vector<1xi32>
    %shift_right_arithmetic3A_764 = arith.constant 7 : i32
    %shift_right_arithmetic3A_765 = arith.shrsi %squeeze3A_763, %shift_right_arithmetic3A_764 : i32
    %mul3A_766 = arith.constant 128 : i32
    %mul3A_767 = arith.muli %shift_right_arithmetic3A_765, %mul3A_766 : i32
    %multiple_of3A_768 = tpu.assume_multiple %mul3A_767, 128 : i32
    %slice3A_769 = vector.extract_strided_slice %get3A_14 {offsets = [15], sizes = [1], strides = [1]} : vector<16xi32> to vector<1xi32>
    %squeeze3A_770 = vector.extract %slice3A_769[0] : i32 from vector<1xi32>
    %shift_right_arithmetic3A_771 = arith.constant 7 : i32
    %shift_right_arithmetic3A_772 = arith.shrsi %squeeze3A_770, %shift_right_arithmetic3A_771 : i32
    %mul3A_773 = arith.constant 128 : i32
    %mul3A_774 = arith.muli %shift_right_arithmetic3A_772, %mul3A_773 : i32
    %multiple_of3A_775 = tpu.assume_multiple %mul3A_774, 128 : i32
    %dma_start3A_776 = arith.constant 120 : i32
    %dma_start3A_777 = arith.constant 0 : i32
    %dma_start3A_778 = tpu.memref_slice %arg9[%and3A_9, %dma_start3A_776, %dma_start3A_777] : memref<2x128x128xf32, #tpu.memory_space<vmem>> -> memref<1x8x128xf32, #tpu.memory_space<vmem>>
    %dma_start3A_779 = tpu.memref_squeeze %dma_start3A_778 : memref<1x8x128xf32, #tpu.memory_space<vmem>> -> memref<8x128xf32, #tpu.memory_space<vmem>>
    %dma_start3A_780 = tpu.memref_reshape %arg4 : memref<16x1000000xf32, #tpu.memory_space<hbm>> -> memref<2x8x1000000xf32, #tpu.memory_space<hbm>>
    %dma_start3A_781 = arith.constant 0 : i32
    %dma_start3A_782 = tpu.memref_slice %dma_start3A_780[%shift_right_arithmetic3A_4, %dma_start3A_781, %multiple_of3A_768] : memref<2x8x1000000xf32, #tpu.memory_space<hbm>> -> memref<1x8x128xf32, #tpu.memory_space<hbm>>
    %dma_start3A_783 = tpu.memref_squeeze %dma_start3A_782 : memref<1x8x128xf32, #tpu.memory_space<hbm>> -> memref<8x128xf32, #tpu.memory_space<hbm>>
    %dma_start3A_784 = tpu.memref_slice %arg12[%and3A_9] : memref<2x!tpu.dma_semaphore, #tpu.memory_space<semaphore_mem>> -> memref<1x!tpu.dma_semaphore, #tpu.memory_space<semaphore_mem>>
    %dma_start3A_785 = tpu.memref_squeeze %dma_start3A_784 : memref<1x!tpu.dma_semaphore, #tpu.memory_space<semaphore_mem>> -> memref<!tpu.dma_semaphore, #tpu.memory_space<semaphore_mem>>
    %dma_start3A_786 = arith.constant 120 : i32
    %dma_start3A_787 = arith.constant 0 : i32
    %dma_start3A_788 = tpu.memref_slice %arg9[%and3A_9, %dma_start3A_786, %dma_start3A_787] : memref<2x128x128xf32, #tpu.memory_space<vmem>> -> memref<1x8x128xf32, #tpu.memory_space<vmem>>
    %dma_start3A_789 = tpu.memref_squeeze %dma_start3A_788 : memref<1x8x128xf32, #tpu.memory_space<vmem>> -> memref<8x128xf32, #tpu.memory_space<vmem>>
    %dma_start3A_790 = tpu.memref_reshape %arg4 : memref<16x1000000xf32, #tpu.memory_space<hbm>> -> memref<2x8x1000000xf32, #tpu.memory_space<hbm>>
    %dma_start3A_791 = arith.constant 0 : i32
    %dma_start3A_792 = tpu.memref_slice %dma_start3A_790[%shift_right_arithmetic3A_4, %dma_start3A_791, %multiple_of3A_768] : memref<2x8x1000000xf32, #tpu.memory_space<hbm>> -> memref<1x8x128xf32, #tpu.memory_space<hbm>>
    %dma_start3A_793 = tpu.memref_squeeze %dma_start3A_792 : memref<1x8x128xf32, #tpu.memory_space<hbm>> -> memref<8x128xf32, #tpu.memory_space<hbm>>
    tpu.enqueue_dma source(%dma_start3A_793 : memref<8x128xf32, #tpu.memory_space<hbm>>) target(%dma_start3A_789 : memref<8x128xf32, #tpu.memory_space<vmem>>) target_semaphore(%dma_start3A_785 : memref<!tpu.dma_semaphore, #tpu.memory_space<semaphore_mem>>)
    %dma_start3A_794 = arith.constant 120 : i32
    %dma_start3A_795 = arith.constant 0 : i32
    %dma_start3A_796 = tpu.memref_slice %arg10[%and3A_9, %dma_start3A_794, %dma_start3A_795] : memref<2x128x128xf32, #tpu.memory_space<vmem>> -> memref<1x8x128xf32, #tpu.memory_space<vmem>>
    %dma_start3A_797 = tpu.memref_squeeze %dma_start3A_796 : memref<1x8x128xf32, #tpu.memory_space<vmem>> -> memref<8x128xf32, #tpu.memory_space<vmem>>
    %dma_start3A_798 = tpu.memref_reshape %arg5 : memref<16x1000000xf32, #tpu.memory_space<hbm>> -> memref<2x8x1000000xf32, #tpu.memory_space<hbm>>
    %dma_start3A_799 = arith.constant 0 : i32
    %dma_start3A_800 = tpu.memref_slice %dma_start3A_798[%shift_right_arithmetic3A_4, %dma_start3A_799, %multiple_of3A_775] : memref<2x8x1000000xf32, #tpu.memory_space<hbm>> -> memref<1x8x128xf32, #tpu.memory_space<hbm>>
    %dma_start3A_801 = tpu.memref_squeeze %dma_start3A_800 : memref<1x8x128xf32, #tpu.memory_space<hbm>> -> memref<8x128xf32, #tpu.memory_space<hbm>>
    %dma_start3A_802 = tpu.memref_slice %arg12[%and3A_9] : memref<2x!tpu.dma_semaphore, #tpu.memory_space<semaphore_mem>> -> memref<1x!tpu.dma_semaphore, #tpu.memory_space<semaphore_mem>>
    %dma_start3A_803 = tpu.memref_squeeze %dma_start3A_802 : memref<1x!tpu.dma_semaphore, #tpu.memory_space<semaphore_mem>> -> memref<!tpu.dma_semaphore, #tpu.memory_space<semaphore_mem>>
    %dma_start3A_804 = arith.constant 120 : i32
    %dma_start3A_805 = arith.constant 0 : i32
    %dma_start3A_806 = tpu.memref_slice %arg10[%and3A_9, %dma_start3A_804, %dma_start3A_805] : memref<2x128x128xf32, #tpu.memory_space<vmem>> -> memref<1x8x128xf32, #tpu.memory_space<vmem>>
    %dma_start3A_807 = tpu.memref_squeeze %dma_start3A_806 : memref<1x8x128xf32, #tpu.memory_space<vmem>> -> memref<8x128xf32, #tpu.memory_space<vmem>>
    %dma_start3A_808 = tpu.memref_reshape %arg5 : memref<16x1000000xf32, #tpu.memory_space<hbm>> -> memref<2x8x1000000xf32, #tpu.memory_space<hbm>>
    %dma_start3A_809 = arith.constant 0 : i32
    %dma_start3A_810 = tpu.memref_slice %dma_start3A_808[%shift_right_arithmetic3A_4, %dma_start3A_809, %multiple_of3A_775] : memref<2x8x1000000xf32, #tpu.memory_space<hbm>> -> memref<1x8x128xf32, #tpu.memory_space<hbm>>
    %dma_start3A_811 = tpu.memref_squeeze %dma_start3A_810 : memref<1x8x128xf32, #tpu.memory_space<hbm>> -> memref<8x128xf32, #tpu.memory_space<hbm>>
    tpu.enqueue_dma source(%dma_start3A_811 : memref<8x128xf32, #tpu.memory_space<hbm>>) target(%dma_start3A_807 : memref<8x128xf32, #tpu.memory_space<vmem>>) target_semaphore(%dma_start3A_803 : memref<!tpu.dma_semaphore, #tpu.memory_space<semaphore_mem>>)
    %scan3A = arith.constant 0 : i32
    %scan3A_812 = arith.constant 0 : i32
    %scan3A_813 = arith.constant 64 : i32
    %scan3A_814 = arith.addi %scan3A_812, %scan3A_813 : i32
    %scan3A_815 = arith.constant 1 : i32
    scf.for %scan3A_817 = %scan3A_812 to %scan3A_814 step %scan3A_815  : i32 {
      %shift_right_arithmetic3A_818 = arith.constant 5 : i32
      %shift_right_arithmetic3A_819 = arith.shrsi %scan3A_817, %shift_right_arithmetic3A_818 : i32
      %and3A_820 = arith.constant 31 : i32
      %and3A_821 = arith.andi %scan3A_817, %and3A_820 : i32
      %and3A_822 = arith.constant 1 : i32
      %and3A_823 = arith.andi %scan3A_817, %and3A_822 : i32
      %lt3A = arith.constant 63 : i32
      %lt3A_824 = arith.cmpi slt, %scan3A_817, %lt3A : i32
      %convert_element_type3A = arith.extui %lt3A_824 : i1 to i32
      %cond3A = arith.constant 0 : i32
      %cond3A_825 = arith.cmpi ne, %convert_element_type3A, %cond3A : i32
      scf.if %cond3A_825 {
        %add3A_1661 = arith.constant 1 : i32
        %add3A_1662 = arith.addi %scan3A_817, %add3A_1661 : i32
        %shift_right_arithmetic3A_1663 = arith.constant 5 : i32
        %shift_right_arithmetic3A_1664 = arith.shrsi %add3A_1662, %shift_right_arithmetic3A_1663 : i32
        %and3A_1665 = arith.constant 31 : i32
        %and3A_1666 = arith.andi %add3A_1662, %and3A_1665 : i32
        %and3A_1667 = arith.constant 1 : i32
        %and3A_1668 = arith.andi %add3A_1662, %and3A_1667 : i32
        %mul3A_1669 = arith.constant 16 : i32
        %mul3A_1670 = arith.muli %and3A_1666, %mul3A_1669 : i32
        %multiple_of3A_1671 = tpu.assume_multiple %mul3A_1670, 16 : i32
        %get3A_1672 = arith.index_cast %multiple_of3A_1671 : i32 to index
        %get3A_1673 = tpu.vector_load %arg7[%get3A_1672] {strides = array<i32>} : memref<512xi32, #tpu.memory_space<vmem>>, vector<16xi32>,
        %get3A_1674 = arith.index_cast %multiple_of3A_1671 : i32 to index
        %get3A_1675 = tpu.vector_load %arg8[%get3A_1674] {strides = array<i32>} : memref<512xi32, #tpu.memory_space<vmem>>, vector<16xi32>,
        %slice3A_1676 = vector.extract_strided_slice %get3A_1673 {offsets = [0], sizes = [1], strides = [1]} : vector<16xi32> to vector<1xi32>
        %squeeze3A_1677 = vector.extract %slice3A_1676[0] : i32 from vector<1xi32>
        %shift_right_arithmetic3A_1678 = arith.constant 7 : i32
        %shift_right_arithmetic3A_1679 = arith.shrsi %squeeze3A_1677, %shift_right_arithmetic3A_1678 : i32
        %mul3A_1680 = arith.constant 128 : i32
        %mul3A_1681 = arith.muli %shift_right_arithmetic3A_1679, %mul3A_1680 : i32
        %multiple_of3A_1682 = tpu.assume_multiple %mul3A_1681, 128 : i32
        %slice3A_1683 = vector.extract_strided_slice %get3A_1675 {offsets = [0], sizes = [1], strides = [1]} : vector<16xi32> to vector<1xi32>
        %squeeze3A_1684 = vector.extract %slice3A_1683[0] : i32 from vector<1xi32>
        %shift_right_arithmetic3A_1685 = arith.constant 7 : i32
        %shift_right_arithmetic3A_1686 = arith.shrsi %squeeze3A_1684, %shift_right_arithmetic3A_1685 : i32
        %mul3A_1687 = arith.constant 128 : i32
        %mul3A_1688 = arith.muli %shift_right_arithmetic3A_1686, %mul3A_1687 : i32
        %multiple_of3A_1689 = tpu.assume_multiple %mul3A_1688, 128 : i32
        %dma_start3A_1690 = arith.constant 0 : i32
        %dma_start3A_1691 = arith.constant 0 : i32
        %dma_start3A_1692 = tpu.memref_slice %arg9[%and3A_1668, %dma_start3A_1690, %dma_start3A_1691] : memref<2x128x128xf32, #tpu.memory_space<vmem>> -> memref<1x8x128xf32, #tpu.memory_space<vmem>>
        %dma_start3A_1693 = tpu.memref_squeeze %dma_start3A_1692 : memref<1x8x128xf32, #tpu.memory_space<vmem>> -> memref<8x128xf32, #tpu.memory_space<vmem>>
        %dma_start3A_1694 = tpu.memref_reshape %arg4 : memref<16x1000000xf32, #tpu.memory_space<hbm>> -> memref<2x8x1000000xf32, #tpu.memory_space<hbm>>
        %dma_start3A_1695 = arith.constant 0 : i32
        %dma_start3A_1696 = tpu.memref_slice %dma_start3A_1694[%shift_right_arithmetic3A_1664, %dma_start3A_1695, %multiple_of3A_1682] : memref<2x8x1000000xf32, #tpu.memory_space<hbm>> -> memref<1x8x128xf32, #tpu.memory_space<hbm>>
        %dma_start3A_1697 = tpu.memref_squeeze %dma_start3A_1696 : memref<1x8x128xf32, #tpu.memory_space<hbm>> -> memref<8x128xf32, #tpu.memory_space<hbm>>
        %dma_start3A_1698 = tpu.memref_slice %arg12[%and3A_1668] : memref<2x!tpu.dma_semaphore, #tpu.memory_space<semaphore_mem>> -> memref<1x!tpu.dma_semaphore, #tpu.memory_space<semaphore_mem>>
        %dma_start3A_1699 = tpu.memref_squeeze %dma_start3A_1698 : memref<1x!tpu.dma_semaphore, #tpu.memory_space<semaphore_mem>> -> memref<!tpu.dma_semaphore, #tpu.memory_space<semaphore_mem>>
        %dma_start3A_1700 = arith.constant 0 : i32
        %dma_start3A_1701 = arith.constant 0 : i32
        %dma_start3A_1702 = tpu.memref_slice %arg9[%and3A_1668, %dma_start3A_1700, %dma_start3A_1701] : memref<2x128x128xf32, #tpu.memory_space<vmem>> -> memref<1x8x128xf32, #tpu.memory_space<vmem>>
        %dma_start3A_1703 = tpu.memref_squeeze %dma_start3A_1702 : memref<1x8x128xf32, #tpu.memory_space<vmem>> -> memref<8x128xf32, #tpu.memory_space<vmem>>
        %dma_start3A_1704 = tpu.memref_reshape %arg4 : memref<16x1000000xf32, #tpu.memory_space<hbm>> -> memref<2x8x1000000xf32, #tpu.memory_space<hbm>>
        %dma_start3A_1705 = arith.constant 0 : i32
        %dma_start3A_1706 = tpu.memref_slice %dma_start3A_1704[%shift_right_arithmetic3A_1664, %dma_start3A_1705, %multiple_of3A_1682] : memref<2x8x1000000xf32, #tpu.memory_space<hbm>> -> memref<1x8x128xf32, #tpu.memory_space<hbm>>
        %dma_start3A_1707 = tpu.memref_squeeze %dma_start3A_1706 : memref<1x8x128xf32, #tpu.memory_space<hbm>> -> memref<8x128xf32, #tpu.memory_space<hbm>>
        tpu.enqueue_dma source(%dma_start3A_1707 : memref<8x128xf32, #tpu.memory_space<hbm>>) target(%dma_start3A_1703 : memref<8x128xf32, #tpu.memory_space<vmem>>) target_semaphore(%dma_start3A_1699 : memref<!tpu.dma_semaphore, #tpu.memory_space<semaphore_mem>>)
        %dma_start3A_1708 = arith.constant 0 : i32
        %dma_start3A_1709 = arith.constant 0 : i32
        %dma_start3A_1710 = tpu.memref_slice %arg10[%and3A_1668, %dma_start3A_1708, %dma_start3A_1709] : memref<2x128x128xf32, #tpu.memory_space<vmem>> -> memref<1x8x128xf32, #tpu.memory_space<vmem>>
        %dma_start3A_1711 = tpu.memref_squeeze %dma_start3A_1710 : memref<1x8x128xf32, #tpu.memory_space<vmem>> -> memref<8x128xf32, #tpu.memory_space<vmem>>
        %dma_start3A_1712 = tpu.memref_reshape %arg5 : memref<16x1000000xf32, #tpu.memory_space<hbm>> -> memref<2x8x1000000xf32, #tpu.memory_space<hbm>>
        %dma_start3A_1713 = arith.constant 0 : i32
        %dma_start3A_1714 = tpu.memref_slice %dma_start3A_1712[%shift_right_arithmetic3A_1664, %dma_start3A_1713, %multiple_of3A_1689] : memref<2x8x1000000xf32, #tpu.memory_space<hbm>> -> memref<1x8x128xf32, #tpu.memory_space<hbm>>
        %dma_start3A_1715 = tpu.memref_squeeze %dma_start3A_1714 : memref<1x8x128xf32, #tpu.memory_space<hbm>> -> memref<8x128xf32, #tpu.memory_space<hbm>>
        %dma_start3A_1716 = tpu.memref_slice %arg12[%and3A_1668] : memref<2x!tpu.dma_semaphore, #tpu.memory_space<semaphore_mem>> -> memref<1x!tpu.dma_semaphore, #tpu.memory_space<semaphore_mem>>
        %dma_start3A_1717 = tpu.memref_squeeze %dma_start3A_1716 : memref<1x!tpu.dma_semaphore, #tpu.memory_space<semaphore_mem>> -> memref<!tpu.dma_semaphore, #tpu.memory_space<semaphore_mem>>
        %dma_start3A_1718 = arith.constant 0 : i32
        %dma_start3A_1719 = arith.constant 0 : i32
        %dma_start3A_1720 = tpu.memref_slice %arg10[%and3A_1668, %dma_start3A_1718, %dma_start3A_1719] : memref<2x128x128xf32, #tpu.memory_space<vmem>> -> memref<1x8x128xf32, #tpu.memory_space<vmem>>
        %dma_start3A_1721 = tpu.memref_squeeze %dma_start3A_1720 : memref<1x8x128xf32, #tpu.memory_space<vmem>> -> memref<8x128xf32, #tpu.memory_space<vmem>>
        %dma_start3A_1722 = tpu.memref_reshape %arg5 : memref<16x1000000xf32, #tpu.memory_space<hbm>> -> memref<2x8x1000000xf32, #tpu.memory_space<hbm>>
        %dma_start3A_1723 = arith.constant 0 : i32
        %dma_start3A_1724 = tpu.memref_slice %dma_start3A_1722[%shift_right_arithmetic3A_1664, %dma_start3A_1723, %multiple_of3A_1689] : memref<2x8x1000000xf32, #tpu.memory_space<hbm>> -> memref<1x8x128xf32, #tpu.memory_space<hbm>>
        %dma_start3A_1725 = tpu.memref_squeeze %dma_start3A_1724 : memref<1x8x128xf32, #tpu.memory_space<hbm>> -> memref<8x128xf32, #tpu.memory_space<hbm>>
        tpu.enqueue_dma source(%dma_start3A_1725 : memref<8x128xf32, #tpu.memory_space<hbm>>) target(%dma_start3A_1721 : memref<8x128xf32, #tpu.memory_space<vmem>>) target_semaphore(%dma_start3A_1717 : memref<!tpu.dma_semaphore, #tpu.memory_space<semaphore_mem>>)
        %slice3A_1726 = vector.extract_strided_slice %get3A_1673 {offsets = [1], sizes = [1], strides = [1]} : vector<16xi32> to vector<1xi32>
        %squeeze3A_1727 = vector.extract %slice3A_1726[0] : i32 from vector<1xi32>
        %shift_right_arithmetic3A_1728 = arith.constant 7 : i32
        %shift_right_arithmetic3A_1729 = arith.shrsi %squeeze3A_1727, %shift_right_arithmetic3A_1728 : i32
        %mul3A_1730 = arith.constant 128 : i32
        %mul3A_1731 = arith.muli %shift_right_arithmetic3A_1729, %mul3A_1730 : i32
        %multiple_of3A_1732 = tpu.assume_multiple %mul3A_1731, 128 : i32
        %slice3A_1733 = vector.extract_strided_slice %get3A_1675 {offsets = [1], sizes = [1], strides = [1]} : vector<16xi32> to vector<1xi32>
        %squeeze3A_1734 = vector.extract %slice3A_1733[0] : i32 from vector<1xi32>
        %shift_right_arithmetic3A_1735 = arith.constant 7 : i32
        %shift_right_arithmetic3A_1736 = arith.shrsi %squeeze3A_1734, %shift_right_arithmetic3A_1735 : i32
        %mul3A_1737 = arith.constant 128 : i32
        %mul3A_1738 = arith.muli %shift_right_arithmetic3A_1736, %mul3A_1737 : i32
        %multiple_of3A_1739 = tpu.assume_multiple %mul3A_1738, 128 : i32
        %dma_start3A_1740 = arith.constant 8 : i32
        %dma_start3A_1741 = arith.constant 0 : i32
        %dma_start3A_1742 = tpu.memref_slice %arg9[%and3A_1668, %dma_start3A_1740, %dma_start3A_1741] : memref<2x128x128xf32, #tpu.memory_space<vmem>> -> memref<1x8x128xf32, #tpu.memory_space<vmem>>
        %dma_start3A_1743 = tpu.memref_squeeze %dma_start3A_1742 : memref<1x8x128xf32, #tpu.memory_space<vmem>> -> memref<8x128xf32, #tpu.memory_space<vmem>>
        %dma_start3A_1744 = tpu.memref_reshape %arg4 : memref<16x1000000xf32, #tpu.memory_space<hbm>> -> memref<2x8x1000000xf32, #tpu.memory_space<hbm>>
        %dma_start3A_1745 = arith.constant 0 : i32
        %dma_start3A_1746 = tpu.memref_slice %dma_start3A_1744[%shift_right_arithmetic3A_1664, %dma_start3A_1745, %multiple_of3A_1732] : memref<2x8x1000000xf32, #tpu.memory_space<hbm>> -> memref<1x8x128xf32, #tpu.memory_space<hbm>>
        %dma_start3A_1747 = tpu.memref_squeeze %dma_start3A_1746 : memref<1x8x128xf32, #tpu.memory_space<hbm>> -> memref<8x128xf32, #tpu.memory_space<hbm>>
        %dma_start3A_1748 = tpu.memref_slice %arg12[%and3A_1668] : memref<2x!tpu.dma_semaphore, #tpu.memory_space<semaphore_mem>> -> memref<1x!tpu.dma_semaphore, #tpu.memory_space<semaphore_mem>>
        %dma_start3A_1749 = tpu.memref_squeeze %dma_start3A_1748 : memref<1x!tpu.dma_semaphore, #tpu.memory_space<semaphore_mem>> -> memref<!tpu.dma_semaphore, #tpu.memory_space<semaphore_mem>>
        %dma_start3A_1750 = arith.constant 8 : i32
        %dma_start3A_1751 = arith.constant 0 : i32
        %dma_start3A_1752 = tpu.memref_slice %arg9[%and3A_1668, %dma_start3A_1750, %dma_start3A_1751] : memref<2x128x128xf32, #tpu.memory_space<vmem>> -> memref<1x8x128xf32, #tpu.memory_space<vmem>>
        %dma_start3A_1753 = tpu.memref_squeeze %dma_start3A_1752 : memref<1x8x128xf32, #tpu.memory_space<vmem>> -> memref<8x128xf32, #tpu.memory_space<vmem>>
        %dma_start3A_1754 = tpu.memref_reshape %arg4 : memref<16x1000000xf32, #tpu.memory_space<hbm>> -> memref<2x8x1000000xf32, #tpu.memory_space<hbm>>
        %dma_start3A_1755 = arith.constant 0 : i32
        %dma_start3A_1756 = tpu.memref_slice %dma_start3A_1754[%shift_right_arithmetic3A_1664, %dma_start3A_1755, %multiple_of3A_1732] : memref<2x8x1000000xf32, #tpu.memory_space<hbm>> -> memref<1x8x128xf32, #tpu.memory_space<hbm>>
        %dma_start3A_1757 = tpu.memref_squeeze %dma_start3A_1756 : memref<1x8x128xf32, #tpu.memory_space<hbm>> -> memref<8x128xf32, #tpu.memory_space<hbm>>
        tpu.enqueue_dma source(%dma_start3A_1757 : memref<8x128xf32, #tpu.memory_space<hbm>>) target(%dma_start3A_1753 : memref<8x128xf32, #tpu.memory_space<vmem>>) target_semaphore(%dma_start3A_1749 : memref<!tpu.dma_semaphore, #tpu.memory_space<semaphore_mem>>)
        %dma_start3A_1758 = arith.constant 8 : i32
        %dma_start3A_1759 = arith.constant 0 : i32
        %dma_start3A_1760 = tpu.memref_slice %arg10[%and3A_1668, %dma_start3A_1758, %dma_start3A_1759] : memref<2x128x128xf32, #tpu.memory_space<vmem>> -> memref<1x8x128xf32, #tpu.memory_space<vmem>>
        %dma_start3A_1761 = tpu.memref_squeeze %dma_start3A_1760 : memref<1x8x128xf32, #tpu.memory_space<vmem>> -> memref<8x128xf32, #tpu.memory_space<vmem>>
        %dma_start3A_1762 = tpu.memref_reshape %arg5 : memref<16x1000000xf32, #tpu.memory_space<hbm>> -> memref<2x8x1000000xf32, #tpu.memory_space<hbm>>
        %dma_start3A_1763 = arith.constant 0 : i32
        %dma_start3A_1764 = tpu.memref_slice %dma_start3A_1762[%shift_right_arithmetic3A_1664, %dma_start3A_1763, %multiple_of3A_1739] : memref<2x8x1000000xf32, #tpu.memory_space<hbm>> -> memref<1x8x128xf32, #tpu.memory_space<hbm>>
        %dma_start3A_1765 = tpu.memref_squeeze %dma_start3A_1764 : memref<1x8x128xf32, #tpu.memory_space<hbm>> -> memref<8x128xf32, #tpu.memory_space<hbm>>
        %dma_start3A_1766 = tpu.memref_slice %arg12[%and3A_1668] : memref<2x!tpu.dma_semaphore, #tpu.memory_space<semaphore_mem>> -> memref<1x!tpu.dma_semaphore, #tpu.memory_space<semaphore_mem>>
        %dma_start3A_1767 = tpu.memref_squeeze %dma_start3A_1766 : memref<1x!tpu.dma_semaphore, #tpu.memory_space<semaphore_mem>> -> memref<!tpu.dma_semaphore, #tpu.memory_space<semaphore_mem>>
        %dma_start3A_1768 = arith.constant 8 : i32
        %dma_start3A_1769 = arith.constant 0 : i32
        %dma_start3A_1770 = tpu.memref_slice %arg10[%and3A_1668, %dma_start3A_1768, %dma_start3A_1769] : memref<2x128x128xf32, #tpu.memory_space<vmem>> -> memref<1x8x128xf32, #tpu.memory_space<vmem>>
        %dma_start3A_1771 = tpu.memref_squeeze %dma_start3A_1770 : memref<1x8x128xf32, #tpu.memory_space<vmem>> -> memref<8x128xf32, #tpu.memory_space<vmem>>
        %dma_start3A_1772 = tpu.memref_reshape %arg5 : memref<16x1000000xf32, #tpu.memory_space<hbm>> -> memref<2x8x1000000xf32, #tpu.memory_space<hbm>>
        %dma_start3A_1773 = arith.constant 0 : i32
        %dma_start3A_1774 = tpu.memref_slice %dma_start3A_1772[%shift_right_arithmetic3A_1664, %dma_start3A_1773, %multiple_of3A_1739] : memref<2x8x1000000xf32, #tpu.memory_space<hbm>> -> memref<1x8x128xf32, #tpu.memory_space<hbm>>
        %dma_start3A_1775 = tpu.memref_squeeze %dma_start3A_1774 : memref<1x8x128xf32, #tpu.memory_space<hbm>> -> memref<8x128xf32, #tpu.memory_space<hbm>>
        tpu.enqueue_dma source(%dma_start3A_1775 : memref<8x128xf32, #tpu.memory_space<hbm>>) target(%dma_start3A_1771 : memref<8x128xf32, #tpu.memory_space<vmem>>) target_semaphore(%dma_start3A_1767 : memref<!tpu.dma_semaphore, #tpu.memory_space<semaphore_mem>>)
        %slice3A_1776 = vector.extract_strided_slice %get3A_1673 {offsets = [2], sizes = [1], strides = [1]} : vector<16xi32> to vector<1xi32>
        %squeeze3A_1777 = vector.extract %slice3A_1776[0] : i32 from vector<1xi32>
        %shift_right_arithmetic3A_1778 = arith.constant 7 : i32
        %shift_right_arithmetic3A_1779 = arith.shrsi %squeeze3A_1777, %shift_right_arithmetic3A_1778 : i32
        %mul3A_1780 = arith.constant 128 : i32
        %mul3A_1781 = arith.muli %shift_right_arithmetic3A_1779, %mul3A_1780 : i32
        %multiple_of3A_1782 = tpu.assume_multiple %mul3A_1781, 128 : i32
        %slice3A_1783 = vector.extract_strided_slice %get3A_1675 {offsets = [2], sizes = [1], strides = [1]} : vector<16xi32> to vector<1xi32>
        %squeeze3A_1784 = vector.extract %slice3A_1783[0] : i32 from vector<1xi32>
        %shift_right_arithmetic3A_1785 = arith.constant 7 : i32
        %shift_right_arithmetic3A_1786 = arith.shrsi %squeeze3A_1784, %shift_right_arithmetic3A_1785 : i32
        %mul3A_1787 = arith.constant 128 : i32
        %mul3A_1788 = arith.muli %shift_right_arithmetic3A_1786, %mul3A_1787 : i32
        %multiple_of3A_1789 = tpu.assume_multiple %mul3A_1788, 128 : i32
        %dma_start3A_1790 = arith.constant 16 : i32
        %dma_start3A_1791 = arith.constant 0 : i32
        %dma_start3A_1792 = tpu.memref_slice %arg9[%and3A_1668, %dma_start3A_1790, %dma_start3A_1791] : memref<2x128x128xf32, #tpu.memory_space<vmem>> -> memref<1x8x128xf32, #tpu.memory_space<vmem>>
        %dma_start3A_1793 = tpu.memref_squeeze %dma_start3A_1792 : memref<1x8x128xf32, #tpu.memory_space<vmem>> -> memref<8x128xf32, #tpu.memory_space<vmem>>
        %dma_start3A_1794 = tpu.memref_reshape %arg4 : memref<16x1000000xf32, #tpu.memory_space<hbm>> -> memref<2x8x1000000xf32, #tpu.memory_space<hbm>>
        %dma_start3A_1795 = arith.constant 0 : i32
        %dma_start3A_1796 = tpu.memref_slice %dma_start3A_1794[%shift_right_arithmetic3A_1664, %dma_start3A_1795, %multiple_of3A_1782] : memref<2x8x1000000xf32, #tpu.memory_space<hbm>> -> memref<1x8x128xf32, #tpu.memory_space<hbm>>
        %dma_start3A_1797 = tpu.memref_squeeze %dma_start3A_1796 : memref<1x8x128xf32, #tpu.memory_space<hbm>> -> memref<8x128xf32, #tpu.memory_space<hbm>>
        %dma_start3A_1798 = tpu.memref_slice %arg12[%and3A_1668] : memref<2x!tpu.dma_semaphore, #tpu.memory_space<semaphore_mem>> -> memref<1x!tpu.dma_semaphore, #tpu.memory_space<semaphore_mem>>
        %dma_start3A_1799 = tpu.memref_squeeze %dma_start3A_1798 : memref<1x!tpu.dma_semaphore, #tpu.memory_space<semaphore_mem>> -> memref<!tpu.dma_semaphore, #tpu.memory_space<semaphore_mem>>
        %dma_start3A_1800 = arith.constant 16 : i32
        %dma_start3A_1801 = arith.constant 0 : i32
        %dma_start3A_1802 = tpu.memref_slice %arg9[%and3A_1668, %dma_start3A_1800, %dma_start3A_1801] : memref<2x128x128xf32, #tpu.memory_space<vmem>> -> memref<1x8x128xf32, #tpu.memory_space<vmem>>
        %dma_start3A_1803 = tpu.memref_squeeze %dma_start3A_1802 : memref<1x8x128xf32, #tpu.memory_space<vmem>> -> memref<8x128xf32, #tpu.memory_space<vmem>>
        %dma_start3A_1804 = tpu.memref_reshape %arg4 : memref<16x1000000xf32, #tpu.memory_space<hbm>> -> memref<2x8x1000000xf32, #tpu.memory_space<hbm>>
        %dma_start3A_1805 = arith.constant 0 : i32
        %dma_start3A_1806 = tpu.memref_slice %dma_start3A_1804[%shift_right_arithmetic3A_1664, %dma_start3A_1805, %multiple_of3A_1782] : memref<2x8x1000000xf32, #tpu.memory_space<hbm>> -> memref<1x8x128xf32, #tpu.memory_space<hbm>>
        %dma_start3A_1807 = tpu.memref_squeeze %dma_start3A_1806 : memref<1x8x128xf32, #tpu.memory_space<hbm>> -> memref<8x128xf32, #tpu.memory_space<hbm>>
        tpu.enqueue_dma source(%dma_start3A_1807 : memref<8x128xf32, #tpu.memory_space<hbm>>) target(%dma_start3A_1803 : memref<8x128xf32, #tpu.memory_space<vmem>>) target_semaphore(%dma_start3A_1799 : memref<!tpu.dma_semaphore, #tpu.memory_space<semaphore_mem>>)
        %dma_start3A_1808 = arith.constant 16 : i32
        %dma_start3A_1809 = arith.constant 0 : i32
        %dma_start3A_1810 = tpu.memref_slice %arg10[%and3A_1668, %dma_start3A_1808, %dma_start3A_1809] : memref<2x128x128xf32, #tpu.memory_space<vmem>> -> memref<1x8x128xf32, #tpu.memory_space<vmem>>
        %dma_start3A_1811 = tpu.memref_squeeze %dma_start3A_1810 : memref<1x8x128xf32, #tpu.memory_space<vmem>> -> memref<8x128xf32, #tpu.memory_space<vmem>>
        %dma_start3A_1812 = tpu.memref_reshape %arg5 : memref<16x1000000xf32, #tpu.memory_space<hbm>> -> memref<2x8x1000000xf32, #tpu.memory_space<hbm>>
        %dma_start3A_1813 = arith.constant 0 : i32
        %dma_start3A_1814 = tpu.memref_slice %dma_start3A_1812[%shift_right_arithmetic3A_1664, %dma_start3A_1813, %multiple_of3A_1789] : memref<2x8x1000000xf32, #tpu.memory_space<hbm>> -> memref<1x8x128xf32, #tpu.memory_space<hbm>>
        %dma_start3A_1815 = tpu.memref_squeeze %dma_start3A_1814 : memref<1x8x128xf32, #tpu.memory_space<hbm>> -> memref<8x128xf32, #tpu.memory_space<hbm>>
        %dma_start3A_1816 = tpu.memref_slice %arg12[%and3A_1668] : memref<2x!tpu.dma_semaphore, #tpu.memory_space<semaphore_mem>> -> memref<1x!tpu.dma_semaphore, #tpu.memory_space<semaphore_mem>>
        %dma_start3A_1817 = tpu.memref_squeeze %dma_start3A_1816 : memref<1x!tpu.dma_semaphore, #tpu.memory_space<semaphore_mem>> -> memref<!tpu.dma_semaphore, #tpu.memory_space<semaphore_mem>>
        %dma_start3A_1818 = arith.constant 16 : i32
        %dma_start3A_1819 = arith.constant 0 : i32
        %dma_start3A_1820 = tpu.memref_slice %arg10[%and3A_1668, %dma_start3A_1818, %dma_start3A_1819] : memref<2x128x128xf32, #tpu.memory_space<vmem>> -> memref<1x8x128xf32, #tpu.memory_space<vmem>>
        %dma_start3A_1821 = tpu.memref_squeeze %dma_start3A_1820 : memref<1x8x128xf32, #tpu.memory_space<vmem>> -> memref<8x128xf32, #tpu.memory_space<vmem>>
        %dma_start3A_1822 = tpu.memref_reshape %arg5 : memref<16x1000000xf32, #tpu.memory_space<hbm>> -> memref<2x8x1000000xf32, #tpu.memory_space<hbm>>
        %dma_start3A_1823 = arith.constant 0 : i32
        %dma_start3A_1824 = tpu.memref_slice %dma_start3A_1822[%shift_right_arithmetic3A_1664, %dma_start3A_1823, %multiple_of3A_1789] : memref<2x8x1000000xf32, #tpu.memory_space<hbm>> -> memref<1x8x128xf32, #tpu.memory_space<hbm>>
        %dma_start3A_1825 = tpu.memref_squeeze %dma_start3A_1824 : memref<1x8x128xf32, #tpu.memory_space<hbm>> -> memref<8x128xf32, #tpu.memory_space<hbm>>
        tpu.enqueue_dma source(%dma_start3A_1825 : memref<8x128xf32, #tpu.memory_space<hbm>>) target(%dma_start3A_1821 : memref<8x128xf32, #tpu.memory_space<vmem>>) target_semaphore(%dma_start3A_1817 : memref<!tpu.dma_semaphore, #tpu.memory_space<semaphore_mem>>)
        %slice3A_1826 = vector.extract_strided_slice %get3A_1673 {offsets = [3], sizes = [1], strides = [1]} : vector<16xi32> to vector<1xi32>
        %squeeze3A_1827 = vector.extract %slice3A_1826[0] : i32 from vector<1xi32>
        %shift_right_arithmetic3A_1828 = arith.constant 7 : i32
        %shift_right_arithmetic3A_1829 = arith.shrsi %squeeze3A_1827, %shift_right_arithmetic3A_1828 : i32
        %mul3A_1830 = arith.constant 128 : i32
        %mul3A_1831 = arith.muli %shift_right_arithmetic3A_1829, %mul3A_1830 : i32
        %multiple_of3A_1832 = tpu.assume_multiple %mul3A_1831, 128 : i32
        %slice3A_1833 = vector.extract_strided_slice %get3A_1675 {offsets = [3], sizes = [1], strides = [1]} : vector<16xi32> to vector<1xi32>
        %squeeze3A_1834 = vector.extract %slice3A_1833[0] : i32 from vector<1xi32>
        %shift_right_arithmetic3A_1835 = arith.constant 7 : i32
        %shift_right_arithmetic3A_1836 = arith.shrsi %squeeze3A_1834, %shift_right_arithmetic3A_1835 : i32
        %mul3A_1837 = arith.constant 128 : i32
        %mul3A_1838 = arith.muli %shift_right_arithmetic3A_1836, %mul3A_1837 : i32
        %multiple_of3A_1839 = tpu.assume_multiple %mul3A_1838, 128 : i32
        %dma_start3A_1840 = arith.constant 24 : i32
        %dma_start3A_1841 = arith.constant 0 : i32
        %dma_start3A_1842 = tpu.memref_slice %arg9[%and3A_1668, %dma_start3A_1840, %dma_start3A_1841] : memref<2x128x128xf32, #tpu.memory_space<vmem>> -> memref<1x8x128xf32, #tpu.memory_space<vmem>>
        %dma_start3A_1843 = tpu.memref_squeeze %dma_start3A_1842 : memref<1x8x128xf32, #tpu.memory_space<vmem>> -> memref<8x128xf32, #tpu.memory_space<vmem>>
        %dma_start3A_1844 = tpu.memref_reshape %arg4 : memref<16x1000000xf32, #tpu.memory_space<hbm>> -> memref<2x8x1000000xf32, #tpu.memory_space<hbm>>
        %dma_start3A_1845 = arith.constant 0 : i32
        %dma_start3A_1846 = tpu.memref_slice %dma_start3A_1844[%shift_right_arithmetic3A_1664, %dma_start3A_1845, %multiple_of3A_1832] : memref<2x8x1000000xf32, #tpu.memory_space<hbm>> -> memref<1x8x128xf32, #tpu.memory_space<hbm>>
        %dma_start3A_1847 = tpu.memref_squeeze %dma_start3A_1846 : memref<1x8x128xf32, #tpu.memory_space<hbm>> -> memref<8x128xf32, #tpu.memory_space<hbm>>
        %dma_start3A_1848 = tpu.memref_slice %arg12[%and3A_1668] : memref<2x!tpu.dma_semaphore, #tpu.memory_space<semaphore_mem>> -> memref<1x!tpu.dma_semaphore, #tpu.memory_space<semaphore_mem>>
        %dma_start3A_1849 = tpu.memref_squeeze %dma_start3A_1848 : memref<1x!tpu.dma_semaphore, #tpu.memory_space<semaphore_mem>> -> memref<!tpu.dma_semaphore, #tpu.memory_space<semaphore_mem>>
        %dma_start3A_1850 = arith.constant 24 : i32
        %dma_start3A_1851 = arith.constant 0 : i32
        %dma_start3A_1852 = tpu.memref_slice %arg9[%and3A_1668, %dma_start3A_1850, %dma_start3A_1851] : memref<2x128x128xf32, #tpu.memory_space<vmem>> -> memref<1x8x128xf32, #tpu.memory_space<vmem>>
        %dma_start3A_1853 = tpu.memref_squeeze %dma_start3A_1852 : memref<1x8x128xf32, #tpu.memory_space<vmem>> -> memref<8x128xf32, #tpu.memory_space<vmem>>
        %dma_start3A_1854 = tpu.memref_reshape %arg4 : memref<16x1000000xf32, #tpu.memory_space<hbm>> -> memref<2x8x1000000xf32, #tpu.memory_space<hbm>>
        %dma_start3A_1855 = arith.constant 0 : i32
        %dma_start3A_1856 = tpu.memref_slice %dma_start3A_1854[%shift_right_arithmetic3A_1664, %dma_start3A_1855, %multiple_of3A_1832] : memref<2x8x1000000xf32, #tpu.memory_space<hbm>> -> memref<1x8x128xf32, #tpu.memory_space<hbm>>
        %dma_start3A_1857 = tpu.memref_squeeze %dma_start3A_1856 : memref<1x8x128xf32, #tpu.memory_space<hbm>> -> memref<8x128xf32, #tpu.memory_space<hbm>>
        tpu.enqueue_dma source(%dma_start3A_1857 : memref<8x128xf32, #tpu.memory_space<hbm>>) target(%dma_start3A_1853 : memref<8x128xf32, #tpu.memory_space<vmem>>) target_semaphore(%dma_start3A_1849 : memref<!tpu.dma_semaphore, #tpu.memory_space<semaphore_mem>>)
        %dma_start3A_1858 = arith.constant 24 : i32
        %dma_start3A_1859 = arith.constant 0 : i32
        %dma_start3A_1860 = tpu.memref_slice %arg10[%and3A_1668, %dma_start3A_1858, %dma_start3A_1859] : memref<2x128x128xf32, #tpu.memory_space<vmem>> -> memref<1x8x128xf32, #tpu.memory_space<vmem>>
        %dma_start3A_1861 = tpu.memref_squeeze %dma_start3A_1860 : memref<1x8x128xf32, #tpu.memory_space<vmem>> -> memref<8x128xf32, #tpu.memory_space<vmem>>
        %dma_start3A_1862 = tpu.memref_reshape %arg5 : memref<16x1000000xf32, #tpu.memory_space<hbm>> -> memref<2x8x1000000xf32, #tpu.memory_space<hbm>>
        %dma_start3A_1863 = arith.constant 0 : i32
        %dma_start3A_1864 = tpu.memref_slice %dma_start3A_1862[%shift_right_arithmetic3A_1664, %dma_start3A_1863, %multiple_of3A_1839] : memref<2x8x1000000xf32, #tpu.memory_space<hbm>> -> memref<1x8x128xf32, #tpu.memory_space<hbm>>
        %dma_start3A_1865 = tpu.memref_squeeze %dma_start3A_1864 : memref<1x8x128xf32, #tpu.memory_space<hbm>> -> memref<8x128xf32, #tpu.memory_space<hbm>>
        %dma_start3A_1866 = tpu.memref_slice %arg12[%and3A_1668] : memref<2x!tpu.dma_semaphore, #tpu.memory_space<semaphore_mem>> -> memref<1x!tpu.dma_semaphore, #tpu.memory_space<semaphore_mem>>
        %dma_start3A_1867 = tpu.memref_squeeze %dma_start3A_1866 : memref<1x!tpu.dma_semaphore, #tpu.memory_space<semaphore_mem>> -> memref<!tpu.dma_semaphore, #tpu.memory_space<semaphore_mem>>
        %dma_start3A_1868 = arith.constant 24 : i32
        %dma_start3A_1869 = arith.constant 0 : i32
        %dma_start3A_1870 = tpu.memref_slice %arg10[%and3A_1668, %dma_start3A_1868, %dma_start3A_1869] : memref<2x128x128xf32, #tpu.memory_space<vmem>> -> memref<1x8x128xf32, #tpu.memory_space<vmem>>
        %dma_start3A_1871 = tpu.memref_squeeze %dma_start3A_1870 : memref<1x8x128xf32, #tpu.memory_space<vmem>> -> memref<8x128xf32, #tpu.memory_space<vmem>>
        %dma_start3A_1872 = tpu.memref_reshape %arg5 : memref<16x1000000xf32, #tpu.memory_space<hbm>> -> memref<2x8x1000000xf32, #tpu.memory_space<hbm>>
        %dma_start3A_1873 = arith.constant 0 : i32
        %dma_start3A_1874 = tpu.memref_slice %dma_start3A_1872[%shift_right_arithmetic3A_1664, %dma_start3A_1873, %multiple_of3A_1839] : memref<2x8x1000000xf32, #tpu.memory_space<hbm>> -> memref<1x8x128xf32, #tpu.memory_space<hbm>>
        %dma_start3A_1875 = tpu.memref_squeeze %dma_start3A_1874 : memref<1x8x128xf32, #tpu.memory_space<hbm>> -> memref<8x128xf32, #tpu.memory_space<hbm>>
        tpu.enqueue_dma source(%dma_start3A_1875 : memref<8x128xf32, #tpu.memory_space<hbm>>) target(%dma_start3A_1871 : memref<8x128xf32, #tpu.memory_space<vmem>>) target_semaphore(%dma_start3A_1867 : memref<!tpu.dma_semaphore, #tpu.memory_space<semaphore_mem>>)
        %slice3A_1876 = vector.extract_strided_slice %get3A_1673 {offsets = [4], sizes = [1], strides = [1]} : vector<16xi32> to vector<1xi32>
        %squeeze3A_1877 = vector.extract %slice3A_1876[0] : i32 from vector<1xi32>
        %shift_right_arithmetic3A_1878 = arith.constant 7 : i32
        %shift_right_arithmetic3A_1879 = arith.shrsi %squeeze3A_1877, %shift_right_arithmetic3A_1878 : i32
        %mul3A_1880 = arith.constant 128 : i32
        %mul3A_1881 = arith.muli %shift_right_arithmetic3A_1879, %mul3A_1880 : i32
        %multiple_of3A_1882 = tpu.assume_multiple %mul3A_1881, 128 : i32
        %slice3A_1883 = vector.extract_strided_slice %get3A_1675 {offsets = [4], sizes = [1], strides = [1]} : vector<16xi32> to vector<1xi32>
        %squeeze3A_1884 = vector.extract %slice3A_1883[0] : i32 from vector<1xi32>
        %shift_right_arithmetic3A_1885 = arith.constant 7 : i32
        %shift_right_arithmetic3A_1886 = arith.shrsi %squeeze3A_1884, %shift_right_arithmetic3A_1885 : i32
        %mul3A_1887 = arith.constant 128 : i32
        %mul3A_1888 = arith.muli %shift_right_arithmetic3A_1886, %mul3A_1887 : i32
        %multiple_of3A_1889 = tpu.assume_multiple %mul3A_1888, 128 : i32
        %dma_start3A_1890 = arith.constant 32 : i32
        %dma_start3A_1891 = arith.constant 0 : i32
        %dma_start3A_1892 = tpu.memref_slice %arg9[%and3A_1668, %dma_start3A_1890, %dma_start3A_1891] : memref<2x128x128xf32, #tpu.memory_space<vmem>> -> memref<1x8x128xf32, #tpu.memory_space<vmem>>
        %dma_start3A_1893 = tpu.memref_squeeze %dma_start3A_1892 : memref<1x8x128xf32, #tpu.memory_space<vmem>> -> memref<8x128xf32, #tpu.memory_space<vmem>>
        %dma_start3A_1894 = tpu.memref_reshape %arg4 : memref<16x1000000xf32, #tpu.memory_space<hbm>> -> memref<2x8x1000000xf32, #tpu.memory_space<hbm>>
        %dma_start3A_1895 = arith.constant 0 : i32
        %dma_start3A_1896 = tpu.memref_slice %dma_start3A_1894[%shift_right_arithmetic3A_1664, %dma_start3A_1895, %multiple_of3A_1882] : memref<2x8x1000000xf32, #tpu.memory_space<hbm>> -> memref<1x8x128xf32, #tpu.memory_space<hbm>>
        %dma_start3A_1897 = tpu.memref_squeeze %dma_start3A_1896 : memref<1x8x128xf32, #tpu.memory_space<hbm>> -> memref<8x128xf32, #tpu.memory_space<hbm>>
        %dma_start3A_1898 = tpu.memref_slice %arg12[%and3A_1668] : memref<2x!tpu.dma_semaphore, #tpu.memory_space<semaphore_mem>> -> memref<1x!tpu.dma_semaphore, #tpu.memory_space<semaphore_mem>>
        %dma_start3A_1899 = tpu.memref_squeeze %dma_start3A_1898 : memref<1x!tpu.dma_semaphore, #tpu.memory_space<semaphore_mem>> -> memref<!tpu.dma_semaphore, #tpu.memory_space<semaphore_mem>>
        %dma_start3A_1900 = arith.constant 32 : i32
        %dma_start3A_1901 = arith.constant 0 : i32
        %dma_start3A_1902 = tpu.memref_slice %arg9[%and3A_1668, %dma_start3A_1900, %dma_start3A_1901] : memref<2x128x128xf32, #tpu.memory_space<vmem>> -> memref<1x8x128xf32, #tpu.memory_space<vmem>>
        %dma_start3A_1903 = tpu.memref_squeeze %dma_start3A_1902 : memref<1x8x128xf32, #tpu.memory_space<vmem>> -> memref<8x128xf32, #tpu.memory_space<vmem>>
        %dma_start3A_1904 = tpu.memref_reshape %arg4 : memref<16x1000000xf32, #tpu.memory_space<hbm>> -> memref<2x8x1000000xf32, #tpu.memory_space<hbm>>
        %dma_start3A_1905 = arith.constant 0 : i32
        %dma_start3A_1906 = tpu.memref_slice %dma_start3A_1904[%shift_right_arithmetic3A_1664, %dma_start3A_1905, %multiple_of3A_1882] : memref<2x8x1000000xf32, #tpu.memory_space<hbm>> -> memref<1x8x128xf32, #tpu.memory_space<hbm>>
        %dma_start3A_1907 = tpu.memref_squeeze %dma_start3A_1906 : memref<1x8x128xf32, #tpu.memory_space<hbm>> -> memref<8x128xf32, #tpu.memory_space<hbm>>
        tpu.enqueue_dma source(%dma_start3A_1907 : memref<8x128xf32, #tpu.memory_space<hbm>>) target(%dma_start3A_1903 : memref<8x128xf32, #tpu.memory_space<vmem>>) target_semaphore(%dma_start3A_1899 : memref<!tpu.dma_semaphore, #tpu.memory_space<semaphore_mem>>)
        %dma_start3A_1908 = arith.constant 32 : i32
        %dma_start3A_1909 = arith.constant 0 : i32
        %dma_start3A_1910 = tpu.memref_slice %arg10[%and3A_1668, %dma_start3A_1908, %dma_start3A_1909] : memref<2x128x128xf32, #tpu.memory_space<vmem>> -> memref<1x8x128xf32, #tpu.memory_space<vmem>>
        %dma_start3A_1911 = tpu.memref_squeeze %dma_start3A_1910 : memref<1x8x128xf32, #tpu.memory_space<vmem>> -> memref<8x128xf32, #tpu.memory_space<vmem>>
        %dma_start3A_1912 = tpu.memref_reshape %arg5 : memref<16x1000000xf32, #tpu.memory_space<hbm>> -> memref<2x8x1000000xf32, #tpu.memory_space<hbm>>
        %dma_start3A_1913 = arith.constant 0 : i32
        %dma_start3A_1914 = tpu.memref_slice %dma_start3A_1912[%shift_right_arithmetic3A_1664, %dma_start3A_1913, %multiple_of3A_1889] : memref<2x8x1000000xf32, #tpu.memory_space<hbm>> -> memref<1x8x128xf32, #tpu.memory_space<hbm>>
        %dma_start3A_1915 = tpu.memref_squeeze %dma_start3A_1914 : memref<1x8x128xf32, #tpu.memory_space<hbm>> -> memref<8x128xf32, #tpu.memory_space<hbm>>
        %dma_start3A_1916 = tpu.memref_slice %arg12[%and3A_1668] : memref<2x!tpu.dma_semaphore, #tpu.memory_space<semaphore_mem>> -> memref<1x!tpu.dma_semaphore, #tpu.memory_space<semaphore_mem>>
        %dma_start3A_1917 = tpu.memref_squeeze %dma_start3A_1916 : memref<1x!tpu.dma_semaphore, #tpu.memory_space<semaphore_mem>> -> memref<!tpu.dma_semaphore, #tpu.memory_space<semaphore_mem>>
        %dma_start3A_1918 = arith.constant 32 : i32
        %dma_start3A_1919 = arith.constant 0 : i32
        %dma_start3A_1920 = tpu.memref_slice %arg10[%and3A_1668, %dma_start3A_1918, %dma_start3A_1919] : memref<2x128x128xf32, #tpu.memory_space<vmem>> -> memref<1x8x128xf32, #tpu.memory_space<vmem>>
        %dma_start3A_1921 = tpu.memref_squeeze %dma_start3A_1920 : memref<1x8x128xf32, #tpu.memory_space<vmem>> -> memref<8x128xf32, #tpu.memory_space<vmem>>
        %dma_start3A_1922 = tpu.memref_reshape %arg5 : memref<16x1000000xf32, #tpu.memory_space<hbm>> -> memref<2x8x1000000xf32, #tpu.memory_space<hbm>>
        %dma_start3A_1923 = arith.constant 0 : i32
        %dma_start3A_1924 = tpu.memref_slice %dma_start3A_1922[%shift_right_arithmetic3A_1664, %dma_start3A_1923, %multiple_of3A_1889] : memref<2x8x1000000xf32, #tpu.memory_space<hbm>> -> memref<1x8x128xf32, #tpu.memory_space<hbm>>
        %dma_start3A_1925 = tpu.memref_squeeze %dma_start3A_1924 : memref<1x8x128xf32, #tpu.memory_space<hbm>> -> memref<8x128xf32, #tpu.memory_space<hbm>>
        tpu.enqueue_dma source(%dma_start3A_1925 : memref<8x128xf32, #tpu.memory_space<hbm>>) target(%dma_start3A_1921 : memref<8x128xf32, #tpu.memory_space<vmem>>) target_semaphore(%dma_start3A_1917 : memref<!tpu.dma_semaphore, #tpu.memory_space<semaphore_mem>>)
        %slice3A_1926 = vector.extract_strided_slice %get3A_1673 {offsets = [5], sizes = [1], strides = [1]} : vector<16xi32> to vector<1xi32>
        %squeeze3A_1927 = vector.extract %slice3A_1926[0] : i32 from vector<1xi32>
        %shift_right_arithmetic3A_1928 = arith.constant 7 : i32
        %shift_right_arithmetic3A_1929 = arith.shrsi %squeeze3A_1927, %shift_right_arithmetic3A_1928 : i32
        %mul3A_1930 = arith.constant 128 : i32
        %mul3A_1931 = arith.muli %shift_right_arithmetic3A_1929, %mul3A_1930 : i32
        %multiple_of3A_1932 = tpu.assume_multiple %mul3A_1931, 128 : i32
        %slice3A_1933 = vector.extract_strided_slice %get3A_1675 {offsets = [5], sizes = [1], strides = [1]} : vector<16xi32> to vector<1xi32>
        %squeeze3A_1934 = vector.extract %slice3A_1933[0] : i32 from vector<1xi32>
        %shift_right_arithmetic3A_1935 = arith.constant 7 : i32
        %shift_right_arithmetic3A_1936 = arith.shrsi %squeeze3A_1934, %shift_right_arithmetic3A_1935 : i32
        %mul3A_1937 = arith.constant 128 : i32
        %mul3A_1938 = arith.muli %shift_right_arithmetic3A_1936, %mul3A_1937 : i32
        %multiple_of3A_1939 = tpu.assume_multiple %mul3A_1938, 128 : i32
        %dma_start3A_1940 = arith.constant 40 : i32
        %dma_start3A_1941 = arith.constant 0 : i32
        %dma_start3A_1942 = tpu.memref_slice %arg9[%and3A_1668, %dma_start3A_1940, %dma_start3A_1941] : memref<2x128x128xf32, #tpu.memory_space<vmem>> -> memref<1x8x128xf32, #tpu.memory_space<vmem>>
        %dma_start3A_1943 = tpu.memref_squeeze %dma_start3A_1942 : memref<1x8x128xf32, #tpu.memory_space<vmem>> -> memref<8x128xf32, #tpu.memory_space<vmem>>
        %dma_start3A_1944 = tpu.memref_reshape %arg4 : memref<16x1000000xf32, #tpu.memory_space<hbm>> -> memref<2x8x1000000xf32, #tpu.memory_space<hbm>>
        %dma_start3A_1945 = arith.constant 0 : i32
        %dma_start3A_1946 = tpu.memref_slice %dma_start3A_1944[%shift_right_arithmetic3A_1664, %dma_start3A_1945, %multiple_of3A_1932] : memref<2x8x1000000xf32, #tpu.memory_space<hbm>> -> memref<1x8x128xf32, #tpu.memory_space<hbm>>
        %dma_start3A_1947 = tpu.memref_squeeze %dma_start3A_1946 : memref<1x8x128xf32, #tpu.memory_space<hbm>> -> memref<8x128xf32, #tpu.memory_space<hbm>>
        %dma_start3A_1948 = tpu.memref_slice %arg12[%and3A_1668] : memref<2x!tpu.dma_semaphore, #tpu.memory_space<semaphore_mem>> -> memref<1x!tpu.dma_semaphore, #tpu.memory_space<semaphore_mem>>
        %dma_start3A_1949 = tpu.memref_squeeze %dma_start3A_1948 : memref<1x!tpu.dma_semaphore, #tpu.memory_space<semaphore_mem>> -> memref<!tpu.dma_semaphore, #tpu.memory_space<semaphore_mem>>
        %dma_start3A_1950 = arith.constant 40 : i32
        %dma_start3A_1951 = arith.constant 0 : i32
        %dma_start3A_1952 = tpu.memref_slice %arg9[%and3A_1668, %dma_start3A_1950, %dma_start3A_1951] : memref<2x128x128xf32, #tpu.memory_space<vmem>> -> memref<1x8x128xf32, #tpu.memory_space<vmem>>
        %dma_start3A_1953 = tpu.memref_squeeze %dma_start3A_1952 : memref<1x8x128xf32, #tpu.memory_space<vmem>> -> memref<8x128xf32, #tpu.memory_space<vmem>>
        %dma_start3A_1954 = tpu.memref_reshape %arg4 : memref<16x1000000xf32, #tpu.memory_space<hbm>> -> memref<2x8x1000000xf32, #tpu.memory_space<hbm>>
        %dma_start3A_1955 = arith.constant 0 : i32
        %dma_start3A_1956 = tpu.memref_slice %dma_start3A_1954[%shift_right_arithmetic3A_1664, %dma_start3A_1955, %multiple_of3A_1932] : memref<2x8x1000000xf32, #tpu.memory_space<hbm>> -> memref<1x8x128xf32, #tpu.memory_space<hbm>>
        %dma_start3A_1957 = tpu.memref_squeeze %dma_start3A_1956 : memref<1x8x128xf32, #tpu.memory_space<hbm>> -> memref<8x128xf32, #tpu.memory_space<hbm>>
        tpu.enqueue_dma source(%dma_start3A_1957 : memref<8x128xf32, #tpu.memory_space<hbm>>) target(%dma_start3A_1953 : memref<8x128xf32, #tpu.memory_space<vmem>>) target_semaphore(%dma_start3A_1949 : memref<!tpu.dma_semaphore, #tpu.memory_space<semaphore_mem>>)
        %dma_start3A_1958 = arith.constant 40 : i32
        %dma_start3A_1959 = arith.constant 0 : i32
        %dma_start3A_1960 = tpu.memref_slice %arg10[%and3A_1668, %dma_start3A_1958, %dma_start3A_1959] : memref<2x128x128xf32, #tpu.memory_space<vmem>> -> memref<1x8x128xf32, #tpu.memory_space<vmem>>
        %dma_start3A_1961 = tpu.memref_squeeze %dma_start3A_1960 : memref<1x8x128xf32, #tpu.memory_space<vmem>> -> memref<8x128xf32, #tpu.memory_space<vmem>>
        %dma_start3A_1962 = tpu.memref_reshape %arg5 : memref<16x1000000xf32, #tpu.memory_space<hbm>> -> memref<2x8x1000000xf32, #tpu.memory_space<hbm>>
        %dma_start3A_1963 = arith.constant 0 : i32
        %dma_start3A_1964 = tpu.memref_slice %dma_start3A_1962[%shift_right_arithmetic3A_1664, %dma_start3A_1963, %multiple_of3A_1939] : memref<2x8x1000000xf32, #tpu.memory_space<hbm>> -> memref<1x8x128xf32, #tpu.memory_space<hbm>>
        %dma_start3A_1965 = tpu.memref_squeeze %dma_start3A_1964 : memref<1x8x128xf32, #tpu.memory_space<hbm>> -> memref<8x128xf32, #tpu.memory_space<hbm>>
        %dma_start3A_1966 = tpu.memref_slice %arg12[%and3A_1668] : memref<2x!tpu.dma_semaphore, #tpu.memory_space<semaphore_mem>> -> memref<1x!tpu.dma_semaphore, #tpu.memory_space<semaphore_mem>>
        %dma_start3A_1967 = tpu.memref_squeeze %dma_start3A_1966 : memref<1x!tpu.dma_semaphore, #tpu.memory_space<semaphore_mem>> -> memref<!tpu.dma_semaphore, #tpu.memory_space<semaphore_mem>>
        %dma_start3A_1968 = arith.constant 40 : i32
        %dma_start3A_1969 = arith.constant 0 : i32
        %dma_start3A_1970 = tpu.memref_slice %arg10[%and3A_1668, %dma_start3A_1968, %dma_start3A_1969] : memref<2x128x128xf32, #tpu.memory_space<vmem>> -> memref<1x8x128xf32, #tpu.memory_space<vmem>>
        %dma_start3A_1971 = tpu.memref_squeeze %dma_start3A_1970 : memref<1x8x128xf32, #tpu.memory_space<vmem>> -> memref<8x128xf32, #tpu.memory_space<vmem>>
        %dma_start3A_1972 = tpu.memref_reshape %arg5 : memref<16x1000000xf32, #tpu.memory_space<hbm>> -> memref<2x8x1000000xf32, #tpu.memory_space<hbm>>
        %dma_start3A_1973 = arith.constant 0 : i32
        %dma_start3A_1974 = tpu.memref_slice %dma_start3A_1972[%shift_right_arithmetic3A_1664, %dma_start3A_1973, %multiple_of3A_1939] : memref<2x8x1000000xf32, #tpu.memory_space<hbm>> -> memref<1x8x128xf32, #tpu.memory_space<hbm>>
        %dma_start3A_1975 = tpu.memref_squeeze %dma_start3A_1974 : memref<1x8x128xf32, #tpu.memory_space<hbm>> -> memref<8x128xf32, #tpu.memory_space<hbm>>
        tpu.enqueue_dma source(%dma_start3A_1975 : memref<8x128xf32, #tpu.memory_space<hbm>>) target(%dma_start3A_1971 : memref<8x128xf32, #tpu.memory_space<vmem>>) target_semaphore(%dma_start3A_1967 : memref<!tpu.dma_semaphore, #tpu.memory_space<semaphore_mem>>)
        %slice3A_1976 = vector.extract_strided_slice %get3A_1673 {offsets = [6], sizes = [1], strides = [1]} : vector<16xi32> to vector<1xi32>
        %squeeze3A_1977 = vector.extract %slice3A_1976[0] : i32 from vector<1xi32>
        %shift_right_arithmetic3A_1978 = arith.constant 7 : i32
        %shift_right_arithmetic3A_1979 = arith.shrsi %squeeze3A_1977, %shift_right_arithmetic3A_1978 : i32
        %mul3A_1980 = arith.constant 128 : i32
        %mul3A_1981 = arith.muli %shift_right_arithmetic3A_1979, %mul3A_1980 : i32
        %multiple_of3A_1982 = tpu.assume_multiple %mul3A_1981, 128 : i32
        %slice3A_1983 = vector.extract_strided_slice %get3A_1675 {offsets = [6], sizes = [1], strides = [1]} : vector<16xi32> to vector<1xi32>
        %squeeze3A_1984 = vector.extract %slice3A_1983[0] : i32 from vector<1xi32>
        %shift_right_arithmetic3A_1985 = arith.constant 7 : i32
        %shift_right_arithmetic3A_1986 = arith.shrsi %squeeze3A_1984, %shift_right_arithmetic3A_1985 : i32
        %mul3A_1987 = arith.constant 128 : i32
        %mul3A_1988 = arith.muli %shift_right_arithmetic3A_1986, %mul3A_1987 : i32
        %multiple_of3A_1989 = tpu.assume_multiple %mul3A_1988, 128 : i32
        %dma_start3A_1990 = arith.constant 48 : i32
        %dma_start3A_1991 = arith.constant 0 : i32
        %dma_start3A_1992 = tpu.memref_slice %arg9[%and3A_1668, %dma_start3A_1990, %dma_start3A_1991] : memref<2x128x128xf32, #tpu.memory_space<vmem>> -> memref<1x8x128xf32, #tpu.memory_space<vmem>>
        %dma_start3A_1993 = tpu.memref_squeeze %dma_start3A_1992 : memref<1x8x128xf32, #tpu.memory_space<vmem>> -> memref<8x128xf32, #tpu.memory_space<vmem>>
        %dma_start3A_1994 = tpu.memref_reshape %arg4 : memref<16x1000000xf32, #tpu.memory_space<hbm>> -> memref<2x8x1000000xf32, #tpu.memory_space<hbm>>
        %dma_start3A_1995 = arith.constant 0 : i32
        %dma_start3A_1996 = tpu.memref_slice %dma_start3A_1994[%shift_right_arithmetic3A_1664, %dma_start3A_1995, %multiple_of3A_1982] : memref<2x8x1000000xf32, #tpu.memory_space<hbm>> -> memref<1x8x128xf32, #tpu.memory_space<hbm>>
        %dma_start3A_1997 = tpu.memref_squeeze %dma_start3A_1996 : memref<1x8x128xf32, #tpu.memory_space<hbm>> -> memref<8x128xf32, #tpu.memory_space<hbm>>
        %dma_start3A_1998 = tpu.memref_slice %arg12[%and3A_1668] : memref<2x!tpu.dma_semaphore, #tpu.memory_space<semaphore_mem>> -> memref<1x!tpu.dma_semaphore, #tpu.memory_space<semaphore_mem>>
        %dma_start3A_1999 = tpu.memref_squeeze %dma_start3A_1998 : memref<1x!tpu.dma_semaphore, #tpu.memory_space<semaphore_mem>> -> memref<!tpu.dma_semaphore, #tpu.memory_space<semaphore_mem>>
        %dma_start3A_2000 = arith.constant 48 : i32
        %dma_start3A_2001 = arith.constant 0 : i32
        %dma_start3A_2002 = tpu.memref_slice %arg9[%and3A_1668, %dma_start3A_2000, %dma_start3A_2001] : memref<2x128x128xf32, #tpu.memory_space<vmem>> -> memref<1x8x128xf32, #tpu.memory_space<vmem>>
        %dma_start3A_2003 = tpu.memref_squeeze %dma_start3A_2002 : memref<1x8x128xf32, #tpu.memory_space<vmem>> -> memref<8x128xf32, #tpu.memory_space<vmem>>
        %dma_start3A_2004 = tpu.memref_reshape %arg4 : memref<16x1000000xf32, #tpu.memory_space<hbm>> -> memref<2x8x1000000xf32, #tpu.memory_space<hbm>>
        %dma_start3A_2005 = arith.constant 0 : i32
        %dma_start3A_2006 = tpu.memref_slice %dma_start3A_2004[%shift_right_arithmetic3A_1664, %dma_start3A_2005, %multiple_of3A_1982] : memref<2x8x1000000xf32, #tpu.memory_space<hbm>> -> memref<1x8x128xf32, #tpu.memory_space<hbm>>
        %dma_start3A_2007 = tpu.memref_squeeze %dma_start3A_2006 : memref<1x8x128xf32, #tpu.memory_space<hbm>> -> memref<8x128xf32, #tpu.memory_space<hbm>>
        tpu.enqueue_dma source(%dma_start3A_2007 : memref<8x128xf32, #tpu.memory_space<hbm>>) target(%dma_start3A_2003 : memref<8x128xf32, #tpu.memory_space<vmem>>) target_semaphore(%dma_start3A_1999 : memref<!tpu.dma_semaphore, #tpu.memory_space<semaphore_mem>>)
        %dma_start3A_2008 = arith.constant 48 : i32
        %dma_start3A_2009 = arith.constant 0 : i32
        %dma_start3A_2010 = tpu.memref_slice %arg10[%and3A_1668, %dma_start3A_2008, %dma_start3A_2009] : memref<2x128x128xf32, #tpu.memory_space<vmem>> -> memref<1x8x128xf32, #tpu.memory_space<vmem>>
        %dma_start3A_2011 = tpu.memref_squeeze %dma_start3A_2010 : memref<1x8x128xf32, #tpu.memory_space<vmem>> -> memref<8x128xf32, #tpu.memory_space<vmem>>
        %dma_start3A_2012 = tpu.memref_reshape %arg5 : memref<16x1000000xf32, #tpu.memory_space<hbm>> -> memref<2x8x1000000xf32, #tpu.memory_space<hbm>>
        %dma_start3A_2013 = arith.constant 0 : i32
        %dma_start3A_2014 = tpu.memref_slice %dma_start3A_2012[%shift_right_arithmetic3A_1664, %dma_start3A_2013, %multiple_of3A_1989] : memref<2x8x1000000xf32, #tpu.memory_space<hbm>> -> memref<1x8x128xf32, #tpu.memory_space<hbm>>
        %dma_start3A_2015 = tpu.memref_squeeze %dma_start3A_2014 : memref<1x8x128xf32, #tpu.memory_space<hbm>> -> memref<8x128xf32, #tpu.memory_space<hbm>>
        %dma_start3A_2016 = tpu.memref_slice %arg12[%and3A_1668] : memref<2x!tpu.dma_semaphore, #tpu.memory_space<semaphore_mem>> -> memref<1x!tpu.dma_semaphore, #tpu.memory_space<semaphore_mem>>
        %dma_start3A_2017 = tpu.memref_squeeze %dma_start3A_2016 : memref<1x!tpu.dma_semaphore, #tpu.memory_space<semaphore_mem>> -> memref<!tpu.dma_semaphore, #tpu.memory_space<semaphore_mem>>
        %dma_start3A_2018 = arith.constant 48 : i32
        %dma_start3A_2019 = arith.constant 0 : i32
        %dma_start3A_2020 = tpu.memref_slice %arg10[%and3A_1668, %dma_start3A_2018, %dma_start3A_2019] : memref<2x128x128xf32, #tpu.memory_space<vmem>> -> memref<1x8x128xf32, #tpu.memory_space<vmem>>
        %dma_start3A_2021 = tpu.memref_squeeze %dma_start3A_2020 : memref<1x8x128xf32, #tpu.memory_space<vmem>> -> memref<8x128xf32, #tpu.memory_space<vmem>>
        %dma_start3A_2022 = tpu.memref_reshape %arg5 : memref<16x1000000xf32, #tpu.memory_space<hbm>> -> memref<2x8x1000000xf32, #tpu.memory_space<hbm>>
        %dma_start3A_2023 = arith.constant 0 : i32
        %dma_start3A_2024 = tpu.memref_slice %dma_start3A_2022[%shift_right_arithmetic3A_1664, %dma_start3A_2023, %multiple_of3A_1989] : memref<2x8x1000000xf32, #tpu.memory_space<hbm>> -> memref<1x8x128xf32, #tpu.memory_space<hbm>>
        %dma_start3A_2025 = tpu.memref_squeeze %dma_start3A_2024 : memref<1x8x128xf32, #tpu.memory_space<hbm>> -> memref<8x128xf32, #tpu.memory_space<hbm>>
        tpu.enqueue_dma source(%dma_start3A_2025 : memref<8x128xf32, #tpu.memory_space<hbm>>) target(%dma_start3A_2021 : memref<8x128xf32, #tpu.memory_space<vmem>>) target_semaphore(%dma_start3A_2017 : memref<!tpu.dma_semaphore, #tpu.memory_space<semaphore_mem>>)
        %slice3A_2026 = vector.extract_strided_slice %get3A_1673 {offsets = [7], sizes = [1], strides = [1]} : vector<16xi32> to vector<1xi32>
        %squeeze3A_2027 = vector.extract %slice3A_2026[0] : i32 from vector<1xi32>
        %shift_right_arithmetic3A_2028 = arith.constant 7 : i32
        %shift_right_arithmetic3A_2029 = arith.shrsi %squeeze3A_2027, %shift_right_arithmetic3A_2028 : i32
        %mul3A_2030 = arith.constant 128 : i32
        %mul3A_2031 = arith.muli %shift_right_arithmetic3A_2029, %mul3A_2030 : i32
        %multiple_of3A_2032 = tpu.assume_multiple %mul3A_2031, 128 : i32
        %slice3A_2033 = vector.extract_strided_slice %get3A_1675 {offsets = [7], sizes = [1], strides = [1]} : vector<16xi32> to vector<1xi32>
        %squeeze3A_2034 = vector.extract %slice3A_2033[0] : i32 from vector<1xi32>
        %shift_right_arithmetic3A_2035 = arith.constant 7 : i32
        %shift_right_arithmetic3A_2036 = arith.shrsi %squeeze3A_2034, %shift_right_arithmetic3A_2035 : i32
        %mul3A_2037 = arith.constant 128 : i32
        %mul3A_2038 = arith.muli %shift_right_arithmetic3A_2036, %mul3A_2037 : i32
        %multiple_of3A_2039 = tpu.assume_multiple %mul3A_2038, 128 : i32
        %dma_start3A_2040 = arith.constant 56 : i32
        %dma_start3A_2041 = arith.constant 0 : i32
        %dma_start3A_2042 = tpu.memref_slice %arg9[%and3A_1668, %dma_start3A_2040, %dma_start3A_2041] : memref<2x128x128xf32, #tpu.memory_space<vmem>> -> memref<1x8x128xf32, #tpu.memory_space<vmem>>
        %dma_start3A_2043 = tpu.memref_squeeze %dma_start3A_2042 : memref<1x8x128xf32, #tpu.memory_space<vmem>> -> memref<8x128xf32, #tpu.memory_space<vmem>>
        %dma_start3A_2044 = tpu.memref_reshape %arg4 : memref<16x1000000xf32, #tpu.memory_space<hbm>> -> memref<2x8x1000000xf32, #tpu.memory_space<hbm>>
        %dma_start3A_2045 = arith.constant 0 : i32
        %dma_start3A_2046 = tpu.memref_slice %dma_start3A_2044[%shift_right_arithmetic3A_1664, %dma_start3A_2045, %multiple_of3A_2032] : memref<2x8x1000000xf32, #tpu.memory_space<hbm>> -> memref<1x8x128xf32, #tpu.memory_space<hbm>>
        %dma_start3A_2047 = tpu.memref_squeeze %dma_start3A_2046 : memref<1x8x128xf32, #tpu.memory_space<hbm>> -> memref<8x128xf32, #tpu.memory_space<hbm>>
        %dma_start3A_2048 = tpu.memref_slice %arg12[%and3A_1668] : memref<2x!tpu.dma_semaphore, #tpu.memory_space<semaphore_mem>> -> memref<1x!tpu.dma_semaphore, #tpu.memory_space<semaphore_mem>>
        %dma_start3A_2049 = tpu.memref_squeeze %dma_start3A_2048 : memref<1x!tpu.dma_semaphore, #tpu.memory_space<semaphore_mem>> -> memref<!tpu.dma_semaphore, #tpu.memory_space<semaphore_mem>>
        %dma_start3A_2050 = arith.constant 56 : i32
        %dma_start3A_2051 = arith.constant 0 : i32
        %dma_start3A_2052 = tpu.memref_slice %arg9[%and3A_1668, %dma_start3A_2050, %dma_start3A_2051] : memref<2x128x128xf32, #tpu.memory_space<vmem>> -> memref<1x8x128xf32, #tpu.memory_space<vmem>>
        %dma_start3A_2053 = tpu.memref_squeeze %dma_start3A_2052 : memref<1x8x128xf32, #tpu.memory_space<vmem>> -> memref<8x128xf32, #tpu.memory_space<vmem>>
        %dma_start3A_2054 = tpu.memref_reshape %arg4 : memref<16x1000000xf32, #tpu.memory_space<hbm>> -> memref<2x8x1000000xf32, #tpu.memory_space<hbm>>
        %dma_start3A_2055 = arith.constant 0 : i32
        %dma_start3A_2056 = tpu.memref_slice %dma_start3A_2054[%shift_right_arithmetic3A_1664, %dma_start3A_2055, %multiple_of3A_2032] : memref<2x8x1000000xf32, #tpu.memory_space<hbm>> -> memref<1x8x128xf32, #tpu.memory_space<hbm>>
        %dma_start3A_2057 = tpu.memref_squeeze %dma_start3A_2056 : memref<1x8x128xf32, #tpu.memory_space<hbm>> -> memref<8x128xf32, #tpu.memory_space<hbm>>
        tpu.enqueue_dma source(%dma_start3A_2057 : memref<8x128xf32, #tpu.memory_space<hbm>>) target(%dma_start3A_2053 : memref<8x128xf32, #tpu.memory_space<vmem>>) target_semaphore(%dma_start3A_2049 : memref<!tpu.dma_semaphore, #tpu.memory_space<semaphore_mem>>)
        %dma_start3A_2058 = arith.constant 56 : i32
        %dma_start3A_2059 = arith.constant 0 : i32
        %dma_start3A_2060 = tpu.memref_slice %arg10[%and3A_1668, %dma_start3A_2058, %dma_start3A_2059] : memref<2x128x128xf32, #tpu.memory_space<vmem>> -> memref<1x8x128xf32, #tpu.memory_space<vmem>>
        %dma_start3A_2061 = tpu.memref_squeeze %dma_start3A_2060 : memref<1x8x128xf32, #tpu.memory_space<vmem>> -> memref<8x128xf32, #tpu.memory_space<vmem>>
        %dma_start3A_2062 = tpu.memref_reshape %arg5 : memref<16x1000000xf32, #tpu.memory_space<hbm>> -> memref<2x8x1000000xf32, #tpu.memory_space<hbm>>
        %dma_start3A_2063 = arith.constant 0 : i32
        %dma_start3A_2064 = tpu.memref_slice %dma_start3A_2062[%shift_right_arithmetic3A_1664, %dma_start3A_2063, %multiple_of3A_2039] : memref<2x8x1000000xf32, #tpu.memory_space<hbm>> -> memref<1x8x128xf32, #tpu.memory_space<hbm>>
        %dma_start3A_2065 = tpu.memref_squeeze %dma_start3A_2064 : memref<1x8x128xf32, #tpu.memory_space<hbm>> -> memref<8x128xf32, #tpu.memory_space<hbm>>
        %dma_start3A_2066 = tpu.memref_slice %arg12[%and3A_1668] : memref<2x!tpu.dma_semaphore, #tpu.memory_space<semaphore_mem>> -> memref<1x!tpu.dma_semaphore, #tpu.memory_space<semaphore_mem>>
        %dma_start3A_2067 = tpu.memref_squeeze %dma_start3A_2066 : memref<1x!tpu.dma_semaphore, #tpu.memory_space<semaphore_mem>> -> memref<!tpu.dma_semaphore, #tpu.memory_space<semaphore_mem>>
        %dma_start3A_2068 = arith.constant 56 : i32
        %dma_start3A_2069 = arith.constant 0 : i32
        %dma_start3A_2070 = tpu.memref_slice %arg10[%and3A_1668, %dma_start3A_2068, %dma_start3A_2069] : memref<2x128x128xf32, #tpu.memory_space<vmem>> -> memref<1x8x128xf32, #tpu.memory_space<vmem>>
        %dma_start3A_2071 = tpu.memref_squeeze %dma_start3A_2070 : memref<1x8x128xf32, #tpu.memory_space<vmem>> -> memref<8x128xf32, #tpu.memory_space<vmem>>
        %dma_start3A_2072 = tpu.memref_reshape %arg5 : memref<16x1000000xf32, #tpu.memory_space<hbm>> -> memref<2x8x1000000xf32, #tpu.memory_space<hbm>>
        %dma_start3A_2073 = arith.constant 0 : i32
        %dma_start3A_2074 = tpu.memref_slice %dma_start3A_2072[%shift_right_arithmetic3A_1664, %dma_start3A_2073, %multiple_of3A_2039] : memref<2x8x1000000xf32, #tpu.memory_space<hbm>> -> memref<1x8x128xf32, #tpu.memory_space<hbm>>
        %dma_start3A_2075 = tpu.memref_squeeze %dma_start3A_2074 : memref<1x8x128xf32, #tpu.memory_space<hbm>> -> memref<8x128xf32, #tpu.memory_space<hbm>>
        tpu.enqueue_dma source(%dma_start3A_2075 : memref<8x128xf32, #tpu.memory_space<hbm>>) target(%dma_start3A_2071 : memref<8x128xf32, #tpu.memory_space<vmem>>) target_semaphore(%dma_start3A_2067 : memref<!tpu.dma_semaphore, #tpu.memory_space<semaphore_mem>>)
        %slice3A_2076 = vector.extract_strided_slice %get3A_1673 {offsets = [8], sizes = [1], strides = [1]} : vector<16xi32> to vector<1xi32>
        %squeeze3A_2077 = vector.extract %slice3A_2076[0] : i32 from vector<1xi32>
        %shift_right_arithmetic3A_2078 = arith.constant 7 : i32
        %shift_right_arithmetic3A_2079 = arith.shrsi %squeeze3A_2077, %shift_right_arithmetic3A_2078 : i32
        %mul3A_2080 = arith.constant 128 : i32
        %mul3A_2081 = arith.muli %shift_right_arithmetic3A_2079, %mul3A_2080 : i32
        %multiple_of3A_2082 = tpu.assume_multiple %mul3A_2081, 128 : i32
        %slice3A_2083 = vector.extract_strided_slice %get3A_1675 {offsets = [8], sizes = [1], strides = [1]} : vector<16xi32> to vector<1xi32>
        %squeeze3A_2084 = vector.extract %slice3A_2083[0] : i32 from vector<1xi32>
        %shift_right_arithmetic3A_2085 = arith.constant 7 : i32
        %shift_right_arithmetic3A_2086 = arith.shrsi %squeeze3A_2084, %shift_right_arithmetic3A_2085 : i32
        %mul3A_2087 = arith.constant 128 : i32
        %mul3A_2088 = arith.muli %shift_right_arithmetic3A_2086, %mul3A_2087 : i32
        %multiple_of3A_2089 = tpu.assume_multiple %mul3A_2088, 128 : i32
        %dma_start3A_2090 = arith.constant 64 : i32
        %dma_start3A_2091 = arith.constant 0 : i32
        %dma_start3A_2092 = tpu.memref_slice %arg9[%and3A_1668, %dma_start3A_2090, %dma_start3A_2091] : memref<2x128x128xf32, #tpu.memory_space<vmem>> -> memref<1x8x128xf32, #tpu.memory_space<vmem>>
        %dma_start3A_2093 = tpu.memref_squeeze %dma_start3A_2092 : memref<1x8x128xf32, #tpu.memory_space<vmem>> -> memref<8x128xf32, #tpu.memory_space<vmem>>
        %dma_start3A_2094 = tpu.memref_reshape %arg4 : memref<16x1000000xf32, #tpu.memory_space<hbm>> -> memref<2x8x1000000xf32, #tpu.memory_space<hbm>>
        %dma_start3A_2095 = arith.constant 0 : i32
        %dma_start3A_2096 = tpu.memref_slice %dma_start3A_2094[%shift_right_arithmetic3A_1664, %dma_start3A_2095, %multiple_of3A_2082] : memref<2x8x1000000xf32, #tpu.memory_space<hbm>> -> memref<1x8x128xf32, #tpu.memory_space<hbm>>
        %dma_start3A_2097 = tpu.memref_squeeze %dma_start3A_2096 : memref<1x8x128xf32, #tpu.memory_space<hbm>> -> memref<8x128xf32, #tpu.memory_space<hbm>>
        %dma_start3A_2098 = tpu.memref_slice %arg12[%and3A_1668] : memref<2x!tpu.dma_semaphore, #tpu.memory_space<semaphore_mem>> -> memref<1x!tpu.dma_semaphore, #tpu.memory_space<semaphore_mem>>
        %dma_start3A_2099 = tpu.memref_squeeze %dma_start3A_2098 : memref<1x!tpu.dma_semaphore, #tpu.memory_space<semaphore_mem>> -> memref<!tpu.dma_semaphore, #tpu.memory_space<semaphore_mem>>
        %dma_start3A_2100 = arith.constant 64 : i32
        %dma_start3A_2101 = arith.constant 0 : i32
        %dma_start3A_2102 = tpu.memref_slice %arg9[%and3A_1668, %dma_start3A_2100, %dma_start3A_2101] : memref<2x128x128xf32, #tpu.memory_space<vmem>> -> memref<1x8x128xf32, #tpu.memory_space<vmem>>
        %dma_start3A_2103 = tpu.memref_squeeze %dma_start3A_2102 : memref<1x8x128xf32, #tpu.memory_space<vmem>> -> memref<8x128xf32, #tpu.memory_space<vmem>>
        %dma_start3A_2104 = tpu.memref_reshape %arg4 : memref<16x1000000xf32, #tpu.memory_space<hbm>> -> memref<2x8x1000000xf32, #tpu.memory_space<hbm>>
        %dma_start3A_2105 = arith.constant 0 : i32
        %dma_start3A_2106 = tpu.memref_slice %dma_start3A_2104[%shift_right_arithmetic3A_1664, %dma_start3A_2105, %multiple_of3A_2082] : memref<2x8x1000000xf32, #tpu.memory_space<hbm>> -> memref<1x8x128xf32, #tpu.memory_space<hbm>>
        %dma_start3A_2107 = tpu.memref_squeeze %dma_start3A_2106 : memref<1x8x128xf32, #tpu.memory_space<hbm>> -> memref<8x128xf32, #tpu.memory_space<hbm>>
        tpu.enqueue_dma source(%dma_start3A_2107 : memref<8x128xf32, #tpu.memory_space<hbm>>) target(%dma_start3A_2103 : memref<8x128xf32, #tpu.memory_space<vmem>>) target_semaphore(%dma_start3A_2099 : memref<!tpu.dma_semaphore, #tpu.memory_space<semaphore_mem>>)
        %dma_start3A_2108 = arith.constant 64 : i32
        %dma_start3A_2109 = arith.constant 0 : i32
        %dma_start3A_2110 = tpu.memref_slice %arg10[%and3A_1668, %dma_start3A_2108, %dma_start3A_2109] : memref<2x128x128xf32, #tpu.memory_space<vmem>> -> memref<1x8x128xf32, #tpu.memory_space<vmem>>
        %dma_start3A_2111 = tpu.memref_squeeze %dma_start3A_2110 : memref<1x8x128xf32, #tpu.memory_space<vmem>> -> memref<8x128xf32, #tpu.memory_space<vmem>>
        %dma_start3A_2112 = tpu.memref_reshape %arg5 : memref<16x1000000xf32, #tpu.memory_space<hbm>> -> memref<2x8x1000000xf32, #tpu.memory_space<hbm>>
        %dma_start3A_2113 = arith.constant 0 : i32
        %dma_start3A_2114 = tpu.memref_slice %dma_start3A_2112[%shift_right_arithmetic3A_1664, %dma_start3A_2113, %multiple_of3A_2089] : memref<2x8x1000000xf32, #tpu.memory_space<hbm>> -> memref<1x8x128xf32, #tpu.memory_space<hbm>>
        %dma_start3A_2115 = tpu.memref_squeeze %dma_start3A_2114 : memref<1x8x128xf32, #tpu.memory_space<hbm>> -> memref<8x128xf32, #tpu.memory_space<hbm>>
        %dma_start3A_2116 = tpu.memref_slice %arg12[%and3A_1668] : memref<2x!tpu.dma_semaphore, #tpu.memory_space<semaphore_mem>> -> memref<1x!tpu.dma_semaphore, #tpu.memory_space<semaphore_mem>>
        %dma_start3A_2117 = tpu.memref_squeeze %dma_start3A_2116 : memref<1x!tpu.dma_semaphore, #tpu.memory_space<semaphore_mem>> -> memref<!tpu.dma_semaphore, #tpu.memory_space<semaphore_mem>>
        %dma_start3A_2118 = arith.constant 64 : i32
        %dma_start3A_2119 = arith.constant 0 : i32
        %dma_start3A_2120 = tpu.memref_slice %arg10[%and3A_1668, %dma_start3A_2118, %dma_start3A_2119] : memref<2x128x128xf32, #tpu.memory_space<vmem>> -> memref<1x8x128xf32, #tpu.memory_space<vmem>>
        %dma_start3A_2121 = tpu.memref_squeeze %dma_start3A_2120 : memref<1x8x128xf32, #tpu.memory_space<vmem>> -> memref<8x128xf32, #tpu.memory_space<vmem>>
        %dma_start3A_2122 = tpu.memref_reshape %arg5 : memref<16x1000000xf32, #tpu.memory_space<hbm>> -> memref<2x8x1000000xf32, #tpu.memory_space<hbm>>
        %dma_start3A_2123 = arith.constant 0 : i32
        %dma_start3A_2124 = tpu.memref_slice %dma_start3A_2122[%shift_right_arithmetic3A_1664, %dma_start3A_2123, %multiple_of3A_2089] : memref<2x8x1000000xf32, #tpu.memory_space<hbm>> -> memref<1x8x128xf32, #tpu.memory_space<hbm>>
        %dma_start3A_2125 = tpu.memref_squeeze %dma_start3A_2124 : memref<1x8x128xf32, #tpu.memory_space<hbm>> -> memref<8x128xf32, #tpu.memory_space<hbm>>
        tpu.enqueue_dma source(%dma_start3A_2125 : memref<8x128xf32, #tpu.memory_space<hbm>>) target(%dma_start3A_2121 : memref<8x128xf32, #tpu.memory_space<vmem>>) target_semaphore(%dma_start3A_2117 : memref<!tpu.dma_semaphore, #tpu.memory_space<semaphore_mem>>)
        %slice3A_2126 = vector.extract_strided_slice %get3A_1673 {offsets = [9], sizes = [1], strides = [1]} : vector<16xi32> to vector<1xi32>
        %squeeze3A_2127 = vector.extract %slice3A_2126[0] : i32 from vector<1xi32>
        %shift_right_arithmetic3A_2128 = arith.constant 7 : i32
        %shift_right_arithmetic3A_2129 = arith.shrsi %squeeze3A_2127, %shift_right_arithmetic3A_2128 : i32
        %mul3A_2130 = arith.constant 128 : i32
        %mul3A_2131 = arith.muli %shift_right_arithmetic3A_2129, %mul3A_2130 : i32
        %multiple_of3A_2132 = tpu.assume_multiple %mul3A_2131, 128 : i32
        %slice3A_2133 = vector.extract_strided_slice %get3A_1675 {offsets = [9], sizes = [1], strides = [1]} : vector<16xi32> to vector<1xi32>
        %squeeze3A_2134 = vector.extract %slice3A_2133[0] : i32 from vector<1xi32>
        %shift_right_arithmetic3A_2135 = arith.constant 7 : i32
        %shift_right_arithmetic3A_2136 = arith.shrsi %squeeze3A_2134, %shift_right_arithmetic3A_2135 : i32
        %mul3A_2137 = arith.constant 128 : i32
        %mul3A_2138 = arith.muli %shift_right_arithmetic3A_2136, %mul3A_2137 : i32
        %multiple_of3A_2139 = tpu.assume_multiple %mul3A_2138, 128 : i32
        %dma_start3A_2140 = arith.constant 72 : i32
        %dma_start3A_2141 = arith.constant 0 : i32
        %dma_start3A_2142 = tpu.memref_slice %arg9[%and3A_1668, %dma_start3A_2140, %dma_start3A_2141] : memref<2x128x128xf32, #tpu.memory_space<vmem>> -> memref<1x8x128xf32, #tpu.memory_space<vmem>>
        %dma_start3A_2143 = tpu.memref_squeeze %dma_start3A_2142 : memref<1x8x128xf32, #tpu.memory_space<vmem>> -> memref<8x128xf32, #tpu.memory_space<vmem>>
        %dma_start3A_2144 = tpu.memref_reshape %arg4 : memref<16x1000000xf32, #tpu.memory_space<hbm>> -> memref<2x8x1000000xf32, #tpu.memory_space<hbm>>
        %dma_start3A_2145 = arith.constant 0 : i32
        %dma_start3A_2146 = tpu.memref_slice %dma_start3A_2144[%shift_right_arithmetic3A_1664, %dma_start3A_2145, %multiple_of3A_2132] : memref<2x8x1000000xf32, #tpu.memory_space<hbm>> -> memref<1x8x128xf32, #tpu.memory_space<hbm>>
        %dma_start3A_2147 = tpu.memref_squeeze %dma_start3A_2146 : memref<1x8x128xf32, #tpu.memory_space<hbm>> -> memref<8x128xf32, #tpu.memory_space<hbm>>
        %dma_start3A_2148 = tpu.memref_slice %arg12[%and3A_1668] : memref<2x!tpu.dma_semaphore, #tpu.memory_space<semaphore_mem>> -> memref<1x!tpu.dma_semaphore, #tpu.memory_space<semaphore_mem>>
        %dma_start3A_2149 = tpu.memref_squeeze %dma_start3A_2148 : memref<1x!tpu.dma_semaphore, #tpu.memory_space<semaphore_mem>> -> memref<!tpu.dma_semaphore, #tpu.memory_space<semaphore_mem>>
        %dma_start3A_2150 = arith.constant 72 : i32
        %dma_start3A_2151 = arith.constant 0 : i32
        %dma_start3A_2152 = tpu.memref_slice %arg9[%and3A_1668, %dma_start3A_2150, %dma_start3A_2151] : memref<2x128x128xf32, #tpu.memory_space<vmem>> -> memref<1x8x128xf32, #tpu.memory_space<vmem>>
        %dma_start3A_2153 = tpu.memref_squeeze %dma_start3A_2152 : memref<1x8x128xf32, #tpu.memory_space<vmem>> -> memref<8x128xf32, #tpu.memory_space<vmem>>
        %dma_start3A_2154 = tpu.memref_reshape %arg4 : memref<16x1000000xf32, #tpu.memory_space<hbm>> -> memref<2x8x1000000xf32, #tpu.memory_space<hbm>>
        %dma_start3A_2155 = arith.constant 0 : i32
        %dma_start3A_2156 = tpu.memref_slice %dma_start3A_2154[%shift_right_arithmetic3A_1664, %dma_start3A_2155, %multiple_of3A_2132] : memref<2x8x1000000xf32, #tpu.memory_space<hbm>> -> memref<1x8x128xf32, #tpu.memory_space<hbm>>
        %dma_start3A_2157 = tpu.memref_squeeze %dma_start3A_2156 : memref<1x8x128xf32, #tpu.memory_space<hbm>> -> memref<8x128xf32, #tpu.memory_space<hbm>>
        tpu.enqueue_dma source(%dma_start3A_2157 : memref<8x128xf32, #tpu.memory_space<hbm>>) target(%dma_start3A_2153 : memref<8x128xf32, #tpu.memory_space<vmem>>) target_semaphore(%dma_start3A_2149 : memref<!tpu.dma_semaphore, #tpu.memory_space<semaphore_mem>>)
        %dma_start3A_2158 = arith.constant 72 : i32
        %dma_start3A_2159 = arith.constant 0 : i32
        %dma_start3A_2160 = tpu.memref_slice %arg10[%and3A_1668, %dma_start3A_2158, %dma_start3A_2159] : memref<2x128x128xf32, #tpu.memory_space<vmem>> -> memref<1x8x128xf32, #tpu.memory_space<vmem>>
        %dma_start3A_2161 = tpu.memref_squeeze %dma_start3A_2160 : memref<1x8x128xf32, #tpu.memory_space<vmem>> -> memref<8x128xf32, #tpu.memory_space<vmem>>
        %dma_start3A_2162 = tpu.memref_reshape %arg5 : memref<16x1000000xf32, #tpu.memory_space<hbm>> -> memref<2x8x1000000xf32, #tpu.memory_space<hbm>>
        %dma_start3A_2163 = arith.constant 0 : i32
        %dma_start3A_2164 = tpu.memref_slice %dma_start3A_2162[%shift_right_arithmetic3A_1664, %dma_start3A_2163, %multiple_of3A_2139] : memref<2x8x1000000xf32, #tpu.memory_space<hbm>> -> memref<1x8x128xf32, #tpu.memory_space<hbm>>
        %dma_start3A_2165 = tpu.memref_squeeze %dma_start3A_2164 : memref<1x8x128xf32, #tpu.memory_space<hbm>> -> memref<8x128xf32, #tpu.memory_space<hbm>>
        %dma_start3A_2166 = tpu.memref_slice %arg12[%and3A_1668] : memref<2x!tpu.dma_semaphore, #tpu.memory_space<semaphore_mem>> -> memref<1x!tpu.dma_semaphore, #tpu.memory_space<semaphore_mem>>
        %dma_start3A_2167 = tpu.memref_squeeze %dma_start3A_2166 : memref<1x!tpu.dma_semaphore, #tpu.memory_space<semaphore_mem>> -> memref<!tpu.dma_semaphore, #tpu.memory_space<semaphore_mem>>
        %dma_start3A_2168 = arith.constant 72 : i32
        %dma_start3A_2169 = arith.constant 0 : i32
        %dma_start3A_2170 = tpu.memref_slice %arg10[%and3A_1668, %dma_start3A_2168, %dma_start3A_2169] : memref<2x128x128xf32, #tpu.memory_space<vmem>> -> memref<1x8x128xf32, #tpu.memory_space<vmem>>
        %dma_start3A_2171 = tpu.memref_squeeze %dma_start3A_2170 : memref<1x8x128xf32, #tpu.memory_space<vmem>> -> memref<8x128xf32, #tpu.memory_space<vmem>>
        %dma_start3A_2172 = tpu.memref_reshape %arg5 : memref<16x1000000xf32, #tpu.memory_space<hbm>> -> memref<2x8x1000000xf32, #tpu.memory_space<hbm>>
        %dma_start3A_2173 = arith.constant 0 : i32
        %dma_start3A_2174 = tpu.memref_slice %dma_start3A_2172[%shift_right_arithmetic3A_1664, %dma_start3A_2173, %multiple_of3A_2139] : memref<2x8x1000000xf32, #tpu.memory_space<hbm>> -> memref<1x8x128xf32, #tpu.memory_space<hbm>>
        %dma_start3A_2175 = tpu.memref_squeeze %dma_start3A_2174 : memref<1x8x128xf32, #tpu.memory_space<hbm>> -> memref<8x128xf32, #tpu.memory_space<hbm>>
        tpu.enqueue_dma source(%dma_start3A_2175 : memref<8x128xf32, #tpu.memory_space<hbm>>) target(%dma_start3A_2171 : memref<8x128xf32, #tpu.memory_space<vmem>>) target_semaphore(%dma_start3A_2167 : memref<!tpu.dma_semaphore, #tpu.memory_space<semaphore_mem>>)
        %slice3A_2176 = vector.extract_strided_slice %get3A_1673 {offsets = [10], sizes = [1], strides = [1]} : vector<16xi32> to vector<1xi32>
        %squeeze3A_2177 = vector.extract %slice3A_2176[0] : i32 from vector<1xi32>
        %shift_right_arithmetic3A_2178 = arith.constant 7 : i32
        %shift_right_arithmetic3A_2179 = arith.shrsi %squeeze3A_2177, %shift_right_arithmetic3A_2178 : i32
        %mul3A_2180 = arith.constant 128 : i32
        %mul3A_2181 = arith.muli %shift_right_arithmetic3A_2179, %mul3A_2180 : i32
        %multiple_of3A_2182 = tpu.assume_multiple %mul3A_2181, 128 : i32
        %slice3A_2183 = vector.extract_strided_slice %get3A_1675 {offsets = [10], sizes = [1], strides = [1]} : vector<16xi32> to vector<1xi32>
        %squeeze3A_2184 = vector.extract %slice3A_2183[0] : i32 from vector<1xi32>
        %shift_right_arithmetic3A_2185 = arith.constant 7 : i32
        %shift_right_arithmetic3A_2186 = arith.shrsi %squeeze3A_2184, %shift_right_arithmetic3A_2185 : i32
        %mul3A_2187 = arith.constant 128 : i32
        %mul3A_2188 = arith.muli %shift_right_arithmetic3A_2186, %mul3A_2187 : i32
        %multiple_of3A_2189 = tpu.assume_multiple %mul3A_2188, 128 : i32
        %dma_start3A_2190 = arith.constant 80 : i32
        %dma_start3A_2191 = arith.constant 0 : i32
        %dma_start3A_2192 = tpu.memref_slice %arg9[%and3A_1668, %dma_start3A_2190, %dma_start3A_2191] : memref<2x128x128xf32, #tpu.memory_space<vmem>> -> memref<1x8x128xf32, #tpu.memory_space<vmem>>
        %dma_start3A_2193 = tpu.memref_squeeze %dma_start3A_2192 : memref<1x8x128xf32, #tpu.memory_space<vmem>> -> memref<8x128xf32, #tpu.memory_space<vmem>>
        %dma_start3A_2194 = tpu.memref_reshape %arg4 : memref<16x1000000xf32, #tpu.memory_space<hbm>> -> memref<2x8x1000000xf32, #tpu.memory_space<hbm>>
        %dma_start3A_2195 = arith.constant 0 : i32
        %dma_start3A_2196 = tpu.memref_slice %dma_start3A_2194[%shift_right_arithmetic3A_1664, %dma_start3A_2195, %multiple_of3A_2182] : memref<2x8x1000000xf32, #tpu.memory_space<hbm>> -> memref<1x8x128xf32, #tpu.memory_space<hbm>>
        %dma_start3A_2197 = tpu.memref_squeeze %dma_start3A_2196 : memref<1x8x128xf32, #tpu.memory_space<hbm>> -> memref<8x128xf32, #tpu.memory_space<hbm>>
        %dma_start3A_2198 = tpu.memref_slice %arg12[%and3A_1668] : memref<2x!tpu.dma_semaphore, #tpu.memory_space<semaphore_mem>> -> memref<1x!tpu.dma_semaphore, #tpu.memory_space<semaphore_mem>>
        %dma_start3A_2199 = tpu.memref_squeeze %dma_start3A_2198 : memref<1x!tpu.dma_semaphore, #tpu.memory_space<semaphore_mem>> -> memref<!tpu.dma_semaphore, #tpu.memory_space<semaphore_mem>>
        %dma_start3A_2200 = arith.constant 80 : i32
        %dma_start3A_2201 = arith.constant 0 : i32
        %dma_start3A_2202 = tpu.memref_slice %arg9[%and3A_1668, %dma_start3A_2200, %dma_start3A_2201] : memref<2x128x128xf32, #tpu.memory_space<vmem>> -> memref<1x8x128xf32, #tpu.memory_space<vmem>>
        %dma_start3A_2203 = tpu.memref_squeeze %dma_start3A_2202 : memref<1x8x128xf32, #tpu.memory_space<vmem>> -> memref<8x128xf32, #tpu.memory_space<vmem>>
        %dma_start3A_2204 = tpu.memref_reshape %arg4 : memref<16x1000000xf32, #tpu.memory_space<hbm>> -> memref<2x8x1000000xf32, #tpu.memory_space<hbm>>
        %dma_start3A_2205 = arith.constant 0 : i32
        %dma_start3A_2206 = tpu.memref_slice %dma_start3A_2204[%shift_right_arithmetic3A_1664, %dma_start3A_2205, %multiple_of3A_2182] : memref<2x8x1000000xf32, #tpu.memory_space<hbm>> -> memref<1x8x128xf32, #tpu.memory_space<hbm>>
        %dma_start3A_2207 = tpu.memref_squeeze %dma_start3A_2206 : memref<1x8x128xf32, #tpu.memory_space<hbm>> -> memref<8x128xf32, #tpu.memory_space<hbm>>
        tpu.enqueue_dma source(%dma_start3A_2207 : memref<8x128xf32, #tpu.memory_space<hbm>>) target(%dma_start3A_2203 : memref<8x128xf32, #tpu.memory_space<vmem>>) target_semaphore(%dma_start3A_2199 : memref<!tpu.dma_semaphore, #tpu.memory_space<semaphore_mem>>)
        %dma_start3A_2208 = arith.constant 80 : i32
        %dma_start3A_2209 = arith.constant 0 : i32
        %dma_start3A_2210 = tpu.memref_slice %arg10[%and3A_1668, %dma_start3A_2208, %dma_start3A_2209] : memref<2x128x128xf32, #tpu.memory_space<vmem>> -> memref<1x8x128xf32, #tpu.memory_space<vmem>>
        %dma_start3A_2211 = tpu.memref_squeeze %dma_start3A_2210 : memref<1x8x128xf32, #tpu.memory_space<vmem>> -> memref<8x128xf32, #tpu.memory_space<vmem>>
        %dma_start3A_2212 = tpu.memref_reshape %arg5 : memref<16x1000000xf32, #tpu.memory_space<hbm>> -> memref<2x8x1000000xf32, #tpu.memory_space<hbm>>
        %dma_start3A_2213 = arith.constant 0 : i32
        %dma_start3A_2214 = tpu.memref_slice %dma_start3A_2212[%shift_right_arithmetic3A_1664, %dma_start3A_2213, %multiple_of3A_2189] : memref<2x8x1000000xf32, #tpu.memory_space<hbm>> -> memref<1x8x128xf32, #tpu.memory_space<hbm>>
        %dma_start3A_2215 = tpu.memref_squeeze %dma_start3A_2214 : memref<1x8x128xf32, #tpu.memory_space<hbm>> -> memref<8x128xf32, #tpu.memory_space<hbm>>
        %dma_start3A_2216 = tpu.memref_slice %arg12[%and3A_1668] : memref<2x!tpu.dma_semaphore, #tpu.memory_space<semaphore_mem>> -> memref<1x!tpu.dma_semaphore, #tpu.memory_space<semaphore_mem>>
        %dma_start3A_2217 = tpu.memref_squeeze %dma_start3A_2216 : memref<1x!tpu.dma_semaphore, #tpu.memory_space<semaphore_mem>> -> memref<!tpu.dma_semaphore, #tpu.memory_space<semaphore_mem>>
        %dma_start3A_2218 = arith.constant 80 : i32
        %dma_start3A_2219 = arith.constant 0 : i32
        %dma_start3A_2220 = tpu.memref_slice %arg10[%and3A_1668, %dma_start3A_2218, %dma_start3A_2219] : memref<2x128x128xf32, #tpu.memory_space<vmem>> -> memref<1x8x128xf32, #tpu.memory_space<vmem>>
        %dma_start3A_2221 = tpu.memref_squeeze %dma_start3A_2220 : memref<1x8x128xf32, #tpu.memory_space<vmem>> -> memref<8x128xf32, #tpu.memory_space<vmem>>
        %dma_start3A_2222 = tpu.memref_reshape %arg5 : memref<16x1000000xf32, #tpu.memory_space<hbm>> -> memref<2x8x1000000xf32, #tpu.memory_space<hbm>>
        %dma_start3A_2223 = arith.constant 0 : i32
        %dma_start3A_2224 = tpu.memref_slice %dma_start3A_2222[%shift_right_arithmetic3A_1664, %dma_start3A_2223, %multiple_of3A_2189] : memref<2x8x1000000xf32, #tpu.memory_space<hbm>> -> memref<1x8x128xf32, #tpu.memory_space<hbm>>
        %dma_start3A_2225 = tpu.memref_squeeze %dma_start3A_2224 : memref<1x8x128xf32, #tpu.memory_space<hbm>> -> memref<8x128xf32, #tpu.memory_space<hbm>>
        tpu.enqueue_dma source(%dma_start3A_2225 : memref<8x128xf32, #tpu.memory_space<hbm>>) target(%dma_start3A_2221 : memref<8x128xf32, #tpu.memory_space<vmem>>) target_semaphore(%dma_start3A_2217 : memref<!tpu.dma_semaphore, #tpu.memory_space<semaphore_mem>>)
        %slice3A_2226 = vector.extract_strided_slice %get3A_1673 {offsets = [11], sizes = [1], strides = [1]} : vector<16xi32> to vector<1xi32>
        %squeeze3A_2227 = vector.extract %slice3A_2226[0] : i32 from vector<1xi32>
        %shift_right_arithmetic3A_2228 = arith.constant 7 : i32
        %shift_right_arithmetic3A_2229 = arith.shrsi %squeeze3A_2227, %shift_right_arithmetic3A_2228 : i32
        %mul3A_2230 = arith.constant 128 : i32
        %mul3A_2231 = arith.muli %shift_right_arithmetic3A_2229, %mul3A_2230 : i32
        %multiple_of3A_2232 = tpu.assume_multiple %mul3A_2231, 128 : i32
        %slice3A_2233 = vector.extract_strided_slice %get3A_1675 {offsets = [11], sizes = [1], strides = [1]} : vector<16xi32> to vector<1xi32>
        %squeeze3A_2234 = vector.extract %slice3A_2233[0] : i32 from vector<1xi32>
        %shift_right_arithmetic3A_2235 = arith.constant 7 : i32
        %shift_right_arithmetic3A_2236 = arith.shrsi %squeeze3A_2234, %shift_right_arithmetic3A_2235 : i32
        %mul3A_2237 = arith.constant 128 : i32
        %mul3A_2238 = arith.muli %shift_right_arithmetic3A_2236, %mul3A_2237 : i32
        %multiple_of3A_2239 = tpu.assume_multiple %mul3A_2238, 128 : i32
        %dma_start3A_2240 = arith.constant 88 : i32
        %dma_start3A_2241 = arith.constant 0 : i32
        %dma_start3A_2242 = tpu.memref_slice %arg9[%and3A_1668, %dma_start3A_2240, %dma_start3A_2241] : memref<2x128x128xf32, #tpu.memory_space<vmem>> -> memref<1x8x128xf32, #tpu.memory_space<vmem>>
        %dma_start3A_2243 = tpu.memref_squeeze %dma_start3A_2242 : memref<1x8x128xf32, #tpu.memory_space<vmem>> -> memref<8x128xf32, #tpu.memory_space<vmem>>
        %dma_start3A_2244 = tpu.memref_reshape %arg4 : memref<16x1000000xf32, #tpu.memory_space<hbm>> -> memref<2x8x1000000xf32, #tpu.memory_space<hbm>>
        %dma_start3A_2245 = arith.constant 0 : i32
        %dma_start3A_2246 = tpu.memref_slice %dma_start3A_2244[%shift_right_arithmetic3A_1664, %dma_start3A_2245, %multiple_of3A_2232] : memref<2x8x1000000xf32, #tpu.memory_space<hbm>> -> memref<1x8x128xf32, #tpu.memory_space<hbm>>
        %dma_start3A_2247 = tpu.memref_squeeze %dma_start3A_2246 : memref<1x8x128xf32, #tpu.memory_space<hbm>> -> memref<8x128xf32, #tpu.memory_space<hbm>>
        %dma_start3A_2248 = tpu.memref_slice %arg12[%and3A_1668] : memref<2x!tpu.dma_semaphore, #tpu.memory_space<semaphore_mem>> -> memref<1x!tpu.dma_semaphore, #tpu.memory_space<semaphore_mem>>
        %dma_start3A_2249 = tpu.memref_squeeze %dma_start3A_2248 : memref<1x!tpu.dma_semaphore, #tpu.memory_space<semaphore_mem>> -> memref<!tpu.dma_semaphore, #tpu.memory_space<semaphore_mem>>
        %dma_start3A_2250 = arith.constant 88 : i32
        %dma_start3A_2251 = arith.constant 0 : i32
        %dma_start3A_2252 = tpu.memref_slice %arg9[%and3A_1668, %dma_start3A_2250, %dma_start3A_2251] : memref<2x128x128xf32, #tpu.memory_space<vmem>> -> memref<1x8x128xf32, #tpu.memory_space<vmem>>
        %dma_start3A_2253 = tpu.memref_squeeze %dma_start3A_2252 : memref<1x8x128xf32, #tpu.memory_space<vmem>> -> memref<8x128xf32, #tpu.memory_space<vmem>>
        %dma_start3A_2254 = tpu.memref_reshape %arg4 : memref<16x1000000xf32, #tpu.memory_space<hbm>> -> memref<2x8x1000000xf32, #tpu.memory_space<hbm>>
        %dma_start3A_2255 = arith.constant 0 : i32
        %dma_start3A_2256 = tpu.memref_slice %dma_start3A_2254[%shift_right_arithmetic3A_1664, %dma_start3A_2255, %multiple_of3A_2232] : memref<2x8x1000000xf32, #tpu.memory_space<hbm>> -> memref<1x8x128xf32, #tpu.memory_space<hbm>>
        %dma_start3A_2257 = tpu.memref_squeeze %dma_start3A_2256 : memref<1x8x128xf32, #tpu.memory_space<hbm>> -> memref<8x128xf32, #tpu.memory_space<hbm>>
        tpu.enqueue_dma source(%dma_start3A_2257 : memref<8x128xf32, #tpu.memory_space<hbm>>) target(%dma_start3A_2253 : memref<8x128xf32, #tpu.memory_space<vmem>>) target_semaphore(%dma_start3A_2249 : memref<!tpu.dma_semaphore, #tpu.memory_space<semaphore_mem>>)
        %dma_start3A_2258 = arith.constant 88 : i32
        %dma_start3A_2259 = arith.constant 0 : i32
        %dma_start3A_2260 = tpu.memref_slice %arg10[%and3A_1668, %dma_start3A_2258, %dma_start3A_2259] : memref<2x128x128xf32, #tpu.memory_space<vmem>> -> memref<1x8x128xf32, #tpu.memory_space<vmem>>
        %dma_start3A_2261 = tpu.memref_squeeze %dma_start3A_2260 : memref<1x8x128xf32, #tpu.memory_space<vmem>> -> memref<8x128xf32, #tpu.memory_space<vmem>>
        %dma_start3A_2262 = tpu.memref_reshape %arg5 : memref<16x1000000xf32, #tpu.memory_space<hbm>> -> memref<2x8x1000000xf32, #tpu.memory_space<hbm>>
        %dma_start3A_2263 = arith.constant 0 : i32
        %dma_start3A_2264 = tpu.memref_slice %dma_start3A_2262[%shift_right_arithmetic3A_1664, %dma_start3A_2263, %multiple_of3A_2239] : memref<2x8x1000000xf32, #tpu.memory_space<hbm>> -> memref<1x8x128xf32, #tpu.memory_space<hbm>>
        %dma_start3A_2265 = tpu.memref_squeeze %dma_start3A_2264 : memref<1x8x128xf32, #tpu.memory_space<hbm>> -> memref<8x128xf32, #tpu.memory_space<hbm>>
        %dma_start3A_2266 = tpu.memref_slice %arg12[%and3A_1668] : memref<2x!tpu.dma_semaphore, #tpu.memory_space<semaphore_mem>> -> memref<1x!tpu.dma_semaphore, #tpu.memory_space<semaphore_mem>>
        %dma_start3A_2267 = tpu.memref_squeeze %dma_start3A_2266 : memref<1x!tpu.dma_semaphore, #tpu.memory_space<semaphore_mem>> -> memref<!tpu.dma_semaphore, #tpu.memory_space<semaphore_mem>>
        %dma_start3A_2268 = arith.constant 88 : i32
        %dma_start3A_2269 = arith.constant 0 : i32
        %dma_start3A_2270 = tpu.memref_slice %arg10[%and3A_1668, %dma_start3A_2268, %dma_start3A_2269] : memref<2x128x128xf32, #tpu.memory_space<vmem>> -> memref<1x8x128xf32, #tpu.memory_space<vmem>>
        %dma_start3A_2271 = tpu.memref_squeeze %dma_start3A_2270 : memref<1x8x128xf32, #tpu.memory_space<vmem>> -> memref<8x128xf32, #tpu.memory_space<vmem>>
        %dma_start3A_2272 = tpu.memref_reshape %arg5 : memref<16x1000000xf32, #tpu.memory_space<hbm>> -> memref<2x8x1000000xf32, #tpu.memory_space<hbm>>
        %dma_start3A_2273 = arith.constant 0 : i32
        %dma_start3A_2274 = tpu.memref_slice %dma_start3A_2272[%shift_right_arithmetic3A_1664, %dma_start3A_2273, %multiple_of3A_2239] : memref<2x8x1000000xf32, #tpu.memory_space<hbm>> -> memref<1x8x128xf32, #tpu.memory_space<hbm>>
        %dma_start3A_2275 = tpu.memref_squeeze %dma_start3A_2274 : memref<1x8x128xf32, #tpu.memory_space<hbm>> -> memref<8x128xf32, #tpu.memory_space<hbm>>
        tpu.enqueue_dma source(%dma_start3A_2275 : memref<8x128xf32, #tpu.memory_space<hbm>>) target(%dma_start3A_2271 : memref<8x128xf32, #tpu.memory_space<vmem>>) target_semaphore(%dma_start3A_2267 : memref<!tpu.dma_semaphore, #tpu.memory_space<semaphore_mem>>)
        %slice3A_2276 = vector.extract_strided_slice %get3A_1673 {offsets = [12], sizes = [1], strides = [1]} : vector<16xi32> to vector<1xi32>
        %squeeze3A_2277 = vector.extract %slice3A_2276[0] : i32 from vector<1xi32>
        %shift_right_arithmetic3A_2278 = arith.constant 7 : i32
        %shift_right_arithmetic3A_2279 = arith.shrsi %squeeze3A_2277, %shift_right_arithmetic3A_2278 : i32
        %mul3A_2280 = arith.constant 128 : i32
        %mul3A_2281 = arith.muli %shift_right_arithmetic3A_2279, %mul3A_2280 : i32
        %multiple_of3A_2282 = tpu.assume_multiple %mul3A_2281, 128 : i32
        %slice3A_2283 = vector.extract_strided_slice %get3A_1675 {offsets = [12], sizes = [1], strides = [1]} : vector<16xi32> to vector<1xi32>
        %squeeze3A_2284 = vector.extract %slice3A_2283[0] : i32 from vector<1xi32>
        %shift_right_arithmetic3A_2285 = arith.constant 7 : i32
        %shift_right_arithmetic3A_2286 = arith.shrsi %squeeze3A_2284, %shift_right_arithmetic3A_2285 : i32
        %mul3A_2287 = arith.constant 128 : i32
        %mul3A_2288 = arith.muli %shift_right_arithmetic3A_2286, %mul3A_2287 : i32
        %multiple_of3A_2289 = tpu.assume_multiple %mul3A_2288, 128 : i32
        %dma_start3A_2290 = arith.constant 96 : i32
        %dma_start3A_2291 = arith.constant 0 : i32
        %dma_start3A_2292 = tpu.memref_slice %arg9[%and3A_1668, %dma_start3A_2290, %dma_start3A_2291] : memref<2x128x128xf32, #tpu.memory_space<vmem>> -> memref<1x8x128xf32, #tpu.memory_space<vmem>>
        %dma_start3A_2293 = tpu.memref_squeeze %dma_start3A_2292 : memref<1x8x128xf32, #tpu.memory_space<vmem>> -> memref<8x128xf32, #tpu.memory_space<vmem>>
        %dma_start3A_2294 = tpu.memref_reshape %arg4 : memref<16x1000000xf32, #tpu.memory_space<hbm>> -> memref<2x8x1000000xf32, #tpu.memory_space<hbm>>
        %dma_start3A_2295 = arith.constant 0 : i32
        %dma_start3A_2296 = tpu.memref_slice %dma_start3A_2294[%shift_right_arithmetic3A_1664, %dma_start3A_2295, %multiple_of3A_2282] : memref<2x8x1000000xf32, #tpu.memory_space<hbm>> -> memref<1x8x128xf32, #tpu.memory_space<hbm>>
        %dma_start3A_2297 = tpu.memref_squeeze %dma_start3A_2296 : memref<1x8x128xf32, #tpu.memory_space<hbm>> -> memref<8x128xf32, #tpu.memory_space<hbm>>
        %dma_start3A_2298 = tpu.memref_slice %arg12[%and3A_1668] : memref<2x!tpu.dma_semaphore, #tpu.memory_space<semaphore_mem>> -> memref<1x!tpu.dma_semaphore, #tpu.memory_space<semaphore_mem>>
        %dma_start3A_2299 = tpu.memref_squeeze %dma_start3A_2298 : memref<1x!tpu.dma_semaphore, #tpu.memory_space<semaphore_mem>> -> memref<!tpu.dma_semaphore, #tpu.memory_space<semaphore_mem>>
        %dma_start3A_2300 = arith.constant 96 : i32
        %dma_start3A_2301 = arith.constant 0 : i32
        %dma_start3A_2302 = tpu.memref_slice %arg9[%and3A_1668, %dma_start3A_2300, %dma_start3A_2301] : memref<2x128x128xf32, #tpu.memory_space<vmem>> -> memref<1x8x128xf32, #tpu.memory_space<vmem>>
        %dma_start3A_2303 = tpu.memref_squeeze %dma_start3A_2302 : memref<1x8x128xf32, #tpu.memory_space<vmem>> -> memref<8x128xf32, #tpu.memory_space<vmem>>
        %dma_start3A_2304 = tpu.memref_reshape %arg4 : memref<16x1000000xf32, #tpu.memory_space<hbm>> -> memref<2x8x1000000xf32, #tpu.memory_space<hbm>>
        %dma_start3A_2305 = arith.constant 0 : i32
        %dma_start3A_2306 = tpu.memref_slice %dma_start3A_2304[%shift_right_arithmetic3A_1664, %dma_start3A_2305, %multiple_of3A_2282] : memref<2x8x1000000xf32, #tpu.memory_space<hbm>> -> memref<1x8x128xf32, #tpu.memory_space<hbm>>
        %dma_start3A_2307 = tpu.memref_squeeze %dma_start3A_2306 : memref<1x8x128xf32, #tpu.memory_space<hbm>> -> memref<8x128xf32, #tpu.memory_space<hbm>>
        tpu.enqueue_dma source(%dma_start3A_2307 : memref<8x128xf32, #tpu.memory_space<hbm>>) target(%dma_start3A_2303 : memref<8x128xf32, #tpu.memory_space<vmem>>) target_semaphore(%dma_start3A_2299 : memref<!tpu.dma_semaphore, #tpu.memory_space<semaphore_mem>>)
        %dma_start3A_2308 = arith.constant 96 : i32
        %dma_start3A_2309 = arith.constant 0 : i32
        %dma_start3A_2310 = tpu.memref_slice %arg10[%and3A_1668, %dma_start3A_2308, %dma_start3A_2309] : memref<2x128x128xf32, #tpu.memory_space<vmem>> -> memref<1x8x128xf32, #tpu.memory_space<vmem>>
        %dma_start3A_2311 = tpu.memref_squeeze %dma_start3A_2310 : memref<1x8x128xf32, #tpu.memory_space<vmem>> -> memref<8x128xf32, #tpu.memory_space<vmem>>
        %dma_start3A_2312 = tpu.memref_reshape %arg5 : memref<16x1000000xf32, #tpu.memory_space<hbm>> -> memref<2x8x1000000xf32, #tpu.memory_space<hbm>>
        %dma_start3A_2313 = arith.constant 0 : i32
        %dma_start3A_2314 = tpu.memref_slice %dma_start3A_2312[%shift_right_arithmetic3A_1664, %dma_start3A_2313, %multiple_of3A_2289] : memref<2x8x1000000xf32, #tpu.memory_space<hbm>> -> memref<1x8x128xf32, #tpu.memory_space<hbm>>
        %dma_start3A_2315 = tpu.memref_squeeze %dma_start3A_2314 : memref<1x8x128xf32, #tpu.memory_space<hbm>> -> memref<8x128xf32, #tpu.memory_space<hbm>>
        %dma_start3A_2316 = tpu.memref_slice %arg12[%and3A_1668] : memref<2x!tpu.dma_semaphore, #tpu.memory_space<semaphore_mem>> -> memref<1x!tpu.dma_semaphore, #tpu.memory_space<semaphore_mem>>
        %dma_start3A_2317 = tpu.memref_squeeze %dma_start3A_2316 : memref<1x!tpu.dma_semaphore, #tpu.memory_space<semaphore_mem>> -> memref<!tpu.dma_semaphore, #tpu.memory_space<semaphore_mem>>
        %dma_start3A_2318 = arith.constant 96 : i32
        %dma_start3A_2319 = arith.constant 0 : i32
        %dma_start3A_2320 = tpu.memref_slice %arg10[%and3A_1668, %dma_start3A_2318, %dma_start3A_2319] : memref<2x128x128xf32, #tpu.memory_space<vmem>> -> memref<1x8x128xf32, #tpu.memory_space<vmem>>
        %dma_start3A_2321 = tpu.memref_squeeze %dma_start3A_2320 : memref<1x8x128xf32, #tpu.memory_space<vmem>> -> memref<8x128xf32, #tpu.memory_space<vmem>>
        %dma_start3A_2322 = tpu.memref_reshape %arg5 : memref<16x1000000xf32, #tpu.memory_space<hbm>> -> memref<2x8x1000000xf32, #tpu.memory_space<hbm>>
        %dma_start3A_2323 = arith.constant 0 : i32
        %dma_start3A_2324 = tpu.memref_slice %dma_start3A_2322[%shift_right_arithmetic3A_1664, %dma_start3A_2323, %multiple_of3A_2289] : memref<2x8x1000000xf32, #tpu.memory_space<hbm>> -> memref<1x8x128xf32, #tpu.memory_space<hbm>>
        %dma_start3A_2325 = tpu.memref_squeeze %dma_start3A_2324 : memref<1x8x128xf32, #tpu.memory_space<hbm>> -> memref<8x128xf32, #tpu.memory_space<hbm>>
        tpu.enqueue_dma source(%dma_start3A_2325 : memref<8x128xf32, #tpu.memory_space<hbm>>) target(%dma_start3A_2321 : memref<8x128xf32, #tpu.memory_space<vmem>>) target_semaphore(%dma_start3A_2317 : memref<!tpu.dma_semaphore, #tpu.memory_space<semaphore_mem>>)
        %slice3A_2326 = vector.extract_strided_slice %get3A_1673 {offsets = [13], sizes = [1], strides = [1]} : vector<16xi32> to vector<1xi32>
        %squeeze3A_2327 = vector.extract %slice3A_2326[0] : i32 from vector<1xi32>
        %shift_right_arithmetic3A_2328 = arith.constant 7 : i32
        %shift_right_arithmetic3A_2329 = arith.shrsi %squeeze3A_2327, %shift_right_arithmetic3A_2328 : i32
        %mul3A_2330 = arith.constant 128 : i32
        %mul3A_2331 = arith.muli %shift_right_arithmetic3A_2329, %mul3A_2330 : i32
        %multiple_of3A_2332 = tpu.assume_multiple %mul3A_2331, 128 : i32
        %slice3A_2333 = vector.extract_strided_slice %get3A_1675 {offsets = [13], sizes = [1], strides = [1]} : vector<16xi32> to vector<1xi32>
        %squeeze3A_2334 = vector.extract %slice3A_2333[0] : i32 from vector<1xi32>
        %shift_right_arithmetic3A_2335 = arith.constant 7 : i32
        %shift_right_arithmetic3A_2336 = arith.shrsi %squeeze3A_2334, %shift_right_arithmetic3A_2335 : i32
        %mul3A_2337 = arith.constant 128 : i32
        %mul3A_2338 = arith.muli %shift_right_arithmetic3A_2336, %mul3A_2337 : i32
        %multiple_of3A_2339 = tpu.assume_multiple %mul3A_2338, 128 : i32
        %dma_start3A_2340 = arith.constant 104 : i32
        %dma_start3A_2341 = arith.constant 0 : i32
        %dma_start3A_2342 = tpu.memref_slice %arg9[%and3A_1668, %dma_start3A_2340, %dma_start3A_2341] : memref<2x128x128xf32, #tpu.memory_space<vmem>> -> memref<1x8x128xf32, #tpu.memory_space<vmem>>
        %dma_start3A_2343 = tpu.memref_squeeze %dma_start3A_2342 : memref<1x8x128xf32, #tpu.memory_space<vmem>> -> memref<8x128xf32, #tpu.memory_space<vmem>>
        %dma_start3A_2344 = tpu.memref_reshape %arg4 : memref<16x1000000xf32, #tpu.memory_space<hbm>> -> memref<2x8x1000000xf32, #tpu.memory_space<hbm>>
        %dma_start3A_2345 = arith.constant 0 : i32
        %dma_start3A_2346 = tpu.memref_slice %dma_start3A_2344[%shift_right_arithmetic3A_1664, %dma_start3A_2345, %multiple_of3A_2332] : memref<2x8x1000000xf32, #tpu.memory_space<hbm>> -> memref<1x8x128xf32, #tpu.memory_space<hbm>>
        %dma_start3A_2347 = tpu.memref_squeeze %dma_start3A_2346 : memref<1x8x128xf32, #tpu.memory_space<hbm>> -> memref<8x128xf32, #tpu.memory_space<hbm>>
        %dma_start3A_2348 = tpu.memref_slice %arg12[%and3A_1668] : memref<2x!tpu.dma_semaphore, #tpu.memory_space<semaphore_mem>> -> memref<1x!tpu.dma_semaphore, #tpu.memory_space<semaphore_mem>>
        %dma_start3A_2349 = tpu.memref_squeeze %dma_start3A_2348 : memref<1x!tpu.dma_semaphore, #tpu.memory_space<semaphore_mem>> -> memref<!tpu.dma_semaphore, #tpu.memory_space<semaphore_mem>>
        %dma_start3A_2350 = arith.constant 104 : i32
        %dma_start3A_2351 = arith.constant 0 : i32
        %dma_start3A_2352 = tpu.memref_slice %arg9[%and3A_1668, %dma_start3A_2350, %dma_start3A_2351] : memref<2x128x128xf32, #tpu.memory_space<vmem>> -> memref<1x8x128xf32, #tpu.memory_space<vmem>>
        %dma_start3A_2353 = tpu.memref_squeeze %dma_start3A_2352 : memref<1x8x128xf32, #tpu.memory_space<vmem>> -> memref<8x128xf32, #tpu.memory_space<vmem>>
        %dma_start3A_2354 = tpu.memref_reshape %arg4 : memref<16x1000000xf32, #tpu.memory_space<hbm>> -> memref<2x8x1000000xf32, #tpu.memory_space<hbm>>
        %dma_start3A_2355 = arith.constant 0 : i32
        %dma_start3A_2356 = tpu.memref_slice %dma_start3A_2354[%shift_right_arithmetic3A_1664, %dma_start3A_2355, %multiple_of3A_2332] : memref<2x8x1000000xf32, #tpu.memory_space<hbm>> -> memref<1x8x128xf32, #tpu.memory_space<hbm>>
        %dma_start3A_2357 = tpu.memref_squeeze %dma_start3A_2356 : memref<1x8x128xf32, #tpu.memory_space<hbm>> -> memref<8x128xf32, #tpu.memory_space<hbm>>
        tpu.enqueue_dma source(%dma_start3A_2357 : memref<8x128xf32, #tpu.memory_space<hbm>>) target(%dma_start3A_2353 : memref<8x128xf32, #tpu.memory_space<vmem>>) target_semaphore(%dma_start3A_2349 : memref<!tpu.dma_semaphore, #tpu.memory_space<semaphore_mem>>)
        %dma_start3A_2358 = arith.constant 104 : i32
        %dma_start3A_2359 = arith.constant 0 : i32
        %dma_start3A_2360 = tpu.memref_slice %arg10[%and3A_1668, %dma_start3A_2358, %dma_start3A_2359] : memref<2x128x128xf32, #tpu.memory_space<vmem>> -> memref<1x8x128xf32, #tpu.memory_space<vmem>>
        %dma_start3A_2361 = tpu.memref_squeeze %dma_start3A_2360 : memref<1x8x128xf32, #tpu.memory_space<vmem>> -> memref<8x128xf32, #tpu.memory_space<vmem>>
        %dma_start3A_2362 = tpu.memref_reshape %arg5 : memref<16x1000000xf32, #tpu.memory_space<hbm>> -> memref<2x8x1000000xf32, #tpu.memory_space<hbm>>
        %dma_start3A_2363 = arith.constant 0 : i32
        %dma_start3A_2364 = tpu.memref_slice %dma_start3A_2362[%shift_right_arithmetic3A_1664, %dma_start3A_2363, %multiple_of3A_2339] : memref<2x8x1000000xf32, #tpu.memory_space<hbm>> -> memref<1x8x128xf32, #tpu.memory_space<hbm>>
        %dma_start3A_2365 = tpu.memref_squeeze %dma_start3A_2364 : memref<1x8x128xf32, #tpu.memory_space<hbm>> -> memref<8x128xf32, #tpu.memory_space<hbm>>
        %dma_start3A_2366 = tpu.memref_slice %arg12[%and3A_1668] : memref<2x!tpu.dma_semaphore, #tpu.memory_space<semaphore_mem>> -> memref<1x!tpu.dma_semaphore, #tpu.memory_space<semaphore_mem>>
        %dma_start3A_2367 = tpu.memref_squeeze %dma_start3A_2366 : memref<1x!tpu.dma_semaphore, #tpu.memory_space<semaphore_mem>> -> memref<!tpu.dma_semaphore, #tpu.memory_space<semaphore_mem>>
        %dma_start3A_2368 = arith.constant 104 : i32
        %dma_start3A_2369 = arith.constant 0 : i32
        %dma_start3A_2370 = tpu.memref_slice %arg10[%and3A_1668, %dma_start3A_2368, %dma_start3A_2369] : memref<2x128x128xf32, #tpu.memory_space<vmem>> -> memref<1x8x128xf32, #tpu.memory_space<vmem>>
        %dma_start3A_2371 = tpu.memref_squeeze %dma_start3A_2370 : memref<1x8x128xf32, #tpu.memory_space<vmem>> -> memref<8x128xf32, #tpu.memory_space<vmem>>
        %dma_start3A_2372 = tpu.memref_reshape %arg5 : memref<16x1000000xf32, #tpu.memory_space<hbm>> -> memref<2x8x1000000xf32, #tpu.memory_space<hbm>>
        %dma_start3A_2373 = arith.constant 0 : i32
        %dma_start3A_2374 = tpu.memref_slice %dma_start3A_2372[%shift_right_arithmetic3A_1664, %dma_start3A_2373, %multiple_of3A_2339] : memref<2x8x1000000xf32, #tpu.memory_space<hbm>> -> memref<1x8x128xf32, #tpu.memory_space<hbm>>
        %dma_start3A_2375 = tpu.memref_squeeze %dma_start3A_2374 : memref<1x8x128xf32, #tpu.memory_space<hbm>> -> memref<8x128xf32, #tpu.memory_space<hbm>>
        tpu.enqueue_dma source(%dma_start3A_2375 : memref<8x128xf32, #tpu.memory_space<hbm>>) target(%dma_start3A_2371 : memref<8x128xf32, #tpu.memory_space<vmem>>) target_semaphore(%dma_start3A_2367 : memref<!tpu.dma_semaphore, #tpu.memory_space<semaphore_mem>>)
        %slice3A_2376 = vector.extract_strided_slice %get3A_1673 {offsets = [14], sizes = [1], strides = [1]} : vector<16xi32> to vector<1xi32>
        %squeeze3A_2377 = vector.extract %slice3A_2376[0] : i32 from vector<1xi32>
        %shift_right_arithmetic3A_2378 = arith.constant 7 : i32
        %shift_right_arithmetic3A_2379 = arith.shrsi %squeeze3A_2377, %shift_right_arithmetic3A_2378 : i32
        %mul3A_2380 = arith.constant 128 : i32
        %mul3A_2381 = arith.muli %shift_right_arithmetic3A_2379, %mul3A_2380 : i32
        %multiple_of3A_2382 = tpu.assume_multiple %mul3A_2381, 128 : i32
        %slice3A_2383 = vector.extract_strided_slice %get3A_1675 {offsets = [14], sizes = [1], strides = [1]} : vector<16xi32> to vector<1xi32>
        %squeeze3A_2384 = vector.extract %slice3A_2383[0] : i32 from vector<1xi32>
        %shift_right_arithmetic3A_2385 = arith.constant 7 : i32
        %shift_right_arithmetic3A_2386 = arith.shrsi %squeeze3A_2384, %shift_right_arithmetic3A_2385 : i32
        %mul3A_2387 = arith.constant 128 : i32
        %mul3A_2388 = arith.muli %shift_right_arithmetic3A_2386, %mul3A_2387 : i32
        %multiple_of3A_2389 = tpu.assume_multiple %mul3A_2388, 128 : i32
        %dma_start3A_2390 = arith.constant 112 : i32
        %dma_start3A_2391 = arith.constant 0 : i32
        %dma_start3A_2392 = tpu.memref_slice %arg9[%and3A_1668, %dma_start3A_2390, %dma_start3A_2391] : memref<2x128x128xf32, #tpu.memory_space<vmem>> -> memref<1x8x128xf32, #tpu.memory_space<vmem>>
        %dma_start3A_2393 = tpu.memref_squeeze %dma_start3A_2392 : memref<1x8x128xf32, #tpu.memory_space<vmem>> -> memref<8x128xf32, #tpu.memory_space<vmem>>
        %dma_start3A_2394 = tpu.memref_reshape %arg4 : memref<16x1000000xf32, #tpu.memory_space<hbm>> -> memref<2x8x1000000xf32, #tpu.memory_space<hbm>>
        %dma_start3A_2395 = arith.constant 0 : i32
        %dma_start3A_2396 = tpu.memref_slice %dma_start3A_2394[%shift_right_arithmetic3A_1664, %dma_start3A_2395, %multiple_of3A_2382] : memref<2x8x1000000xf32, #tpu.memory_space<hbm>> -> memref<1x8x128xf32, #tpu.memory_space<hbm>>
        %dma_start3A_2397 = tpu.memref_squeeze %dma_start3A_2396 : memref<1x8x128xf32, #tpu.memory_space<hbm>> -> memref<8x128xf32, #tpu.memory_space<hbm>>
        %dma_start3A_2398 = tpu.memref_slice %arg12[%and3A_1668] : memref<2x!tpu.dma_semaphore, #tpu.memory_space<semaphore_mem>> -> memref<1x!tpu.dma_semaphore, #tpu.memory_space<semaphore_mem>>
        %dma_start3A_2399 = tpu.memref_squeeze %dma_start3A_2398 : memref<1x!tpu.dma_semaphore, #tpu.memory_space<semaphore_mem>> -> memref<!tpu.dma_semaphore, #tpu.memory_space<semaphore_mem>>
        %dma_start3A_2400 = arith.constant 112 : i32
        %dma_start3A_2401 = arith.constant 0 : i32
        %dma_start3A_2402 = tpu.memref_slice %arg9[%and3A_1668, %dma_start3A_2400, %dma_start3A_2401] : memref<2x128x128xf32, #tpu.memory_space<vmem>> -> memref<1x8x128xf32, #tpu.memory_space<vmem>>
        %dma_start3A_2403 = tpu.memref_squeeze %dma_start3A_2402 : memref<1x8x128xf32, #tpu.memory_space<vmem>> -> memref<8x128xf32, #tpu.memory_space<vmem>>
        %dma_start3A_2404 = tpu.memref_reshape %arg4 : memref<16x1000000xf32, #tpu.memory_space<hbm>> -> memref<2x8x1000000xf32, #tpu.memory_space<hbm>>
        %dma_start3A_2405 = arith.constant 0 : i32
        %dma_start3A_2406 = tpu.memref_slice %dma_start3A_2404[%shift_right_arithmetic3A_1664, %dma_start3A_2405, %multiple_of3A_2382] : memref<2x8x1000000xf32, #tpu.memory_space<hbm>> -> memref<1x8x128xf32, #tpu.memory_space<hbm>>
        %dma_start3A_2407 = tpu.memref_squeeze %dma_start3A_2406 : memref<1x8x128xf32, #tpu.memory_space<hbm>> -> memref<8x128xf32, #tpu.memory_space<hbm>>
        tpu.enqueue_dma source(%dma_start3A_2407 : memref<8x128xf32, #tpu.memory_space<hbm>>) target(%dma_start3A_2403 : memref<8x128xf32, #tpu.memory_space<vmem>>) target_semaphore(%dma_start3A_2399 : memref<!tpu.dma_semaphore, #tpu.memory_space<semaphore_mem>>)
        %dma_start3A_2408 = arith.constant 112 : i32
        %dma_start3A_2409 = arith.constant 0 : i32
        %dma_start3A_2410 = tpu.memref_slice %arg10[%and3A_1668, %dma_start3A_2408, %dma_start3A_2409] : memref<2x128x128xf32, #tpu.memory_space<vmem>> -> memref<1x8x128xf32, #tpu.memory_space<vmem>>
        %dma_start3A_2411 = tpu.memref_squeeze %dma_start3A_2410 : memref<1x8x128xf32, #tpu.memory_space<vmem>> -> memref<8x128xf32, #tpu.memory_space<vmem>>
        %dma_start3A_2412 = tpu.memref_reshape %arg5 : memref<16x1000000xf32, #tpu.memory_space<hbm>> -> memref<2x8x1000000xf32, #tpu.memory_space<hbm>>
        %dma_start3A_2413 = arith.constant 0 : i32
        %dma_start3A_2414 = tpu.memref_slice %dma_start3A_2412[%shift_right_arithmetic3A_1664, %dma_start3A_2413, %multiple_of3A_2389] : memref<2x8x1000000xf32, #tpu.memory_space<hbm>> -> memref<1x8x128xf32, #tpu.memory_space<hbm>>
        %dma_start3A_2415 = tpu.memref_squeeze %dma_start3A_2414 : memref<1x8x128xf32, #tpu.memory_space<hbm>> -> memref<8x128xf32, #tpu.memory_space<hbm>>
        %dma_start3A_2416 = tpu.memref_slice %arg12[%and3A_1668] : memref<2x!tpu.dma_semaphore, #tpu.memory_space<semaphore_mem>> -> memref<1x!tpu.dma_semaphore, #tpu.memory_space<semaphore_mem>>
        %dma_start3A_2417 = tpu.memref_squeeze %dma_start3A_2416 : memref<1x!tpu.dma_semaphore, #tpu.memory_space<semaphore_mem>> -> memref<!tpu.dma_semaphore, #tpu.memory_space<semaphore_mem>>
        %dma_start3A_2418 = arith.constant 112 : i32
        %dma_start3A_2419 = arith.constant 0 : i32
        %dma_start3A_2420 = tpu.memref_slice %arg10[%and3A_1668, %dma_start3A_2418, %dma_start3A_2419] : memref<2x128x128xf32, #tpu.memory_space<vmem>> -> memref<1x8x128xf32, #tpu.memory_space<vmem>>
        %dma_start3A_2421 = tpu.memref_squeeze %dma_start3A_2420 : memref<1x8x128xf32, #tpu.memory_space<vmem>> -> memref<8x128xf32, #tpu.memory_space<vmem>>
        %dma_start3A_2422 = tpu.memref_reshape %arg5 : memref<16x1000000xf32, #tpu.memory_space<hbm>> -> memref<2x8x1000000xf32, #tpu.memory_space<hbm>>
        %dma_start3A_2423 = arith.constant 0 : i32
        %dma_start3A_2424 = tpu.memref_slice %dma_start3A_2422[%shift_right_arithmetic3A_1664, %dma_start3A_2423, %multiple_of3A_2389] : memref<2x8x1000000xf32, #tpu.memory_space<hbm>> -> memref<1x8x128xf32, #tpu.memory_space<hbm>>
        %dma_start3A_2425 = tpu.memref_squeeze %dma_start3A_2424 : memref<1x8x128xf32, #tpu.memory_space<hbm>> -> memref<8x128xf32, #tpu.memory_space<hbm>>
        tpu.enqueue_dma source(%dma_start3A_2425 : memref<8x128xf32, #tpu.memory_space<hbm>>) target(%dma_start3A_2421 : memref<8x128xf32, #tpu.memory_space<vmem>>) target_semaphore(%dma_start3A_2417 : memref<!tpu.dma_semaphore, #tpu.memory_space<semaphore_mem>>)
        %slice3A_2426 = vector.extract_strided_slice %get3A_1673 {offsets = [15], sizes = [1], strides = [1]} : vector<16xi32> to vector<1xi32>
        %squeeze3A_2427 = vector.extract %slice3A_2426[0] : i32 from vector<1xi32>
        %shift_right_arithmetic3A_2428 = arith.constant 7 : i32
        %shift_right_arithmetic3A_2429 = arith.shrsi %squeeze3A_2427, %shift_right_arithmetic3A_2428 : i32
        %mul3A_2430 = arith.constant 128 : i32
        %mul3A_2431 = arith.muli %shift_right_arithmetic3A_2429, %mul3A_2430 : i32
        %multiple_of3A_2432 = tpu.assume_multiple %mul3A_2431, 128 : i32
        %slice3A_2433 = vector.extract_strided_slice %get3A_1675 {offsets = [15], sizes = [1], strides = [1]} : vector<16xi32> to vector<1xi32>
        %squeeze3A_2434 = vector.extract %slice3A_2433[0] : i32 from vector<1xi32>
        %shift_right_arithmetic3A_2435 = arith.constant 7 : i32
        %shift_right_arithmetic3A_2436 = arith.shrsi %squeeze3A_2434, %shift_right_arithmetic3A_2435 : i32
        %mul3A_2437 = arith.constant 128 : i32
        %mul3A_2438 = arith.muli %shift_right_arithmetic3A_2436, %mul3A_2437 : i32
        %multiple_of3A_2439 = tpu.assume_multiple %mul3A_2438, 128 : i32
        %dma_start3A_2440 = arith.constant 120 : i32
        %dma_start3A_2441 = arith.constant 0 : i32
        %dma_start3A_2442 = tpu.memref_slice %arg9[%and3A_1668, %dma_start3A_2440, %dma_start3A_2441] : memref<2x128x128xf32, #tpu.memory_space<vmem>> -> memref<1x8x128xf32, #tpu.memory_space<vmem>>
        %dma_start3A_2443 = tpu.memref_squeeze %dma_start3A_2442 : memref<1x8x128xf32, #tpu.memory_space<vmem>> -> memref<8x128xf32, #tpu.memory_space<vmem>>
        %dma_start3A_2444 = tpu.memref_reshape %arg4 : memref<16x1000000xf32, #tpu.memory_space<hbm>> -> memref<2x8x1000000xf32, #tpu.memory_space<hbm>>
        %dma_start3A_2445 = arith.constant 0 : i32
        %dma_start3A_2446 = tpu.memref_slice %dma_start3A_2444[%shift_right_arithmetic3A_1664, %dma_start3A_2445, %multiple_of3A_2432] : memref<2x8x1000000xf32, #tpu.memory_space<hbm>> -> memref<1x8x128xf32, #tpu.memory_space<hbm>>
        %dma_start3A_2447 = tpu.memref_squeeze %dma_start3A_2446 : memref<1x8x128xf32, #tpu.memory_space<hbm>> -> memref<8x128xf32, #tpu.memory_space<hbm>>
        %dma_start3A_2448 = tpu.memref_slice %arg12[%and3A_1668] : memref<2x!tpu.dma_semaphore, #tpu.memory_space<semaphore_mem>> -> memref<1x!tpu.dma_semaphore, #tpu.memory_space<semaphore_mem>>
        %dma_start3A_2449 = tpu.memref_squeeze %dma_start3A_2448 : memref<1x!tpu.dma_semaphore, #tpu.memory_space<semaphore_mem>> -> memref<!tpu.dma_semaphore, #tpu.memory_space<semaphore_mem>>
        %dma_start3A_2450 = arith.constant 120 : i32
        %dma_start3A_2451 = arith.constant 0 : i32
        %dma_start3A_2452 = tpu.memref_slice %arg9[%and3A_1668, %dma_start3A_2450, %dma_start3A_2451] : memref<2x128x128xf32, #tpu.memory_space<vmem>> -> memref<1x8x128xf32, #tpu.memory_space<vmem>>
        %dma_start3A_2453 = tpu.memref_squeeze %dma_start3A_2452 : memref<1x8x128xf32, #tpu.memory_space<vmem>> -> memref<8x128xf32, #tpu.memory_space<vmem>>
        %dma_start3A_2454 = tpu.memref_reshape %arg4 : memref<16x1000000xf32, #tpu.memory_space<hbm>> -> memref<2x8x1000000xf32, #tpu.memory_space<hbm>>
        %dma_start3A_2455 = arith.constant 0 : i32
        %dma_start3A_2456 = tpu.memref_slice %dma_start3A_2454[%shift_right_arithmetic3A_1664, %dma_start3A_2455, %multiple_of3A_2432] : memref<2x8x1000000xf32, #tpu.memory_space<hbm>> -> memref<1x8x128xf32, #tpu.memory_space<hbm>>
        %dma_start3A_2457 = tpu.memref_squeeze %dma_start3A_2456 : memref<1x8x128xf32, #tpu.memory_space<hbm>> -> memref<8x128xf32, #tpu.memory_space<hbm>>
        tpu.enqueue_dma source(%dma_start3A_2457 : memref<8x128xf32, #tpu.memory_space<hbm>>) target(%dma_start3A_2453 : memref<8x128xf32, #tpu.memory_space<vmem>>) target_semaphore(%dma_start3A_2449 : memref<!tpu.dma_semaphore, #tpu.memory_space<semaphore_mem>>)
        %dma_start3A_2458 = arith.constant 120 : i32
        %dma_start3A_2459 = arith.constant 0 : i32
        %dma_start3A_2460 = tpu.memref_slice %arg10[%and3A_1668, %dma_start3A_2458, %dma_start3A_2459] : memref<2x128x128xf32, #tpu.memory_space<vmem>> -> memref<1x8x128xf32, #tpu.memory_space<vmem>>
        %dma_start3A_2461 = tpu.memref_squeeze %dma_start3A_2460 : memref<1x8x128xf32, #tpu.memory_space<vmem>> -> memref<8x128xf32, #tpu.memory_space<vmem>>
        %dma_start3A_2462 = tpu.memref_reshape %arg5 : memref<16x1000000xf32, #tpu.memory_space<hbm>> -> memref<2x8x1000000xf32, #tpu.memory_space<hbm>>
        %dma_start3A_2463 = arith.constant 0 : i32
        %dma_start3A_2464 = tpu.memref_slice %dma_start3A_2462[%shift_right_arithmetic3A_1664, %dma_start3A_2463, %multiple_of3A_2439] : memref<2x8x1000000xf32, #tpu.memory_space<hbm>> -> memref<1x8x128xf32, #tpu.memory_space<hbm>>
        %dma_start3A_2465 = tpu.memref_squeeze %dma_start3A_2464 : memref<1x8x128xf32, #tpu.memory_space<hbm>> -> memref<8x128xf32, #tpu.memory_space<hbm>>
        %dma_start3A_2466 = tpu.memref_slice %arg12[%and3A_1668] : memref<2x!tpu.dma_semaphore, #tpu.memory_space<semaphore_mem>> -> memref<1x!tpu.dma_semaphore, #tpu.memory_space<semaphore_mem>>
        %dma_start3A_2467 = tpu.memref_squeeze %dma_start3A_2466 : memref<1x!tpu.dma_semaphore, #tpu.memory_space<semaphore_mem>> -> memref<!tpu.dma_semaphore, #tpu.memory_space<semaphore_mem>>
        %dma_start3A_2468 = arith.constant 120 : i32
        %dma_start3A_2469 = arith.constant 0 : i32
        %dma_start3A_2470 = tpu.memref_slice %arg10[%and3A_1668, %dma_start3A_2468, %dma_start3A_2469] : memref<2x128x128xf32, #tpu.memory_space<vmem>> -> memref<1x8x128xf32, #tpu.memory_space<vmem>>
        %dma_start3A_2471 = tpu.memref_squeeze %dma_start3A_2470 : memref<1x8x128xf32, #tpu.memory_space<vmem>> -> memref<8x128xf32, #tpu.memory_space<vmem>>
        %dma_start3A_2472 = tpu.memref_reshape %arg5 : memref<16x1000000xf32, #tpu.memory_space<hbm>> -> memref<2x8x1000000xf32, #tpu.memory_space<hbm>>
        %dma_start3A_2473 = arith.constant 0 : i32
        %dma_start3A_2474 = tpu.memref_slice %dma_start3A_2472[%shift_right_arithmetic3A_1664, %dma_start3A_2473, %multiple_of3A_2439] : memref<2x8x1000000xf32, #tpu.memory_space<hbm>> -> memref<1x8x128xf32, #tpu.memory_space<hbm>>
        %dma_start3A_2475 = tpu.memref_squeeze %dma_start3A_2474 : memref<1x8x128xf32, #tpu.memory_space<hbm>> -> memref<8x128xf32, #tpu.memory_space<hbm>>
        tpu.enqueue_dma source(%dma_start3A_2475 : memref<8x128xf32, #tpu.memory_space<hbm>>) target(%dma_start3A_2471 : memref<8x128xf32, #tpu.memory_space<vmem>>) target_semaphore(%dma_start3A_2467 : memref<!tpu.dma_semaphore, #tpu.memory_space<semaphore_mem>>)
      } else {
      }
      %dma_wait3A = arith.constant 0 : i32
      %dma_wait3A_826 = arith.constant 0 : i32
      %dma_wait3A_827 = arith.constant 0 : i32
      %dma_wait3A_828 = tpu.memref_slice %arg9[%and3A_823, %dma_wait3A_826, %dma_wait3A_827] : memref<2x128x128xf32, #tpu.memory_space<vmem>> -> memref<1x8x128xf32, #tpu.memory_space<vmem>>
      %dma_wait3A_829 = tpu.memref_squeeze %dma_wait3A_828 : memref<1x8x128xf32, #tpu.memory_space<vmem>> -> memref<8x128xf32, #tpu.memory_space<vmem>>
      %dma_wait3A_830 = tpu.memref_reshape %arg4 : memref<16x1000000xf32, #tpu.memory_space<hbm>> -> memref<2x8x1000000xf32, #tpu.memory_space<hbm>>
      %dma_wait3A_831 = arith.constant 0 : i32
      %dma_wait3A_832 = arith.constant 0 : i32
      %dma_wait3A_833 = tpu.memref_slice %dma_wait3A_830[%dma_wait3A, %dma_wait3A_831, %dma_wait3A_832] : memref<2x8x1000000xf32, #tpu.memory_space<hbm>> -> memref<1x8x128xf32, #tpu.memory_space<hbm>>
      %dma_wait3A_834 = tpu.memref_squeeze %dma_wait3A_833 : memref<1x8x128xf32, #tpu.memory_space<hbm>> -> memref<8x128xf32, #tpu.memory_space<hbm>>
      %dma_wait3A_835 = tpu.memref_slice %arg12[%and3A_823] : memref<2x!tpu.dma_semaphore, #tpu.memory_space<semaphore_mem>> -> memref<1x!tpu.dma_semaphore, #tpu.memory_space<semaphore_mem>>
      %dma_wait3A_836 = tpu.memref_squeeze %dma_wait3A_835 : memref<1x!tpu.dma_semaphore, #tpu.memory_space<semaphore_mem>> -> memref<!tpu.dma_semaphore, #tpu.memory_space<semaphore_mem>>
      %dma_wait3A_837 = arith.constant 0 : i32
      %dma_wait3A_838 = arith.constant 0 : i32
      %dma_wait3A_839 = tpu.memref_slice %arg9[%and3A_823, %dma_wait3A_837, %dma_wait3A_838] : memref<2x128x128xf32, #tpu.memory_space<vmem>> -> memref<1x8x128xf32, #tpu.memory_space<vmem>>
      %dma_wait3A_840 = tpu.memref_squeeze %dma_wait3A_839 : memref<1x8x128xf32, #tpu.memory_space<vmem>> -> memref<8x128xf32, #tpu.memory_space<vmem>>
      %dma_wait3A_841 = tpu.memref_reshape %arg4 : memref<16x1000000xf32, #tpu.memory_space<hbm>> -> memref<2x8x1000000xf32, #tpu.memory_space<hbm>>
      %dma_wait3A_842 = arith.constant 0 : i32
      %dma_wait3A_843 = arith.constant 0 : i32
      %dma_wait3A_844 = tpu.memref_slice %dma_wait3A_841[%dma_wait3A, %dma_wait3A_842, %dma_wait3A_843] : memref<2x8x1000000xf32, #tpu.memory_space<hbm>> -> memref<1x8x128xf32, #tpu.memory_space<hbm>>
      %dma_wait3A_845 = tpu.memref_squeeze %dma_wait3A_844 : memref<1x8x128xf32, #tpu.memory_space<hbm>> -> memref<8x128xf32, #tpu.memory_space<hbm>>
      tpu.wait_dma2 semaphore(%dma_wait3A_836 : memref<!tpu.dma_semaphore, #tpu.memory_space<semaphore_mem>>) src(%dma_wait3A_845 : memref<8x128xf32, #tpu.memory_space<hbm>>) dst(%dma_wait3A_840 : memref<8x128xf32, #tpu.memory_space<vmem>>)
      %dma_wait3A_846 = arith.constant 0 : i32
      %dma_wait3A_847 = arith.constant 0 : i32
      %dma_wait3A_848 = arith.constant 0 : i32
      %dma_wait3A_849 = tpu.memref_slice %arg10[%and3A_823, %dma_wait3A_847, %dma_wait3A_848] : memref<2x128x128xf32, #tpu.memory_space<vmem>> -> memref<1x8x128xf32, #tpu.memory_space<vmem>>
      %dma_wait3A_850 = tpu.memref_squeeze %dma_wait3A_849 : memref<1x8x128xf32, #tpu.memory_space<vmem>> -> memref<8x128xf32, #tpu.memory_space<vmem>>
      %dma_wait3A_851 = tpu.memref_reshape %arg4 : memref<16x1000000xf32, #tpu.memory_space<hbm>> -> memref<2x8x1000000xf32, #tpu.memory_space<hbm>>
      %dma_wait3A_852 = arith.constant 0 : i32
      %dma_wait3A_853 = arith.constant 0 : i32
      %dma_wait3A_854 = tpu.memref_slice %dma_wait3A_851[%dma_wait3A_846, %dma_wait3A_852, %dma_wait3A_853] : memref<2x8x1000000xf32, #tpu.memory_space<hbm>> -> memref<1x8x128xf32, #tpu.memory_space<hbm>>
      %dma_wait3A_855 = tpu.memref_squeeze %dma_wait3A_854 : memref<1x8x128xf32, #tpu.memory_space<hbm>> -> memref<8x128xf32, #tpu.memory_space<hbm>>
      %dma_wait3A_856 = tpu.memref_slice %arg12[%and3A_823] : memref<2x!tpu.dma_semaphore, #tpu.memory_space<semaphore_mem>> -> memref<1x!tpu.dma_semaphore, #tpu.memory_space<semaphore_mem>>
      %dma_wait3A_857 = tpu.memref_squeeze %dma_wait3A_856 : memref<1x!tpu.dma_semaphore, #tpu.memory_space<semaphore_mem>> -> memref<!tpu.dma_semaphore, #tpu.memory_space<semaphore_mem>>
      %dma_wait3A_858 = arith.constant 0 : i32
      %dma_wait3A_859 = arith.constant 0 : i32
      %dma_wait3A_860 = tpu.memref_slice %arg10[%and3A_823, %dma_wait3A_858, %dma_wait3A_859] : memref<2x128x128xf32, #tpu.memory_space<vmem>> -> memref<1x8x128xf32, #tpu.memory_space<vmem>>
      %dma_wait3A_861 = tpu.memref_squeeze %dma_wait3A_860 : memref<1x8x128xf32, #tpu.memory_space<vmem>> -> memref<8x128xf32, #tpu.memory_space<vmem>>
      %dma_wait3A_862 = tpu.memref_reshape %arg4 : memref<16x1000000xf32, #tpu.memory_space<hbm>> -> memref<2x8x1000000xf32, #tpu.memory_space<hbm>>
      %dma_wait3A_863 = arith.constant 0 : i32
      %dma_wait3A_864 = arith.constant 0 : i32
      %dma_wait3A_865 = tpu.memref_slice %dma_wait3A_862[%dma_wait3A_846, %dma_wait3A_863, %dma_wait3A_864] : memref<2x8x1000000xf32, #tpu.memory_space<hbm>> -> memref<1x8x128xf32, #tpu.memory_space<hbm>>
      %dma_wait3A_866 = tpu.memref_squeeze %dma_wait3A_865 : memref<1x8x128xf32, #tpu.memory_space<hbm>> -> memref<8x128xf32, #tpu.memory_space<hbm>>
      tpu.wait_dma2 semaphore(%dma_wait3A_857 : memref<!tpu.dma_semaphore, #tpu.memory_space<semaphore_mem>>) src(%dma_wait3A_866 : memref<8x128xf32, #tpu.memory_space<hbm>>) dst(%dma_wait3A_861 : memref<8x128xf32, #tpu.memory_space<vmem>>)
      %dma_wait3A_867 = arith.constant 0 : i32
      %dma_wait3A_868 = arith.constant 8 : i32
      %dma_wait3A_869 = arith.constant 0 : i32
      %dma_wait3A_870 = tpu.memref_slice %arg9[%and3A_823, %dma_wait3A_868, %dma_wait3A_869] : memref<2x128x128xf32, #tpu.memory_space<vmem>> -> memref<1x8x128xf32, #tpu.memory_space<vmem>>
      %dma_wait3A_871 = tpu.memref_squeeze %dma_wait3A_870 : memref<1x8x128xf32, #tpu.memory_space<vmem>> -> memref<8x128xf32, #tpu.memory_space<vmem>>
      %dma_wait3A_872 = tpu.memref_reshape %arg4 : memref<16x1000000xf32, #tpu.memory_space<hbm>> -> memref<2x8x1000000xf32, #tpu.memory_space<hbm>>
      %dma_wait3A_873 = arith.constant 0 : i32
      %dma_wait3A_874 = arith.constant 0 : i32
      %dma_wait3A_875 = tpu.memref_slice %dma_wait3A_872[%dma_wait3A_867, %dma_wait3A_873, %dma_wait3A_874] : memref<2x8x1000000xf32, #tpu.memory_space<hbm>> -> memref<1x8x128xf32, #tpu.memory_space<hbm>>
      %dma_wait3A_876 = tpu.memref_squeeze %dma_wait3A_875 : memref<1x8x128xf32, #tpu.memory_space<hbm>> -> memref<8x128xf32, #tpu.memory_space<hbm>>
      %dma_wait3A_877 = tpu.memref_slice %arg12[%and3A_823] : memref<2x!tpu.dma_semaphore, #tpu.memory_space<semaphore_mem>> -> memref<1x!tpu.dma_semaphore, #tpu.memory_space<semaphore_mem>>
      %dma_wait3A_878 = tpu.memref_squeeze %dma_wait3A_877 : memref<1x!tpu.dma_semaphore, #tpu.memory_space<semaphore_mem>> -> memref<!tpu.dma_semaphore, #tpu.memory_space<semaphore_mem>>
      %dma_wait3A_879 = arith.constant 8 : i32
      %dma_wait3A_880 = arith.constant 0 : i32
      %dma_wait3A_881 = tpu.memref_slice %arg9[%and3A_823, %dma_wait3A_879, %dma_wait3A_880] : memref<2x128x128xf32, #tpu.memory_space<vmem>> -> memref<1x8x128xf32, #tpu.memory_space<vmem>>
      %dma_wait3A_882 = tpu.memref_squeeze %dma_wait3A_881 : memref<1x8x128xf32, #tpu.memory_space<vmem>> -> memref<8x128xf32, #tpu.memory_space<vmem>>
      %dma_wait3A_883 = tpu.memref_reshape %arg4 : memref<16x1000000xf32, #tpu.memory_space<hbm>> -> memref<2x8x1000000xf32, #tpu.memory_space<hbm>>
      %dma_wait3A_884 = arith.constant 0 : i32
      %dma_wait3A_885 = arith.constant 0 : i32
      %dma_wait3A_886 = tpu.memref_slice %dma_wait3A_883[%dma_wait3A_867, %dma_wait3A_884, %dma_wait3A_885] : memref<2x8x1000000xf32, #tpu.memory_space<hbm>> -> memref<1x8x128xf32, #tpu.memory_space<hbm>>
      %dma_wait3A_887 = tpu.memref_squeeze %dma_wait3A_886 : memref<1x8x128xf32, #tpu.memory_space<hbm>> -> memref<8x128xf32, #tpu.memory_space<hbm>>
      tpu.wait_dma2 semaphore(%dma_wait3A_878 : memref<!tpu.dma_semaphore, #tpu.memory_space<semaphore_mem>>) src(%dma_wait3A_887 : memref<8x128xf32, #tpu.memory_space<hbm>>) dst(%dma_wait3A_882 : memref<8x128xf32, #tpu.memory_space<vmem>>)
      %dma_wait3A_888 = arith.constant 0 : i32
      %dma_wait3A_889 = arith.constant 8 : i32
      %dma_wait3A_890 = arith.constant 0 : i32
      %dma_wait3A_891 = tpu.memref_slice %arg10[%and3A_823, %dma_wait3A_889, %dma_wait3A_890] : memref<2x128x128xf32, #tpu.memory_space<vmem>> -> memref<1x8x128xf32, #tpu.memory_space<vmem>>
      %dma_wait3A_892 = tpu.memref_squeeze %dma_wait3A_891 : memref<1x8x128xf32, #tpu.memory_space<vmem>> -> memref<8x128xf32, #tpu.memory_space<vmem>>
      %dma_wait3A_893 = tpu.memref_reshape %arg4 : memref<16x1000000xf32, #tpu.memory_space<hbm>> -> memref<2x8x1000000xf32, #tpu.memory_space<hbm>>
      %dma_wait3A_894 = arith.constant 0 : i32
      %dma_wait3A_895 = arith.constant 0 : i32
      %dma_wait3A_896 = tpu.memref_slice %dma_wait3A_893[%dma_wait3A_888, %dma_wait3A_894, %dma_wait3A_895] : memref<2x8x1000000xf32, #tpu.memory_space<hbm>> -> memref<1x8x128xf32, #tpu.memory_space<hbm>>
      %dma_wait3A_897 = tpu.memref_squeeze %dma_wait3A_896 : memref<1x8x128xf32, #tpu.memory_space<hbm>> -> memref<8x128xf32, #tpu.memory_space<hbm>>
      %dma_wait3A_898 = tpu.memref_slice %arg12[%and3A_823] : memref<2x!tpu.dma_semaphore, #tpu.memory_space<semaphore_mem>> -> memref<1x!tpu.dma_semaphore, #tpu.memory_space<semaphore_mem>>
      %dma_wait3A_899 = tpu.memref_squeeze %dma_wait3A_898 : memref<1x!tpu.dma_semaphore, #tpu.memory_space<semaphore_mem>> -> memref<!tpu.dma_semaphore, #tpu.memory_space<semaphore_mem>>
      %dma_wait3A_900 = arith.constant 8 : i32
      %dma_wait3A_901 = arith.constant 0 : i32
      %dma_wait3A_902 = tpu.memref_slice %arg10[%and3A_823, %dma_wait3A_900, %dma_wait3A_901] : memref<2x128x128xf32, #tpu.memory_space<vmem>> -> memref<1x8x128xf32, #tpu.memory_space<vmem>>
      %dma_wait3A_903 = tpu.memref_squeeze %dma_wait3A_902 : memref<1x8x128xf32, #tpu.memory_space<vmem>> -> memref<8x128xf32, #tpu.memory_space<vmem>>
      %dma_wait3A_904 = tpu.memref_reshape %arg4 : memref<16x1000000xf32, #tpu.memory_space<hbm>> -> memref<2x8x1000000xf32, #tpu.memory_space<hbm>>
      %dma_wait3A_905 = arith.constant 0 : i32
      %dma_wait3A_906 = arith.constant 0 : i32
      %dma_wait3A_907 = tpu.memref_slice %dma_wait3A_904[%dma_wait3A_888, %dma_wait3A_905, %dma_wait3A_906] : memref<2x8x1000000xf32, #tpu.memory_space<hbm>> -> memref<1x8x128xf32, #tpu.memory_space<hbm>>
      %dma_wait3A_908 = tpu.memref_squeeze %dma_wait3A_907 : memref<1x8x128xf32, #tpu.memory_space<hbm>> -> memref<8x128xf32, #tpu.memory_space<hbm>>
      tpu.wait_dma2 semaphore(%dma_wait3A_899 : memref<!tpu.dma_semaphore, #tpu.memory_space<semaphore_mem>>) src(%dma_wait3A_908 : memref<8x128xf32, #tpu.memory_space<hbm>>) dst(%dma_wait3A_903 : memref<8x128xf32, #tpu.memory_space<vmem>>)
      %dma_wait3A_909 = arith.constant 0 : i32
      %dma_wait3A_910 = arith.constant 16 : i32
      %dma_wait3A_911 = arith.constant 0 : i32
      %dma_wait3A_912 = tpu.memref_slice %arg9[%and3A_823, %dma_wait3A_910, %dma_wait3A_911] : memref<2x128x128xf32, #tpu.memory_space<vmem>> -> memref<1x8x128xf32, #tpu.memory_space<vmem>>
      %dma_wait3A_913 = tpu.memref_squeeze %dma_wait3A_912 : memref<1x8x128xf32, #tpu.memory_space<vmem>> -> memref<8x128xf32, #tpu.memory_space<vmem>>
      %dma_wait3A_914 = tpu.memref_reshape %arg4 : memref<16x1000000xf32, #tpu.memory_space<hbm>> -> memref<2x8x1000000xf32, #tpu.memory_space<hbm>>
      %dma_wait3A_915 = arith.constant 0 : i32
      %dma_wait3A_916 = arith.constant 0 : i32
      %dma_wait3A_917 = tpu.memref_slice %dma_wait3A_914[%dma_wait3A_909, %dma_wait3A_915, %dma_wait3A_916] : memref<2x8x1000000xf32, #tpu.memory_space<hbm>> -> memref<1x8x128xf32, #tpu.memory_space<hbm>>
      %dma_wait3A_918 = tpu.memref_squeeze %dma_wait3A_917 : memref<1x8x128xf32, #tpu.memory_space<hbm>> -> memref<8x128xf32, #tpu.memory_space<hbm>>
      %dma_wait3A_919 = tpu.memref_slice %arg12[%and3A_823] : memref<2x!tpu.dma_semaphore, #tpu.memory_space<semaphore_mem>> -> memref<1x!tpu.dma_semaphore, #tpu.memory_space<semaphore_mem>>
      %dma_wait3A_920 = tpu.memref_squeeze %dma_wait3A_919 : memref<1x!tpu.dma_semaphore, #tpu.memory_space<semaphore_mem>> -> memref<!tpu.dma_semaphore, #tpu.memory_space<semaphore_mem>>
      %dma_wait3A_921 = arith.constant 16 : i32
      %dma_wait3A_922 = arith.constant 0 : i32
      %dma_wait3A_923 = tpu.memref_slice %arg9[%and3A_823, %dma_wait3A_921, %dma_wait3A_922] : memref<2x128x128xf32, #tpu.memory_space<vmem>> -> memref<1x8x128xf32, #tpu.memory_space<vmem>>
      %dma_wait3A_924 = tpu.memref_squeeze %dma_wait3A_923 : memref<1x8x128xf32, #tpu.memory_space<vmem>> -> memref<8x128xf32, #tpu.memory_space<vmem>>
      %dma_wait3A_925 = tpu.memref_reshape %arg4 : memref<16x1000000xf32, #tpu.memory_space<hbm>> -> memref<2x8x1000000xf32, #tpu.memory_space<hbm>>
      %dma_wait3A_926 = arith.constant 0 : i32
      %dma_wait3A_927 = arith.constant 0 : i32
      %dma_wait3A_928 = tpu.memref_slice %dma_wait3A_925[%dma_wait3A_909, %dma_wait3A_926, %dma_wait3A_927] : memref<2x8x1000000xf32, #tpu.memory_space<hbm>> -> memref<1x8x128xf32, #tpu.memory_space<hbm>>
      %dma_wait3A_929 = tpu.memref_squeeze %dma_wait3A_928 : memref<1x8x128xf32, #tpu.memory_space<hbm>> -> memref<8x128xf32, #tpu.memory_space<hbm>>
      tpu.wait_dma2 semaphore(%dma_wait3A_920 : memref<!tpu.dma_semaphore, #tpu.memory_space<semaphore_mem>>) src(%dma_wait3A_929 : memref<8x128xf32, #tpu.memory_space<hbm>>) dst(%dma_wait3A_924 : memref<8x128xf32, #tpu.memory_space<vmem>>)
      %dma_wait3A_930 = arith.constant 0 : i32
      %dma_wait3A_931 = arith.constant 16 : i32
      %dma_wait3A_932 = arith.constant 0 : i32
      %dma_wait3A_933 = tpu.memref_slice %arg10[%and3A_823, %dma_wait3A_931, %dma_wait3A_932] : memref<2x128x128xf32, #tpu.memory_space<vmem>> -> memref<1x8x128xf32, #tpu.memory_space<vmem>>
      %dma_wait3A_934 = tpu.memref_squeeze %dma_wait3A_933 : memref<1x8x128xf32, #tpu.memory_space<vmem>> -> memref<8x128xf32, #tpu.memory_space<vmem>>
      %dma_wait3A_935 = tpu.memref_reshape %arg4 : memref<16x1000000xf32, #tpu.memory_space<hbm>> -> memref<2x8x1000000xf32, #tpu.memory_space<hbm>>
      %dma_wait3A_936 = arith.constant 0 : i32
      %dma_wait3A_937 = arith.constant 0 : i32
      %dma_wait3A_938 = tpu.memref_slice %dma_wait3A_935[%dma_wait3A_930, %dma_wait3A_936, %dma_wait3A_937] : memref<2x8x1000000xf32, #tpu.memory_space<hbm>> -> memref<1x8x128xf32, #tpu.memory_space<hbm>>
      %dma_wait3A_939 = tpu.memref_squeeze %dma_wait3A_938 : memref<1x8x128xf32, #tpu.memory_space<hbm>> -> memref<8x128xf32, #tpu.memory_space<hbm>>
      %dma_wait3A_940 = tpu.memref_slice %arg12[%and3A_823] : memref<2x!tpu.dma_semaphore, #tpu.memory_space<semaphore_mem>> -> memref<1x!tpu.dma_semaphore, #tpu.memory_space<semaphore_mem>>
      %dma_wait3A_941 = tpu.memref_squeeze %dma_wait3A_940 : memref<1x!tpu.dma_semaphore, #tpu.memory_space<semaphore_mem>> -> memref<!tpu.dma_semaphore, #tpu.memory_space<semaphore_mem>>
      %dma_wait3A_942 = arith.constant 16 : i32
      %dma_wait3A_943 = arith.constant 0 : i32
      %dma_wait3A_944 = tpu.memref_slice %arg10[%and3A_823, %dma_wait3A_942, %dma_wait3A_943] : memref<2x128x128xf32, #tpu.memory_space<vmem>> -> memref<1x8x128xf32, #tpu.memory_space<vmem>>
      %dma_wait3A_945 = tpu.memref_squeeze %dma_wait3A_944 : memref<1x8x128xf32, #tpu.memory_space<vmem>> -> memref<8x128xf32, #tpu.memory_space<vmem>>
      %dma_wait3A_946 = tpu.memref_reshape %arg4 : memref<16x1000000xf32, #tpu.memory_space<hbm>> -> memref<2x8x1000000xf32, #tpu.memory_space<hbm>>
      %dma_wait3A_947 = arith.constant 0 : i32
      %dma_wait3A_948 = arith.constant 0 : i32
      %dma_wait3A_949 = tpu.memref_slice %dma_wait3A_946[%dma_wait3A_930, %dma_wait3A_947, %dma_wait3A_948] : memref<2x8x1000000xf32, #tpu.memory_space<hbm>> -> memref<1x8x128xf32, #tpu.memory_space<hbm>>
      %dma_wait3A_950 = tpu.memref_squeeze %dma_wait3A_949 : memref<1x8x128xf32, #tpu.memory_space<hbm>> -> memref<8x128xf32, #tpu.memory_space<hbm>>
      tpu.wait_dma2 semaphore(%dma_wait3A_941 : memref<!tpu.dma_semaphore, #tpu.memory_space<semaphore_mem>>) src(%dma_wait3A_950 : memref<8x128xf32, #tpu.memory_space<hbm>>) dst(%dma_wait3A_945 : memref<8x128xf32, #tpu.memory_space<vmem>>)
      %dma_wait3A_951 = arith.constant 0 : i32
      %dma_wait3A_952 = arith.constant 24 : i32
      %dma_wait3A_953 = arith.constant 0 : i32
      %dma_wait3A_954 = tpu.memref_slice %arg9[%and3A_823, %dma_wait3A_952, %dma_wait3A_953] : memref<2x128x128xf32, #tpu.memory_space<vmem>> -> memref<1x8x128xf32, #tpu.memory_space<vmem>>
      %dma_wait3A_955 = tpu.memref_squeeze %dma_wait3A_954 : memref<1x8x128xf32, #tpu.memory_space<vmem>> -> memref<8x128xf32, #tpu.memory_space<vmem>>
      %dma_wait3A_956 = tpu.memref_reshape %arg4 : memref<16x1000000xf32, #tpu.memory_space<hbm>> -> memref<2x8x1000000xf32, #tpu.memory_space<hbm>>
      %dma_wait3A_957 = arith.constant 0 : i32
      %dma_wait3A_958 = arith.constant 0 : i32
      %dma_wait3A_959 = tpu.memref_slice %dma_wait3A_956[%dma_wait3A_951, %dma_wait3A_957, %dma_wait3A_958] : memref<2x8x1000000xf32, #tpu.memory_space<hbm>> -> memref<1x8x128xf32, #tpu.memory_space<hbm>>
      %dma_wait3A_960 = tpu.memref_squeeze %dma_wait3A_959 : memref<1x8x128xf32, #tpu.memory_space<hbm>> -> memref<8x128xf32, #tpu.memory_space<hbm>>
      %dma_wait3A_961 = tpu.memref_slice %arg12[%and3A_823] : memref<2x!tpu.dma_semaphore, #tpu.memory_space<semaphore_mem>> -> memref<1x!tpu.dma_semaphore, #tpu.memory_space<semaphore_mem>>
      %dma_wait3A_962 = tpu.memref_squeeze %dma_wait3A_961 : memref<1x!tpu.dma_semaphore, #tpu.memory_space<semaphore_mem>> -> memref<!tpu.dma_semaphore, #tpu.memory_space<semaphore_mem>>
      %dma_wait3A_963 = arith.constant 24 : i32
      %dma_wait3A_964 = arith.constant 0 : i32
      %dma_wait3A_965 = tpu.memref_slice %arg9[%and3A_823, %dma_wait3A_963, %dma_wait3A_964] : memref<2x128x128xf32, #tpu.memory_space<vmem>> -> memref<1x8x128xf32, #tpu.memory_space<vmem>>
      %dma_wait3A_966 = tpu.memref_squeeze %dma_wait3A_965 : memref<1x8x128xf32, #tpu.memory_space<vmem>> -> memref<8x128xf32, #tpu.memory_space<vmem>>
      %dma_wait3A_967 = tpu.memref_reshape %arg4 : memref<16x1000000xf32, #tpu.memory_space<hbm>> -> memref<2x8x1000000xf32, #tpu.memory_space<hbm>>
      %dma_wait3A_968 = arith.constant 0 : i32
      %dma_wait3A_969 = arith.constant 0 : i32
      %dma_wait3A_970 = tpu.memref_slice %dma_wait3A_967[%dma_wait3A_951, %dma_wait3A_968, %dma_wait3A_969] : memref<2x8x1000000xf32, #tpu.memory_space<hbm>> -> memref<1x8x128xf32, #tpu.memory_space<hbm>>
      %dma_wait3A_971 = tpu.memref_squeeze %dma_wait3A_970 : memref<1x8x128xf32, #tpu.memory_space<hbm>> -> memref<8x128xf32, #tpu.memory_space<hbm>>
      tpu.wait_dma2 semaphore(%dma_wait3A_962 : memref<!tpu.dma_semaphore, #tpu.memory_space<semaphore_mem>>) src(%dma_wait3A_971 : memref<8x128xf32, #tpu.memory_space<hbm>>) dst(%dma_wait3A_966 : memref<8x128xf32, #tpu.memory_space<vmem>>)
      %dma_wait3A_972 = arith.constant 0 : i32
      %dma_wait3A_973 = arith.constant 24 : i32
      %dma_wait3A_974 = arith.constant 0 : i32
      %dma_wait3A_975 = tpu.memref_slice %arg10[%and3A_823, %dma_wait3A_973, %dma_wait3A_974] : memref<2x128x128xf32, #tpu.memory_space<vmem>> -> memref<1x8x128xf32, #tpu.memory_space<vmem>>
      %dma_wait3A_976 = tpu.memref_squeeze %dma_wait3A_975 : memref<1x8x128xf32, #tpu.memory_space<vmem>> -> memref<8x128xf32, #tpu.memory_space<vmem>>
      %dma_wait3A_977 = tpu.memref_reshape %arg4 : memref<16x1000000xf32, #tpu.memory_space<hbm>> -> memref<2x8x1000000xf32, #tpu.memory_space<hbm>>
      %dma_wait3A_978 = arith.constant 0 : i32
      %dma_wait3A_979 = arith.constant 0 : i32
      %dma_wait3A_980 = tpu.memref_slice %dma_wait3A_977[%dma_wait3A_972, %dma_wait3A_978, %dma_wait3A_979] : memref<2x8x1000000xf32, #tpu.memory_space<hbm>> -> memref<1x8x128xf32, #tpu.memory_space<hbm>>
      %dma_wait3A_981 = tpu.memref_squeeze %dma_wait3A_980 : memref<1x8x128xf32, #tpu.memory_space<hbm>> -> memref<8x128xf32, #tpu.memory_space<hbm>>
      %dma_wait3A_982 = tpu.memref_slice %arg12[%and3A_823] : memref<2x!tpu.dma_semaphore, #tpu.memory_space<semaphore_mem>> -> memref<1x!tpu.dma_semaphore, #tpu.memory_space<semaphore_mem>>
      %dma_wait3A_983 = tpu.memref_squeeze %dma_wait3A_982 : memref<1x!tpu.dma_semaphore, #tpu.memory_space<semaphore_mem>> -> memref<!tpu.dma_semaphore, #tpu.memory_space<semaphore_mem>>
      %dma_wait3A_984 = arith.constant 24 : i32
      %dma_wait3A_985 = arith.constant 0 : i32
      %dma_wait3A_986 = tpu.memref_slice %arg10[%and3A_823, %dma_wait3A_984, %dma_wait3A_985] : memref<2x128x128xf32, #tpu.memory_space<vmem>> -> memref<1x8x128xf32, #tpu.memory_space<vmem>>
      %dma_wait3A_987 = tpu.memref_squeeze %dma_wait3A_986 : memref<1x8x128xf32, #tpu.memory_space<vmem>> -> memref<8x128xf32, #tpu.memory_space<vmem>>
      %dma_wait3A_988 = tpu.memref_reshape %arg4 : memref<16x1000000xf32, #tpu.memory_space<hbm>> -> memref<2x8x1000000xf32, #tpu.memory_space<hbm>>
      %dma_wait3A_989 = arith.constant 0 : i32
      %dma_wait3A_990 = arith.constant 0 : i32
      %dma_wait3A_991 = tpu.memref_slice %dma_wait3A_988[%dma_wait3A_972, %dma_wait3A_989, %dma_wait3A_990] : memref<2x8x1000000xf32, #tpu.memory_space<hbm>> -> memref<1x8x128xf32, #tpu.memory_space<hbm>>
      %dma_wait3A_992 = tpu.memref_squeeze %dma_wait3A_991 : memref<1x8x128xf32, #tpu.memory_space<hbm>> -> memref<8x128xf32, #tpu.memory_space<hbm>>
      tpu.wait_dma2 semaphore(%dma_wait3A_983 : memref<!tpu.dma_semaphore, #tpu.memory_space<semaphore_mem>>) src(%dma_wait3A_992 : memref<8x128xf32, #tpu.memory_space<hbm>>) dst(%dma_wait3A_987 : memref<8x128xf32, #tpu.memory_space<vmem>>)
      %dma_wait3A_993 = arith.constant 0 : i32
      %dma_wait3A_994 = arith.constant 32 : i32
      %dma_wait3A_995 = arith.constant 0 : i32
      %dma_wait3A_996 = tpu.memref_slice %arg9[%and3A_823, %dma_wait3A_994, %dma_wait3A_995] : memref<2x128x128xf32, #tpu.memory_space<vmem>> -> memref<1x8x128xf32, #tpu.memory_space<vmem>>
      %dma_wait3A_997 = tpu.memref_squeeze %dma_wait3A_996 : memref<1x8x128xf32, #tpu.memory_space<vmem>> -> memref<8x128xf32, #tpu.memory_space<vmem>>
      %dma_wait3A_998 = tpu.memref_reshape %arg4 : memref<16x1000000xf32, #tpu.memory_space<hbm>> -> memref<2x8x1000000xf32, #tpu.memory_space<hbm>>
      %dma_wait3A_999 = arith.constant 0 : i32
      %dma_wait3A_1000 = arith.constant 0 : i32
      %dma_wait3A_1001 = tpu.memref_slice %dma_wait3A_998[%dma_wait3A_993, %dma_wait3A_999, %dma_wait3A_1000] : memref<2x8x1000000xf32, #tpu.memory_space<hbm>> -> memref<1x8x128xf32, #tpu.memory_space<hbm>>
      %dma_wait3A_1002 = tpu.memref_squeeze %dma_wait3A_1001 : memref<1x8x128xf32, #tpu.memory_space<hbm>> -> memref<8x128xf32, #tpu.memory_space<hbm>>
      %dma_wait3A_1003 = tpu.memref_slice %arg12[%and3A_823] : memref<2x!tpu.dma_semaphore, #tpu.memory_space<semaphore_mem>> -> memref<1x!tpu.dma_semaphore, #tpu.memory_space<semaphore_mem>>
      %dma_wait3A_1004 = tpu.memref_squeeze %dma_wait3A_1003 : memref<1x!tpu.dma_semaphore, #tpu.memory_space<semaphore_mem>> -> memref<!tpu.dma_semaphore, #tpu.memory_space<semaphore_mem>>
      %dma_wait3A_1005 = arith.constant 32 : i32
      %dma_wait3A_1006 = arith.constant 0 : i32
      %dma_wait3A_1007 = tpu.memref_slice %arg9[%and3A_823, %dma_wait3A_1005, %dma_wait3A_1006] : memref<2x128x128xf32, #tpu.memory_space<vmem>> -> memref<1x8x128xf32, #tpu.memory_space<vmem>>
      %dma_wait3A_1008 = tpu.memref_squeeze %dma_wait3A_1007 : memref<1x8x128xf32, #tpu.memory_space<vmem>> -> memref<8x128xf32, #tpu.memory_space<vmem>>
      %dma_wait3A_1009 = tpu.memref_reshape %arg4 : memref<16x1000000xf32, #tpu.memory_space<hbm>> -> memref<2x8x1000000xf32, #tpu.memory_space<hbm>>
      %dma_wait3A_1010 = arith.constant 0 : i32
      %dma_wait3A_1011 = arith.constant 0 : i32
      %dma_wait3A_1012 = tpu.memref_slice %dma_wait3A_1009[%dma_wait3A_993, %dma_wait3A_1010, %dma_wait3A_1011] : memref<2x8x1000000xf32, #tpu.memory_space<hbm>> -> memref<1x8x128xf32, #tpu.memory_space<hbm>>
      %dma_wait3A_1013 = tpu.memref_squeeze %dma_wait3A_1012 : memref<1x8x128xf32, #tpu.memory_space<hbm>> -> memref<8x128xf32, #tpu.memory_space<hbm>>
      tpu.wait_dma2 semaphore(%dma_wait3A_1004 : memref<!tpu.dma_semaphore, #tpu.memory_space<semaphore_mem>>) src(%dma_wait3A_1013 : memref<8x128xf32, #tpu.memory_space<hbm>>) dst(%dma_wait3A_1008 : memref<8x128xf32, #tpu.memory_space<vmem>>)
      %dma_wait3A_1014 = arith.constant 0 : i32
      %dma_wait3A_1015 = arith.constant 32 : i32
      %dma_wait3A_1016 = arith.constant 0 : i32
      %dma_wait3A_1017 = tpu.memref_slice %arg10[%and3A_823, %dma_wait3A_1015, %dma_wait3A_1016] : memref<2x128x128xf32, #tpu.memory_space<vmem>> -> memref<1x8x128xf32, #tpu.memory_space<vmem>>
      %dma_wait3A_1018 = tpu.memref_squeeze %dma_wait3A_1017 : memref<1x8x128xf32, #tpu.memory_space<vmem>> -> memref<8x128xf32, #tpu.memory_space<vmem>>
      %dma_wait3A_1019 = tpu.memref_reshape %arg4 : memref<16x1000000xf32, #tpu.memory_space<hbm>> -> memref<2x8x1000000xf32, #tpu.memory_space<hbm>>
      %dma_wait3A_1020 = arith.constant 0 : i32
      %dma_wait3A_1021 = arith.constant 0 : i32
      %dma_wait3A_1022 = tpu.memref_slice %dma_wait3A_1019[%dma_wait3A_1014, %dma_wait3A_1020, %dma_wait3A_1021] : memref<2x8x1000000xf32, #tpu.memory_space<hbm>> -> memref<1x8x128xf32, #tpu.memory_space<hbm>>
      %dma_wait3A_1023 = tpu.memref_squeeze %dma_wait3A_1022 : memref<1x8x128xf32, #tpu.memory_space<hbm>> -> memref<8x128xf32, #tpu.memory_space<hbm>>
      %dma_wait3A_1024 = tpu.memref_slice %arg12[%and3A_823] : memref<2x!tpu.dma_semaphore, #tpu.memory_space<semaphore_mem>> -> memref<1x!tpu.dma_semaphore, #tpu.memory_space<semaphore_mem>>
      %dma_wait3A_1025 = tpu.memref_squeeze %dma_wait3A_1024 : memref<1x!tpu.dma_semaphore, #tpu.memory_space<semaphore_mem>> -> memref<!tpu.dma_semaphore, #tpu.memory_space<semaphore_mem>>
      %dma_wait3A_1026 = arith.constant 32 : i32
      %dma_wait3A_1027 = arith.constant 0 : i32
      %dma_wait3A_1028 = tpu.memref_slice %arg10[%and3A_823, %dma_wait3A_1026, %dma_wait3A_1027] : memref<2x128x128xf32, #tpu.memory_space<vmem>> -> memref<1x8x128xf32, #tpu.memory_space<vmem>>
      %dma_wait3A_1029 = tpu.memref_squeeze %dma_wait3A_1028 : memref<1x8x128xf32, #tpu.memory_space<vmem>> -> memref<8x128xf32, #tpu.memory_space<vmem>>
      %dma_wait3A_1030 = tpu.memref_reshape %arg4 : memref<16x1000000xf32, #tpu.memory_space<hbm>> -> memref<2x8x1000000xf32, #tpu.memory_space<hbm>>
      %dma_wait3A_1031 = arith.constant 0 : i32
      %dma_wait3A_1032 = arith.constant 0 : i32
      %dma_wait3A_1033 = tpu.memref_slice %dma_wait3A_1030[%dma_wait3A_1014, %dma_wait3A_1031, %dma_wait3A_1032] : memref<2x8x1000000xf32, #tpu.memory_space<hbm>> -> memref<1x8x128xf32, #tpu.memory_space<hbm>>
      %dma_wait3A_1034 = tpu.memref_squeeze %dma_wait3A_1033 : memref<1x8x128xf32, #tpu.memory_space<hbm>> -> memref<8x128xf32, #tpu.memory_space<hbm>>
      tpu.wait_dma2 semaphore(%dma_wait3A_1025 : memref<!tpu.dma_semaphore, #tpu.memory_space<semaphore_mem>>) src(%dma_wait3A_1034 : memref<8x128xf32, #tpu.memory_space<hbm>>) dst(%dma_wait3A_1029 : memref<8x128xf32, #tpu.memory_space<vmem>>)
      %dma_wait3A_1035 = arith.constant 0 : i32
      %dma_wait3A_1036 = arith.constant 40 : i32
      %dma_wait3A_1037 = arith.constant 0 : i32
      %dma_wait3A_1038 = tpu.memref_slice %arg9[%and3A_823, %dma_wait3A_1036, %dma_wait3A_1037] : memref<2x128x128xf32, #tpu.memory_space<vmem>> -> memref<1x8x128xf32, #tpu.memory_space<vmem>>
      %dma_wait3A_1039 = tpu.memref_squeeze %dma_wait3A_1038 : memref<1x8x128xf32, #tpu.memory_space<vmem>> -> memref<8x128xf32, #tpu.memory_space<vmem>>
      %dma_wait3A_1040 = tpu.memref_reshape %arg4 : memref<16x1000000xf32, #tpu.memory_space<hbm>> -> memref<2x8x1000000xf32, #tpu.memory_space<hbm>>
      %dma_wait3A_1041 = arith.constant 0 : i32
      %dma_wait3A_1042 = arith.constant 0 : i32
      %dma_wait3A_1043 = tpu.memref_slice %dma_wait3A_1040[%dma_wait3A_1035, %dma_wait3A_1041, %dma_wait3A_1042] : memref<2x8x1000000xf32, #tpu.memory_space<hbm>> -> memref<1x8x128xf32, #tpu.memory_space<hbm>>
      %dma_wait3A_1044 = tpu.memref_squeeze %dma_wait3A_1043 : memref<1x8x128xf32, #tpu.memory_space<hbm>> -> memref<8x128xf32, #tpu.memory_space<hbm>>
      %dma_wait3A_1045 = tpu.memref_slice %arg12[%and3A_823] : memref<2x!tpu.dma_semaphore, #tpu.memory_space<semaphore_mem>> -> memref<1x!tpu.dma_semaphore, #tpu.memory_space<semaphore_mem>>
      %dma_wait3A_1046 = tpu.memref_squeeze %dma_wait3A_1045 : memref<1x!tpu.dma_semaphore, #tpu.memory_space<semaphore_mem>> -> memref<!tpu.dma_semaphore, #tpu.memory_space<semaphore_mem>>
      %dma_wait3A_1047 = arith.constant 40 : i32
      %dma_wait3A_1048 = arith.constant 0 : i32
      %dma_wait3A_1049 = tpu.memref_slice %arg9[%and3A_823, %dma_wait3A_1047, %dma_wait3A_1048] : memref<2x128x128xf32, #tpu.memory_space<vmem>> -> memref<1x8x128xf32, #tpu.memory_space<vmem>>
      %dma_wait3A_1050 = tpu.memref_squeeze %dma_wait3A_1049 : memref<1x8x128xf32, #tpu.memory_space<vmem>> -> memref<8x128xf32, #tpu.memory_space<vmem>>
      %dma_wait3A_1051 = tpu.memref_reshape %arg4 : memref<16x1000000xf32, #tpu.memory_space<hbm>> -> memref<2x8x1000000xf32, #tpu.memory_space<hbm>>
      %dma_wait3A_1052 = arith.constant 0 : i32
      %dma_wait3A_1053 = arith.constant 0 : i32
      %dma_wait3A_1054 = tpu.memref_slice %dma_wait3A_1051[%dma_wait3A_1035, %dma_wait3A_1052, %dma_wait3A_1053] : memref<2x8x1000000xf32, #tpu.memory_space<hbm>> -> memref<1x8x128xf32, #tpu.memory_space<hbm>>
      %dma_wait3A_1055 = tpu.memref_squeeze %dma_wait3A_1054 : memref<1x8x128xf32, #tpu.memory_space<hbm>> -> memref<8x128xf32, #tpu.memory_space<hbm>>
      tpu.wait_dma2 semaphore(%dma_wait3A_1046 : memref<!tpu.dma_semaphore, #tpu.memory_space<semaphore_mem>>) src(%dma_wait3A_1055 : memref<8x128xf32, #tpu.memory_space<hbm>>) dst(%dma_wait3A_1050 : memref<8x128xf32, #tpu.memory_space<vmem>>)
      %dma_wait3A_1056 = arith.constant 0 : i32
      %dma_wait3A_1057 = arith.constant 40 : i32
      %dma_wait3A_1058 = arith.constant 0 : i32
      %dma_wait3A_1059 = tpu.memref_slice %arg10[%and3A_823, %dma_wait3A_1057, %dma_wait3A_1058] : memref<2x128x128xf32, #tpu.memory_space<vmem>> -> memref<1x8x128xf32, #tpu.memory_space<vmem>>
      %dma_wait3A_1060 = tpu.memref_squeeze %dma_wait3A_1059 : memref<1x8x128xf32, #tpu.memory_space<vmem>> -> memref<8x128xf32, #tpu.memory_space<vmem>>
      %dma_wait3A_1061 = tpu.memref_reshape %arg4 : memref<16x1000000xf32, #tpu.memory_space<hbm>> -> memref<2x8x1000000xf32, #tpu.memory_space<hbm>>
      %dma_wait3A_1062 = arith.constant 0 : i32
      %dma_wait3A_1063 = arith.constant 0 : i32
      %dma_wait3A_1064 = tpu.memref_slice %dma_wait3A_1061[%dma_wait3A_1056, %dma_wait3A_1062, %dma_wait3A_1063] : memref<2x8x1000000xf32, #tpu.memory_space<hbm>> -> memref<1x8x128xf32, #tpu.memory_space<hbm>>
      %dma_wait3A_1065 = tpu.memref_squeeze %dma_wait3A_1064 : memref<1x8x128xf32, #tpu.memory_space<hbm>> -> memref<8x128xf32, #tpu.memory_space<hbm>>
      %dma_wait3A_1066 = tpu.memref_slice %arg12[%and3A_823] : memref<2x!tpu.dma_semaphore, #tpu.memory_space<semaphore_mem>> -> memref<1x!tpu.dma_semaphore, #tpu.memory_space<semaphore_mem>>
      %dma_wait3A_1067 = tpu.memref_squeeze %dma_wait3A_1066 : memref<1x!tpu.dma_semaphore, #tpu.memory_space<semaphore_mem>> -> memref<!tpu.dma_semaphore, #tpu.memory_space<semaphore_mem>>
      %dma_wait3A_1068 = arith.constant 40 : i32
      %dma_wait3A_1069 = arith.constant 0 : i32
      %dma_wait3A_1070 = tpu.memref_slice %arg10[%and3A_823, %dma_wait3A_1068, %dma_wait3A_1069] : memref<2x128x128xf32, #tpu.memory_space<vmem>> -> memref<1x8x128xf32, #tpu.memory_space<vmem>>
      %dma_wait3A_1071 = tpu.memref_squeeze %dma_wait3A_1070 : memref<1x8x128xf32, #tpu.memory_space<vmem>> -> memref<8x128xf32, #tpu.memory_space<vmem>>
      %dma_wait3A_1072 = tpu.memref_reshape %arg4 : memref<16x1000000xf32, #tpu.memory_space<hbm>> -> memref<2x8x1000000xf32, #tpu.memory_space<hbm>>
      %dma_wait3A_1073 = arith.constant 0 : i32
      %dma_wait3A_1074 = arith.constant 0 : i32
      %dma_wait3A_1075 = tpu.memref_slice %dma_wait3A_1072[%dma_wait3A_1056, %dma_wait3A_1073, %dma_wait3A_1074] : memref<2x8x1000000xf32, #tpu.memory_space<hbm>> -> memref<1x8x128xf32, #tpu.memory_space<hbm>>
      %dma_wait3A_1076 = tpu.memref_squeeze %dma_wait3A_1075 : memref<1x8x128xf32, #tpu.memory_space<hbm>> -> memref<8x128xf32, #tpu.memory_space<hbm>>
      tpu.wait_dma2 semaphore(%dma_wait3A_1067 : memref<!tpu.dma_semaphore, #tpu.memory_space<semaphore_mem>>) src(%dma_wait3A_1076 : memref<8x128xf32, #tpu.memory_space<hbm>>) dst(%dma_wait3A_1071 : memref<8x128xf32, #tpu.memory_space<vmem>>)
      %dma_wait3A_1077 = arith.constant 0 : i32
      %dma_wait3A_1078 = arith.constant 48 : i32
      %dma_wait3A_1079 = arith.constant 0 : i32
      %dma_wait3A_1080 = tpu.memref_slice %arg9[%and3A_823, %dma_wait3A_1078, %dma_wait3A_1079] : memref<2x128x128xf32, #tpu.memory_space<vmem>> -> memref<1x8x128xf32, #tpu.memory_space<vmem>>
      %dma_wait3A_1081 = tpu.memref_squeeze %dma_wait3A_1080 : memref<1x8x128xf32, #tpu.memory_space<vmem>> -> memref<8x128xf32, #tpu.memory_space<vmem>>
      %dma_wait3A_1082 = tpu.memref_reshape %arg4 : memref<16x1000000xf32, #tpu.memory_space<hbm>> -> memref<2x8x1000000xf32, #tpu.memory_space<hbm>>
      %dma_wait3A_1083 = arith.constant 0 : i32
      %dma_wait3A_1084 = arith.constant 0 : i32
      %dma_wait3A_1085 = tpu.memref_slice %dma_wait3A_1082[%dma_wait3A_1077, %dma_wait3A_1083, %dma_wait3A_1084] : memref<2x8x1000000xf32, #tpu.memory_space<hbm>> -> memref<1x8x128xf32, #tpu.memory_space<hbm>>
      %dma_wait3A_1086 = tpu.memref_squeeze %dma_wait3A_1085 : memref<1x8x128xf32, #tpu.memory_space<hbm>> -> memref<8x128xf32, #tpu.memory_space<hbm>>
      %dma_wait3A_1087 = tpu.memref_slice %arg12[%and3A_823] : memref<2x!tpu.dma_semaphore, #tpu.memory_space<semaphore_mem>> -> memref<1x!tpu.dma_semaphore, #tpu.memory_space<semaphore_mem>>
      %dma_wait3A_1088 = tpu.memref_squeeze %dma_wait3A_1087 : memref<1x!tpu.dma_semaphore, #tpu.memory_space<semaphore_mem>> -> memref<!tpu.dma_semaphore, #tpu.memory_space<semaphore_mem>>
      %dma_wait3A_1089 = arith.constant 48 : i32
      %dma_wait3A_1090 = arith.constant 0 : i32
      %dma_wait3A_1091 = tpu.memref_slice %arg9[%and3A_823, %dma_wait3A_1089, %dma_wait3A_1090] : memref<2x128x128xf32, #tpu.memory_space<vmem>> -> memref<1x8x128xf32, #tpu.memory_space<vmem>>
      %dma_wait3A_1092 = tpu.memref_squeeze %dma_wait3A_1091 : memref<1x8x128xf32, #tpu.memory_space<vmem>> -> memref<8x128xf32, #tpu.memory_space<vmem>>
      %dma_wait3A_1093 = tpu.memref_reshape %arg4 : memref<16x1000000xf32, #tpu.memory_space<hbm>> -> memref<2x8x1000000xf32, #tpu.memory_space<hbm>>
      %dma_wait3A_1094 = arith.constant 0 : i32
      %dma_wait3A_1095 = arith.constant 0 : i32
      %dma_wait3A_1096 = tpu.memref_slice %dma_wait3A_1093[%dma_wait3A_1077, %dma_wait3A_1094, %dma_wait3A_1095] : memref<2x8x1000000xf32, #tpu.memory_space<hbm>> -> memref<1x8x128xf32, #tpu.memory_space<hbm>>
      %dma_wait3A_1097 = tpu.memref_squeeze %dma_wait3A_1096 : memref<1x8x128xf32, #tpu.memory_space<hbm>> -> memref<8x128xf32, #tpu.memory_space<hbm>>
      tpu.wait_dma2 semaphore(%dma_wait3A_1088 : memref<!tpu.dma_semaphore, #tpu.memory_space<semaphore_mem>>) src(%dma_wait3A_1097 : memref<8x128xf32, #tpu.memory_space<hbm>>) dst(%dma_wait3A_1092 : memref<8x128xf32, #tpu.memory_space<vmem>>)
      %dma_wait3A_1098 = arith.constant 0 : i32
      %dma_wait3A_1099 = arith.constant 48 : i32
      %dma_wait3A_1100 = arith.constant 0 : i32
      %dma_wait3A_1101 = tpu.memref_slice %arg10[%and3A_823, %dma_wait3A_1099, %dma_wait3A_1100] : memref<2x128x128xf32, #tpu.memory_space<vmem>> -> memref<1x8x128xf32, #tpu.memory_space<vmem>>
      %dma_wait3A_1102 = tpu.memref_squeeze %dma_wait3A_1101 : memref<1x8x128xf32, #tpu.memory_space<vmem>> -> memref<8x128xf32, #tpu.memory_space<vmem>>
      %dma_wait3A_1103 = tpu.memref_reshape %arg4 : memref<16x1000000xf32, #tpu.memory_space<hbm>> -> memref<2x8x1000000xf32, #tpu.memory_space<hbm>>
      %dma_wait3A_1104 = arith.constant 0 : i32
      %dma_wait3A_1105 = arith.constant 0 : i32
      %dma_wait3A_1106 = tpu.memref_slice %dma_wait3A_1103[%dma_wait3A_1098, %dma_wait3A_1104, %dma_wait3A_1105] : memref<2x8x1000000xf32, #tpu.memory_space<hbm>> -> memref<1x8x128xf32, #tpu.memory_space<hbm>>
      %dma_wait3A_1107 = tpu.memref_squeeze %dma_wait3A_1106 : memref<1x8x128xf32, #tpu.memory_space<hbm>> -> memref<8x128xf32, #tpu.memory_space<hbm>>
      %dma_wait3A_1108 = tpu.memref_slice %arg12[%and3A_823] : memref<2x!tpu.dma_semaphore, #tpu.memory_space<semaphore_mem>> -> memref<1x!tpu.dma_semaphore, #tpu.memory_space<semaphore_mem>>
      %dma_wait3A_1109 = tpu.memref_squeeze %dma_wait3A_1108 : memref<1x!tpu.dma_semaphore, #tpu.memory_space<semaphore_mem>> -> memref<!tpu.dma_semaphore, #tpu.memory_space<semaphore_mem>>
      %dma_wait3A_1110 = arith.constant 48 : i32
      %dma_wait3A_1111 = arith.constant 0 : i32
      %dma_wait3A_1112 = tpu.memref_slice %arg10[%and3A_823, %dma_wait3A_1110, %dma_wait3A_1111] : memref<2x128x128xf32, #tpu.memory_space<vmem>> -> memref<1x8x128xf32, #tpu.memory_space<vmem>>
      %dma_wait3A_1113 = tpu.memref_squeeze %dma_wait3A_1112 : memref<1x8x128xf32, #tpu.memory_space<vmem>> -> memref<8x128xf32, #tpu.memory_space<vmem>>
      %dma_wait3A_1114 = tpu.memref_reshape %arg4 : memref<16x1000000xf32, #tpu.memory_space<hbm>> -> memref<2x8x1000000xf32, #tpu.memory_space<hbm>>
      %dma_wait3A_1115 = arith.constant 0 : i32
      %dma_wait3A_1116 = arith.constant 0 : i32
      %dma_wait3A_1117 = tpu.memref_slice %dma_wait3A_1114[%dma_wait3A_1098, %dma_wait3A_1115, %dma_wait3A_1116] : memref<2x8x1000000xf32, #tpu.memory_space<hbm>> -> memref<1x8x128xf32, #tpu.memory_space<hbm>>
      %dma_wait3A_1118 = tpu.memref_squeeze %dma_wait3A_1117 : memref<1x8x128xf32, #tpu.memory_space<hbm>> -> memref<8x128xf32, #tpu.memory_space<hbm>>
      tpu.wait_dma2 semaphore(%dma_wait3A_1109 : memref<!tpu.dma_semaphore, #tpu.memory_space<semaphore_mem>>) src(%dma_wait3A_1118 : memref<8x128xf32, #tpu.memory_space<hbm>>) dst(%dma_wait3A_1113 : memref<8x128xf32, #tpu.memory_space<vmem>>)
      %dma_wait3A_1119 = arith.constant 0 : i32
      %dma_wait3A_1120 = arith.constant 56 : i32
      %dma_wait3A_1121 = arith.constant 0 : i32
      %dma_wait3A_1122 = tpu.memref_slice %arg9[%and3A_823, %dma_wait3A_1120, %dma_wait3A_1121] : memref<2x128x128xf32, #tpu.memory_space<vmem>> -> memref<1x8x128xf32, #tpu.memory_space<vmem>>
      %dma_wait3A_1123 = tpu.memref_squeeze %dma_wait3A_1122 : memref<1x8x128xf32, #tpu.memory_space<vmem>> -> memref<8x128xf32, #tpu.memory_space<vmem>>
      %dma_wait3A_1124 = tpu.memref_reshape %arg4 : memref<16x1000000xf32, #tpu.memory_space<hbm>> -> memref<2x8x1000000xf32, #tpu.memory_space<hbm>>
      %dma_wait3A_1125 = arith.constant 0 : i32
      %dma_wait3A_1126 = arith.constant 0 : i32
      %dma_wait3A_1127 = tpu.memref_slice %dma_wait3A_1124[%dma_wait3A_1119, %dma_wait3A_1125, %dma_wait3A_1126] : memref<2x8x1000000xf32, #tpu.memory_space<hbm>> -> memref<1x8x128xf32, #tpu.memory_space<hbm>>
      %dma_wait3A_1128 = tpu.memref_squeeze %dma_wait3A_1127 : memref<1x8x128xf32, #tpu.memory_space<hbm>> -> memref<8x128xf32, #tpu.memory_space<hbm>>
      %dma_wait3A_1129 = tpu.memref_slice %arg12[%and3A_823] : memref<2x!tpu.dma_semaphore, #tpu.memory_space<semaphore_mem>> -> memref<1x!tpu.dma_semaphore, #tpu.memory_space<semaphore_mem>>
      %dma_wait3A_1130 = tpu.memref_squeeze %dma_wait3A_1129 : memref<1x!tpu.dma_semaphore, #tpu.memory_space<semaphore_mem>> -> memref<!tpu.dma_semaphore, #tpu.memory_space<semaphore_mem>>
      %dma_wait3A_1131 = arith.constant 56 : i32
      %dma_wait3A_1132 = arith.constant 0 : i32
      %dma_wait3A_1133 = tpu.memref_slice %arg9[%and3A_823, %dma_wait3A_1131, %dma_wait3A_1132] : memref<2x128x128xf32, #tpu.memory_space<vmem>> -> memref<1x8x128xf32, #tpu.memory_space<vmem>>
      %dma_wait3A_1134 = tpu.memref_squeeze %dma_wait3A_1133 : memref<1x8x128xf32, #tpu.memory_space<vmem>> -> memref<8x128xf32, #tpu.memory_space<vmem>>
      %dma_wait3A_1135 = tpu.memref_reshape %arg4 : memref<16x1000000xf32, #tpu.memory_space<hbm>> -> memref<2x8x1000000xf32, #tpu.memory_space<hbm>>
      %dma_wait3A_1136 = arith.constant 0 : i32
      %dma_wait3A_1137 = arith.constant 0 : i32
      %dma_wait3A_1138 = tpu.memref_slice %dma_wait3A_1135[%dma_wait3A_1119, %dma_wait3A_1136, %dma_wait3A_1137] : memref<2x8x1000000xf32, #tpu.memory_space<hbm>> -> memref<1x8x128xf32, #tpu.memory_space<hbm>>
      %dma_wait3A_1139 = tpu.memref_squeeze %dma_wait3A_1138 : memref<1x8x128xf32, #tpu.memory_space<hbm>> -> memref<8x128xf32, #tpu.memory_space<hbm>>
      tpu.wait_dma2 semaphore(%dma_wait3A_1130 : memref<!tpu.dma_semaphore, #tpu.memory_space<semaphore_mem>>) src(%dma_wait3A_1139 : memref<8x128xf32, #tpu.memory_space<hbm>>) dst(%dma_wait3A_1134 : memref<8x128xf32, #tpu.memory_space<vmem>>)
      %dma_wait3A_1140 = arith.constant 0 : i32
      %dma_wait3A_1141 = arith.constant 56 : i32
      %dma_wait3A_1142 = arith.constant 0 : i32
      %dma_wait3A_1143 = tpu.memref_slice %arg10[%and3A_823, %dma_wait3A_1141, %dma_wait3A_1142] : memref<2x128x128xf32, #tpu.memory_space<vmem>> -> memref<1x8x128xf32, #tpu.memory_space<vmem>>
      %dma_wait3A_1144 = tpu.memref_squeeze %dma_wait3A_1143 : memref<1x8x128xf32, #tpu.memory_space<vmem>> -> memref<8x128xf32, #tpu.memory_space<vmem>>
      %dma_wait3A_1145 = tpu.memref_reshape %arg4 : memref<16x1000000xf32, #tpu.memory_space<hbm>> -> memref<2x8x1000000xf32, #tpu.memory_space<hbm>>
      %dma_wait3A_1146 = arith.constant 0 : i32
      %dma_wait3A_1147 = arith.constant 0 : i32
      %dma_wait3A_1148 = tpu.memref_slice %dma_wait3A_1145[%dma_wait3A_1140, %dma_wait3A_1146, %dma_wait3A_1147] : memref<2x8x1000000xf32, #tpu.memory_space<hbm>> -> memref<1x8x128xf32, #tpu.memory_space<hbm>>
      %dma_wait3A_1149 = tpu.memref_squeeze %dma_wait3A_1148 : memref<1x8x128xf32, #tpu.memory_space<hbm>> -> memref<8x128xf32, #tpu.memory_space<hbm>>
      %dma_wait3A_1150 = tpu.memref_slice %arg12[%and3A_823] : memref<2x!tpu.dma_semaphore, #tpu.memory_space<semaphore_mem>> -> memref<1x!tpu.dma_semaphore, #tpu.memory_space<semaphore_mem>>
      %dma_wait3A_1151 = tpu.memref_squeeze %dma_wait3A_1150 : memref<1x!tpu.dma_semaphore, #tpu.memory_space<semaphore_mem>> -> memref<!tpu.dma_semaphore, #tpu.memory_space<semaphore_mem>>
      %dma_wait3A_1152 = arith.constant 56 : i32
      %dma_wait3A_1153 = arith.constant 0 : i32
      %dma_wait3A_1154 = tpu.memref_slice %arg10[%and3A_823, %dma_wait3A_1152, %dma_wait3A_1153] : memref<2x128x128xf32, #tpu.memory_space<vmem>> -> memref<1x8x128xf32, #tpu.memory_space<vmem>>
      %dma_wait3A_1155 = tpu.memref_squeeze %dma_wait3A_1154 : memref<1x8x128xf32, #tpu.memory_space<vmem>> -> memref<8x128xf32, #tpu.memory_space<vmem>>
      %dma_wait3A_1156 = tpu.memref_reshape %arg4 : memref<16x1000000xf32, #tpu.memory_space<hbm>> -> memref<2x8x1000000xf32, #tpu.memory_space<hbm>>
      %dma_wait3A_1157 = arith.constant 0 : i32
      %dma_wait3A_1158 = arith.constant 0 : i32
      %dma_wait3A_1159 = tpu.memref_slice %dma_wait3A_1156[%dma_wait3A_1140, %dma_wait3A_1157, %dma_wait3A_1158] : memref<2x8x1000000xf32, #tpu.memory_space<hbm>> -> memref<1x8x128xf32, #tpu.memory_space<hbm>>
      %dma_wait3A_1160 = tpu.memref_squeeze %dma_wait3A_1159 : memref<1x8x128xf32, #tpu.memory_space<hbm>> -> memref<8x128xf32, #tpu.memory_space<hbm>>
      tpu.wait_dma2 semaphore(%dma_wait3A_1151 : memref<!tpu.dma_semaphore, #tpu.memory_space<semaphore_mem>>) src(%dma_wait3A_1160 : memref<8x128xf32, #tpu.memory_space<hbm>>) dst(%dma_wait3A_1155 : memref<8x128xf32, #tpu.memory_space<vmem>>)
      %dma_wait3A_1161 = arith.constant 0 : i32
      %dma_wait3A_1162 = arith.constant 64 : i32
      %dma_wait3A_1163 = arith.constant 0 : i32
      %dma_wait3A_1164 = tpu.memref_slice %arg9[%and3A_823, %dma_wait3A_1162, %dma_wait3A_1163] : memref<2x128x128xf32, #tpu.memory_space<vmem>> -> memref<1x8x128xf32, #tpu.memory_space<vmem>>
      %dma_wait3A_1165 = tpu.memref_squeeze %dma_wait3A_1164 : memref<1x8x128xf32, #tpu.memory_space<vmem>> -> memref<8x128xf32, #tpu.memory_space<vmem>>
      %dma_wait3A_1166 = tpu.memref_reshape %arg4 : memref<16x1000000xf32, #tpu.memory_space<hbm>> -> memref<2x8x1000000xf32, #tpu.memory_space<hbm>>
      %dma_wait3A_1167 = arith.constant 0 : i32
      %dma_wait3A_1168 = arith.constant 0 : i32
      %dma_wait3A_1169 = tpu.memref_slice %dma_wait3A_1166[%dma_wait3A_1161, %dma_wait3A_1167, %dma_wait3A_1168] : memref<2x8x1000000xf32, #tpu.memory_space<hbm>> -> memref<1x8x128xf32, #tpu.memory_space<hbm>>
      %dma_wait3A_1170 = tpu.memref_squeeze %dma_wait3A_1169 : memref<1x8x128xf32, #tpu.memory_space<hbm>> -> memref<8x128xf32, #tpu.memory_space<hbm>>
      %dma_wait3A_1171 = tpu.memref_slice %arg12[%and3A_823] : memref<2x!tpu.dma_semaphore, #tpu.memory_space<semaphore_mem>> -> memref<1x!tpu.dma_semaphore, #tpu.memory_space<semaphore_mem>>
      %dma_wait3A_1172 = tpu.memref_squeeze %dma_wait3A_1171 : memref<1x!tpu.dma_semaphore, #tpu.memory_space<semaphore_mem>> -> memref<!tpu.dma_semaphore, #tpu.memory_space<semaphore_mem>>
      %dma_wait3A_1173 = arith.constant 64 : i32
      %dma_wait3A_1174 = arith.constant 0 : i32
      %dma_wait3A_1175 = tpu.memref_slice %arg9[%and3A_823, %dma_wait3A_1173, %dma_wait3A_1174] : memref<2x128x128xf32, #tpu.memory_space<vmem>> -> memref<1x8x128xf32, #tpu.memory_space<vmem>>
      %dma_wait3A_1176 = tpu.memref_squeeze %dma_wait3A_1175 : memref<1x8x128xf32, #tpu.memory_space<vmem>> -> memref<8x128xf32, #tpu.memory_space<vmem>>
      %dma_wait3A_1177 = tpu.memref_reshape %arg4 : memref<16x1000000xf32, #tpu.memory_space<hbm>> -> memref<2x8x1000000xf32, #tpu.memory_space<hbm>>
      %dma_wait3A_1178 = arith.constant 0 : i32
      %dma_wait3A_1179 = arith.constant 0 : i32
      %dma_wait3A_1180 = tpu.memref_slice %dma_wait3A_1177[%dma_wait3A_1161, %dma_wait3A_1178, %dma_wait3A_1179] : memref<2x8x1000000xf32, #tpu.memory_space<hbm>> -> memref<1x8x128xf32, #tpu.memory_space<hbm>>
      %dma_wait3A_1181 = tpu.memref_squeeze %dma_wait3A_1180 : memref<1x8x128xf32, #tpu.memory_space<hbm>> -> memref<8x128xf32, #tpu.memory_space<hbm>>
      tpu.wait_dma2 semaphore(%dma_wait3A_1172 : memref<!tpu.dma_semaphore, #tpu.memory_space<semaphore_mem>>) src(%dma_wait3A_1181 : memref<8x128xf32, #tpu.memory_space<hbm>>) dst(%dma_wait3A_1176 : memref<8x128xf32, #tpu.memory_space<vmem>>)
      %dma_wait3A_1182 = arith.constant 0 : i32
      %dma_wait3A_1183 = arith.constant 64 : i32
      %dma_wait3A_1184 = arith.constant 0 : i32
      %dma_wait3A_1185 = tpu.memref_slice %arg10[%and3A_823, %dma_wait3A_1183, %dma_wait3A_1184] : memref<2x128x128xf32, #tpu.memory_space<vmem>> -> memref<1x8x128xf32, #tpu.memory_space<vmem>>
      %dma_wait3A_1186 = tpu.memref_squeeze %dma_wait3A_1185 : memref<1x8x128xf32, #tpu.memory_space<vmem>> -> memref<8x128xf32, #tpu.memory_space<vmem>>
      %dma_wait3A_1187 = tpu.memref_reshape %arg4 : memref<16x1000000xf32, #tpu.memory_space<hbm>> -> memref<2x8x1000000xf32, #tpu.memory_space<hbm>>
      %dma_wait3A_1188 = arith.constant 0 : i32
      %dma_wait3A_1189 = arith.constant 0 : i32
      %dma_wait3A_1190 = tpu.memref_slice %dma_wait3A_1187[%dma_wait3A_1182, %dma_wait3A_1188, %dma_wait3A_1189] : memref<2x8x1000000xf32, #tpu.memory_space<hbm>> -> memref<1x8x128xf32, #tpu.memory_space<hbm>>
      %dma_wait3A_1191 = tpu.memref_squeeze %dma_wait3A_1190 : memref<1x8x128xf32, #tpu.memory_space<hbm>> -> memref<8x128xf32, #tpu.memory_space<hbm>>
      %dma_wait3A_1192 = tpu.memref_slice %arg12[%and3A_823] : memref<2x!tpu.dma_semaphore, #tpu.memory_space<semaphore_mem>> -> memref<1x!tpu.dma_semaphore, #tpu.memory_space<semaphore_mem>>
      %dma_wait3A_1193 = tpu.memref_squeeze %dma_wait3A_1192 : memref<1x!tpu.dma_semaphore, #tpu.memory_space<semaphore_mem>> -> memref<!tpu.dma_semaphore, #tpu.memory_space<semaphore_mem>>
      %dma_wait3A_1194 = arith.constant 64 : i32
      %dma_wait3A_1195 = arith.constant 0 : i32
      %dma_wait3A_1196 = tpu.memref_slice %arg10[%and3A_823, %dma_wait3A_1194, %dma_wait3A_1195] : memref<2x128x128xf32, #tpu.memory_space<vmem>> -> memref<1x8x128xf32, #tpu.memory_space<vmem>>
      %dma_wait3A_1197 = tpu.memref_squeeze %dma_wait3A_1196 : memref<1x8x128xf32, #tpu.memory_space<vmem>> -> memref<8x128xf32, #tpu.memory_space<vmem>>
      %dma_wait3A_1198 = tpu.memref_reshape %arg4 : memref<16x1000000xf32, #tpu.memory_space<hbm>> -> memref<2x8x1000000xf32, #tpu.memory_space<hbm>>
      %dma_wait3A_1199 = arith.constant 0 : i32
      %dma_wait3A_1200 = arith.constant 0 : i32
      %dma_wait3A_1201 = tpu.memref_slice %dma_wait3A_1198[%dma_wait3A_1182, %dma_wait3A_1199, %dma_wait3A_1200] : memref<2x8x1000000xf32, #tpu.memory_space<hbm>> -> memref<1x8x128xf32, #tpu.memory_space<hbm>>
      %dma_wait3A_1202 = tpu.memref_squeeze %dma_wait3A_1201 : memref<1x8x128xf32, #tpu.memory_space<hbm>> -> memref<8x128xf32, #tpu.memory_space<hbm>>
      tpu.wait_dma2 semaphore(%dma_wait3A_1193 : memref<!tpu.dma_semaphore, #tpu.memory_space<semaphore_mem>>) src(%dma_wait3A_1202 : memref<8x128xf32, #tpu.memory_space<hbm>>) dst(%dma_wait3A_1197 : memref<8x128xf32, #tpu.memory_space<vmem>>)
      %dma_wait3A_1203 = arith.constant 0 : i32
      %dma_wait3A_1204 = arith.constant 72 : i32
      %dma_wait3A_1205 = arith.constant 0 : i32
      %dma_wait3A_1206 = tpu.memref_slice %arg9[%and3A_823, %dma_wait3A_1204, %dma_wait3A_1205] : memref<2x128x128xf32, #tpu.memory_space<vmem>> -> memref<1x8x128xf32, #tpu.memory_space<vmem>>
      %dma_wait3A_1207 = tpu.memref_squeeze %dma_wait3A_1206 : memref<1x8x128xf32, #tpu.memory_space<vmem>> -> memref<8x128xf32, #tpu.memory_space<vmem>>
      %dma_wait3A_1208 = tpu.memref_reshape %arg4 : memref<16x1000000xf32, #tpu.memory_space<hbm>> -> memref<2x8x1000000xf32, #tpu.memory_space<hbm>>
      %dma_wait3A_1209 = arith.constant 0 : i32
      %dma_wait3A_1210 = arith.constant 0 : i32
      %dma_wait3A_1211 = tpu.memref_slice %dma_wait3A_1208[%dma_wait3A_1203, %dma_wait3A_1209, %dma_wait3A_1210] : memref<2x8x1000000xf32, #tpu.memory_space<hbm>> -> memref<1x8x128xf32, #tpu.memory_space<hbm>>
      %dma_wait3A_1212 = tpu.memref_squeeze %dma_wait3A_1211 : memref<1x8x128xf32, #tpu.memory_space<hbm>> -> memref<8x128xf32, #tpu.memory_space<hbm>>
      %dma_wait3A_1213 = tpu.memref_slice %arg12[%and3A_823] : memref<2x!tpu.dma_semaphore, #tpu.memory_space<semaphore_mem>> -> memref<1x!tpu.dma_semaphore, #tpu.memory_space<semaphore_mem>>
      %dma_wait3A_1214 = tpu.memref_squeeze %dma_wait3A_1213 : memref<1x!tpu.dma_semaphore, #tpu.memory_space<semaphore_mem>> -> memref<!tpu.dma_semaphore, #tpu.memory_space<semaphore_mem>>
      %dma_wait3A_1215 = arith.constant 72 : i32
      %dma_wait3A_1216 = arith.constant 0 : i32
      %dma_wait3A_1217 = tpu.memref_slice %arg9[%and3A_823, %dma_wait3A_1215, %dma_wait3A_1216] : memref<2x128x128xf32, #tpu.memory_space<vmem>> -> memref<1x8x128xf32, #tpu.memory_space<vmem>>
      %dma_wait3A_1218 = tpu.memref_squeeze %dma_wait3A_1217 : memref<1x8x128xf32, #tpu.memory_space<vmem>> -> memref<8x128xf32, #tpu.memory_space<vmem>>
      %dma_wait3A_1219 = tpu.memref_reshape %arg4 : memref<16x1000000xf32, #tpu.memory_space<hbm>> -> memref<2x8x1000000xf32, #tpu.memory_space<hbm>>
      %dma_wait3A_1220 = arith.constant 0 : i32
      %dma_wait3A_1221 = arith.constant 0 : i32
      %dma_wait3A_1222 = tpu.memref_slice %dma_wait3A_1219[%dma_wait3A_1203, %dma_wait3A_1220, %dma_wait3A_1221] : memref<2x8x1000000xf32, #tpu.memory_space<hbm>> -> memref<1x8x128xf32, #tpu.memory_space<hbm>>
      %dma_wait3A_1223 = tpu.memref_squeeze %dma_wait3A_1222 : memref<1x8x128xf32, #tpu.memory_space<hbm>> -> memref<8x128xf32, #tpu.memory_space<hbm>>
      tpu.wait_dma2 semaphore(%dma_wait3A_1214 : memref<!tpu.dma_semaphore, #tpu.memory_space<semaphore_mem>>) src(%dma_wait3A_1223 : memref<8x128xf32, #tpu.memory_space<hbm>>) dst(%dma_wait3A_1218 : memref<8x128xf32, #tpu.memory_space<vmem>>)
      %dma_wait3A_1224 = arith.constant 0 : i32
      %dma_wait3A_1225 = arith.constant 72 : i32
      %dma_wait3A_1226 = arith.constant 0 : i32
      %dma_wait3A_1227 = tpu.memref_slice %arg10[%and3A_823, %dma_wait3A_1225, %dma_wait3A_1226] : memref<2x128x128xf32, #tpu.memory_space<vmem>> -> memref<1x8x128xf32, #tpu.memory_space<vmem>>
      %dma_wait3A_1228 = tpu.memref_squeeze %dma_wait3A_1227 : memref<1x8x128xf32, #tpu.memory_space<vmem>> -> memref<8x128xf32, #tpu.memory_space<vmem>>
      %dma_wait3A_1229 = tpu.memref_reshape %arg4 : memref<16x1000000xf32, #tpu.memory_space<hbm>> -> memref<2x8x1000000xf32, #tpu.memory_space<hbm>>
      %dma_wait3A_1230 = arith.constant 0 : i32
      %dma_wait3A_1231 = arith.constant 0 : i32
      %dma_wait3A_1232 = tpu.memref_slice %dma_wait3A_1229[%dma_wait3A_1224, %dma_wait3A_1230, %dma_wait3A_1231] : memref<2x8x1000000xf32, #tpu.memory_space<hbm>> -> memref<1x8x128xf32, #tpu.memory_space<hbm>>
      %dma_wait3A_1233 = tpu.memref_squeeze %dma_wait3A_1232 : memref<1x8x128xf32, #tpu.memory_space<hbm>> -> memref<8x128xf32, #tpu.memory_space<hbm>>
      %dma_wait3A_1234 = tpu.memref_slice %arg12[%and3A_823] : memref<2x!tpu.dma_semaphore, #tpu.memory_space<semaphore_mem>> -> memref<1x!tpu.dma_semaphore, #tpu.memory_space<semaphore_mem>>
      %dma_wait3A_1235 = tpu.memref_squeeze %dma_wait3A_1234 : memref<1x!tpu.dma_semaphore, #tpu.memory_space<semaphore_mem>> -> memref<!tpu.dma_semaphore, #tpu.memory_space<semaphore_mem>>
      %dma_wait3A_1236 = arith.constant 72 : i32
      %dma_wait3A_1237 = arith.constant 0 : i32
      %dma_wait3A_1238 = tpu.memref_slice %arg10[%and3A_823, %dma_wait3A_1236, %dma_wait3A_1237] : memref<2x128x128xf32, #tpu.memory_space<vmem>> -> memref<1x8x128xf32, #tpu.memory_space<vmem>>
      %dma_wait3A_1239 = tpu.memref_squeeze %dma_wait3A_1238 : memref<1x8x128xf32, #tpu.memory_space<vmem>> -> memref<8x128xf32, #tpu.memory_space<vmem>>
      %dma_wait3A_1240 = tpu.memref_reshape %arg4 : memref<16x1000000xf32, #tpu.memory_space<hbm>> -> memref<2x8x1000000xf32, #tpu.memory_space<hbm>>
      %dma_wait3A_1241 = arith.constant 0 : i32
      %dma_wait3A_1242 = arith.constant 0 : i32
      %dma_wait3A_1243 = tpu.memref_slice %dma_wait3A_1240[%dma_wait3A_1224, %dma_wait3A_1241, %dma_wait3A_1242] : memref<2x8x1000000xf32, #tpu.memory_space<hbm>> -> memref<1x8x128xf32, #tpu.memory_space<hbm>>
      %dma_wait3A_1244 = tpu.memref_squeeze %dma_wait3A_1243 : memref<1x8x128xf32, #tpu.memory_space<hbm>> -> memref<8x128xf32, #tpu.memory_space<hbm>>
      tpu.wait_dma2 semaphore(%dma_wait3A_1235 : memref<!tpu.dma_semaphore, #tpu.memory_space<semaphore_mem>>) src(%dma_wait3A_1244 : memref<8x128xf32, #tpu.memory_space<hbm>>) dst(%dma_wait3A_1239 : memref<8x128xf32, #tpu.memory_space<vmem>>)
      %dma_wait3A_1245 = arith.constant 0 : i32
      %dma_wait3A_1246 = arith.constant 80 : i32
      %dma_wait3A_1247 = arith.constant 0 : i32
      %dma_wait3A_1248 = tpu.memref_slice %arg9[%and3A_823, %dma_wait3A_1246, %dma_wait3A_1247] : memref<2x128x128xf32, #tpu.memory_space<vmem>> -> memref<1x8x128xf32, #tpu.memory_space<vmem>>
      %dma_wait3A_1249 = tpu.memref_squeeze %dma_wait3A_1248 : memref<1x8x128xf32, #tpu.memory_space<vmem>> -> memref<8x128xf32, #tpu.memory_space<vmem>>
      %dma_wait3A_1250 = tpu.memref_reshape %arg4 : memref<16x1000000xf32, #tpu.memory_space<hbm>> -> memref<2x8x1000000xf32, #tpu.memory_space<hbm>>
      %dma_wait3A_1251 = arith.constant 0 : i32
      %dma_wait3A_1252 = arith.constant 0 : i32
      %dma_wait3A_1253 = tpu.memref_slice %dma_wait3A_1250[%dma_wait3A_1245, %dma_wait3A_1251, %dma_wait3A_1252] : memref<2x8x1000000xf32, #tpu.memory_space<hbm>> -> memref<1x8x128xf32, #tpu.memory_space<hbm>>
      %dma_wait3A_1254 = tpu.memref_squeeze %dma_wait3A_1253 : memref<1x8x128xf32, #tpu.memory_space<hbm>> -> memref<8x128xf32, #tpu.memory_space<hbm>>
      %dma_wait3A_1255 = tpu.memref_slice %arg12[%and3A_823] : memref<2x!tpu.dma_semaphore, #tpu.memory_space<semaphore_mem>> -> memref<1x!tpu.dma_semaphore, #tpu.memory_space<semaphore_mem>>
      %dma_wait3A_1256 = tpu.memref_squeeze %dma_wait3A_1255 : memref<1x!tpu.dma_semaphore, #tpu.memory_space<semaphore_mem>> -> memref<!tpu.dma_semaphore, #tpu.memory_space<semaphore_mem>>
      %dma_wait3A_1257 = arith.constant 80 : i32
      %dma_wait3A_1258 = arith.constant 0 : i32
      %dma_wait3A_1259 = tpu.memref_slice %arg9[%and3A_823, %dma_wait3A_1257, %dma_wait3A_1258] : memref<2x128x128xf32, #tpu.memory_space<vmem>> -> memref<1x8x128xf32, #tpu.memory_space<vmem>>
      %dma_wait3A_1260 = tpu.memref_squeeze %dma_wait3A_1259 : memref<1x8x128xf32, #tpu.memory_space<vmem>> -> memref<8x128xf32, #tpu.memory_space<vmem>>
      %dma_wait3A_1261 = tpu.memref_reshape %arg4 : memref<16x1000000xf32, #tpu.memory_space<hbm>> -> memref<2x8x1000000xf32, #tpu.memory_space<hbm>>
      %dma_wait3A_1262 = arith.constant 0 : i32
      %dma_wait3A_1263 = arith.constant 0 : i32
      %dma_wait3A_1264 = tpu.memref_slice %dma_wait3A_1261[%dma_wait3A_1245, %dma_wait3A_1262, %dma_wait3A_1263] : memref<2x8x1000000xf32, #tpu.memory_space<hbm>> -> memref<1x8x128xf32, #tpu.memory_space<hbm>>
      %dma_wait3A_1265 = tpu.memref_squeeze %dma_wait3A_1264 : memref<1x8x128xf32, #tpu.memory_space<hbm>> -> memref<8x128xf32, #tpu.memory_space<hbm>>
      tpu.wait_dma2 semaphore(%dma_wait3A_1256 : memref<!tpu.dma_semaphore, #tpu.memory_space<semaphore_mem>>) src(%dma_wait3A_1265 : memref<8x128xf32, #tpu.memory_space<hbm>>) dst(%dma_wait3A_1260 : memref<8x128xf32, #tpu.memory_space<vmem>>)
      %dma_wait3A_1266 = arith.constant 0 : i32
      %dma_wait3A_1267 = arith.constant 80 : i32
      %dma_wait3A_1268 = arith.constant 0 : i32
      %dma_wait3A_1269 = tpu.memref_slice %arg10[%and3A_823, %dma_wait3A_1267, %dma_wait3A_1268] : memref<2x128x128xf32, #tpu.memory_space<vmem>> -> memref<1x8x128xf32, #tpu.memory_space<vmem>>
      %dma_wait3A_1270 = tpu.memref_squeeze %dma_wait3A_1269 : memref<1x8x128xf32, #tpu.memory_space<vmem>> -> memref<8x128xf32, #tpu.memory_space<vmem>>
      %dma_wait3A_1271 = tpu.memref_reshape %arg4 : memref<16x1000000xf32, #tpu.memory_space<hbm>> -> memref<2x8x1000000xf32, #tpu.memory_space<hbm>>
      %dma_wait3A_1272 = arith.constant 0 : i32
      %dma_wait3A_1273 = arith.constant 0 : i32
      %dma_wait3A_1274 = tpu.memref_slice %dma_wait3A_1271[%dma_wait3A_1266, %dma_wait3A_1272, %dma_wait3A_1273] : memref<2x8x1000000xf32, #tpu.memory_space<hbm>> -> memref<1x8x128xf32, #tpu.memory_space<hbm>>
      %dma_wait3A_1275 = tpu.memref_squeeze %dma_wait3A_1274 : memref<1x8x128xf32, #tpu.memory_space<hbm>> -> memref<8x128xf32, #tpu.memory_space<hbm>>
      %dma_wait3A_1276 = tpu.memref_slice %arg12[%and3A_823] : memref<2x!tpu.dma_semaphore, #tpu.memory_space<semaphore_mem>> -> memref<1x!tpu.dma_semaphore, #tpu.memory_space<semaphore_mem>>
      %dma_wait3A_1277 = tpu.memref_squeeze %dma_wait3A_1276 : memref<1x!tpu.dma_semaphore, #tpu.memory_space<semaphore_mem>> -> memref<!tpu.dma_semaphore, #tpu.memory_space<semaphore_mem>>
      %dma_wait3A_1278 = arith.constant 80 : i32
      %dma_wait3A_1279 = arith.constant 0 : i32
      %dma_wait3A_1280 = tpu.memref_slice %arg10[%and3A_823, %dma_wait3A_1278, %dma_wait3A_1279] : memref<2x128x128xf32, #tpu.memory_space<vmem>> -> memref<1x8x128xf32, #tpu.memory_space<vmem>>
      %dma_wait3A_1281 = tpu.memref_squeeze %dma_wait3A_1280 : memref<1x8x128xf32, #tpu.memory_space<vmem>> -> memref<8x128xf32, #tpu.memory_space<vmem>>
      %dma_wait3A_1282 = tpu.memref_reshape %arg4 : memref<16x1000000xf32, #tpu.memory_space<hbm>> -> memref<2x8x1000000xf32, #tpu.memory_space<hbm>>
      %dma_wait3A_1283 = arith.constant 0 : i32
      %dma_wait3A_1284 = arith.constant 0 : i32
      %dma_wait3A_1285 = tpu.memref_slice %dma_wait3A_1282[%dma_wait3A_1266, %dma_wait3A_1283, %dma_wait3A_1284] : memref<2x8x1000000xf32, #tpu.memory_space<hbm>> -> memref<1x8x128xf32, #tpu.memory_space<hbm>>
      %dma_wait3A_1286 = tpu.memref_squeeze %dma_wait3A_1285 : memref<1x8x128xf32, #tpu.memory_space<hbm>> -> memref<8x128xf32, #tpu.memory_space<hbm>>
      tpu.wait_dma2 semaphore(%dma_wait3A_1277 : memref<!tpu.dma_semaphore, #tpu.memory_space<semaphore_mem>>) src(%dma_wait3A_1286 : memref<8x128xf32, #tpu.memory_space<hbm>>) dst(%dma_wait3A_1281 : memref<8x128xf32, #tpu.memory_space<vmem>>)
      %dma_wait3A_1287 = arith.constant 0 : i32
      %dma_wait3A_1288 = arith.constant 88 : i32
      %dma_wait3A_1289 = arith.constant 0 : i32
      %dma_wait3A_1290 = tpu.memref_slice %arg9[%and3A_823, %dma_wait3A_1288, %dma_wait3A_1289] : memref<2x128x128xf32, #tpu.memory_space<vmem>> -> memref<1x8x128xf32, #tpu.memory_space<vmem>>
      %dma_wait3A_1291 = tpu.memref_squeeze %dma_wait3A_1290 : memref<1x8x128xf32, #tpu.memory_space<vmem>> -> memref<8x128xf32, #tpu.memory_space<vmem>>
      %dma_wait3A_1292 = tpu.memref_reshape %arg4 : memref<16x1000000xf32, #tpu.memory_space<hbm>> -> memref<2x8x1000000xf32, #tpu.memory_space<hbm>>
      %dma_wait3A_1293 = arith.constant 0 : i32
      %dma_wait3A_1294 = arith.constant 0 : i32
      %dma_wait3A_1295 = tpu.memref_slice %dma_wait3A_1292[%dma_wait3A_1287, %dma_wait3A_1293, %dma_wait3A_1294] : memref<2x8x1000000xf32, #tpu.memory_space<hbm>> -> memref<1x8x128xf32, #tpu.memory_space<hbm>>
      %dma_wait3A_1296 = tpu.memref_squeeze %dma_wait3A_1295 : memref<1x8x128xf32, #tpu.memory_space<hbm>> -> memref<8x128xf32, #tpu.memory_space<hbm>>
      %dma_wait3A_1297 = tpu.memref_slice %arg12[%and3A_823] : memref<2x!tpu.dma_semaphore, #tpu.memory_space<semaphore_mem>> -> memref<1x!tpu.dma_semaphore, #tpu.memory_space<semaphore_mem>>
      %dma_wait3A_1298 = tpu.memref_squeeze %dma_wait3A_1297 : memref<1x!tpu.dma_semaphore, #tpu.memory_space<semaphore_mem>> -> memref<!tpu.dma_semaphore, #tpu.memory_space<semaphore_mem>>
      %dma_wait3A_1299 = arith.constant 88 : i32
      %dma_wait3A_1300 = arith.constant 0 : i32
      %dma_wait3A_1301 = tpu.memref_slice %arg9[%and3A_823, %dma_wait3A_1299, %dma_wait3A_1300] : memref<2x128x128xf32, #tpu.memory_space<vmem>> -> memref<1x8x128xf32, #tpu.memory_space<vmem>>
      %dma_wait3A_1302 = tpu.memref_squeeze %dma_wait3A_1301 : memref<1x8x128xf32, #tpu.memory_space<vmem>> -> memref<8x128xf32, #tpu.memory_space<vmem>>
      %dma_wait3A_1303 = tpu.memref_reshape %arg4 : memref<16x1000000xf32, #tpu.memory_space<hbm>> -> memref<2x8x1000000xf32, #tpu.memory_space<hbm>>
      %dma_wait3A_1304 = arith.constant 0 : i32
      %dma_wait3A_1305 = arith.constant 0 : i32
      %dma_wait3A_1306 = tpu.memref_slice %dma_wait3A_1303[%dma_wait3A_1287, %dma_wait3A_1304, %dma_wait3A_1305] : memref<2x8x1000000xf32, #tpu.memory_space<hbm>> -> memref<1x8x128xf32, #tpu.memory_space<hbm>>
      %dma_wait3A_1307 = tpu.memref_squeeze %dma_wait3A_1306 : memref<1x8x128xf32, #tpu.memory_space<hbm>> -> memref<8x128xf32, #tpu.memory_space<hbm>>
      tpu.wait_dma2 semaphore(%dma_wait3A_1298 : memref<!tpu.dma_semaphore, #tpu.memory_space<semaphore_mem>>) src(%dma_wait3A_1307 : memref<8x128xf32, #tpu.memory_space<hbm>>) dst(%dma_wait3A_1302 : memref<8x128xf32, #tpu.memory_space<vmem>>)
      %dma_wait3A_1308 = arith.constant 0 : i32
      %dma_wait3A_1309 = arith.constant 88 : i32
      %dma_wait3A_1310 = arith.constant 0 : i32
      %dma_wait3A_1311 = tpu.memref_slice %arg10[%and3A_823, %dma_wait3A_1309, %dma_wait3A_1310] : memref<2x128x128xf32, #tpu.memory_space<vmem>> -> memref<1x8x128xf32, #tpu.memory_space<vmem>>
      %dma_wait3A_1312 = tpu.memref_squeeze %dma_wait3A_1311 : memref<1x8x128xf32, #tpu.memory_space<vmem>> -> memref<8x128xf32, #tpu.memory_space<vmem>>
      %dma_wait3A_1313 = tpu.memref_reshape %arg4 : memref<16x1000000xf32, #tpu.memory_space<hbm>> -> memref<2x8x1000000xf32, #tpu.memory_space<hbm>>
      %dma_wait3A_1314 = arith.constant 0 : i32
      %dma_wait3A_1315 = arith.constant 0 : i32
      %dma_wait3A_1316 = tpu.memref_slice %dma_wait3A_1313[%dma_wait3A_1308, %dma_wait3A_1314, %dma_wait3A_1315] : memref<2x8x1000000xf32, #tpu.memory_space<hbm>> -> memref<1x8x128xf32, #tpu.memory_space<hbm>>
      %dma_wait3A_1317 = tpu.memref_squeeze %dma_wait3A_1316 : memref<1x8x128xf32, #tpu.memory_space<hbm>> -> memref<8x128xf32, #tpu.memory_space<hbm>>
      %dma_wait3A_1318 = tpu.memref_slice %arg12[%and3A_823] : memref<2x!tpu.dma_semaphore, #tpu.memory_space<semaphore_mem>> -> memref<1x!tpu.dma_semaphore, #tpu.memory_space<semaphore_mem>>
      %dma_wait3A_1319 = tpu.memref_squeeze %dma_wait3A_1318 : memref<1x!tpu.dma_semaphore, #tpu.memory_space<semaphore_mem>> -> memref<!tpu.dma_semaphore, #tpu.memory_space<semaphore_mem>>
      %dma_wait3A_1320 = arith.constant 88 : i32
      %dma_wait3A_1321 = arith.constant 0 : i32
      %dma_wait3A_1322 = tpu.memref_slice %arg10[%and3A_823, %dma_wait3A_1320, %dma_wait3A_1321] : memref<2x128x128xf32, #tpu.memory_space<vmem>> -> memref<1x8x128xf32, #tpu.memory_space<vmem>>
      %dma_wait3A_1323 = tpu.memref_squeeze %dma_wait3A_1322 : memref<1x8x128xf32, #tpu.memory_space<vmem>> -> memref<8x128xf32, #tpu.memory_space<vmem>>
      %dma_wait3A_1324 = tpu.memref_reshape %arg4 : memref<16x1000000xf32, #tpu.memory_space<hbm>> -> memref<2x8x1000000xf32, #tpu.memory_space<hbm>>
      %dma_wait3A_1325 = arith.constant 0 : i32
      %dma_wait3A_1326 = arith.constant 0 : i32
      %dma_wait3A_1327 = tpu.memref_slice %dma_wait3A_1324[%dma_wait3A_1308, %dma_wait3A_1325, %dma_wait3A_1326] : memref<2x8x1000000xf32, #tpu.memory_space<hbm>> -> memref<1x8x128xf32, #tpu.memory_space<hbm>>
      %dma_wait3A_1328 = tpu.memref_squeeze %dma_wait3A_1327 : memref<1x8x128xf32, #tpu.memory_space<hbm>> -> memref<8x128xf32, #tpu.memory_space<hbm>>
      tpu.wait_dma2 semaphore(%dma_wait3A_1319 : memref<!tpu.dma_semaphore, #tpu.memory_space<semaphore_mem>>) src(%dma_wait3A_1328 : memref<8x128xf32, #tpu.memory_space<hbm>>) dst(%dma_wait3A_1323 : memref<8x128xf32, #tpu.memory_space<vmem>>)
      %dma_wait3A_1329 = arith.constant 0 : i32
      %dma_wait3A_1330 = arith.constant 96 : i32
      %dma_wait3A_1331 = arith.constant 0 : i32
      %dma_wait3A_1332 = tpu.memref_slice %arg9[%and3A_823, %dma_wait3A_1330, %dma_wait3A_1331] : memref<2x128x128xf32, #tpu.memory_space<vmem>> -> memref<1x8x128xf32, #tpu.memory_space<vmem>>
      %dma_wait3A_1333 = tpu.memref_squeeze %dma_wait3A_1332 : memref<1x8x128xf32, #tpu.memory_space<vmem>> -> memref<8x128xf32, #tpu.memory_space<vmem>>
      %dma_wait3A_1334 = tpu.memref_reshape %arg4 : memref<16x1000000xf32, #tpu.memory_space<hbm>> -> memref<2x8x1000000xf32, #tpu.memory_space<hbm>>
      %dma_wait3A_1335 = arith.constant 0 : i32
      %dma_wait3A_1336 = arith.constant 0 : i32
      %dma_wait3A_1337 = tpu.memref_slice %dma_wait3A_1334[%dma_wait3A_1329, %dma_wait3A_1335, %dma_wait3A_1336] : memref<2x8x1000000xf32, #tpu.memory_space<hbm>> -> memref<1x8x128xf32, #tpu.memory_space<hbm>>
      %dma_wait3A_1338 = tpu.memref_squeeze %dma_wait3A_1337 : memref<1x8x128xf32, #tpu.memory_space<hbm>> -> memref<8x128xf32, #tpu.memory_space<hbm>>
      %dma_wait3A_1339 = tpu.memref_slice %arg12[%and3A_823] : memref<2x!tpu.dma_semaphore, #tpu.memory_space<semaphore_mem>> -> memref<1x!tpu.dma_semaphore, #tpu.memory_space<semaphore_mem>>
      %dma_wait3A_1340 = tpu.memref_squeeze %dma_wait3A_1339 : memref<1x!tpu.dma_semaphore, #tpu.memory_space<semaphore_mem>> -> memref<!tpu.dma_semaphore, #tpu.memory_space<semaphore_mem>>
      %dma_wait3A_1341 = arith.constant 96 : i32
      %dma_wait3A_1342 = arith.constant 0 : i32
      %dma_wait3A_1343 = tpu.memref_slice %arg9[%and3A_823, %dma_wait3A_1341, %dma_wait3A_1342] : memref<2x128x128xf32, #tpu.memory_space<vmem>> -> memref<1x8x128xf32, #tpu.memory_space<vmem>>
      %dma_wait3A_1344 = tpu.memref_squeeze %dma_wait3A_1343 : memref<1x8x128xf32, #tpu.memory_space<vmem>> -> memref<8x128xf32, #tpu.memory_space<vmem>>
      %dma_wait3A_1345 = tpu.memref_reshape %arg4 : memref<16x1000000xf32, #tpu.memory_space<hbm>> -> memref<2x8x1000000xf32, #tpu.memory_space<hbm>>
      %dma_wait3A_1346 = arith.constant 0 : i32
      %dma_wait3A_1347 = arith.constant 0 : i32
      %dma_wait3A_1348 = tpu.memref_slice %dma_wait3A_1345[%dma_wait3A_1329, %dma_wait3A_1346, %dma_wait3A_1347] : memref<2x8x1000000xf32, #tpu.memory_space<hbm>> -> memref<1x8x128xf32, #tpu.memory_space<hbm>>
      %dma_wait3A_1349 = tpu.memref_squeeze %dma_wait3A_1348 : memref<1x8x128xf32, #tpu.memory_space<hbm>> -> memref<8x128xf32, #tpu.memory_space<hbm>>
      tpu.wait_dma2 semaphore(%dma_wait3A_1340 : memref<!tpu.dma_semaphore, #tpu.memory_space<semaphore_mem>>) src(%dma_wait3A_1349 : memref<8x128xf32, #tpu.memory_space<hbm>>) dst(%dma_wait3A_1344 : memref<8x128xf32, #tpu.memory_space<vmem>>)
      %dma_wait3A_1350 = arith.constant 0 : i32
      %dma_wait3A_1351 = arith.constant 96 : i32
      %dma_wait3A_1352 = arith.constant 0 : i32
      %dma_wait3A_1353 = tpu.memref_slice %arg10[%and3A_823, %dma_wait3A_1351, %dma_wait3A_1352] : memref<2x128x128xf32, #tpu.memory_space<vmem>> -> memref<1x8x128xf32, #tpu.memory_space<vmem>>
      %dma_wait3A_1354 = tpu.memref_squeeze %dma_wait3A_1353 : memref<1x8x128xf32, #tpu.memory_space<vmem>> -> memref<8x128xf32, #tpu.memory_space<vmem>>
      %dma_wait3A_1355 = tpu.memref_reshape %arg4 : memref<16x1000000xf32, #tpu.memory_space<hbm>> -> memref<2x8x1000000xf32, #tpu.memory_space<hbm>>
      %dma_wait3A_1356 = arith.constant 0 : i32
      %dma_wait3A_1357 = arith.constant 0 : i32
      %dma_wait3A_1358 = tpu.memref_slice %dma_wait3A_1355[%dma_wait3A_1350, %dma_wait3A_1356, %dma_wait3A_1357] : memref<2x8x1000000xf32, #tpu.memory_space<hbm>> -> memref<1x8x128xf32, #tpu.memory_space<hbm>>
      %dma_wait3A_1359 = tpu.memref_squeeze %dma_wait3A_1358 : memref<1x8x128xf32, #tpu.memory_space<hbm>> -> memref<8x128xf32, #tpu.memory_space<hbm>>
      %dma_wait3A_1360 = tpu.memref_slice %arg12[%and3A_823] : memref<2x!tpu.dma_semaphore, #tpu.memory_space<semaphore_mem>> -> memref<1x!tpu.dma_semaphore, #tpu.memory_space<semaphore_mem>>
      %dma_wait3A_1361 = tpu.memref_squeeze %dma_wait3A_1360 : memref<1x!tpu.dma_semaphore, #tpu.memory_space<semaphore_mem>> -> memref<!tpu.dma_semaphore, #tpu.memory_space<semaphore_mem>>
      %dma_wait3A_1362 = arith.constant 96 : i32
      %dma_wait3A_1363 = arith.constant 0 : i32
      %dma_wait3A_1364 = tpu.memref_slice %arg10[%and3A_823, %dma_wait3A_1362, %dma_wait3A_1363] : memref<2x128x128xf32, #tpu.memory_space<vmem>> -> memref<1x8x128xf32, #tpu.memory_space<vmem>>
      %dma_wait3A_1365 = tpu.memref_squeeze %dma_wait3A_1364 : memref<1x8x128xf32, #tpu.memory_space<vmem>> -> memref<8x128xf32, #tpu.memory_space<vmem>>
      %dma_wait3A_1366 = tpu.memref_reshape %arg4 : memref<16x1000000xf32, #tpu.memory_space<hbm>> -> memref<2x8x1000000xf32, #tpu.memory_space<hbm>>
      %dma_wait3A_1367 = arith.constant 0 : i32
      %dma_wait3A_1368 = arith.constant 0 : i32
      %dma_wait3A_1369 = tpu.memref_slice %dma_wait3A_1366[%dma_wait3A_1350, %dma_wait3A_1367, %dma_wait3A_1368] : memref<2x8x1000000xf32, #tpu.memory_space<hbm>> -> memref<1x8x128xf32, #tpu.memory_space<hbm>>
      %dma_wait3A_1370 = tpu.memref_squeeze %dma_wait3A_1369 : memref<1x8x128xf32, #tpu.memory_space<hbm>> -> memref<8x128xf32, #tpu.memory_space<hbm>>
      tpu.wait_dma2 semaphore(%dma_wait3A_1361 : memref<!tpu.dma_semaphore, #tpu.memory_space<semaphore_mem>>) src(%dma_wait3A_1370 : memref<8x128xf32, #tpu.memory_space<hbm>>) dst(%dma_wait3A_1365 : memref<8x128xf32, #tpu.memory_space<vmem>>)
      %dma_wait3A_1371 = arith.constant 0 : i32
      %dma_wait3A_1372 = arith.constant 104 : i32
      %dma_wait3A_1373 = arith.constant 0 : i32
      %dma_wait3A_1374 = tpu.memref_slice %arg9[%and3A_823, %dma_wait3A_1372, %dma_wait3A_1373] : memref<2x128x128xf32, #tpu.memory_space<vmem>> -> memref<1x8x128xf32, #tpu.memory_space<vmem>>
      %dma_wait3A_1375 = tpu.memref_squeeze %dma_wait3A_1374 : memref<1x8x128xf32, #tpu.memory_space<vmem>> -> memref<8x128xf32, #tpu.memory_space<vmem>>
      %dma_wait3A_1376 = tpu.memref_reshape %arg4 : memref<16x1000000xf32, #tpu.memory_space<hbm>> -> memref<2x8x1000000xf32, #tpu.memory_space<hbm>>
      %dma_wait3A_1377 = arith.constant 0 : i32
      %dma_wait3A_1378 = arith.constant 0 : i32
      %dma_wait3A_1379 = tpu.memref_slice %dma_wait3A_1376[%dma_wait3A_1371, %dma_wait3A_1377, %dma_wait3A_1378] : memref<2x8x1000000xf32, #tpu.memory_space<hbm>> -> memref<1x8x128xf32, #tpu.memory_space<hbm>>
      %dma_wait3A_1380 = tpu.memref_squeeze %dma_wait3A_1379 : memref<1x8x128xf32, #tpu.memory_space<hbm>> -> memref<8x128xf32, #tpu.memory_space<hbm>>
      %dma_wait3A_1381 = tpu.memref_slice %arg12[%and3A_823] : memref<2x!tpu.dma_semaphore, #tpu.memory_space<semaphore_mem>> -> memref<1x!tpu.dma_semaphore, #tpu.memory_space<semaphore_mem>>
      %dma_wait3A_1382 = tpu.memref_squeeze %dma_wait3A_1381 : memref<1x!tpu.dma_semaphore, #tpu.memory_space<semaphore_mem>> -> memref<!tpu.dma_semaphore, #tpu.memory_space<semaphore_mem>>
      %dma_wait3A_1383 = arith.constant 104 : i32
      %dma_wait3A_1384 = arith.constant 0 : i32
      %dma_wait3A_1385 = tpu.memref_slice %arg9[%and3A_823, %dma_wait3A_1383, %dma_wait3A_1384] : memref<2x128x128xf32, #tpu.memory_space<vmem>> -> memref<1x8x128xf32, #tpu.memory_space<vmem>>
      %dma_wait3A_1386 = tpu.memref_squeeze %dma_wait3A_1385 : memref<1x8x128xf32, #tpu.memory_space<vmem>> -> memref<8x128xf32, #tpu.memory_space<vmem>>
      %dma_wait3A_1387 = tpu.memref_reshape %arg4 : memref<16x1000000xf32, #tpu.memory_space<hbm>> -> memref<2x8x1000000xf32, #tpu.memory_space<hbm>>
      %dma_wait3A_1388 = arith.constant 0 : i32
      %dma_wait3A_1389 = arith.constant 0 : i32
      %dma_wait3A_1390 = tpu.memref_slice %dma_wait3A_1387[%dma_wait3A_1371, %dma_wait3A_1388, %dma_wait3A_1389] : memref<2x8x1000000xf32, #tpu.memory_space<hbm>> -> memref<1x8x128xf32, #tpu.memory_space<hbm>>
      %dma_wait3A_1391 = tpu.memref_squeeze %dma_wait3A_1390 : memref<1x8x128xf32, #tpu.memory_space<hbm>> -> memref<8x128xf32, #tpu.memory_space<hbm>>
      tpu.wait_dma2 semaphore(%dma_wait3A_1382 : memref<!tpu.dma_semaphore, #tpu.memory_space<semaphore_mem>>) src(%dma_wait3A_1391 : memref<8x128xf32, #tpu.memory_space<hbm>>) dst(%dma_wait3A_1386 : memref<8x128xf32, #tpu.memory_space<vmem>>)
      %dma_wait3A_1392 = arith.constant 0 : i32
      %dma_wait3A_1393 = arith.constant 104 : i32
      %dma_wait3A_1394 = arith.constant 0 : i32
      %dma_wait3A_1395 = tpu.memref_slice %arg10[%and3A_823, %dma_wait3A_1393, %dma_wait3A_1394] : memref<2x128x128xf32, #tpu.memory_space<vmem>> -> memref<1x8x128xf32, #tpu.memory_space<vmem>>
      %dma_wait3A_1396 = tpu.memref_squeeze %dma_wait3A_1395 : memref<1x8x128xf32, #tpu.memory_space<vmem>> -> memref<8x128xf32, #tpu.memory_space<vmem>>
      %dma_wait3A_1397 = tpu.memref_reshape %arg4 : memref<16x1000000xf32, #tpu.memory_space<hbm>> -> memref<2x8x1000000xf32, #tpu.memory_space<hbm>>
      %dma_wait3A_1398 = arith.constant 0 : i32
      %dma_wait3A_1399 = arith.constant 0 : i32
      %dma_wait3A_1400 = tpu.memref_slice %dma_wait3A_1397[%dma_wait3A_1392, %dma_wait3A_1398, %dma_wait3A_1399] : memref<2x8x1000000xf32, #tpu.memory_space<hbm>> -> memref<1x8x128xf32, #tpu.memory_space<hbm>>
      %dma_wait3A_1401 = tpu.memref_squeeze %dma_wait3A_1400 : memref<1x8x128xf32, #tpu.memory_space<hbm>> -> memref<8x128xf32, #tpu.memory_space<hbm>>
      %dma_wait3A_1402 = tpu.memref_slice %arg12[%and3A_823] : memref<2x!tpu.dma_semaphore, #tpu.memory_space<semaphore_mem>> -> memref<1x!tpu.dma_semaphore, #tpu.memory_space<semaphore_mem>>
      %dma_wait3A_1403 = tpu.memref_squeeze %dma_wait3A_1402 : memref<1x!tpu.dma_semaphore, #tpu.memory_space<semaphore_mem>> -> memref<!tpu.dma_semaphore, #tpu.memory_space<semaphore_mem>>
      %dma_wait3A_1404 = arith.constant 104 : i32
      %dma_wait3A_1405 = arith.constant 0 : i32
      %dma_wait3A_1406 = tpu.memref_slice %arg10[%and3A_823, %dma_wait3A_1404, %dma_wait3A_1405] : memref<2x128x128xf32, #tpu.memory_space<vmem>> -> memref<1x8x128xf32, #tpu.memory_space<vmem>>
      %dma_wait3A_1407 = tpu.memref_squeeze %dma_wait3A_1406 : memref<1x8x128xf32, #tpu.memory_space<vmem>> -> memref<8x128xf32, #tpu.memory_space<vmem>>
      %dma_wait3A_1408 = tpu.memref_reshape %arg4 : memref<16x1000000xf32, #tpu.memory_space<hbm>> -> memref<2x8x1000000xf32, #tpu.memory_space<hbm>>
      %dma_wait3A_1409 = arith.constant 0 : i32
      %dma_wait3A_1410 = arith.constant 0 : i32
      %dma_wait3A_1411 = tpu.memref_slice %dma_wait3A_1408[%dma_wait3A_1392, %dma_wait3A_1409, %dma_wait3A_1410] : memref<2x8x1000000xf32, #tpu.memory_space<hbm>> -> memref<1x8x128xf32, #tpu.memory_space<hbm>>
      %dma_wait3A_1412 = tpu.memref_squeeze %dma_wait3A_1411 : memref<1x8x128xf32, #tpu.memory_space<hbm>> -> memref<8x128xf32, #tpu.memory_space<hbm>>
      tpu.wait_dma2 semaphore(%dma_wait3A_1403 : memref<!tpu.dma_semaphore, #tpu.memory_space<semaphore_mem>>) src(%dma_wait3A_1412 : memref<8x128xf32, #tpu.memory_space<hbm>>) dst(%dma_wait3A_1407 : memref<8x128xf32, #tpu.memory_space<vmem>>)
      %dma_wait3A_1413 = arith.constant 0 : i32
      %dma_wait3A_1414 = arith.constant 112 : i32
      %dma_wait3A_1415 = arith.constant 0 : i32
      %dma_wait3A_1416 = tpu.memref_slice %arg9[%and3A_823, %dma_wait3A_1414, %dma_wait3A_1415] : memref<2x128x128xf32, #tpu.memory_space<vmem>> -> memref<1x8x128xf32, #tpu.memory_space<vmem>>
      %dma_wait3A_1417 = tpu.memref_squeeze %dma_wait3A_1416 : memref<1x8x128xf32, #tpu.memory_space<vmem>> -> memref<8x128xf32, #tpu.memory_space<vmem>>
      %dma_wait3A_1418 = tpu.memref_reshape %arg4 : memref<16x1000000xf32, #tpu.memory_space<hbm>> -> memref<2x8x1000000xf32, #tpu.memory_space<hbm>>
      %dma_wait3A_1419 = arith.constant 0 : i32
      %dma_wait3A_1420 = arith.constant 0 : i32
      %dma_wait3A_1421 = tpu.memref_slice %dma_wait3A_1418[%dma_wait3A_1413, %dma_wait3A_1419, %dma_wait3A_1420] : memref<2x8x1000000xf32, #tpu.memory_space<hbm>> -> memref<1x8x128xf32, #tpu.memory_space<hbm>>
      %dma_wait3A_1422 = tpu.memref_squeeze %dma_wait3A_1421 : memref<1x8x128xf32, #tpu.memory_space<hbm>> -> memref<8x128xf32, #tpu.memory_space<hbm>>
      %dma_wait3A_1423 = tpu.memref_slice %arg12[%and3A_823] : memref<2x!tpu.dma_semaphore, #tpu.memory_space<semaphore_mem>> -> memref<1x!tpu.dma_semaphore, #tpu.memory_space<semaphore_mem>>
      %dma_wait3A_1424 = tpu.memref_squeeze %dma_wait3A_1423 : memref<1x!tpu.dma_semaphore, #tpu.memory_space<semaphore_mem>> -> memref<!tpu.dma_semaphore, #tpu.memory_space<semaphore_mem>>
      %dma_wait3A_1425 = arith.constant 112 : i32
      %dma_wait3A_1426 = arith.constant 0 : i32
      %dma_wait3A_1427 = tpu.memref_slice %arg9[%and3A_823, %dma_wait3A_1425, %dma_wait3A_1426] : memref<2x128x128xf32, #tpu.memory_space<vmem>> -> memref<1x8x128xf32, #tpu.memory_space<vmem>>
      %dma_wait3A_1428 = tpu.memref_squeeze %dma_wait3A_1427 : memref<1x8x128xf32, #tpu.memory_space<vmem>> -> memref<8x128xf32, #tpu.memory_space<vmem>>
      %dma_wait3A_1429 = tpu.memref_reshape %arg4 : memref<16x1000000xf32, #tpu.memory_space<hbm>> -> memref<2x8x1000000xf32, #tpu.memory_space<hbm>>
      %dma_wait3A_1430 = arith.constant 0 : i32
      %dma_wait3A_1431 = arith.constant 0 : i32
      %dma_wait3A_1432 = tpu.memref_slice %dma_wait3A_1429[%dma_wait3A_1413, %dma_wait3A_1430, %dma_wait3A_1431] : memref<2x8x1000000xf32, #tpu.memory_space<hbm>> -> memref<1x8x128xf32, #tpu.memory_space<hbm>>
      %dma_wait3A_1433 = tpu.memref_squeeze %dma_wait3A_1432 : memref<1x8x128xf32, #tpu.memory_space<hbm>> -> memref<8x128xf32, #tpu.memory_space<hbm>>
      tpu.wait_dma2 semaphore(%dma_wait3A_1424 : memref<!tpu.dma_semaphore, #tpu.memory_space<semaphore_mem>>) src(%dma_wait3A_1433 : memref<8x128xf32, #tpu.memory_space<hbm>>) dst(%dma_wait3A_1428 : memref<8x128xf32, #tpu.memory_space<vmem>>)
      %dma_wait3A_1434 = arith.constant 0 : i32
      %dma_wait3A_1435 = arith.constant 112 : i32
      %dma_wait3A_1436 = arith.constant 0 : i32
      %dma_wait3A_1437 = tpu.memref_slice %arg10[%and3A_823, %dma_wait3A_1435, %dma_wait3A_1436] : memref<2x128x128xf32, #tpu.memory_space<vmem>> -> memref<1x8x128xf32, #tpu.memory_space<vmem>>
      %dma_wait3A_1438 = tpu.memref_squeeze %dma_wait3A_1437 : memref<1x8x128xf32, #tpu.memory_space<vmem>> -> memref<8x128xf32, #tpu.memory_space<vmem>>
      %dma_wait3A_1439 = tpu.memref_reshape %arg4 : memref<16x1000000xf32, #tpu.memory_space<hbm>> -> memref<2x8x1000000xf32, #tpu.memory_space<hbm>>
      %dma_wait3A_1440 = arith.constant 0 : i32
      %dma_wait3A_1441 = arith.constant 0 : i32
      %dma_wait3A_1442 = tpu.memref_slice %dma_wait3A_1439[%dma_wait3A_1434, %dma_wait3A_1440, %dma_wait3A_1441] : memref<2x8x1000000xf32, #tpu.memory_space<hbm>> -> memref<1x8x128xf32, #tpu.memory_space<hbm>>
      %dma_wait3A_1443 = tpu.memref_squeeze %dma_wait3A_1442 : memref<1x8x128xf32, #tpu.memory_space<hbm>> -> memref<8x128xf32, #tpu.memory_space<hbm>>
      %dma_wait3A_1444 = tpu.memref_slice %arg12[%and3A_823] : memref<2x!tpu.dma_semaphore, #tpu.memory_space<semaphore_mem>> -> memref<1x!tpu.dma_semaphore, #tpu.memory_space<semaphore_mem>>
      %dma_wait3A_1445 = tpu.memref_squeeze %dma_wait3A_1444 : memref<1x!tpu.dma_semaphore, #tpu.memory_space<semaphore_mem>> -> memref<!tpu.dma_semaphore, #tpu.memory_space<semaphore_mem>>
      %dma_wait3A_1446 = arith.constant 112 : i32
      %dma_wait3A_1447 = arith.constant 0 : i32
      %dma_wait3A_1448 = tpu.memref_slice %arg10[%and3A_823, %dma_wait3A_1446, %dma_wait3A_1447] : memref<2x128x128xf32, #tpu.memory_space<vmem>> -> memref<1x8x128xf32, #tpu.memory_space<vmem>>
      %dma_wait3A_1449 = tpu.memref_squeeze %dma_wait3A_1448 : memref<1x8x128xf32, #tpu.memory_space<vmem>> -> memref<8x128xf32, #tpu.memory_space<vmem>>
      %dma_wait3A_1450 = tpu.memref_reshape %arg4 : memref<16x1000000xf32, #tpu.memory_space<hbm>> -> memref<2x8x1000000xf32, #tpu.memory_space<hbm>>
      %dma_wait3A_1451 = arith.constant 0 : i32
      %dma_wait3A_1452 = arith.constant 0 : i32
      %dma_wait3A_1453 = tpu.memref_slice %dma_wait3A_1450[%dma_wait3A_1434, %dma_wait3A_1451, %dma_wait3A_1452] : memref<2x8x1000000xf32, #tpu.memory_space<hbm>> -> memref<1x8x128xf32, #tpu.memory_space<hbm>>
      %dma_wait3A_1454 = tpu.memref_squeeze %dma_wait3A_1453 : memref<1x8x128xf32, #tpu.memory_space<hbm>> -> memref<8x128xf32, #tpu.memory_space<hbm>>
      tpu.wait_dma2 semaphore(%dma_wait3A_1445 : memref<!tpu.dma_semaphore, #tpu.memory_space<semaphore_mem>>) src(%dma_wait3A_1454 : memref<8x128xf32, #tpu.memory_space<hbm>>) dst(%dma_wait3A_1449 : memref<8x128xf32, #tpu.memory_space<vmem>>)
      %dma_wait3A_1455 = arith.constant 0 : i32
      %dma_wait3A_1456 = arith.constant 120 : i32
      %dma_wait3A_1457 = arith.constant 0 : i32
      %dma_wait3A_1458 = tpu.memref_slice %arg9[%and3A_823, %dma_wait3A_1456, %dma_wait3A_1457] : memref<2x128x128xf32, #tpu.memory_space<vmem>> -> memref<1x8x128xf32, #tpu.memory_space<vmem>>
      %dma_wait3A_1459 = tpu.memref_squeeze %dma_wait3A_1458 : memref<1x8x128xf32, #tpu.memory_space<vmem>> -> memref<8x128xf32, #tpu.memory_space<vmem>>
      %dma_wait3A_1460 = tpu.memref_reshape %arg4 : memref<16x1000000xf32, #tpu.memory_space<hbm>> -> memref<2x8x1000000xf32, #tpu.memory_space<hbm>>
      %dma_wait3A_1461 = arith.constant 0 : i32
      %dma_wait3A_1462 = arith.constant 0 : i32
      %dma_wait3A_1463 = tpu.memref_slice %dma_wait3A_1460[%dma_wait3A_1455, %dma_wait3A_1461, %dma_wait3A_1462] : memref<2x8x1000000xf32, #tpu.memory_space<hbm>> -> memref<1x8x128xf32, #tpu.memory_space<hbm>>
      %dma_wait3A_1464 = tpu.memref_squeeze %dma_wait3A_1463 : memref<1x8x128xf32, #tpu.memory_space<hbm>> -> memref<8x128xf32, #tpu.memory_space<hbm>>
      %dma_wait3A_1465 = tpu.memref_slice %arg12[%and3A_823] : memref<2x!tpu.dma_semaphore, #tpu.memory_space<semaphore_mem>> -> memref<1x!tpu.dma_semaphore, #tpu.memory_space<semaphore_mem>>
      %dma_wait3A_1466 = tpu.memref_squeeze %dma_wait3A_1465 : memref<1x!tpu.dma_semaphore, #tpu.memory_space<semaphore_mem>> -> memref<!tpu.dma_semaphore, #tpu.memory_space<semaphore_mem>>
      %dma_wait3A_1467 = arith.constant 120 : i32
      %dma_wait3A_1468 = arith.constant 0 : i32
      %dma_wait3A_1469 = tpu.memref_slice %arg9[%and3A_823, %dma_wait3A_1467, %dma_wait3A_1468] : memref<2x128x128xf32, #tpu.memory_space<vmem>> -> memref<1x8x128xf32, #tpu.memory_space<vmem>>
      %dma_wait3A_1470 = tpu.memref_squeeze %dma_wait3A_1469 : memref<1x8x128xf32, #tpu.memory_space<vmem>> -> memref<8x128xf32, #tpu.memory_space<vmem>>
      %dma_wait3A_1471 = tpu.memref_reshape %arg4 : memref<16x1000000xf32, #tpu.memory_space<hbm>> -> memref<2x8x1000000xf32, #tpu.memory_space<hbm>>
      %dma_wait3A_1472 = arith.constant 0 : i32
      %dma_wait3A_1473 = arith.constant 0 : i32
      %dma_wait3A_1474 = tpu.memref_slice %dma_wait3A_1471[%dma_wait3A_1455, %dma_wait3A_1472, %dma_wait3A_1473] : memref<2x8x1000000xf32, #tpu.memory_space<hbm>> -> memref<1x8x128xf32, #tpu.memory_space<hbm>>
      %dma_wait3A_1475 = tpu.memref_squeeze %dma_wait3A_1474 : memref<1x8x128xf32, #tpu.memory_space<hbm>> -> memref<8x128xf32, #tpu.memory_space<hbm>>
      tpu.wait_dma2 semaphore(%dma_wait3A_1466 : memref<!tpu.dma_semaphore, #tpu.memory_space<semaphore_mem>>) src(%dma_wait3A_1475 : memref<8x128xf32, #tpu.memory_space<hbm>>) dst(%dma_wait3A_1470 : memref<8x128xf32, #tpu.memory_space<vmem>>)
      %dma_wait3A_1476 = arith.constant 0 : i32
      %dma_wait3A_1477 = arith.constant 120 : i32
      %dma_wait3A_1478 = arith.constant 0 : i32
      %dma_wait3A_1479 = tpu.memref_slice %arg10[%and3A_823, %dma_wait3A_1477, %dma_wait3A_1478] : memref<2x128x128xf32, #tpu.memory_space<vmem>> -> memref<1x8x128xf32, #tpu.memory_space<vmem>>
      %dma_wait3A_1480 = tpu.memref_squeeze %dma_wait3A_1479 : memref<1x8x128xf32, #tpu.memory_space<vmem>> -> memref<8x128xf32, #tpu.memory_space<vmem>>
      %dma_wait3A_1481 = tpu.memref_reshape %arg4 : memref<16x1000000xf32, #tpu.memory_space<hbm>> -> memref<2x8x1000000xf32, #tpu.memory_space<hbm>>
      %dma_wait3A_1482 = arith.constant 0 : i32
      %dma_wait3A_1483 = arith.constant 0 : i32
      %dma_wait3A_1484 = tpu.memref_slice %dma_wait3A_1481[%dma_wait3A_1476, %dma_wait3A_1482, %dma_wait3A_1483] : memref<2x8x1000000xf32, #tpu.memory_space<hbm>> -> memref<1x8x128xf32, #tpu.memory_space<hbm>>
      %dma_wait3A_1485 = tpu.memref_squeeze %dma_wait3A_1484 : memref<1x8x128xf32, #tpu.memory_space<hbm>> -> memref<8x128xf32, #tpu.memory_space<hbm>>
      %dma_wait3A_1486 = tpu.memref_slice %arg12[%and3A_823] : memref<2x!tpu.dma_semaphore, #tpu.memory_space<semaphore_mem>> -> memref<1x!tpu.dma_semaphore, #tpu.memory_space<semaphore_mem>>
      %dma_wait3A_1487 = tpu.memref_squeeze %dma_wait3A_1486 : memref<1x!tpu.dma_semaphore, #tpu.memory_space<semaphore_mem>> -> memref<!tpu.dma_semaphore, #tpu.memory_space<semaphore_mem>>
      %dma_wait3A_1488 = arith.constant 120 : i32
      %dma_wait3A_1489 = arith.constant 0 : i32
      %dma_wait3A_1490 = tpu.memref_slice %arg10[%and3A_823, %dma_wait3A_1488, %dma_wait3A_1489] : memref<2x128x128xf32, #tpu.memory_space<vmem>> -> memref<1x8x128xf32, #tpu.memory_space<vmem>>
      %dma_wait3A_1491 = tpu.memref_squeeze %dma_wait3A_1490 : memref<1x8x128xf32, #tpu.memory_space<vmem>> -> memref<8x128xf32, #tpu.memory_space<vmem>>
      %dma_wait3A_1492 = tpu.memref_reshape %arg4 : memref<16x1000000xf32, #tpu.memory_space<hbm>> -> memref<2x8x1000000xf32, #tpu.memory_space<hbm>>
      %dma_wait3A_1493 = arith.constant 0 : i32
      %dma_wait3A_1494 = arith.constant 0 : i32
      %dma_wait3A_1495 = tpu.memref_slice %dma_wait3A_1492[%dma_wait3A_1476, %dma_wait3A_1493, %dma_wait3A_1494] : memref<2x8x1000000xf32, #tpu.memory_space<hbm>> -> memref<1x8x128xf32, #tpu.memory_space<hbm>>
      %dma_wait3A_1496 = tpu.memref_squeeze %dma_wait3A_1495 : memref<1x8x128xf32, #tpu.memory_space<hbm>> -> memref<8x128xf32, #tpu.memory_space<hbm>>
      tpu.wait_dma2 semaphore(%dma_wait3A_1487 : memref<!tpu.dma_semaphore, #tpu.memory_space<semaphore_mem>>) src(%dma_wait3A_1496 : memref<8x128xf32, #tpu.memory_space<hbm>>) dst(%dma_wait3A_1491 : memref<8x128xf32, #tpu.memory_space<vmem>>)
      %mul3A_1497 = arith.constant 16 : i32
      %mul3A_1498 = arith.muli %and3A_821, %mul3A_1497 : i32
      %multiple_of3A_1499 = tpu.assume_multiple %mul3A_1498, 16 : i32
      %get3A_1500 = arith.index_cast %multiple_of3A_1499 : i32 to index
      %get3A_1501 = tpu.vector_load %arg7[%get3A_1500] {strides = array<i32>} : memref<512xi32, #tpu.memory_space<vmem>>, vector<16xi32>,
      %and3A_1502 = arith.constant 127 : i32
      %and3A_1503 = vector.broadcast %and3A_1502 : i32 to vector<16xi32>
      %and3A_1504 = arith.andi %get3A_1501, %and3A_1503 : vector<16xi32>
      %get3A_1505 = arith.index_cast %multiple_of3A_1499 : i32 to index
      %get3A_1506 = tpu.vector_load %arg8[%get3A_1505] {strides = array<i32>} : memref<512xi32, #tpu.memory_space<vmem>>, vector<16xi32>,
      %and3A_1507 = arith.constant 127 : i32
      %and3A_1508 = vector.broadcast %and3A_1507 : i32 to vector<16xi32>
      %and3A_1509 = arith.andi %get3A_1506, %and3A_1508 : vector<16xi32>
      %mul3A_1510 = arith.constant 8 : i32
      %mul3A_1511 = vector.broadcast %mul3A_1510 : i32 to vector<16xi32>
      %mul3A_1512 = arith.muli %iota3A, %mul3A_1511 : vector<16xi32>
      %add3A_1513 = arith.constant 0 : i32
      %add3A_1514 = vector.broadcast %add3A_1513 : i32 to vector<16xi32>
      %add3A_1515 = arith.addi %mul3A_1512, %add3A_1514 : vector<16xi32>
      %gather3A = arith.constant 0 : i32
      %gather3A_1516 = arith.constant 0 : i32
      %gather3A_1517 = tpu.memref_slice %arg9[%and3A_823, %gather3A, %gather3A_1516] : memref<2x128x128xf32, #tpu.memory_space<vmem>> -> memref<1x128x128xf32, #tpu.memory_space<vmem>>
      %gather3A_1518 = tpu.memref_squeeze %gather3A_1517 : memref<1x128x128xf32, #tpu.memory_space<vmem>> -> memref<128x128xf32, #tpu.memory_space<vmem>>
      %gather3A_1519 = tpu.vector_load_idx %gather3A_1518[%add3A_1515, %and3A_1504] : memref<128x128xf32, #tpu.memory_space<vmem>>[vector<16xi32>, vector<16xi32>], vector<16xf32>,
      %gather3A_1520 = arith.constant 0 : i32
      %gather3A_1521 = arith.constant 0 : i32
      %gather3A_1522 = tpu.memref_slice %arg10[%and3A_823, %gather3A_1520, %gather3A_1521] : memref<2x128x128xf32, #tpu.memory_space<vmem>> -> memref<1x128x128xf32, #tpu.memory_space<vmem>>
      %gather3A_1523 = tpu.memref_squeeze %gather3A_1522 : memref<1x128x128xf32, #tpu.memory_space<vmem>> -> memref<128x128xf32, #tpu.memory_space<vmem>>
      %gather3A_1524 = tpu.vector_load_idx %gather3A_1523[%add3A_1515, %and3A_1509] : memref<128x128xf32, #tpu.memory_space<vmem>>[vector<16xi32>, vector<16xi32>], vector<16xf32>,
      %mul3A_1525 = arith.mulf %gather3A_1519, %gather3A_1524 : vector<16xf32>
      %mul3A_1526 = arith.constant 8 : i32
      %mul3A_1527 = vector.broadcast %mul3A_1526 : i32 to vector<16xi32>
      %mul3A_1528 = arith.muli %iota3A, %mul3A_1527 : vector<16xi32>
      %add3A_1529 = arith.constant 1 : i32
      %add3A_1530 = vector.broadcast %add3A_1529 : i32 to vector<16xi32>
      %add3A_1531 = arith.addi %mul3A_1528, %add3A_1530 : vector<16xi32>
      %gather3A_1532 = arith.constant 0 : i32
      %gather3A_1533 = arith.constant 0 : i32
      %gather3A_1534 = tpu.memref_slice %arg9[%and3A_823, %gather3A_1532, %gather3A_1533] : memref<2x128x128xf32, #tpu.memory_space<vmem>> -> memref<1x128x128xf32, #tpu.memory_space<vmem>>
      %gather3A_1535 = tpu.memref_squeeze %gather3A_1534 : memref<1x128x128xf32, #tpu.memory_space<vmem>> -> memref<128x128xf32, #tpu.memory_space<vmem>>
      %gather3A_1536 = tpu.vector_load_idx %gather3A_1535[%add3A_1531, %and3A_1504] : memref<128x128xf32, #tpu.memory_space<vmem>>[vector<16xi32>, vector<16xi32>], vector<16xf32>,
      %gather3A_1537 = arith.constant 0 : i32
      %gather3A_1538 = arith.constant 0 : i32
      %gather3A_1539 = tpu.memref_slice %arg10[%and3A_823, %gather3A_1537, %gather3A_1538] : memref<2x128x128xf32, #tpu.memory_space<vmem>> -> memref<1x128x128xf32, #tpu.memory_space<vmem>>
      %gather3A_1540 = tpu.memref_squeeze %gather3A_1539 : memref<1x128x128xf32, #tpu.memory_space<vmem>> -> memref<128x128xf32, #tpu.memory_space<vmem>>
      %gather3A_1541 = tpu.vector_load_idx %gather3A_1540[%add3A_1531, %and3A_1509] : memref<128x128xf32, #tpu.memory_space<vmem>>[vector<16xi32>, vector<16xi32>], vector<16xf32>,
      %mul3A_1542 = arith.mulf %gather3A_1536, %gather3A_1541 : vector<16xf32>
      %add3A_1543 = arith.addf %mul3A_1525, %mul3A_1542 : vector<16xf32>
      %mul3A_1544 = arith.constant 8 : i32
      %mul3A_1545 = vector.broadcast %mul3A_1544 : i32 to vector<16xi32>
      %mul3A_1546 = arith.muli %iota3A, %mul3A_1545 : vector<16xi32>
      %add3A_1547 = arith.constant 2 : i32
      %add3A_1548 = vector.broadcast %add3A_1547 : i32 to vector<16xi32>
      %add3A_1549 = arith.addi %mul3A_1546, %add3A_1548 : vector<16xi32>
      %gather3A_1550 = arith.constant 0 : i32
      %gather3A_1551 = arith.constant 0 : i32
      %gather3A_1552 = tpu.memref_slice %arg9[%and3A_823, %gather3A_1550, %gather3A_1551] : memref<2x128x128xf32, #tpu.memory_space<vmem>> -> memref<1x128x128xf32, #tpu.memory_space<vmem>>
      %gather3A_1553 = tpu.memref_squeeze %gather3A_1552 : memref<1x128x128xf32, #tpu.memory_space<vmem>> -> memref<128x128xf32, #tpu.memory_space<vmem>>
      %gather3A_1554 = tpu.vector_load_idx %gather3A_1553[%add3A_1549, %and3A_1504] : memref<128x128xf32, #tpu.memory_space<vmem>>[vector<16xi32>, vector<16xi32>], vector<16xf32>,
      %gather3A_1555 = arith.constant 0 : i32
      %gather3A_1556 = arith.constant 0 : i32
      %gather3A_1557 = tpu.memref_slice %arg10[%and3A_823, %gather3A_1555, %gather3A_1556] : memref<2x128x128xf32, #tpu.memory_space<vmem>> -> memref<1x128x128xf32, #tpu.memory_space<vmem>>
      %gather3A_1558 = tpu.memref_squeeze %gather3A_1557 : memref<1x128x128xf32, #tpu.memory_space<vmem>> -> memref<128x128xf32, #tpu.memory_space<vmem>>
      %gather3A_1559 = tpu.vector_load_idx %gather3A_1558[%add3A_1549, %and3A_1509] : memref<128x128xf32, #tpu.memory_space<vmem>>[vector<16xi32>, vector<16xi32>], vector<16xf32>,
      %mul3A_1560 = arith.mulf %gather3A_1554, %gather3A_1559 : vector<16xf32>
      %add3A_1561 = arith.addf %add3A_1543, %mul3A_1560 : vector<16xf32>
      %mul3A_1562 = arith.constant 8 : i32
      %mul3A_1563 = vector.broadcast %mul3A_1562 : i32 to vector<16xi32>
      %mul3A_1564 = arith.muli %iota3A, %mul3A_1563 : vector<16xi32>
      %add3A_1565 = arith.constant 3 : i32
      %add3A_1566 = vector.broadcast %add3A_1565 : i32 to vector<16xi32>
      %add3A_1567 = arith.addi %mul3A_1564, %add3A_1566 : vector<16xi32>
      %gather3A_1568 = arith.constant 0 : i32
      %gather3A_1569 = arith.constant 0 : i32
      %gather3A_1570 = tpu.memref_slice %arg9[%and3A_823, %gather3A_1568, %gather3A_1569] : memref<2x128x128xf32, #tpu.memory_space<vmem>> -> memref<1x128x128xf32, #tpu.memory_space<vmem>>
      %gather3A_1571 = tpu.memref_squeeze %gather3A_1570 : memref<1x128x128xf32, #tpu.memory_space<vmem>> -> memref<128x128xf32, #tpu.memory_space<vmem>>
      %gather3A_1572 = tpu.vector_load_idx %gather3A_1571[%add3A_1567, %and3A_1504] : memref<128x128xf32, #tpu.memory_space<vmem>>[vector<16xi32>, vector<16xi32>], vector<16xf32>,
      %gather3A_1573 = arith.constant 0 : i32
      %gather3A_1574 = arith.constant 0 : i32
      %gather3A_1575 = tpu.memref_slice %arg10[%and3A_823, %gather3A_1573, %gather3A_1574] : memref<2x128x128xf32, #tpu.memory_space<vmem>> -> memref<1x128x128xf32, #tpu.memory_space<vmem>>
      %gather3A_1576 = tpu.memref_squeeze %gather3A_1575 : memref<1x128x128xf32, #tpu.memory_space<vmem>> -> memref<128x128xf32, #tpu.memory_space<vmem>>
      %gather3A_1577 = tpu.vector_load_idx %gather3A_1576[%add3A_1567, %and3A_1509] : memref<128x128xf32, #tpu.memory_space<vmem>>[vector<16xi32>, vector<16xi32>], vector<16xf32>,
      %mul3A_1578 = arith.mulf %gather3A_1572, %gather3A_1577 : vector<16xf32>
      %add3A_1579 = arith.addf %add3A_1561, %mul3A_1578 : vector<16xf32>
      %mul3A_1580 = arith.constant 8 : i32
      %mul3A_1581 = vector.broadcast %mul3A_1580 : i32 to vector<16xi32>
      %mul3A_1582 = arith.muli %iota3A, %mul3A_1581 : vector<16xi32>
      %add3A_1583 = arith.constant 4 : i32
      %add3A_1584 = vector.broadcast %add3A_1583 : i32 to vector<16xi32>
      %add3A_1585 = arith.addi %mul3A_1582, %add3A_1584 : vector<16xi32>
      %gather3A_1586 = arith.constant 0 : i32
      %gather3A_1587 = arith.constant 0 : i32
      %gather3A_1588 = tpu.memref_slice %arg9[%and3A_823, %gather3A_1586, %gather3A_1587] : memref<2x128x128xf32, #tpu.memory_space<vmem>> -> memref<1x128x128xf32, #tpu.memory_space<vmem>>
      %gather3A_1589 = tpu.memref_squeeze %gather3A_1588 : memref<1x128x128xf32, #tpu.memory_space<vmem>> -> memref<128x128xf32, #tpu.memory_space<vmem>>
      %gather3A_1590 = tpu.vector_load_idx %gather3A_1589[%add3A_1585, %and3A_1504] : memref<128x128xf32, #tpu.memory_space<vmem>>[vector<16xi32>, vector<16xi32>], vector<16xf32>,
      %gather3A_1591 = arith.constant 0 : i32
      %gather3A_1592 = arith.constant 0 : i32
      %gather3A_1593 = tpu.memref_slice %arg10[%and3A_823, %gather3A_1591, %gather3A_1592] : memref<2x128x128xf32, #tpu.memory_space<vmem>> -> memref<1x128x128xf32, #tpu.memory_space<vmem>>
      %gather3A_1594 = tpu.memref_squeeze %gather3A_1593 : memref<1x128x128xf32, #tpu.memory_space<vmem>> -> memref<128x128xf32, #tpu.memory_space<vmem>>
      %gather3A_1595 = tpu.vector_load_idx %gather3A_1594[%add3A_1585, %and3A_1509] : memref<128x128xf32, #tpu.memory_space<vmem>>[vector<16xi32>, vector<16xi32>], vector<16xf32>,
      %mul3A_1596 = arith.mulf %gather3A_1590, %gather3A_1595 : vector<16xf32>
      %add3A_1597 = arith.addf %add3A_1579, %mul3A_1596 : vector<16xf32>
      %mul3A_1598 = arith.constant 8 : i32
      %mul3A_1599 = vector.broadcast %mul3A_1598 : i32 to vector<16xi32>
      %mul3A_1600 = arith.muli %iota3A, %mul3A_1599 : vector<16xi32>
      %add3A_1601 = arith.constant 5 : i32
      %add3A_1602 = vector.broadcast %add3A_1601 : i32 to vector<16xi32>
      %add3A_1603 = arith.addi %mul3A_1600, %add3A_1602 : vector<16xi32>
      %gather3A_1604 = arith.constant 0 : i32
      %gather3A_1605 = arith.constant 0 : i32
      %gather3A_1606 = tpu.memref_slice %arg9[%and3A_823, %gather3A_1604, %gather3A_1605] : memref<2x128x128xf32, #tpu.memory_space<vmem>> -> memref<1x128x128xf32, #tpu.memory_space<vmem>>
      %gather3A_1607 = tpu.memref_squeeze %gather3A_1606 : memref<1x128x128xf32, #tpu.memory_space<vmem>> -> memref<128x128xf32, #tpu.memory_space<vmem>>
      %gather3A_1608 = tpu.vector_load_idx %gather3A_1607[%add3A_1603, %and3A_1504] : memref<128x128xf32, #tpu.memory_space<vmem>>[vector<16xi32>, vector<16xi32>], vector<16xf32>,
      %gather3A_1609 = arith.constant 0 : i32
      %gather3A_1610 = arith.constant 0 : i32
      %gather3A_1611 = tpu.memref_slice %arg10[%and3A_823, %gather3A_1609, %gather3A_1610] : memref<2x128x128xf32, #tpu.memory_space<vmem>> -> memref<1x128x128xf32, #tpu.memory_space<vmem>>
      %gather3A_1612 = tpu.memref_squeeze %gather3A_1611 : memref<1x128x128xf32, #tpu.memory_space<vmem>> -> memref<128x128xf32, #tpu.memory_space<vmem>>
      %gather3A_1613 = tpu.vector_load_idx %gather3A_1612[%add3A_1603, %and3A_1509] : memref<128x128xf32, #tpu.memory_space<vmem>>[vector<16xi32>, vector<16xi32>], vector<16xf32>,
      %mul3A_1614 = arith.mulf %gather3A_1608, %gather3A_1613 : vector<16xf32>
      %add3A_1615 = arith.addf %add3A_1597, %mul3A_1614 : vector<16xf32>
      %mul3A_1616 = arith.constant 8 : i32
      %mul3A_1617 = vector.broadcast %mul3A_1616 : i32 to vector<16xi32>
      %mul3A_1618 = arith.muli %iota3A, %mul3A_1617 : vector<16xi32>
      %add3A_1619 = arith.constant 6 : i32
      %add3A_1620 = vector.broadcast %add3A_1619 : i32 to vector<16xi32>
      %add3A_1621 = arith.addi %mul3A_1618, %add3A_1620 : vector<16xi32>
      %gather3A_1622 = arith.constant 0 : i32
      %gather3A_1623 = arith.constant 0 : i32
      %gather3A_1624 = tpu.memref_slice %arg9[%and3A_823, %gather3A_1622, %gather3A_1623] : memref<2x128x128xf32, #tpu.memory_space<vmem>> -> memref<1x128x128xf32, #tpu.memory_space<vmem>>
      %gather3A_1625 = tpu.memref_squeeze %gather3A_1624 : memref<1x128x128xf32, #tpu.memory_space<vmem>> -> memref<128x128xf32, #tpu.memory_space<vmem>>
      %gather3A_1626 = tpu.vector_load_idx %gather3A_1625[%add3A_1621, %and3A_1504] : memref<128x128xf32, #tpu.memory_space<vmem>>[vector<16xi32>, vector<16xi32>], vector<16xf32>,
      %gather3A_1627 = arith.constant 0 : i32
      %gather3A_1628 = arith.constant 0 : i32
      %gather3A_1629 = tpu.memref_slice %arg10[%and3A_823, %gather3A_1627, %gather3A_1628] : memref<2x128x128xf32, #tpu.memory_space<vmem>> -> memref<1x128x128xf32, #tpu.memory_space<vmem>>
      %gather3A_1630 = tpu.memref_squeeze %gather3A_1629 : memref<1x128x128xf32, #tpu.memory_space<vmem>> -> memref<128x128xf32, #tpu.memory_space<vmem>>
      %gather3A_1631 = tpu.vector_load_idx %gather3A_1630[%add3A_1621, %and3A_1509] : memref<128x128xf32, #tpu.memory_space<vmem>>[vector<16xi32>, vector<16xi32>], vector<16xf32>,
      %mul3A_1632 = arith.mulf %gather3A_1626, %gather3A_1631 : vector<16xf32>
      %add3A_1633 = arith.addf %add3A_1615, %mul3A_1632 : vector<16xf32>
      %mul3A_1634 = arith.constant 8 : i32
      %mul3A_1635 = vector.broadcast %mul3A_1634 : i32 to vector<16xi32>
      %mul3A_1636 = arith.muli %iota3A, %mul3A_1635 : vector<16xi32>
      %add3A_1637 = arith.constant 7 : i32
      %add3A_1638 = vector.broadcast %add3A_1637 : i32 to vector<16xi32>
      %add3A_1639 = arith.addi %mul3A_1636, %add3A_1638 : vector<16xi32>
      %gather3A_1640 = arith.constant 0 : i32
      %gather3A_1641 = arith.constant 0 : i32
      %gather3A_1642 = tpu.memref_slice %arg9[%and3A_823, %gather3A_1640, %gather3A_1641] : memref<2x128x128xf32, #tpu.memory_space<vmem>> -> memref<1x128x128xf32, #tpu.memory_space<vmem>>
      %gather3A_1643 = tpu.memref_squeeze %gather3A_1642 : memref<1x128x128xf32, #tpu.memory_space<vmem>> -> memref<128x128xf32, #tpu.memory_space<vmem>>
      %gather3A_1644 = tpu.vector_load_idx %gather3A_1643[%add3A_1639, %and3A_1504] : memref<128x128xf32, #tpu.memory_space<vmem>>[vector<16xi32>, vector<16xi32>], vector<16xf32>,
      %gather3A_1645 = arith.constant 0 : i32
      %gather3A_1646 = arith.constant 0 : i32
      %gather3A_1647 = tpu.memref_slice %arg10[%and3A_823, %gather3A_1645, %gather3A_1646] : memref<2x128x128xf32, #tpu.memory_space<vmem>> -> memref<1x128x128xf32, #tpu.memory_space<vmem>>
      %gather3A_1648 = tpu.memref_squeeze %gather3A_1647 : memref<1x128x128xf32, #tpu.memory_space<vmem>> -> memref<128x128xf32, #tpu.memory_space<vmem>>
      %gather3A_1649 = tpu.vector_load_idx %gather3A_1648[%add3A_1639, %and3A_1509] : memref<128x128xf32, #tpu.memory_space<vmem>>[vector<16xi32>, vector<16xi32>], vector<16xf32>,
      %mul3A_1650 = arith.mulf %gather3A_1644, %gather3A_1649 : vector<16xf32>
      %add3A_1651 = arith.addf %add3A_1633, %mul3A_1650 : vector<16xf32>
      %eq3A = arith.constant 0 : i32
      %eq3A_1652 = arith.cmpi eq, %shift_right_arithmetic3A_819, %eq3A : i32
      %convert_element_type3A_1653 = arith.extui %eq3A_1652 : i1 to i32
      %cond3A_1654 = arith.constant 0 : i32
      %cond3A_1655 = arith.cmpi ne, %convert_element_type3A_1653, %cond3A_1654 : i32
      scf.if %cond3A_1655 {
        %swap3A = arith.index_cast %multiple_of3A_1499 : i32 to index
        %swap3A_1661 = tpu.vector_load %arg11[%swap3A] {strides = array<i32>} : memref<512xf32, #tpu.memory_space<vmem>>, vector<16xf32>,
        tpu.vector_store %arg11[%swap3A], %add3A_1651 {strides = array<i32>} : memref<512xf32, #tpu.memory_space<vmem>>, vector<16xf32>,
      } else {
      }
      %eq3A_1656 = arith.constant 1 : i32
      %eq3A_1657 = arith.cmpi eq, %shift_right_arithmetic3A_819, %eq3A_1656 : i32
      %convert_element_type3A_1658 = arith.extui %eq3A_1657 : i1 to i32
      %cond3A_1659 = arith.constant 0 : i32
      %cond3A_1660 = arith.cmpi ne, %convert_element_type3A_1658, %cond3A_1659 : i32
      scf.if %cond3A_1660 {
        %get3A_1661 = arith.index_cast %multiple_of3A_1499 : i32 to index
        %get3A_1662 = tpu.vector_load %arg11[%get3A_1661] {strides = array<i32>} : memref<512xf32, #tpu.memory_space<vmem>>, vector<16xf32>,
        %add3A_1663 = arith.addf %get3A_1662, %add3A_1651 : vector<16xf32>
        %neg3A = arith.constant 0.000000e+00 : f32
        %neg3A_1664 = vector.broadcast %neg3A : f32 to vector<16xf32>
        %neg3A_1665 = arith.subf %neg3A_1664, %add3A_1663 : vector<16xf32>
        %exp3A = math.exp %neg3A_1665 : vector<16xf32>
        %add3A_1666 = arith.constant 1.000000e+00 : f32
        %add3A_1667 = vector.broadcast %add3A_1666 : f32 to vector<16xf32>
        %add3A_1668 = arith.addf %add3A_1667, %exp3A : vector<16xf32>
        %div3A = arith.constant 1.000000e+00 : f32
        %div3A_1669 = vector.broadcast %div3A : f32 to vector<16xf32>
        %div3A_1670 = arith.divf %div3A_1669, %add3A_1668 : vector<16xf32>
        %swap3A = arith.index_cast %multiple_of3A_1499 : i32 to index
        %swap3A_1671 = tpu.vector_load %arg11[%swap3A] {strides = array<i32>} : memref<512xf32, #tpu.memory_space<vmem>>, vector<16xf32>,
        tpu.vector_store %arg11[%swap3A], %div3A_1670 {strides = array<i32>} : memref<512xf32, #tpu.memory_space<vmem>>, vector<16xf32>,
      } else {
      }
    }
    %scan3A_816 = arith.constant 64 : i32
    "tpu.region"() ({
      %run_scoped3A = tpu.sem_alloc : memref<!tpu.dma_semaphore, #tpu.memory_space<semaphore_mem>>
      %dma_start3A_817 = tpu.memref_slice %arg6[%mul3A_2] : memref<16384xf32, #tpu.memory_space<hbm>> -> memref<512xf32, #tpu.memory_space<hbm>>
      %dma_start3A_818 = tpu.memref_slice %arg6[%mul3A_2] : memref<16384xf32, #tpu.memory_space<hbm>> -> memref<512xf32, #tpu.memory_space<hbm>>
      tpu.enqueue_dma source(%arg11 : memref<512xf32, #tpu.memory_space<vmem>>) target(%dma_start3A_818 : memref<512xf32, #tpu.memory_space<hbm>>) target_semaphore(%run_scoped3A : memref<!tpu.dma_semaphore, #tpu.memory_space<semaphore_mem>>)
      %dma_wait3A = tpu.memref_slice %arg6[%mul3A_2] : memref<16384xf32, #tpu.memory_space<hbm>> -> memref<512xf32, #tpu.memory_space<hbm>>
      %dma_wait3A_819 = tpu.memref_slice %arg6[%mul3A_2] : memref<16384xf32, #tpu.memory_space<hbm>> -> memref<512xf32, #tpu.memory_space<hbm>>
      tpu.wait_dma2 semaphore(%run_scoped3A : memref<!tpu.dma_semaphore, #tpu.memory_space<semaphore_mem>>) src(%arg11 : memref<512xf32, #tpu.memory_space<vmem>>) dst(%dma_wait3A_819 : memref<512xf32, #tpu.memory_space<hbm>>)
      tpu.yield
    }) : () -> ()
    return
  }
}

</mosaic_0001>

<sc_bundles>
// kernel: kernel.3.cloned.1.call-start
scs
__scs_entry_jumppad:
0x0: {  	(pc) =	sbr.rel $0x88, $3  }
0x1: {  	(tag) =	ssettag $0x0;
	lr =	simm.s32 $0x1  }
0x2: {  	[smem:$0x3F9D] =	sst lr;
	_ =	strace $0xD0000000  }
0x3: {  	_ = 	snop  }
0x4: {  	_ = 	snop  }
0x5: {  	_ = 	snop  }
0x6: {  	_ = 	snop  }
0x7: {  	_ = 	snop  }
__scs_overlays_trampoline_lowered:
0x8: {  	[smem:$0x3FAC] =	sst s0  }
0x9: {  	[smem:$0x3FAD] =	sst s1  }
0xa: {  	[smem:$0x3FAE] =	sst s2  }
0xb: {  	[smem:$0x3FAF] =	sst s3  }
0xc: {  	[smem:$0x3FB0] =	sst s4  }
0xd: {  	[smem:$0x3FB1] =	sst s5  }
0xe: {  	[smem:$0x3FB2] =	sst s6  }
0xf: {  	[smem:$0x3FB3] =	sst s7  }
0x10: {  	[smem:$0x3FB4] =	sst s8  }
0x11: {  	[smem:$0x3FB5] =	sst s9;
	s0 =	simm.s32 @!p0 $0x0  }
0x12: {  	s1 =	sld [smem:$0x3F9B];
	s0 =	simm.s32 @p0 $0x1  }
0x13: {  	[smem:$0x3FB6] =	sst s0;
	s0 =	simm.s32 @!p1 $0x0  }
0x14: {  	s2 =	sld [smem:$0x3F9A];
	s0 =	simm.s32 @p1 $0x1  }
0x15: {  	[smem:$0x3FB7] =	sst s0;
	s0 =	simm.s32 @!p2 $0x0  }
0x16: {  	s3 =	sld [smem:$0x3FDB];
	s0 =	simm.s32 @p2 $0x1  }
0x17: {  	s4 =	simm.s32 $0x1BF5;
	[smem:$0x3FB9] =	sst s0  }
0x18: {  	s0 =	sld [smem:$0x3F9C];
	_ =	swait.ge [sflag:s4], $0x0  }
0x19: {  	s7 =	sld [smem:$0x3F9D]  }
0x1a: {  	s8 =	sadd.s32 $0xFFFFE003, lr  }
0x1b: {  	s9 =	sadd.s32 $0xFFFFFEF7, lr;
	s5 =	simm.s32 $0xFFFFFFFF;
	p2 =	slt.u32 s8, $0xFFFFF086  }
0x1c: {  	p1 =	slt.u32 s9, $0xF7A;
	s5 =	simm.s32 @!p2 $0x0  }
0x1d: {  	s5 =	simm.s32 @p1 $0x1;
	p0 =	seq.s32 s7, s2  }
0x1e: {  	s7 =	smul.u32 @!p0 $0xF7A, s2;
	p2 =	seq.s32 @!p0 s5, $0x0  }
0x1f: {  	s9 =	smul.u32 $0xF7A, s1;
	s8 =	simm.s32 @!p0 $0x1BF5;
	p2 =	por !p2, p0  }
0x20: {  	[sflag:s8] =	ssyncset.s32 @!p0 $0xFFFFF086;
	s6 =	sadd.s32 @!p0 s3, s7;
	s7 =	simm.s32 @!p0 $0x108  }
0x21: {  	s3 =	sadd.s32 s3, s9;
	s6 =	sadd.s32 @!p0 $0x88, s6;
	s7 =	simm.s32 @p2 $0x1082  }
0x22: {  	[simem:s7], [sflag:s8] =	dma.local @!p0 [hbm:s6], $0xF7A  }
0x23: {  	s9 =	sor.u32 $0xD0000000, s2;
	s6 =	simm.s32 $0x108;
	_ =	swait.ge @!p0 [sflag:s8], $0x0  }
0x24: {  	s3 =	sadd.s32 $0x88, s3;
	s6 =	simm.s32 @!p1 $0x1082;
	[sflag:s4] =	ssyncset.s32 $0xFFFFF086  }
0x25: {  	[simem:s6], [sflag:s4] =	dma.local [hbm:s3], $0xF7A  }
0x26: {  	[smem:$0x3F9D] =	sst s1;
	(tag) =	ssettag s2;
	_ =	strace s9  }
0x27: {  	s1 =	sld [smem:$0x3FAD]  }
0x28: {  	s2 =	sld [smem:$0x3FAE]  }
0x29: {  	s4 =	sld [smem:$0x3FB0]  }
0x2a: {  	p0 =	seq.s32 s5, $0x0;
	s5 =	sld [smem:$0x3FB1]  }
0x2b: {  	s6 =	sld [smem:$0x3FB2]  }
0x2c: {  	s7 =	sld [smem:$0x3FB3]  }
0x2d: {  	s3 =	simm.s32 $0x108;
	s8 =	sld [smem:$0x3FB4]  }
0x2e: {  	s3 =	simm.s32 @!p0 $0x1082;
	s9 =	sld [smem:$0x3FB5]  }
0x2f: {  	lr =	sadd.s32 s0, s3;
	s0 =	sld [smem:$0x3FAC]  }
0x30: {  	s3 =	sld [smem:$0x3FAF]  }
0x31: {  	[smem:$0x3FB8] =	sst s10  }
0x32: {  	s10 =	sld [smem:$0x3FB6];
	_ =	sdelay $0x3  }
0x33: {  	p0 =	seq.s32 s10, $0x1;
	s10 =	sld [smem:$0x3FB8];
	_ =	sdelay $0x3  }
0x34: {  	[smem:$0x3FB8] =	sst s10  }
0x35: {  	s10 =	sld [smem:$0x3FB7];
	_ =	sdelay $0x3  }
0x36: {  	p1 =	seq.s32 s10, $0x1;
	s10 =	sld [smem:$0x3FB8];
	_ =	sdelay $0x3  }
0x37: {  	[smem:$0x3FB8] =	sst s10  }
0x38: {  	s10 =	sld [smem:$0x3FB9]  }
0x39: {  	_ = 	snop;
	(pc) =	sbr.ind lr, $3  }
0x3a: {  	_ = 	snop  }
0x3b: {  	_ = 	snop  }
0x3c: {  	p2 =	seq.s32 s10, $0x1;
	s10 =	sld [smem:$0x3FB8]  }
0x3d: {  	_ =	shalt  }
0x3e: {  	_ =	shalt  }
0x3f: {  	_ =	shalt  }
0x40: {  	_ =	shalt  }
0x41: {  	_ =	shalt  }
0x42: {  	_ =	shalt  }
0x43: {  	_ =	shalt  }
0x44: {  	_ =	shalt  }
0x45: {  	_ =	shalt  }
0x46: {  	_ =	shalt  }
0x47: {  	_ =	shalt  }
0x48: {  	_ =	shalt  }
0x49: {  	_ =	shalt  }
0x4a: {  	_ =	shalt  }
0x4b: {  	_ =	shalt  }
0x4c: {  	_ =	shalt  }
0x4d: {  	_ =	shalt  }
0x4e: {  	_ =	shalt  }
0x4f: {  	_ =	shalt  }
0x50: {  	_ =	shalt  }
0x51: {  	_ =	shalt  }
0x52: {  	_ =	shalt  }
0x53: {  	_ =	shalt  }
0x54: {  	_ =	shalt  }
0x55: {  	_ =	shalt  }
0x56: {  	_ =	shalt  }
0x57: {  	_ =	shalt  }
0x58: {  	_ =	shalt  }
0x59: {  	_ =	shalt  }
0x5a: {  	_ =	shalt  }
0x5b: {  	_ =	shalt  }
0x5c: {  	_ =	shalt  }
0x5d: {  	_ =	shalt  }
0x5e: {  	_ =	shalt  }
0x5f: {  	_ =	shalt  }
0x60: {  	_ =	shalt  }
0x61: {  	_ =	shalt  }
0x62: {  	_ =	shalt  }
0x63: {  	_ =	shalt  }
0x64: {  	_ =	shalt  }
0x65: {  	_ =	shalt  }
0x66: {  	_ =	shalt  }
0x67: {  	_ =	shalt  }
0x68: {  	_ =	shalt  }
0x69: {  	_ =	shalt  }
0x6a: {  	_ =	shalt  }
0x6b: {  	_ =	shalt  }
0x6c: {  	_ =	shalt  }
0x6d: {  	_ =	shalt  }
0x6e: {  	_ =	shalt  }
0x6f: {  	_ =	shalt  }
0x70: {  	_ =	shalt  }
0x71: {  	_ =	shalt  }
0x72: {  	_ =	shalt  }
0x73: {  	_ =	shalt  }
0x74: {  	_ =	shalt  }
0x75: {  	_ =	shalt  }
0x76: {  	_ =	shalt  }
0x77: {  	_ =	shalt  }
0x78: {  	_ =	shalt  }
0x79: {  	_ =	shalt  }
0x7a: {  	_ =	shalt  }
0x7b: {  	_ =	shalt  }
0x7c: {  	_ =	shalt  }
0x7d: {  	_ =	shalt  }
0x7e: {  	_ =	shalt  }
0x7f: {  	_ =	shalt  }
0x80: {  	_ =	shalt  }
0x81: {  	_ =	shalt  }
0x82: {  	_ =	shalt  }
0x83: {  	_ =	shalt  }
0x84: {  	_ =	shalt  }
0x85: {  	_ =	shalt  }
0x86: {  	_ =	shalt  }
0x87: {  	_ =	shalt  }
.Lfunc_end0:
.L_simem_size_0:
called_computation_lowered:
.L_overlay_start_0:
0x88: {  	s2 =	sld [smem:$0x3FD9]  }
0x89: {  	s3 =	sld [smem:$0x3FFE];
	_ =	sdelay $0x1  }
0x8a: {  	s1 =	srdreg.scid  }
0x8b: {  	s0 =	sand.u32 $0x1, s1  }
0x8c: {  	s18 =	sshll.u32 s0, $0xA;
	s2 =	sadd.s32 s3, s2  }
0x8d: {  	s2 =	sadd.s32 s2, s18  }
0x8e: {  	[smem:$0x3FC4] =	sst s2  }
0x8f: {  	_ = 	snop  }
0x90: {  	s2 =	sld [smem:$0x3FC9]  }
0x91: {  	s19 =	sld [smem:$0x3FC8]  }
0x92: {  	s4 =	sld [smem:$0x3FC7]  }
0x93: {  	s5 =	sld [smem:$0x3FC6]  }
0x94: {  	s6 =	sld [smem:$0x3FD0];
	(tm) =	ssettm $0x1  }
0x95: {  	s7 =	sld [smem:$0x3FFB];
	_ =	sdelay $0x3  }
0x96: {  	_ =	strace s7  }
0x97: {  	s7 =	sld [smem:$0x3FFC];
	_ =	sdelay $0x3  }
0x98: {  	_ =	strace s7  }
0x99: {  	s7 =	sld [smem:$0x3FFD];
	_ =	sdelay $0x3  }
0x9a: {  	_ =	strace s7  }
0x9b: {  	_ =	strace $0x8FFFFFFF  }
0x9c: {  	s20 =	sld [smem:$0x3FDB];
	_ =	sdelay $0x1  }
0x9d: {  	s8 =	simm.s32 $_scs_section_size  }
0x9e: {  	s9 =	simm.s32 $_size__tile_overlayer_lowered;
	s10 =	simm.s32 $_tile_overlayer_lowered  }
0x9f: {  	s23 =	simm.s32 $0x1BFF;
	s22 =	sshll.u32 s10, $0x1;
	s7 =	sadd.s32 s8, s20  }
0xa0: {  	s11 =	simm.s32 $0x0;
	s21 =	sshll.u32 s9, $0x1;
	s9 =	sadd.s32 s22, s7  }
0xa1: {  	[timem:s11], [sflag:s23] =	dma.local [hbm:s9], s21  }
0xa2: {  	_ =	swait.ge [sflag:s23], s21  }
0xa3: {  	s8 =	ssub.s32 $0x0, s21;
	[sflag:s23] =	ssyncset.done $0x0  }
0xa4: {  	[sflag:s23] =	ssyncadd.s32 s8;
	_ =	sdelay $0x1  }
0xa5: {  	s24 =	simm.s32 $0x1B8B  }
0xa6: {  	_ =	swait.ge [sflag:s24], $0x1  }
0xa7: {  	[sflag:s24] =	ssyncset.done $0x0  }
0xa8: {  	s25 =	simm.s32 $0x1B8E;
	[sflag:s24] =	ssyncadd.s32 $0xFFFFFFFF  }
0xa9: {  	s26 =	simm.s32 $execute0_lowered;
	[smem:$0x3FD2] =	sst s25  }
0xaa: {  	s8 =	sshll.u32 s26, $0x1;
	_ =	strace $0x80000046;
	[dreg:$0x1] =	wrdreg $0xFFFFFFFF  }
0xab: {  	s28 =	simm.s32 $_size_execute0_lowered;
	s7 =	sadd.s32 s7, s8;
	[dreg:$0x0] =	wrdreg $0x0  }
0xac: {  	s8 =	sshll.u32 s28, $0x1;
	[dreg:$0x2] =	wrdreg s7  }
0xad: {  	[dreg:$0x3] =	wrdreg s8  }
0xae: {  	[dreg:$0x4] =	wrdreg $0xC0  }
0xaf: {  	_ =	task [dreg:s11], $0x5FFFF  }
0xb0: {  	[dreg:$0x1] =	wrdreg $0xFFFFFFFF  }
0xb1: {  	[dreg:$0x0] =	wrdreg $0x60  }
0xb2: {  	[dreg:$0x2] =	wrdreg s2  }
0xb3: {  	[dreg:$0x3] =	wrdreg s19  }
0xb4: {  	[dreg:$0x4] =	wrdreg s4  }
0xb5: {  	[dreg:$0x5] =	wrdreg s5  }
0xb6: {  	[dreg:$0x6] =	wrdreg s6  }
0xb7: {  	[dreg:$0x7] =	wrdreg $0x9  }
0xb8: {  	_ =	task.clear_ibuf [dreg:s11], $0x8FFFF;
	_ =	strace $0x90000046  }
0xb9: {  	s29 =	simm.s32 $0x9;
	_ =	strace $0x80000048  }
0xba: {  	_ =	swait.ge [sflag:s29], $0x1  }
0xbb: {  	[sflag:s29] =	ssyncadd.s32 $0xFFFFFFFF  }
0xbc: {  	_ =	strace $0x90000048  }
0xbd: {  	_ =	sfence  }
0xbe: {  	s30 =	sld [smem:$0x0];
	_ =	sdelay $0x2  }
0xbf: {  	s31 =	sshll.u32 s1, $0xD;
	s1 =	sshrl.u32 s1, $0x2  }
0xc0: {  	s3 =	sand.u32 $0x4000, s31;
	s1 =	sadd.s32 s1, s30  }
0xc1: {  	s0 =	sor.u32 s3, s0;
	s1 =	sshll.u32 s1, $0x11  }
0xc2: {  	s0 =	sor.u32 s1, s0  }
0xc3: {  	s0 =	sadd.s32 $0x8F2B, s0  }
0xc4: {  	[sflag:s0] =	ssyncadd.remote.s32 $0x1  }
0xc5: {  	_ =	sfence.sel $0xFFFF  }
0xc6: {  	[dreg:$0x0] =	wrdreg $0xFFFFFFFF;
	(pc) =	sbr.abs _section_cstart, $3  }
0xc7: {  	[dreg:$0x1] =	wrdreg $0xFFFFFFFF  }
0xc8: {  	_ =	task.clear_ibuf [dreg:s11], $0x2FFFF;
	_ =	strace $0x9FFFFFFF  }
0xc9: {  	(tm) =	ssettm $0x7FFFFFFF  }
tec
execute0_lowered:
.L_overlay_start_1:
0x0: {  	(tag) =	ssettag $0x1  }
0x1: {  	s0 =	rddreg [dreg:$0x0]  }
0x2: {  	s3 =	rddreg [dreg:$0x1]  }
0x3: {  	s1 =	rddreg [dreg:$0x2]  }
0x4: {  	s2 =	rddreg [dreg:$0x3]  }
0x5: {  	s7 =	rddreg [dreg:$0x4];
	s5 =	srdreg.scid  }
0x6: {  	s4 =	simm.s32 $0x0;
	s8 =	stileid.u32;
	s30 =	simm.s32 $0x2800  }
0x7: {  	s31 =	simm.s32 $0xA800;
	s10 =	simm.s32 $0x3000;
	s11 =	simm.s32 $0xB000  }
0x8: {  	s12 =	simm.s32 $0x3400;
	s13 =	simm.s32 $0xB400;
	s14 =	simm.s32 $0x3800  }
0x9: {  	s15 =	simm.s32 $0xB800;
	s16 =	simm.s32 $0x3C00;
	s17 =	simm.s32 $0xBC00  }
0xa: {  	s18 =	simm.s32 $0x4000;
	s19 =	simm.s32 $0xC000;
	s20 =	simm.s32 $0x10400  }
0xb: {  	v0 =	vlaneseq.u32;
	s21 =	simm.s32 $0x0;
	s5 =	sand.u32 $0x1, s5;
	s8 =	sshll.u32 s8, $0x7  }
.Ltmp0:
0xc: {  	v0 =	vmul.u32 $0x400, v0;
	s6 =	ssub.s32 $0x2, s5;
	s5 =	sshll.u32 s5, $0x6;
	(pc) =	sbr.rel .LBB2_1-.Ltmp0, $4  }
0xd: {  	[smem:$0x7FF] =	sst s4;
	s9 =	sshrl.u32 s6, $0x1;
	s8 =	sor.u32 s5, s8  }
0xe: {  	_ =	strace $0x80000047;
	v1 =	vor.u32 $0x80, v0;
	s9 =	ssub.s32 s6, s9;
	s5 =	sadd.s32 s0, s8  }
0xf: {  	v2 =	vor.u32 $0x100, v0;
	v3 =	vor.u32 $0x180, v0;
	v4 =	vor.u32 $0x200, v0;
	s6 =	sadd.s32 s3, s8;
	s7 =	sadd.s32 s7, s8;
	s0 =	simm.s32 $0x2C00  }
0x10: {  	v5 =	vor.u32 $0x280, v0;
	v6 =	vor.u32 $0x300, v0;
	v7 =	vor.u32 $0x380, v0;
	s3 =	simm.s32 $0xAC00;
	s8 =	smax.u32 s9, $0x1;
	s9 =	simm.s32 $0x3  }
.LBB2_5:
0x11: {  	s21 =	sadd.s32 $0x1, s21  }
0x12: {  	p0 =	sne.s32 s21, s8  }
.Ltmp1:
0x13: {  	_ = 	snop;
	(pc) =	sbr.rel @!p0 .LBB2_6-.Ltmp1, $4  }
0x14: {  	[hbm4b:s7+s4] =	stream.linear.scatter [tilespmem:s20], [sflag:$0x3], $0x200, $0x38;
	[tilespmem:$0x10600] =	vst v63  }
0x15: {  	_ =	swait.ge [sflag:s9], $0x200  }
0x16: {  	[sflag:s9] =	ssyncset.done $0x0  }
0x17: {  	[sflag:s9] =	ssyncadd.s32 $0xFFFFFE00  }
.LBB2_1:
0x18: {  	[tilespmem:s4], [sflag:$0x3] =	stream.linear.gather [hbm4b:s5+s4], $0x200, $0x38;
	[tilespmem:$0x10600] =	vst v63  }
0x19: {  	_ =	swait.ge [sflag:s9], $0x200  }
0x1a: {  	[sflag:s9] =	ssyncset.done $0x0  }
0x1b: {  	s22 =	simm.s32 $0x200;
	[sflag:s9] =	ssyncadd.s32 $0xFFFFFE00  }
0x1c: {  	[tilespmem:s22], [sflag:$0x3] =	stream.linear.gather [hbm4b:s6+s4], $0x200, $0x38;
	[tilespmem:$0x10600] =	vst v63  }
0x1d: {  	_ =	swait.ge [sflag:s9], $0x200  }
0x1e: {  	[sflag:s9] =	ssyncset.done $0x0  }
0x1f: {  	[sflag:s9] =	ssyncadd.s32 $0xFFFFFE00  }
0x20: {  	v9 =	vld [tilespmem:$0x0]  }
0x21: {  	v8 =	vld [tilespmem:$0x200];
	_ =	sdelay $0x3  }
0x22: {  	(v2sf) =	vpush v9, $0x0  }
0x23: {  	(v2sf) =	vpush v8, $0x0;
	_ =	sdelay $0x5  }
0x24: {  	(v2sf) =	vpush v9, $0x1;
	_ =	sdelay $0x1  }
0x25: {  	(v2sf) =	vpush v8, $0x1;
	_ =	sdelay $0x5  }
0x26: {  	s24 =	spop (v2sf);
	(v2sf) =	vpush v9, $0x2  }
0x27: {  	s25 =	spop (v2sf);
	(v2sf) =	vpush v8, $0x2;
	_ =	sdelay $0x4  }
0x28: {  	s22 =	sand.u32 $0xFFFFF80, s24  }
0x29: {  	s23 =	simm.s32 $0x400;
	s22 =	sadd.s32 s1, s22;
	s28 =	spop (v2sf);
	(v2sf) =	vpush v9, $0x3  }
0x2a: {  	[tilespmem:s23], [sflag:$0x1] =	stream.linear.gather [hbm4b:s22+s4], $0x400, $0x38;
	[tilespmem:$0x10600] =	vst v63  }
0x2b: {  	s23 =	spop (v2sf);
	(v2sf) =	vpush v8, $0x3;
	_ =	sdelay $0x2  }
0x2c: {  	s22 =	sand.u32 $0xFFFFF80, s25  }
0x2d: {  	s26 =	simm.s32 $0x8400;
	s22 =	sadd.s32 s2, s22  }
0x2e: {  	[tilespmem:s26], [sflag:$0x1] =	stream.linear.gather [hbm4b:s22+s4], $0x400, $0x38;
	[tilespmem:$0x10600] =	vst v63  }
0x2f: {  	s25 =	spop (v2sf);
	(v2sf) =	vpush v9, $0x4  }
0x30: {  	s22 =	sand.u32 $0xFFFFF80, s28;
	s28 =	spop (v2sf);
	(v2sf) =	vpush v8, $0x4;
	_ =	sdelay $0x2  }
0x31: {  	s29 =	simm.s32 $0x800;
	s22 =	sadd.s32 s1, s22  }
0x32: {  	[tilespmem:s29], [sflag:$0x1] =	stream.linear.gather [hbm4b:s22+s4], $0x400, $0x38;
	[tilespmem:$0x10600] =	vst v63  }
0x33: {  	s22 =	sand.u32 $0xFFFFF80, s23  }
0x34: {  	s24 =	simm.s32 $0x8800;
	s22 =	sadd.s32 s2, s22;
	s23 =	spop (v2sf);
	(v2sf) =	vpush v9, $0x5  }
0x35: {  	[tilespmem:s24], [sflag:$0x1] =	stream.linear.gather [hbm4b:s22+s4], $0x400, $0x38;
	[tilespmem:$0x10600] =	vst v63  }
0x36: {  	s22 =	sand.u32 $0xFFFFF80, s25;
	s25 =	spop (v2sf);
	(v2sf) =	vpush v8, $0x5  }
0x37: {  	s26 =	simm.s32 $0xC00;
	s22 =	sadd.s32 s1, s22  }
0x38: {  	[tilespmem:s26], [sflag:$0x1] =	stream.linear.gather [hbm4b:s22+s4], $0x400, $0x38;
	[tilespmem:$0x10600] =	vst v63  }
0x39: {  	s22 =	sand.u32 $0xFFFFF80, s28  }
0x3a: {  	s29 =	simm.s32 $0x8C00;
	s22 =	sadd.s32 s2, s22  }
0x3b: {  	[tilespmem:s29], [sflag:$0x1] =	stream.linear.gather [hbm4b:s22+s4], $0x400, $0x38;
	[tilespmem:$0x10600] =	vst v63  }
0x3c: {  	s28 =	spop (v2sf);
	(v2sf) =	vpush v9, $0x6  }
0x3d: {  	s22 =	sand.u32 $0xFFFFF80, s23;
	s23 =	spop (v2sf);
	(v2sf) =	vpush v8, $0x6;
	_ =	sdelay $0x2  }
0x3e: {  	s24 =	simm.s32 $0x1000;
	s22 =	sadd.s32 s1, s22  }
0x3f: {  	[tilespmem:s24], [sflag:$0x1] =	stream.linear.gather [hbm4b:s22+s4], $0x400, $0x38;
	[tilespmem:$0x10600] =	vst v63  }
0x40: {  	s22 =	sand.u32 $0xFFFFF80, s25  }
0x41: {  	s26 =	simm.s32 $0x9000;
	s22 =	sadd.s32 s2, s22;
	s25 =	spop (v2sf);
	(v2sf) =	vpush v9, $0x7  }
0x42: {  	[tilespmem:s26], [sflag:$0x1] =	stream.linear.gather [hbm4b:s22+s4], $0x400, $0x38;
	[tilespmem:$0x10600] =	vst v63  }
0x43: {  	s22 =	sand.u32 $0xFFFFF80, s28;
	s28 =	spop (v2sf);
	(v2sf) =	vpush v8, $0x7  }
0x44: {  	s29 =	simm.s32 $0x1400;
	s22 =	sadd.s32 s1, s22  }
0x45: {  	[tilespmem:s29], [sflag:$0x1] =	stream.linear.gather [hbm4b:s22+s4], $0x400, $0x38;
	[tilespmem:$0x10600] =	vst v63  }
0x46: {  	s22 =	sand.u32 $0xFFFFF80, s23  }
0x47: {  	s24 =	simm.s32 $0x9400;
	s22 =	sadd.s32 s2, s22  }
0x48: {  	[tilespmem:s24], [sflag:$0x1] =	stream.linear.gather [hbm4b:s22+s4], $0x400, $0x38;
	[tilespmem:$0x10600] =	vst v63  }
0x49: {  	s23 =	spop (v2sf);
	(v2sf) =	vpush v9, $0x8  }
0x4a: {  	s22 =	sand.u32 $0xFFFFF80, s25;
	s25 =	spop (v2sf);
	(v2sf) =	vpush v8, $0x8;
	_ =	sdelay $0x2  }
0x4b: {  	s26 =	simm.s32 $0x1800;
	s22 =	sadd.s32 s1, s22  }
0x4c: {  	[tilespmem:s26], [sflag:$0x1] =	stream.linear.gather [hbm4b:s22+s4], $0x400, $0x38;
	[tilespmem:$0x10600] =	vst v63  }
0x4d: {  	s22 =	sand.u32 $0xFFFFF80, s28  }
0x4e: {  	s29 =	simm.s32 $0x9800;
	s22 =	sadd.s32 s2, s22;
	s28 =	spop (v2sf);
	(v2sf) =	vpush v9, $0x9  }
0x4f: {  	[tilespmem:s29], [sflag:$0x1] =	stream.linear.gather [hbm4b:s22+s4], $0x400, $0x38;
	[tilespmem:$0x10600] =	vst v63  }
0x50: {  	s22 =	sand.u32 $0xFFFFF80, s23;
	s23 =	spop (v2sf);
	(v2sf) =	vpush v8, $0x9  }
0x51: {  	s24 =	simm.s32 $0x1C00;
	s22 =	sadd.s32 s1, s22  }
0x52: {  	[tilespmem:s24], [sflag:$0x1] =	stream.linear.gather [hbm4b:s22+s4], $0x400, $0x38;
	[tilespmem:$0x10600] =	vst v63  }
0x53: {  	s22 =	sand.u32 $0xFFFFF80, s25  }
0x54: {  	s26 =	simm.s32 $0x9C00;
	s22 =	sadd.s32 s2, s22  }
0x55: {  	[tilespmem:s26], [sflag:$0x1] =	stream.linear.gather [hbm4b:s22+s4], $0x400, $0x38;
	[tilespmem:$0x10600] =	vst v63  }
0x56: {  	s22 =	sand.u32 $0xFFFFF80, s28;
	s25 =	spop (v2sf);
	(v2sf) =	vpush v9, $0xA  }
0x57: {  	s29 =	simm.s32 $0x2000;
	s22 =	sadd.s32 s1, s22;
	s28 =	spop (v2sf);
	(v2sf) =	vpush v8, $0xA  }
0x58: {  	[tilespmem:s29], [sflag:$0x1] =	stream.linear.gather [hbm4b:s22+s4], $0x400, $0x38;
	[tilespmem:$0x10600] =	vst v63  }
0x59: {  	s22 =	sand.u32 $0xFFFFF80, s23  }
0x5a: {  	s24 =	simm.s32 $0xA000;
	s22 =	sadd.s32 s2, s22  }
0x5b: {  	[tilespmem:s24], [sflag:$0x1] =	stream.linear.gather [hbm4b:s22+s4], $0x400, $0x38;
	[tilespmem:$0x10600] =	vst v63  }
0x5c: {  	s22 =	sand.u32 $0xFFFFF80, s25  }
0x5d: {  	s26 =	simm.s32 $0x2400;
	s22 =	sadd.s32 s1, s22;
	s23 =	spop (v2sf);
	(v2sf) =	vpush v9, $0xB  }
0x5e: {  	[tilespmem:s26], [sflag:$0x1] =	stream.linear.gather [hbm4b:s22+s4], $0x400, $0x38;
	[tilespmem:$0x10600] =	vst v63  }
0x5f: {  	s22 =	sand.u32 $0xFFFFF80, s28;
	s24 =	spop (v2sf);
	(v2sf) =	vpush v8, $0xB  }
0x60: {  	s29 =	simm.s32 $0xA400;
	s22 =	sadd.s32 s2, s22  }
0x61: {  	[tilespmem:s29], [sflag:$0x1] =	stream.linear.gather [hbm4b:s22+s4], $0x400, $0x38;
	[tilespmem:$0x10600] =	vst v63  }
0x62: {  	s22 =	sand.u32 $0xFFFFF80, s23  }
0x63: {  	s22 =	sadd.s32 s1, s22  }
0x64: {  	[tilespmem:s30], [sflag:$0x1] =	stream.linear.gather [hbm4b:s22+s4], $0x400, $0x38;
	[tilespmem:$0x10600] =	vst v63  }
0x65: {  	s22 =	sand.u32 $0xFFFFF80, s24;
	s25 =	spop (v2sf);
	(v2sf) =	vpush v9, $0xC  }
0x66: {  	s22 =	sadd.s32 s2, s22;
	s26 =	spop (v2sf);
	(v2sf) =	vpush v8, $0xC  }
0x67: {  	[tilespmem:s31], [sflag:$0x1] =	stream.linear.gather [hbm4b:s22+s4], $0x400, $0x38;
	[tilespmem:$0x10600] =	vst v63  }
0x68: {  	s22 =	sand.u32 $0xFFFFF80, s25  }
0x69: {  	s22 =	sadd.s32 s1, s22  }
0x6a: {  	[tilespmem:s0], [sflag:$0x1] =	stream.linear.gather [hbm4b:s22+s4], $0x400, $0x38;
	[tilespmem:$0x10600] =	vst v63  }
0x6b: {  	(v2sf) =	vpush v9, $0xD;
	s22 =	sand.u32 $0xFFFFF80, s26  }
0x6c: {  	s28 =	spop (v2sf);
	s22 =	sadd.s32 s2, s22  }
0x6d: {  	(v2sf) =	vpush v8, $0xD;
	[tilespmem:s3], [sflag:$0x1] =	stream.linear.gather [hbm4b:s22+s4], $0x400, $0x38;
	[tilespmem:$0x10600] =	vst v63  }
0x6e: {  	s29 =	spop (v2sf);
	(v2sf) =	vpush v9, $0xE;
	s22 =	sand.u32 $0xFFFFF80, s28  }
0x6f: {  	s22 =	sadd.s32 s1, s22  }
0x70: {  	[tilespmem:s10], [sflag:$0x1] =	stream.linear.gather [hbm4b:s22+s4], $0x400, $0x38;
	[tilespmem:$0x10600] =	vst v63  }
0x71: {  	s22 =	sand.u32 $0xFFFFF80, s29  }
0x72: {  	s22 =	sadd.s32 s2, s22  }
0x73: {  	[tilespmem:s11], [sflag:$0x1] =	stream.linear.gather [hbm4b:s22+s4], $0x400, $0x38;
	[tilespmem:$0x10600] =	vst v63  }
0x74: {  	s23 =	spop (v2sf);
	(v2sf) =	vpush v8, $0xE  }
0x75: {  	s24 =	spop (v2sf);
	(v2sf) =	vpush v9, $0xF  }
0x76: {  	s22 =	sand.u32 $0xFFFFF80, s23  }
0x77: {  	s22 =	sadd.s32 s1, s22  }
0x78: {  	[tilespmem:s12], [sflag:$0x1] =	stream.linear.gather [hbm4b:s22+s4], $0x400, $0x38;
	[tilespmem:$0x10600] =	vst v63  }
0x79: {  	s22 =	sand.u32 $0xFFFFF80, s24  }
0x7a: {  	s25 =	spop (v2sf);
	(v2sf) =	vpush v8, $0xF;
	s22 =	sadd.s32 s2, s22  }
0x7b: {  	[tilespmem:s13], [sflag:$0x1] =	stream.linear.gather [hbm4b:s22+s4], $0x400, $0x38;
	[tilespmem:$0x10600] =	vst v63  }
0x7c: {  	s26 =	spop (v2sf);
	s22 =	sand.u32 $0xFFFFF80, s25  }
0x7d: {  	s28 =	sand.u32 $0xFFFFF80, s26;
	s29 =	spop (v2sf);
	s22 =	sadd.s32 s1, s22  }
0x7e: {  	[tilespmem:s14], [sflag:$0x1] =	stream.linear.gather [hbm4b:s22+s4], $0x400, $0x38;
	[tilespmem:$0x10600] =	vst v63  }
0x7f: {  	s23 =	sand.u32 $0xFFFFF80, s29;
	s22 =	sadd.s32 s2, s28  }
0x80: {  	[tilespmem:s15], [sflag:$0x1] =	stream.linear.gather [hbm4b:s22+s4], $0x400, $0x38;
	[tilespmem:$0x10600] =	vst v63  }
0x81: {  	s22 =	sadd.s32 s1, s23  }
0x82: {  	[tilespmem:s16], [sflag:$0x1] =	stream.linear.gather [hbm4b:s22+s4], $0x400, $0x38;
	[tilespmem:$0x10600] =	vst v63  }
0x83: {  	s24 =	spop (v2sf)  }
0x84: {  	s25 =	sand.u32 $0xFFFFF80, s24;
	s26 =	spop (v2sf)  }
0x85: {  	s22 =	sadd.s32 s2, s25;
	s28 =	sand.u32 $0xFFFFF80, s26  }
0x86: {  	[tilespmem:s17], [sflag:$0x1] =	stream.linear.gather [hbm4b:s22+s4], $0x400, $0x38;
	[tilespmem:$0x10600] =	vst v63  }
0x87: {  	s22 =	sadd.s32 s1, s28  }
0x88: {  	[tilespmem:s18], [sflag:$0x1] =	stream.linear.gather [hbm4b:s22+s4], $0x400, $0x38;
	[tilespmem:$0x10600] =	vst v63  }
.Ltmp2:
0x89: {  	s29 =	spop (v2sf);
	(pc) =	sbr.rel .LBB2_2-.Ltmp2, $4  }
0x8a: {  	s22 =	sand.u32 $0xFFFFF80, s29  }
0x8b: {  	s22 =	sadd.s32 s2, s22  }
0x8c: {  	[tilespmem:s19], [sflag:$0x1] =	stream.linear.gather [hbm4b:s22+s4], $0x400, $0x38;
	[tilespmem:$0x10600] =	vst v63  }
0x8d: {  	s23 =	simm.s32 $0x0;
	s22 =	simm.s32 $0x10  }
.LBB2_4:
0x8e: {  	s24 =	sand.u32 $0x1, s23  }
0x8f: {  	s25 =	sadd.s32 $0x1, s24  }
0x90: {  	_ =	swait.ge [sflag:s25], $0x400  }
0x91: {  	[sflag:s25] =	ssyncset.done $0x0  }
0x92: {  	[sflag:s25] =	ssyncadd.s32 $0xFFFFFC00  }
0x93: {  	_ =	swait.ge [sflag:s25], $0x400  }
0x94: {  	[sflag:s25] =	ssyncset.done $0x0  }
0x95: {  	[sflag:s25] =	ssyncadd.s32 $0xFFFFFC00  }
0x96: {  	_ =	swait.ge [sflag:s25], $0x400  }
0x97: {  	[sflag:s25] =	ssyncset.done $0x0  }
0x98: {  	[sflag:s25] =	ssyncadd.s32 $0xFFFFFC00  }
0x99: {  	_ =	swait.ge [sflag:s25], $0x400  }
0x9a: {  	[sflag:s25] =	ssyncset.done $0x0  }
0x9b: {  	[sflag:s25] =	ssyncadd.s32 $0xFFFFFC00  }
0x9c: {  	_ =	swait.ge [sflag:s25], $0x400  }
0x9d: {  	[sflag:s25] =	ssyncset.done $0x0  }
0x9e: {  	[sflag:s25] =	ssyncadd.s32 $0xFFFFFC00  }
0x9f: {  	_ =	swait.ge [sflag:s25], $0x400  }
0xa0: {  	[sflag:s25] =	ssyncset.done $0x0  }
0xa1: {  	[sflag:s25] =	ssyncadd.s32 $0xFFFFFC00  }
0xa2: {  	_ =	swait.ge [sflag:s25], $0x400  }
0xa3: {  	[sflag:s25] =	ssyncset.done $0x0  }
0xa4: {  	[sflag:s25] =	ssyncadd.s32 $0xFFFFFC00  }
0xa5: {  	_ =	swait.ge [sflag:s25], $0x400  }
0xa6: {  	[sflag:s25] =	ssyncset.done $0x0  }
0xa7: {  	[sflag:s25] =	ssyncadd.s32 $0xFFFFFC00  }
0xa8: {  	_ =	swait.ge [sflag:s25], $0x400  }
0xa9: {  	[sflag:s25] =	ssyncset.done $0x0  }
0xaa: {  	[sflag:s25] =	ssyncadd.s32 $0xFFFFFC00  }
0xab: {  	_ =	swait.ge [sflag:s25], $0x400  }
0xac: {  	[sflag:s25] =	ssyncset.done $0x0  }
0xad: {  	[sflag:s25] =	ssyncadd.s32 $0xFFFFFC00  }
0xae: {  	_ =	swait.ge [sflag:s25], $0x400  }
0xaf: {  	[sflag:s25] =	ssyncset.done $0x0  }
0xb0: {  	[sflag:s25] =	ssyncadd.s32 $0xFFFFFC00  }
0xb1: {  	_ =	swait.ge [sflag:s25], $0x400  }
0xb2: {  	[sflag:s25] =	ssyncset.done $0x0  }
0xb3: {  	[sflag:s25] =	ssyncadd.s32 $0xFFFFFC00  }
0xb4: {  	_ =	swait.ge [sflag:s25], $0x400  }
0xb5: {  	[sflag:s25] =	ssyncset.done $0x0  }
0xb6: {  	[sflag:s25] =	ssyncadd.s32 $0xFFFFFC00  }
0xb7: {  	_ =	swait.ge [sflag:s25], $0x400  }
0xb8: {  	[sflag:s25] =	ssyncset.done $0x0  }
0xb9: {  	[sflag:s25] =	ssyncadd.s32 $0xFFFFFC00  }
0xba: {  	_ =	swait.ge [sflag:s25], $0x400  }
0xbb: {  	[sflag:s25] =	ssyncset.done $0x0  }
0xbc: {  	[sflag:s25] =	ssyncadd.s32 $0xFFFFFC00  }
0xbd: {  	_ =	swait.ge [sflag:s25], $0x400  }
0xbe: {  	[sflag:s25] =	ssyncset.done $0x0  }
0xbf: {  	[sflag:s25] =	ssyncadd.s32 $0xFFFFFC00  }
0xc0: {  	_ =	swait.ge [sflag:s25], $0x400  }
0xc1: {  	[sflag:s25] =	ssyncset.done $0x0  }
0xc2: {  	[sflag:s25] =	ssyncadd.s32 $0xFFFFFC00  }
0xc3: {  	_ =	swait.ge [sflag:s25], $0x400  }
0xc4: {  	[sflag:s25] =	ssyncset.done $0x0  }
0xc5: {  	[sflag:s25] =	ssyncadd.s32 $0xFFFFFC00  }
0xc6: {  	_ =	swait.ge [sflag:s25], $0x400  }
0xc7: {  	[sflag:s25] =	ssyncset.done $0x0  }
0xc8: {  	[sflag:s25] =	ssyncadd.s32 $0xFFFFFC00  }
0xc9: {  	_ =	swait.ge [sflag:s25], $0x400  }
0xca: {  	[sflag:s25] =	ssyncset.done $0x0  }
0xcb: {  	[sflag:s25] =	ssyncadd.s32 $0xFFFFFC00  }
0xcc: {  	_ =	swait.ge [sflag:s25], $0x400  }
0xcd: {  	[sflag:s25] =	ssyncset.done $0x0  }
0xce: {  	[sflag:s25] =	ssyncadd.s32 $0xFFFFFC00  }
0xcf: {  	_ =	swait.ge [sflag:s25], $0x400  }
0xd0: {  	[sflag:s25] =	ssyncset.done $0x0  }
0xd1: {  	[sflag:s25] =	ssyncadd.s32 $0xFFFFFC00  }
0xd2: {  	_ =	swait.ge [sflag:s25], $0x400  }
0xd3: {  	[sflag:s25] =	ssyncset.done $0x0  }
0xd4: {  	[sflag:s25] =	ssyncadd.s32 $0xFFFFFC00  }
0xd5: {  	_ =	swait.ge [sflag:s25], $0x400  }
0xd6: {  	[sflag:s25] =	ssyncset.done $0x0  }
0xd7: {  	[sflag:s25] =	ssyncadd.s32 $0xFFFFFC00  }
0xd8: {  	_ =	swait.ge [sflag:s25], $0x400  }
0xd9: {  	[sflag:s25] =	ssyncset.done $0x0  }
0xda: {  	[sflag:s25] =	ssyncadd.s32 $0xFFFFFC00  }
0xdb: {  	_ =	swait.ge [sflag:s25], $0x400  }
0xdc: {  	[sflag:s25] =	ssyncset.done $0x0  }
0xdd: {  	[sflag:s25] =	ssyncadd.s32 $0xFFFFFC00  }
0xde: {  	_ =	swait.ge [sflag:s25], $0x400  }
0xdf: {  	[sflag:s25] =	ssyncset.done $0x0  }
0xe0: {  	[sflag:s25] =	ssyncadd.s32 $0xFFFFFC00  }
0xe1: {  	_ =	swait.ge [sflag:s25], $0x400  }
0xe2: {  	[sflag:s25] =	ssyncset.done $0x0  }
0xe3: {  	[sflag:s25] =	ssyncadd.s32 $0xFFFFFC00  }
0xe4: {  	_ =	swait.ge [sflag:s25], $0x400  }
0xe5: {  	[sflag:s25] =	ssyncset.done $0x0  }
0xe6: {  	[sflag:s25] =	ssyncadd.s32 $0xFFFFFC00  }
0xe7: {  	_ =	swait.ge [sflag:s25], $0x400  }
0xe8: {  	[sflag:s25] =	ssyncset.done $0x0  }
0xe9: {  	[sflag:s25] =	ssyncadd.s32 $0xFFFFFC00  }
0xea: {  	_ =	swait.ge [sflag:s25], $0x400  }
0xeb: {  	[sflag:s25] =	ssyncset.done $0x0  }
0xec: {  	[sflag:s25] =	ssyncadd.s32 $0xFFFFFC00  }
0xed: {  	_ =	swait.ge [sflag:s25], $0x400  }
0xee: {  	s26 =	sadd.s32 $0xFFFFFFF0, s22;
	[sflag:s25] =	ssyncset.done $0x0  }
0xef: {  	[sflag:s25] =	ssyncadd.s32 $0xFFFFFC00;
	s25 =	sand.u32 $0x1F0, s26  }
0xf0: {  	v8 =	vld [tilespmem:s25+$0x0]  }
0xf1: {  	v9 =	vld [tilespmem:s25+$0x200];
	_ =	sdelay $0x3  }
0xf2: {  	v8 =	vand.u32 $0x7F, v8  }
0xf3: {  	v9 =	vand.u32 $0x7F, v9;
	v10 =	vor.u32 v0, v8  }
0xf4: {  	v11 =	vor.u32 v0, v9  }
0xf5: {  	v12 =	vor.u32 v1, v8  }
0xf6: {  	s24 =	sshll.u32 s24, $0xE;
	v13 =	vor.u32 v1, v9  }
0xf7: {  	s29 =	sor.u32 $0x400, s24;
	v14 =	vor.u32 v2, v8  }
0xf8: {  	s24 =	sor.u32 $0x8400, s24;
	v15 =	vor.u32 v2, v9;
	v10 =	vld.idx.msk [tilespmem:v10+s29+$0x0], $0xffff  }
0xf9: {  	v16 =	vor.u32 v3, v8;
	v11 =	vld.idx.msk [tilespmem:v11+s24+$0x0], $0xffff  }
0xfa: {  	v17 =	vor.u32 v3, v9;
	v12 =	vld.idx.msk [tilespmem:v12+s29+$0x0], $0xffff  }
0xfb: {  	v18 =	vor.u32 v4, v8;
	v13 =	vld.idx.msk [tilespmem:v13+s24+$0x0], $0xffff  }
0xfc: {  	v19 =	vor.u32 v4, v9;
	v14 =	vld.idx.msk [tilespmem:v14+s29+$0x0], $0xffff  }
0xfd: {  	v20 =	vor.u32 v5, v8;
	v15 =	vld.idx.msk [tilespmem:v15+s24+$0x0], $0xffff  }
0xfe: {  	v21 =	vor.u32 v5, v9;
	v16 =	vld.idx.msk [tilespmem:v16+s29+$0x0], $0xffff  }
0xff: {  	v22 =	vor.u32 v6, v8;
	v17 =	vld.idx.msk [tilespmem:v17+s24+$0x0], $0xffff  }
0x100: {  	v54 =	vor.u32 v6, v9;
	v53 =	vld.idx.msk [tilespmem:v18+s29+$0x0], $0xffff;
	v10 =	vmul.f32 v11, v10;
	v52 =	vmul.f32 v13, v12  }
0x101: {  	v8 =	vor.u32 v7, v8;
	v55 =	vld.idx.msk [tilespmem:v19+s24+$0x0], $0xffff  }
0x102: {  	v9 =	vor.u32 v7, v9;
	v57 =	vld.idx.msk [tilespmem:v20+s29+$0x0], $0xffff;
	v56 =	vmul.f32 v15, v14;
	v10 =	vadd.f32 v52, v10  }
0x103: {  	v58 =	vld.idx.msk [tilespmem:v21+s24+$0x0], $0xffff  }
0x104: {  	v60 =	vld.idx.msk [tilespmem:v22+s29+$0x0], $0xffff;
	v59 =	vmul.f32 v17, v16;
	v10 =	vadd.f32 v56, v10  }
0x105: {  	v13 =	vld.idx.msk [tilespmem:v54+s24+$0x0], $0xffff  }
0x106: {  	v8 =	vld.idx.msk [tilespmem:v8+s29+$0x0], $0xffff;
	v61 =	vmul.f32 v55, v53;
	v10 =	vadd.f32 v59, v10  }
0x107: {  	v9 =	vld.idx.msk [tilespmem:v9+s24+$0x0], $0xffff  }
0x108: {  	v62 =	vmul.f32 v58, v57;
	v10 =	vadd.f32 v61, v10;
	_ =	sdelay $0x1  }
0x109: {  	p0 =	slt.u32 s23, $0x20;
	v63 =	vmul.f32 v13, v60;
	v10 =	vadd.f32 v62, v10  }
0x10a: {  	v12 =	vld @!p0 [tilespmem:s25+$0x10400]  }
0x10b: {  	v8 =	vmul.f32 v9, v8;
	v10 =	vadd.f32 v63, v10;
	_ =	sdelay $0x1  }
0x10c: {  	v8 =	vadd.f32 v8, v10;
	_ =	sdelay $0x1  }
0x10d: {  	v9 =	vadd.f32 @!p0 v12, v8;
	_ =	sdelay $0x1  }
0x10e: {  	v9 =	vsub.f32 @!p0 $0.0e+00, v9;
	_ =	sdelay $0x1  }
0x10f: {  	v9 =	vmul.f32 @!p0 $1.442695020e+00, v9;
	_ =	sdelay $0x1  }
0x110: {  	(erf) = vpow2.f32 @!p0 v9;
	_ =	sdelay $0x8  }
0x111: {  	v9 =	vpop @!p0 (erf)  }
0x112: {  	v9 =	vadd.f32 @!p0 $1.000000000e+00, v9;
	_ =	sdelay $0x1  }
0x113: {  	(erf) = vrcp.f32 @!p0 v9;
	_ =	sdelay $0x8  }
0x114: {  	s23 =	sadd.s32 $0x1, s23;
	v9 =	vpop @!p0 (erf)  }
0x115: {  	v8 =	vpsel p0, v8, v9;
	p0 =	sne.s32 s23, $0x40  }
.Ltmp3:
0x116: {  	_ = 	snop;
	(pc) =	sbr.rel @!p0 .LBB2_5-.Ltmp3, $2  }
0x117: {  	_ =	sdelay $0x2  }
0x118: {  	s22 =	sadd.s32 $0x10, s22;
	[tilespmem:s25+$0x10400] =	vst v8  }
.LBB2_2:
0x119: {  	p0 =	seq.s32 s23, $0x3F  }
.Ltmp4:
0x11a: {  	_ = 	snop;
	(pc) =	sbr.rel @p0 .LBB2_4-.Ltmp4, $1  }
0x11b: {  	_ =	sdelay $0x3  }
0x11c: {  	s24 =	sand.u32 $0x1F0, s22  }
0x11d: {  	v8 =	vld [tilespmem:s24+$0x0];
	_ =	sdelay $0x4  }
0x11e: {  	v9 =	vshll.u32 v8, $0x3  }
0x11f: {  	v8 =	vld [tilespmem:s24+$0x200];
	(v2sf) =	vpush v9, $0x0;
	_ =	sdelay $0x4  }
0x120: {  	v8 =	vshll.u32 v8, $0x3  }
0x121: {  	(v2sf) =	vpush v8, $0x0;
	_ =	sdelay $0x5  }
0x122: {  	(v2sf) =	vpush v9, $0x1  }
0x123: {  	s25 =	sadd.s32 $0x1, s23  }
0x124: {  	s28 =	sshrl.u32 s25, $0x5  }
0x125: {  	s24 =	smul.u32 $0x7A1400, s28;
	s26 =	spop (v2sf)  }
0x126: {  	s26 =	sand.u32 $0x7FFFFC00, s26  }
0x127: {  	s28 =	sand.u32 $0x1, s25;
	s26 =	sadd.s32 s24, s26  }
0x128: {  	s25 =	sshll.u32 s28, $0xE;
	(v2sf) =	vpush v8, $0x1;
	s29 =	sshrl.u32 s26, $0x3  }
0x129: {  	s26 =	sadd.s32 $0x1, s28;
	s28 =	sor.u32 $0x400, s25;
	s29 =	sadd.s32 s1, s29  }
0x12a: {  	[tilespmem:s28], [sflag:s26] =	stream.linear.gather [hbm4b:s29+s4], $0x400, $0x38;
	[tilespmem:$0x10600] =	vst v63  }
0x12b: {  	s29 =	spop (v2sf)  }
0x12c: {  	s28 =	sand.u32 $0x7FFFFC00, s29  }
0x12d: {  	s28 =	sadd.s32 s24, s28  }
0x12e: {  	(v2sf) =	vpush v9, $0x2;
	s28 =	sshrl.u32 s28, $0x3  }
0x12f: {  	s29 =	sor.u32 $0x8400, s25;
	s28 =	sadd.s32 s2, s28  }
0x130: {  	[tilespmem:s29], [sflag:s26] =	stream.linear.gather [hbm4b:s28+s4], $0x400, $0x38;
	[tilespmem:$0x10600] =	vst v63  }
0x131: {  	s29 =	spop (v2sf)  }
0x132: {  	s28 =	sand.u32 $0x7FFFFC00, s29  }
0x133: {  	s28 =	sadd.s32 s24, s28  }
0x134: {  	(v2sf) =	vpush v8, $0x2;
	s28 =	sshrl.u32 s28, $0x3  }
0x135: {  	s29 =	sor.u32 $0x800, s25;
	s28 =	sadd.s32 s1, s28  }
0x136: {  	[tilespmem:s29], [sflag:s26] =	stream.linear.gather [hbm4b:s28+s4], $0x400, $0x38;
	[tilespmem:$0x10600] =	vst v63  }
0x137: {  	s29 =	spop (v2sf)  }
0x138: {  	s28 =	sand.u32 $0x7FFFFC00, s29  }
0x139: {  	s28 =	sadd.s32 s24, s28  }
0x13a: {  	(v2sf) =	vpush v9, $0x3;
	s28 =	sshrl.u32 s28, $0x3  }
0x13b: {  	s29 =	sor.u32 $0x8800, s25;
	s28 =	sadd.s32 s2, s28  }
0x13c: {  	[tilespmem:s29], [sflag:s26] =	stream.linear.gather [hbm4b:s28+s4], $0x400, $0x38;
	[tilespmem:$0x10600] =	vst v63  }
0x13d: {  	s29 =	spop (v2sf)  }
0x13e: {  	s28 =	sand.u32 $0x7FFFFC00, s29  }
0x13f: {  	s28 =	sadd.s32 s24, s28  }
0x140: {  	(v2sf) =	vpush v8, $0x3;
	s28 =	sshrl.u32 s28, $0x3  }
0x141: {  	s29 =	sor.u32 $0xC00, s25;
	s28 =	sadd.s32 s1, s28  }
0x142: {  	[tilespmem:s29], [sflag:s26] =	stream.linear.gather [hbm4b:s28+s4], $0x400, $0x38;
	[tilespmem:$0x10600] =	vst v63  }
0x143: {  	s29 =	spop (v2sf)  }
0x144: {  	s28 =	sand.u32 $0x7FFFFC00, s29  }
0x145: {  	s28 =	sadd.s32 s24, s28  }
0x146: {  	(v2sf) =	vpush v9, $0x4;
	s28 =	sshrl.u32 s28, $0x3  }
0x147: {  	s29 =	sor.u32 $0x8C00, s25;
	s28 =	sadd.s32 s2, s28  }
0x148: {  	[tilespmem:s29], [sflag:s26] =	stream.linear.gather [hbm4b:s28+s4], $0x400, $0x38;
	[tilespmem:$0x10600] =	vst v63  }
0x149: {  	s29 =	spop (v2sf)  }
0x14a: {  	s28 =	sand.u32 $0x7FFFFC00, s29  }
0x14b: {  	s28 =	sadd.s32 s24, s28  }
0x14c: {  	(v2sf) =	vpush v8, $0x4;
	s28 =	sshrl.u32 s28, $0x3  }
0x14d: {  	s29 =	sor.u32 $0x1000, s25;
	s28 =	sadd.s32 s1, s28  }
0x14e: {  	[tilespmem:s29], [sflag:s26] =	stream.linear.gather [hbm4b:s28+s4], $0x400, $0x38;
	[tilespmem:$0x10600] =	vst v63  }
0x14f: {  	s29 =	spop (v2sf)  }
0x150: {  	s28 =	sand.u32 $0x7FFFFC00, s29  }
0x151: {  	s28 =	sadd.s32 s24, s28  }
0x152: {  	(v2sf) =	vpush v9, $0x5;
	s28 =	sshrl.u32 s28, $0x3  }
0x153: {  	s29 =	sor.u32 $0x9000, s25;
	s28 =	sadd.s32 s2, s28  }
0x154: {  	[tilespmem:s29], [sflag:s26] =	stream.linear.gather [hbm4b:s28+s4], $0x400, $0x38;
	[tilespmem:$0x10600] =	vst v63  }
0x155: {  	s29 =	spop (v2sf)  }
0x156: {  	s28 =	sand.u32 $0x7FFFFC00, s29  }
0x157: {  	s28 =	sadd.s32 s24, s28  }
0x158: {  	(v2sf) =	vpush v8, $0x5;
	s28 =	sshrl.u32 s28, $0x3  }
0x159: {  	s29 =	sor.u32 $0x1400, s25;
	s28 =	sadd.s32 s1, s28  }
0x15a: {  	[tilespmem:s29], [sflag:s26] =	stream.linear.gather [hbm4b:s28+s4], $0x400, $0x38;
	[tilespmem:$0x10600] =	vst v63  }
0x15b: {  	s29 =	spop (v2sf)  }
0x15c: {  	s28 =	sand.u32 $0x7FFFFC00, s29  }
0x15d: {  	s28 =	sadd.s32 s24, s28  }
0x15e: {  	(v2sf) =	vpush v9, $0x6;
	s28 =	sshrl.u32 s28, $0x3  }
0x15f: {  	s29 =	sor.u32 $0x9400, s25;
	s28 =	sadd.s32 s2, s28  }
0x160: {  	[tilespmem:s29], [sflag:s26] =	stream.linear.gather [hbm4b:s28+s4], $0x400, $0x38;
	[tilespmem:$0x10600] =	vst v63  }
0x161: {  	s29 =	spop (v2sf)  }
0x162: {  	s28 =	sand.u32 $0x7FFFFC00, s29  }
0x163: {  	s28 =	sadd.s32 s24, s28  }
0x164: {  	(v2sf) =	vpush v8, $0x6;
	s28 =	sshrl.u32 s28, $0x3  }
0x165: {  	s29 =	sor.u32 $0x1800, s25;
	s28 =	sadd.s32 s1, s28  }
0x166: {  	[tilespmem:s29], [sflag:s26] =	stream.linear.gather [hbm4b:s28+s4], $0x400, $0x38;
	[tilespmem:$0x10600] =	vst v63  }
0x167: {  	s29 =	spop (v2sf)  }
0x168: {  	s28 =	sand.u32 $0x7FFFFC00, s29  }
0x169: {  	s28 =	sadd.s32 s24, s28  }
0x16a: {  	(v2sf) =	vpush v9, $0x7;
	s28 =	sshrl.u32 s28, $0x3  }
0x16b: {  	s29 =	sor.u32 $0x9800, s25;
	s28 =	sadd.s32 s2, s28  }
0x16c: {  	[tilespmem:s29], [sflag:s26] =	stream.linear.gather [hbm4b:s28+s4], $0x400, $0x38;
	[tilespmem:$0x10600] =	vst v63  }
0x16d: {  	s29 =	spop (v2sf)  }
0x16e: {  	s28 =	sand.u32 $0x7FFFFC00, s29  }
0x16f: {  	s28 =	sadd.s32 s24, s28  }
0x170: {  	(v2sf) =	vpush v8, $0x7;
	s28 =	sshrl.u32 s28, $0x3  }
0x171: {  	s29 =	sor.u32 $0x1C00, s25;
	s28 =	sadd.s32 s1, s28  }
0x172: {  	[tilespmem:s29], [sflag:s26] =	stream.linear.gather [hbm4b:s28+s4], $0x400, $0x38;
	[tilespmem:$0x10600] =	vst v63  }
0x173: {  	s29 =	spop (v2sf)  }
0x174: {  	s28 =	sand.u32 $0x7FFFFC00, s29  }
0x175: {  	s28 =	sadd.s32 s24, s28  }
0x176: {  	(v2sf) =	vpush v9, $0x8;
	s28 =	sshrl.u32 s28, $0x3  }
0x177: {  	s29 =	sor.u32 $0x9C00, s25;
	s28 =	sadd.s32 s2, s28  }
0x178: {  	[tilespmem:s29], [sflag:s26] =	stream.linear.gather [hbm4b:s28+s4], $0x400, $0x38;
	[tilespmem:$0x10600] =	vst v63  }
0x179: {  	s29 =	spop (v2sf)  }
0x17a: {  	s28 =	sand.u32 $0x7FFFFC00, s29  }
0x17b: {  	s28 =	sadd.s32 s24, s28  }
0x17c: {  	(v2sf) =	vpush v8, $0x8;
	s28 =	sshrl.u32 s28, $0x3  }
0x17d: {  	s29 =	sor.u32 $0x2000, s25;
	s28 =	sadd.s32 s1, s28  }
0x17e: {  	[tilespmem:s29], [sflag:s26] =	stream.linear.gather [hbm4b:s28+s4], $0x400, $0x38;
	[tilespmem:$0x10600] =	vst v63  }
0x17f: {  	s29 =	spop (v2sf)  }
0x180: {  	s28 =	sand.u32 $0x7FFFFC00, s29  }
0x181: {  	s28 =	sadd.s32 s24, s28  }
0x182: {  	(v2sf) =	vpush v9, $0x9;
	s28 =	sshrl.u32 s28, $0x3  }
0x183: {  	s29 =	sor.u32 $0xA000, s25;
	s28 =	sadd.s32 s2, s28  }
0x184: {  	[tilespmem:s29], [sflag:s26] =	stream.linear.gather [hbm4b:s28+s4], $0x400, $0x38;
	[tilespmem:$0x10600] =	vst v63  }
0x185: {  	s29 =	spop (v2sf)  }
0x186: {  	s28 =	sand.u32 $0x7FFFFC00, s29  }
0x187: {  	s28 =	sadd.s32 s24, s28  }
0x188: {  	(v2sf) =	vpush v8, $0x9;
	s28 =	sshrl.u32 s28, $0x3  }
0x189: {  	s29 =	sor.u32 $0x2400, s25;
	s28 =	sadd.s32 s1, s28  }
0x18a: {  	[tilespmem:s29], [sflag:s26] =	stream.linear.gather [hbm4b:s28+s4], $0x400, $0x38;
	[tilespmem:$0x10600] =	vst v63  }
0x18b: {  	s29 =	spop (v2sf)  }
0x18c: {  	s28 =	sand.u32 $0x7FFFFC00, s29  }
0x18d: {  	s28 =	sadd.s32 s24, s28  }
0x18e: {  	(v2sf) =	vpush v9, $0xA;
	s28 =	sshrl.u32 s28, $0x3  }
0x18f: {  	s29 =	sor.u32 $0xA400, s25;
	s28 =	sadd.s32 s2, s28  }
0x190: {  	[tilespmem:s29], [sflag:s26] =	stream.linear.gather [hbm4b:s28+s4], $0x400, $0x38;
	[tilespmem:$0x10600] =	vst v63  }
0x191: {  	s29 =	spop (v2sf)  }
0x192: {  	s28 =	sand.u32 $0x7FFFFC00, s29  }
0x193: {  	s28 =	sadd.s32 s24, s28  }
0x194: {  	(v2sf) =	vpush v8, $0xA;
	s28 =	sshrl.u32 s28, $0x3  }
0x195: {  	s29 =	sor.u32 $0x2800, s25;
	s28 =	sadd.s32 s1, s28  }
0x196: {  	[tilespmem:s29], [sflag:s26] =	stream.linear.gather [hbm4b:s28+s4], $0x400, $0x38;
	[tilespmem:$0x10600] =	vst v63  }
0x197: {  	s29 =	spop (v2sf)  }
0x198: {  	s28 =	sand.u32 $0x7FFFFC00, s29  }
0x199: {  	s28 =	sadd.s32 s24, s28  }
0x19a: {  	(v2sf) =	vpush v9, $0xB;
	s28 =	sshrl.u32 s28, $0x3  }
0x19b: {  	s29 =	sor.u32 $0xA800, s25;
	s28 =	sadd.s32 s2, s28  }
0x19c: {  	[tilespmem:s29], [sflag:s26] =	stream.linear.gather [hbm4b:s28+s4], $0x400, $0x38;
	[tilespmem:$0x10600] =	vst v63  }
0x19d: {  	s29 =	spop (v2sf)  }
0x19e: {  	s28 =	sand.u32 $0x7FFFFC00, s29  }
0x19f: {  	s28 =	sadd.s32 s24, s28  }
0x1a0: {  	(v2sf) =	vpush v8, $0xB;
	s28 =	sshrl.u32 s28, $0x3  }
0x1a1: {  	s29 =	sor.u32 $0x2C00, s25;
	s28 =	sadd.s32 s1, s28  }
0x1a2: {  	[tilespmem:s29], [sflag:s26] =	stream.linear.gather [hbm4b:s28+s4], $0x400, $0x38;
	[tilespmem:$0x10600] =	vst v63  }
0x1a3: {  	s29 =	spop (v2sf)  }
0x1a4: {  	s28 =	sand.u32 $0x7FFFFC00, s29  }
0x1a5: {  	s28 =	sadd.s32 s24, s28  }
0x1a6: {  	(v2sf) =	vpush v9, $0xC;
	s28 =	sshrl.u32 s28, $0x3  }
0x1a7: {  	s29 =	sor.u32 $0xAC00, s25;
	s28 =	sadd.s32 s2, s28  }
0x1a8: {  	[tilespmem:s29], [sflag:s26] =	stream.linear.gather [hbm4b:s28+s4], $0x400, $0x38;
	[tilespmem:$0x10600] =	vst v63  }
0x1a9: {  	s29 =	spop (v2sf)  }
0x1aa: {  	s28 =	sand.u32 $0x7FFFFC00, s29  }
0x1ab: {  	s28 =	sadd.s32 s24, s28  }
0x1ac: {  	(v2sf) =	vpush v8, $0xC;
	s28 =	sshrl.u32 s28, $0x3  }
0x1ad: {  	s29 =	sor.u32 $0x3000, s25;
	s28 =	sadd.s32 s1, s28  }
0x1ae: {  	[tilespmem:s29], [sflag:s26] =	stream.linear.gather [hbm4b:s28+s4], $0x400, $0x38;
	[tilespmem:$0x10600] =	vst v63  }
0x1af: {  	s29 =	spop (v2sf)  }
0x1b0: {  	s28 =	sand.u32 $0x7FFFFC00, s29  }
0x1b1: {  	s28 =	sadd.s32 s24, s28  }
0x1b2: {  	(v2sf) =	vpush v9, $0xD;
	s28 =	sshrl.u32 s28, $0x3  }
0x1b3: {  	s29 =	sor.u32 $0xB000, s25;
	s28 =	sadd.s32 s2, s28  }
0x1b4: {  	[tilespmem:s29], [sflag:s26] =	stream.linear.gather [hbm4b:s28+s4], $0x400, $0x38;
	[tilespmem:$0x10600] =	vst v63  }
0x1b5: {  	s29 =	spop (v2sf)  }
0x1b6: {  	s28 =	sand.u32 $0x7FFFFC00, s29  }
0x1b7: {  	s28 =	sadd.s32 s24, s28  }
0x1b8: {  	(v2sf) =	vpush v8, $0xD;
	s28 =	sshrl.u32 s28, $0x3  }
0x1b9: {  	s29 =	sor.u32 $0x3400, s25;
	s28 =	sadd.s32 s1, s28  }
0x1ba: {  	[tilespmem:s29], [sflag:s26] =	stream.linear.gather [hbm4b:s28+s4], $0x400, $0x38;
	[tilespmem:$0x10600] =	vst v63  }
0x1bb: {  	s29 =	spop (v2sf)  }
0x1bc: {  	s28 =	sand.u32 $0x7FFFFC00, s29  }
0x1bd: {  	s28 =	sadd.s32 s24, s28  }
0x1be: {  	(v2sf) =	vpush v9, $0xE;
	s28 =	sshrl.u32 s28, $0x3  }
0x1bf: {  	s29 =	sor.u32 $0xB400, s25;
	s28 =	sadd.s32 s2, s28  }
0x1c0: {  	[tilespmem:s29], [sflag:s26] =	stream.linear.gather [hbm4b:s28+s4], $0x400, $0x38;
	[tilespmem:$0x10600] =	vst v63  }
0x1c1: {  	s29 =	spop (v2sf)  }
0x1c2: {  	s28 =	sand.u32 $0x7FFFFC00, s29  }
0x1c3: {  	s28 =	sadd.s32 s24, s28  }
0x1c4: {  	(v2sf) =	vpush v8, $0xE;
	s28 =	sshrl.u32 s28, $0x3  }
0x1c5: {  	s29 =	sor.u32 $0x3800, s25;
	s28 =	sadd.s32 s1, s28  }
0x1c6: {  	[tilespmem:s29], [sflag:s26] =	stream.linear.gather [hbm4b:s28+s4], $0x400, $0x38;
	[tilespmem:$0x10600] =	vst v63  }
0x1c7: {  	s29 =	spop (v2sf)  }
0x1c8: {  	s28 =	sand.u32 $0x7FFFFC00, s29  }
0x1c9: {  	s28 =	sadd.s32 s24, s28  }
0x1ca: {  	(v2sf) =	vpush v9, $0xF;
	s28 =	sshrl.u32 s28, $0x3  }
0x1cb: {  	s29 =	sor.u32 $0xB800, s25;
	s28 =	sadd.s32 s2, s28  }
0x1cc: {  	[tilespmem:s29], [sflag:s26] =	stream.linear.gather [hbm4b:s28+s4], $0x400, $0x38;
	[tilespmem:$0x10600] =	vst v63  }
0x1cd: {  	s29 =	spop (v2sf)  }
0x1ce: {  	s28 =	sand.u32 $0x7FFFFC00, s29  }
0x1cf: {  	s28 =	sadd.s32 s24, s28  }
0x1d0: {  	(v2sf) =	vpush v8, $0xF;
	s28 =	sshrl.u32 s28, $0x3  }
0x1d1: {  	s29 =	sor.u32 $0x3C00, s25;
	s28 =	sadd.s32 s1, s28  }
0x1d2: {  	[tilespmem:s29], [sflag:s26] =	stream.linear.gather [hbm4b:s28+s4], $0x400, $0x38;
	[tilespmem:$0x10600] =	vst v63  }
0x1d3: {  	s29 =	spop (v2sf)  }
0x1d4: {  	s28 =	sand.u32 $0x7FFFFC00, s29  }
0x1d5: {  	s28 =	sadd.s32 s24, s28  }
0x1d6: {  	s28 =	sshrl.u32 s28, $0x3  }
0x1d7: {  	s29 =	sor.u32 $0xBC00, s25;
	s28 =	sadd.s32 s2, s28  }
0x1d8: {  	[tilespmem:s29], [sflag:s26] =	stream.linear.gather [hbm4b:s28+s4], $0x400, $0x38;
	[tilespmem:$0x10600] =	vst v63  }
0x1d9: {  	s29 =	spop (v2sf)  }
0x1da: {  	s28 =	sand.u32 $0x7FFFFC00, s29  }
0x1db: {  	s28 =	sadd.s32 s24, s28  }
0x1dc: {  	s28 =	sshrl.u32 s28, $0x3  }
0x1dd: {  	s29 =	sadd.s32 $0x4000, s25;
	s28 =	sadd.s32 s1, s28  }
0x1de: {  	[tilespmem:s29], [sflag:s26] =	stream.linear.gather [hbm4b:s28+s4], $0x400, $0x38;
	[tilespmem:$0x10600] =	vst v63  }
0x1df: {  	s29 =	spop (v2sf)  }
.Ltmp5:
0x1e0: {  	s28 =	sand.u32 $0x7FFFFC00, s29;
	(pc) =	sbr.rel .LBB2_4-.Ltmp5, $4  }
0x1e1: {  	s24 =	sadd.s32 s24, s28  }
0x1e2: {  	s24 =	sshrl.u32 s24, $0x3  }
0x1e3: {  	s25 =	sadd.s32 $0xC000, s25;
	s24 =	sadd.s32 s2, s24  }
0x1e4: {  	[tilespmem:s25], [sflag:s26] =	stream.linear.gather [hbm4b:s24+s4], $0x400, $0x38;
	[tilespmem:$0x10600] =	vst v63  }
.LBB2_6:
0x1e5: {  	_ =	sfence.sel $0x180000  }
0x1e6: {  	[bflag:$0x0] =	sbarrier.arrive $0xFFFF  }
0x1e7: {  	_ =	strace $0x90000047  }
0x1e8: {  	s0 =	stileid.u32;
	[bflag:$0x2] =	sbarrier.arrive $0xFFFF  }
0x1e9: {  	p0 =	sne.s32 s0, $0x0;
	s0 =	rddreg [dreg:$0x5]  }
0x1ea: {  	s0 =	sadd.s32 @!p0 $0x100000, s0  }
0x1eb: {  	[sflag:s0] =	ssyncadd.tile.s32 @!p0 $0x1;
	_ =	shalt  }
.Lfunc_end2:
_tile_overlayer_lowered:
.L_overlay_start_2:
0x1ec: {  	(tag) =	ssettag $0x2  }
0x1ed: {  	s0 =	rddreg [dreg:$0x0];
	s2 =	stileid.u32  }
0x1ee: {  	s1 =	rddreg [dreg:$0x1];
	p0 =	sne.s32 s2, $0x0  }
0x1ef: {  	s3 =	rddreg [dreg:$0x2];
	[bflag:$0x3] =	sbarrier.arrive $0xFFFF;
	s2 =	simm.s32 @!p0 $0x1C03  }
0x1f0: {  	[timem:s3], [sflag:s2] =	dma.local @!p0 [hbm:s0], s1  }
0x1f1: {  	s0 =	simm.s32 @!p0 $0x3  }
0x1f2: {  	_ =	swait.ge @!p0 [sflag:s0], s1  }
0x1f3: {  	s1 =	ssub.s32 @!p0 $0x0, s1;
	[sflag:s0] =	ssyncset.done @!p0 $0x0  }
0x1f4: {  	[sflag:s0] =	ssyncadd.s32 @!p0 s1  }
0x1f5: {  	[bflag:$0x3] =	sbarrier.arrive $0xFFFF  }
0x1f6: {  	_ =	shalt  }

</sc_bundles>
